<compile_context>
chip_gen: v7x
topology: tpu7x:2x2x1
jax: 0.10.2.dev20260603
libtpu: 0.0.44.dev20260713+nightly
codegen_flags: <defaults>
</compile_context>

<pallas_src>
import functools

import jax
import jax.numpy as jnp
from jax import lax
from jax.experimental import pallas as pl
from jax.experimental.pallas import tpu as pltpu
from jax.experimental.pallas import tpu_sc as plsc

B, C, L = 16, 256, 4096
N = 128
W = 512
S = 528
NLANE = 16
NCHUNK = W // NLANE
NC, NS = 2, 16
NWORK = NC * NS
IPW = N // NWORK


def _sc_body(x_hbm, cp_hbm, op_hbm, out_hbm, cp_v, op_v, row0_v, row1_v,
             out_v, sem):
    wid = lax.axis_index("s") * NC + lax.axis_index("c")
    pltpu.sync_copy(cp_hbm, cp_v)
    pltpu.sync_copy(op_hbm, op_v)

    lanes = lax.iota(jnp.int32, NLANE)
    g = wid // 4
    sub = wid % 4

    cpv = cp_v[pl.ds(g * NLANE, NLANE)]
    opv = op_v[pl.ds(g * NLANE, NLANE)]

    dc = (C - 1) / (1.0 + jnp.exp(-cpv))
    c0v = jnp.minimum(dc.astype(jnp.int32), C - 1)
    c1v = jnp.minimum(c0v + 1, C - 1)
    wcv = dc - c0v.astype(jnp.float32)
    t0 = (L - W) / (1.0 + jnp.exp(-opv))
    f0v = jnp.minimum(t0.astype(jnp.int32), L - W - 1)
    wtv = t0 - f0v.astype(jnp.float32)
    fav = jnp.minimum((f0v >> 3) << 3, L - S)
    dv = f0v - fav

    w00v = (1.0 - wtv) * (1.0 - wcv)
    w01v = (1.0 - wtv) * wcv
    w10v = wtv * (1.0 - wcv)
    w11v = wtv * wcv

    for k in range(IPW):
        lane = sub * IPW + k
        m = lanes == lane
        zi = jnp.zeros((), jnp.int32)
        zf = jnp.zeros((), jnp.float32)
        c0 = jnp.sum(jnp.where(m, c0v, zi))
        c1 = jnp.sum(jnp.where(m, c1v, zi))
        fa = pl.multiple_of(jnp.sum(jnp.where(m, fav, zi)), 8)
        d = jnp.sum(jnp.where(m, dv, zi))
        w00 = jnp.sum(jnp.where(m, w00v, zf))
        w01 = jnp.sum(jnp.where(m, w01v, zf))
        w10 = jnp.sum(jnp.where(m, w10v, zf))
        w11 = jnp.sum(jnp.where(m, w11v, zf))
        i_out = g * NLANE + lane
        idx_a = d + lanes
        idx_b = idx_a + 1

        def b_body(b, _, c0=c0, c1=c1, fa=fa, w00=w00, w01=w01, w10=w10,
                   w11=w11, i_out=i_out, idx_a=idx_a, idx_b=idx_b):
            pltpu.sync_copy(x_hbm.at[b, c0, pl.ds(fa, S)], row0_v)
            pltpu.sync_copy(x_hbm.at[b, c1, pl.ds(fa, S)], row1_v)
            for j in range(NCHUNK):
                ia = idx_a + (j * NLANE)
                ib = idx_b + (j * NLANE)
                a0 = plsc.load_gather(row0_v, [ia])
                a1 = plsc.load_gather(row1_v, [ia])
                b0 = plsc.load_gather(row0_v, [ib])
                b1 = plsc.load_gather(row1_v, [ib])
                out_v[pl.ds(j * NLANE, NLANE)] = (
                    w00 * a0 + w01 * a1 + w10 * b0 + w11 * b1)
            pltpu.sync_copy(out_v, out_hbm.at[b, i_out])
            return _

        lax.fori_loop(0, B, b_body, 0)


@jax.jit
def kernel(x, channel_params, offset_params):
    mesh = plsc.VectorSubcoreMesh(core_axis_name="c", subcore_axis_name="s")
    run = pl.kernel(
        _sc_body,
        out_type=jax.ShapeDtypeStruct((B, N, W), jnp.float32),
        mesh=mesh,
        scratch_types=[
            pltpu.VMEM((N,), jnp.float32),
            pltpu.VMEM((N,), jnp.float32),
            pltpu.VMEM((S,), jnp.float32),
            pltpu.VMEM((S,), jnp.float32),
            pltpu.VMEM((W,), jnp.float32),
            pltpu.SemaphoreType.DMA,
        ],
        compiler_params=pltpu.CompilerParams(
            use_tc_tiling_on_sc=False, needs_layout_passes=False),
    )
    return run(x, channel_params, offset_params)

# --- scband reference (transcript-rebuilt; emitter-appended) ---
"""Pipeline reference for scband-extract-learnable-slices-70377334113103 (READ-ONLY COPY).

The authoritative reference and input builder live on the scoring server;
editing this copy changes nothing except your own understanding.
"""

import jax, jax.numpy as jnp
import numpy as np

WIDTH = 512

def setup_inputs(seed: int = 0) -> dict:
    key = jax.random.key(seed)
    k1, k2, k3 = jax.random.split(key, 3)
    x = jax.random.normal(k1, (16, 256, 4096), dtype=jnp.float32)
    channel_params = jax.random.uniform(k2, (128,), dtype=jnp.float32)
    offset_params = jax.random.uniform(k3, (128,), dtype=jnp.float32)
    return {"x": x, "channel_params": channel_params, "offset_params": offset_params}

def reference(x, channel_params, offset_params):
    B, C, L = x.shape
    width = WIDTH
    n = channel_params.shape[0]
    # channel interpolation
    desired_channels = jax.nn.sigmoid(channel_params) * (C - 1)
    floor_channels = jnp.floor(desired_channels).astype(jnp.int32)
    ceil_channels = jnp.minimum(floor_channels + 1, C - 1)
    w_channel = (desired_channels - floor_channels.astype(x.dtype)).reshape(1, -1, 1)
    # gather along channel dim: result[b, i, l] = x[b, idx[i], l]
    x_floor_channel = jnp.take(x, floor_channels, axis=1)
    x_ceil_channel = jnp.take(x, ceil_channels, axis=1)
    x_channel = x_floor_channel + w_channel * (x_ceil_channel - x_floor_channel)
    # time interpolation
    t0 = jax.nn.sigmoid(offset_params) * (L - width)
    j = jnp.arange(width, dtype=x.dtype)
    pos = t0[:, None] + j[None, :]
    pos_floor = jnp.floor(pos).astype(jnp.int32)
    w_time = (pos - pos_floor.astype(x.dtype))[None, :, :]
    idx_floor = jnp.broadcast_to(pos_floor[None, :, :], (B, n, width))
    x_floor_time = jnp.take_along_axis(x_channel, idx_floor, axis=2)
    pos_ceil = jnp.minimum(pos_floor + 1, L - 1)
    idx_ceil = jnp.broadcast_to(pos_ceil[None, :, :], (B, n, width))
    x_ceil_time = jnp.take_along_axis(x_channel, idx_ceil, axis=2)
    return x_floor_time + w_time * (x_ceil_time - x_floor_time)

if __name__ == "__main__":
    import jax
    _d = setup_inputs()
    print(jax.jit(kernel)(*tuple(_d.values())))

</pallas_src>

<mosaic_0001>
#map = affine_map<(d0, d1) -> (0, 0, 0)>
#map1 = affine_map<(d0, d1) -> (0)>
module attributes {stable_mosaic.version = 14 : i64} {
  func.func @_sc_body(%arg0: i32, %arg1: i32, %arg2: memref<16x256x4096xf32, #tpu.memory_space<hbm>>, %arg3: memref<128xf32, #tpu.memory_space<hbm>>, %arg4: memref<128xf32, #tpu.memory_space<hbm>>, %arg5: memref<16x128x512xf32, #tpu.memory_space<hbm>>, %arg6: memref<128xf32, #tpu.memory_space<vmem>>, %arg7: memref<128xf32, #tpu.memory_space<vmem>>, %arg8: memref<528xf32, #tpu.memory_space<vmem>>, %arg9: memref<528xf32, #tpu.memory_space<vmem>>, %arg10: memref<512xf32, #tpu.memory_space<vmem>>, %arg11: memref<!tpu.dma_semaphore, #tpu.memory_space<semaphore_mem>>) attributes {dimension_semantics = [#tpu.dimension_semantics<core_parallel>, #tpu.dimension_semantics<subcore_parallel>], iteration_bounds = array<i64: 2, 16>, scalar_prefetch = 0 : i64, scratch_operands = 6 : i64, tpu.core_type = #tpu.core_type<sc_vector_subcore>, window_params = [{transform_indices = #map}, {transform_indices = #map1}, {transform_indices = #map1}, {transform_indices = #map}]} {
    %mul3A = arith.constant 2 : i32
    %mul3A_0 = arith.muli %arg1, %mul3A : i32
    %add3A = arith.addi %mul3A_0, %arg0 : i32
    "tpu.region"() ({
      %run_scoped3A = tpu.sem_alloc : memref<!tpu.dma_semaphore, #tpu.memory_space<semaphore_mem>>
      tpu.enqueue_dma source(%arg3 : memref<128xf32, #tpu.memory_space<hbm>>) target(%arg6 : memref<128xf32, #tpu.memory_space<vmem>>) target_semaphore(%run_scoped3A : memref<!tpu.dma_semaphore, #tpu.memory_space<semaphore_mem>>)
      tpu.wait_dma2 semaphore(%run_scoped3A : memref<!tpu.dma_semaphore, #tpu.memory_space<semaphore_mem>>) src(%arg3 : memref<128xf32, #tpu.memory_space<hbm>>) dst(%arg6 : memref<128xf32, #tpu.memory_space<vmem>>)
      tpu.yield
    }) : () -> ()
    "tpu.region"() ({
      %run_scoped3A = tpu.sem_alloc : memref<!tpu.dma_semaphore, #tpu.memory_space<semaphore_mem>>
      tpu.enqueue_dma source(%arg4 : memref<128xf32, #tpu.memory_space<hbm>>) target(%arg7 : memref<128xf32, #tpu.memory_space<vmem>>) target_semaphore(%run_scoped3A : memref<!tpu.dma_semaphore, #tpu.memory_space<semaphore_mem>>)
      tpu.wait_dma2 semaphore(%run_scoped3A : memref<!tpu.dma_semaphore, #tpu.memory_space<semaphore_mem>>) src(%arg4 : memref<128xf32, #tpu.memory_space<hbm>>) dst(%arg7 : memref<128xf32, #tpu.memory_space<vmem>>)
      tpu.yield
    }) : () -> ()
    %iota3A = tpu.iota {dimensions = array<i32: 0>} : vector<16xi32>
    %jit3A = arith.constant 4 : i32
    %div3A = arith.divsi %add3A, %jit3A : i32
    %sign3A = arith.constant 0 : i32
    %sign3A_1 = arith.cmpi sgt, %add3A, %sign3A : i32
    %sign3A_2 = arith.extui %sign3A_1 : i1 to i32
    %sign3A_3 = arith.constant 0 : i32
    %sign3A_4 = arith.cmpi slt, %add3A, %sign3A_3 : i32
    %sign3A_5 = arith.extui %sign3A_4 : i1 to i32
    %sign3A_6 = arith.subi %sign3A_2, %sign3A_5 : i32
    %sign3A_7 = arith.constant 0 : i32
    %sign3A_8 = arith.cmpi sgt, %jit3A, %sign3A_7 : i32
    %sign3A_9 = arith.extui %sign3A_8 : i1 to i32
    %sign3A_10 = arith.constant 0 : i32
    %sign3A_11 = arith.cmpi slt, %jit3A, %sign3A_10 : i32
    %sign3A_12 = arith.extui %sign3A_11 : i1 to i32
    %sign3A_13 = arith.subi %sign3A_9, %sign3A_12 : i32
    %ne3A = arith.cmpi ne, %sign3A_6, %sign3A_13 : i32
    %rem3A = arith.remsi %add3A, %jit3A : i32
    %ne3A_14 = arith.constant 0 : i32
    %ne3A_15 = arith.cmpi ne, %rem3A, %ne3A_14 : i32
    %and3A = arith.andi %ne3A, %ne3A_15 : i1
    %sub3A = arith.constant 1 : i32
    %sub3A_16 = arith.subi %div3A, %sub3A : i32
    %select_n3A = arith.select %and3A, %sub3A_16, %div3A : i32
    %jit3A_17 = arith.constant 4 : i32
    %eq3A = arith.constant 0 : i32
    %eq3A_18 = arith.cmpi eq, %jit3A_17, %eq3A : i32
    %jit3A_19 = arith.constant 1 : i32
    %select_n3A_20 = arith.select %eq3A_18, %jit3A_19, %jit3A_17 : i32
    %rem3A_21 = arith.remsi %add3A, %select_n3A_20 : i32
    %ne3A_22 = arith.constant 0 : i32
    %ne3A_23 = arith.cmpi ne, %rem3A_21, %ne3A_22 : i32
    %lt3A = arith.constant 0 : i32
    %lt3A_24 = arith.cmpi slt, %rem3A_21, %lt3A : i32
    %lt3A_25 = arith.constant 0 : i32
    %lt3A_26 = arith.cmpi slt, %select_n3A_20, %lt3A_25 : i32
    %ne3A_27 = arith.xori %lt3A_24, %lt3A_26 : i1
    %and3A_28 = arith.andi %ne3A_27, %ne3A_23 : i1
    %add3A_29 = arith.addi %rem3A_21, %select_n3A_20 : i32
    %select_n3A_30 = arith.select %and3A_28, %add3A_29, %rem3A_21 : i32
    %mul3A_31 = arith.constant 16 : i32
    %mul3A_32 = arith.muli %select_n3A, %mul3A_31 : i32
    %get3A = arith.index_cast %mul3A_32 : i32 to index
    %get3A_33 = tpu.vector_load %arg6[%get3A] {strides = array<i32>} : memref<128xf32, #tpu.memory_space<vmem>>, vector<16xf32>,
    %mul3A_34 = arith.constant 16 : i32
    %mul3A_35 = arith.muli %select_n3A, %mul3A_34 : i32
    %get3A_36 = arith.index_cast %mul3A_35 : i32 to index
    %get3A_37 = tpu.vector_load %arg7[%get3A_36] {strides = array<i32>} : memref<128xf32, #tpu.memory_space<vmem>>, vector<16xf32>,
    %neg3A = arith.constant 0.000000e+00 : f32
    %neg3A_38 = vector.broadcast %neg3A : f32 to vector<16xf32>
    %neg3A_39 = arith.subf %neg3A_38, %get3A_33 : vector<16xf32>
    %exp3A = math.exp %neg3A_39 : vector<16xf32>
    %add3A_40 = arith.constant 1.000000e+00 : f32
    %add3A_41 = vector.broadcast %add3A_40 : f32 to vector<16xf32>
    %add3A_42 = arith.addf %add3A_41, %exp3A : vector<16xf32>
    %div3A_43 = arith.constant 2.550000e+02 : f32
    %div3A_44 = vector.broadcast %div3A_43 : f32 to vector<16xf32>
    %div3A_45 = arith.divf %div3A_44, %add3A_42 : vector<16xf32>
    %convert_element_type3A = arith.fptosi %div3A_45 : vector<16xf32> to vector<16xi32>
    %min3A = arith.constant 255 : i32
    %min3A_46 = vector.broadcast %min3A : i32 to vector<16xi32>
    %min3A_47 = arith.minsi %convert_element_type3A, %min3A_46 : vector<16xi32>
    %add3A_48 = arith.constant 1 : i32
    %add3A_49 = vector.broadcast %add3A_48 : i32 to vector<16xi32>
    %add3A_50 = arith.addi %min3A_47, %add3A_49 : vector<16xi32>
    %min3A_51 = arith.constant 255 : i32
    %min3A_52 = vector.broadcast %min3A_51 : i32 to vector<16xi32>
    %min3A_53 = arith.minsi %add3A_50, %min3A_52 : vector<16xi32>
    %convert_element_type3A_54 = arith.sitofp %min3A_47 : vector<16xi32> to vector<16xf32>
    %sub3A_55 = arith.subf %div3A_45, %convert_element_type3A_54 : vector<16xf32>
    %neg3A_56 = arith.constant 0.000000e+00 : f32
    %neg3A_57 = vector.broadcast %neg3A_56 : f32 to vector<16xf32>
    %neg3A_58 = arith.subf %neg3A_57, %get3A_37 : vector<16xf32>
    %exp3A_59 = math.exp %neg3A_58 : vector<16xf32>
    %add3A_60 = arith.constant 1.000000e+00 : f32
    %add3A_61 = vector.broadcast %add3A_60 : f32 to vector<16xf32>
    %add3A_62 = arith.addf %add3A_61, %exp3A_59 : vector<16xf32>
    %div3A_63 = arith.constant 3.584000e+03 : f32
    %div3A_64 = vector.broadcast %div3A_63 : f32 to vector<16xf32>
    %div3A_65 = arith.divf %div3A_64, %add3A_62 : vector<16xf32>
    %convert_element_type3A_66 = arith.fptosi %div3A_65 : vector<16xf32> to vector<16xi32>
    %min3A_67 = arith.constant 3583 : i32
    %min3A_68 = vector.broadcast %min3A_67 : i32 to vector<16xi32>
    %min3A_69 = arith.minsi %convert_element_type3A_66, %min3A_68 : vector<16xi32>
    %convert_element_type3A_70 = arith.sitofp %min3A_69 : vector<16xi32> to vector<16xf32>
    %sub3A_71 = arith.subf %div3A_65, %convert_element_type3A_70 : vector<16xf32>
    %shift_right_arithmetic3A = arith.constant 3 : i32
    %shift_right_arithmetic3A_72 = vector.broadcast %shift_right_arithmetic3A : i32 to vector<16xi32>
    %shift_right_arithmetic3A_73 = arith.shrsi %min3A_69, %shift_right_arithmetic3A_72 : vector<16xi32>
    %shift_left3A = arith.constant 3 : i32
    %shift_left3A_74 = vector.broadcast %shift_left3A : i32 to vector<16xi32>
    %shift_left3A_75 = arith.shli %shift_right_arithmetic3A_73, %shift_left3A_74 : vector<16xi32>
    %min3A_76 = arith.constant 3568 : i32
    %min3A_77 = vector.broadcast %min3A_76 : i32 to vector<16xi32>
    %min3A_78 = arith.minsi %shift_left3A_75, %min3A_77 : vector<16xi32>
    %sub3A_79 = arith.subi %min3A_69, %min3A_78 : vector<16xi32>
    %sub3A_80 = arith.constant 1.000000e+00 : f32
    %sub3A_81 = vector.broadcast %sub3A_80 : f32 to vector<16xf32>
    %sub3A_82 = arith.subf %sub3A_81, %sub3A_71 : vector<16xf32>
    %sub3A_83 = arith.constant 1.000000e+00 : f32
    %sub3A_84 = vector.broadcast %sub3A_83 : f32 to vector<16xf32>
    %sub3A_85 = arith.subf %sub3A_84, %sub3A_55 : vector<16xf32>
    %mul3A_86 = arith.mulf %sub3A_82, %sub3A_85 : vector<16xf32>
    %sub3A_87 = arith.constant 1.000000e+00 : f32
    %sub3A_88 = vector.broadcast %sub3A_87 : f32 to vector<16xf32>
    %sub3A_89 = arith.subf %sub3A_88, %sub3A_71 : vector<16xf32>
    %mul3A_90 = arith.mulf %sub3A_89, %sub3A_55 : vector<16xf32>
    %sub3A_91 = arith.constant 1.000000e+00 : f32
    %sub3A_92 = vector.broadcast %sub3A_91 : f32 to vector<16xf32>
    %sub3A_93 = arith.subf %sub3A_92, %sub3A_55 : vector<16xf32>
    %mul3A_94 = arith.mulf %sub3A_71, %sub3A_93 : vector<16xf32>
    %mul3A_95 = arith.mulf %sub3A_71, %sub3A_55 : vector<16xf32>
    %mul3A_96 = arith.constant 4 : i32
    %mul3A_97 = arith.muli %select_n3A_30, %mul3A_96 : i32
    %add3A_98 = arith.constant 0 : i32
    %add3A_99 = arith.addi %mul3A_97, %add3A_98 : i32
    %eq3A_100 = vector.broadcast %add3A_99 : i32 to vector<16xi32>
    %eq3A_101 = arith.cmpi eq, %iota3A, %eq3A_100 : vector<16xi32>
    %jit3A_102 = arith.constant 0 : i32
    %broadcast_in_dim3A = vector.broadcast %jit3A_102 : i32 to vector<16xi32>
    %select_n3A_103 = arith.select %eq3A_101, %min3A_47, %broadcast_in_dim3A : vector<16xi1>, vector<16xi32>
    %reduce_sum3A = arith.constant true
    %reduce_sum3A_104 = vector.broadcast %reduce_sum3A : i1 to vector<16xi1>
    %reduce_sum3A_105 = tpu.scan <sum>, %select_n3A_103 masked %reduce_sum3A_104 : vector<16xi32>, vector<16xi1> -> vector<16xi32>
    %reduce_sum3A_106 = vector.extract %reduce_sum3A_105[15] : i32 from vector<16xi32>
    %jit3A_107 = arith.constant 0 : i32
    %broadcast_in_dim3A_108 = vector.broadcast %jit3A_107 : i32 to vector<16xi32>
    %select_n3A_109 = arith.select %eq3A_101, %min3A_53, %broadcast_in_dim3A_108 : vector<16xi1>, vector<16xi32>
    %reduce_sum3A_110 = arith.constant true
    %reduce_sum3A_111 = vector.broadcast %reduce_sum3A_110 : i1 to vector<16xi1>
    %reduce_sum3A_112 = tpu.scan <sum>, %select_n3A_109 masked %reduce_sum3A_111 : vector<16xi32>, vector<16xi1> -> vector<16xi32>
    %reduce_sum3A_113 = vector.extract %reduce_sum3A_112[15] : i32 from vector<16xi32>
    %jit3A_114 = arith.constant 0 : i32
    %broadcast_in_dim3A_115 = vector.broadcast %jit3A_114 : i32 to vector<16xi32>
    %select_n3A_116 = arith.select %eq3A_101, %min3A_78, %broadcast_in_dim3A_115 : vector<16xi1>, vector<16xi32>
    %reduce_sum3A_117 = arith.constant true
    %reduce_sum3A_118 = vector.broadcast %reduce_sum3A_117 : i1 to vector<16xi1>
    %reduce_sum3A_119 = tpu.scan <sum>, %select_n3A_116 masked %reduce_sum3A_118 : vector<16xi32>, vector<16xi1> -> vector<16xi32>
    %reduce_sum3A_120 = vector.extract %reduce_sum3A_119[15] : i32 from vector<16xi32>
    %multiple_of3A = tpu.assume_multiple %reduce_sum3A_120, 8 : i32
    %jit3A_121 = arith.constant 0 : i32
    %broadcast_in_dim3A_122 = vector.broadcast %jit3A_121 : i32 to vector<16xi32>
    %select_n3A_123 = arith.select %eq3A_101, %sub3A_79, %broadcast_in_dim3A_122 : vector<16xi1>, vector<16xi32>
    %reduce_sum3A_124 = arith.constant true
    %reduce_sum3A_125 = vector.broadcast %reduce_sum3A_124 : i1 to vector<16xi1>
    %reduce_sum3A_126 = tpu.scan <sum>, %select_n3A_123 masked %reduce_sum3A_125 : vector<16xi32>, vector<16xi1> -> vector<16xi32>
    %reduce_sum3A_127 = vector.extract %reduce_sum3A_126[15] : i32 from vector<16xi32>
    %jit3A_128 = arith.constant 0.000000e+00 : f32
    %broadcast_in_dim3A_129 = vector.broadcast %jit3A_128 : f32 to vector<16xf32>
    %select_n3A_130 = arith.select %eq3A_101, %mul3A_86, %broadcast_in_dim3A_129 : vector<16xi1>, vector<16xf32>
    %reduce_sum3A_131 = arith.constant true
    %reduce_sum3A_132 = vector.broadcast %reduce_sum3A_131 : i1 to vector<16xi1>
    %reduce_sum3A_133 = tpu.scan <sum>, %select_n3A_130 masked %reduce_sum3A_132 : vector<16xf32>, vector<16xi1> -> vector<16xf32>
    %reduce_sum3A_134 = vector.extract %reduce_sum3A_133[15] : f32 from vector<16xf32>
    %jit3A_135 = arith.constant 0.000000e+00 : f32
    %broadcast_in_dim3A_136 = vector.broadcast %jit3A_135 : f32 to vector<16xf32>
    %select_n3A_137 = arith.select %eq3A_101, %mul3A_90, %broadcast_in_dim3A_136 : vector<16xi1>, vector<16xf32>
    %reduce_sum3A_138 = arith.constant true
    %reduce_sum3A_139 = vector.broadcast %reduce_sum3A_138 : i1 to vector<16xi1>
    %reduce_sum3A_140 = tpu.scan <sum>, %select_n3A_137 masked %reduce_sum3A_139 : vector<16xf32>, vector<16xi1> -> vector<16xf32>
    %reduce_sum3A_141 = vector.extract %reduce_sum3A_140[15] : f32 from vector<16xf32>
    %jit3A_142 = arith.constant 0.000000e+00 : f32
    %broadcast_in_dim3A_143 = vector.broadcast %jit3A_142 : f32 to vector<16xf32>
    %select_n3A_144 = arith.select %eq3A_101, %mul3A_94, %broadcast_in_dim3A_143 : vector<16xi1>, vector<16xf32>
    %reduce_sum3A_145 = arith.constant true
    %reduce_sum3A_146 = vector.broadcast %reduce_sum3A_145 : i1 to vector<16xi1>
    %reduce_sum3A_147 = tpu.scan <sum>, %select_n3A_144 masked %reduce_sum3A_146 : vector<16xf32>, vector<16xi1> -> vector<16xf32>
    %reduce_sum3A_148 = vector.extract %reduce_sum3A_147[15] : f32 from vector<16xf32>
    %jit3A_149 = arith.constant 0.000000e+00 : f32
    %broadcast_in_dim3A_150 = vector.broadcast %jit3A_149 : f32 to vector<16xf32>
    %select_n3A_151 = arith.select %eq3A_101, %mul3A_95, %broadcast_in_dim3A_150 : vector<16xi1>, vector<16xf32>
    %reduce_sum3A_152 = arith.constant true
    %reduce_sum3A_153 = vector.broadcast %reduce_sum3A_152 : i1 to vector<16xi1>
    %reduce_sum3A_154 = tpu.scan <sum>, %select_n3A_151 masked %reduce_sum3A_153 : vector<16xf32>, vector<16xi1> -> vector<16xf32>
    %reduce_sum3A_155 = vector.extract %reduce_sum3A_154[15] : f32 from vector<16xf32>
    %mul3A_156 = arith.constant 16 : i32
    %mul3A_157 = arith.muli %select_n3A, %mul3A_156 : i32
    %add3A_158 = arith.addi %mul3A_157, %add3A_99 : i32
    %add3A_159 = vector.broadcast %reduce_sum3A_127 : i32 to vector<16xi32>
    %add3A_160 = arith.addi %add3A_159, %iota3A : vector<16xi32>
    %add3A_161 = arith.constant 1 : i32
    %add3A_162 = vector.broadcast %add3A_161 : i32 to vector<16xi32>
    %add3A_163 = arith.addi %add3A_160, %add3A_162 : vector<16xi32>
    %scan3A = arith.constant 0 : i32
    %scan3A_164 = arith.constant 0 : i32
    %scan3A_165 = arith.constant 16 : i32
    %scan3A_166 = arith.addi %scan3A_164, %scan3A_165 : i32
    %scan3A_167 = arith.constant 1 : i32
    scf.for %scan3A_400 = %scan3A_164 to %scan3A_166 step %scan3A_167  : i32 {
      "tpu.region"() ({
        %run_scoped3A = tpu.sem_alloc : memref<!tpu.dma_semaphore, #tpu.memory_space<semaphore_mem>>
        %dma_start3A = tpu.memref_slice %arg2[%scan3A_400, %reduce_sum3A_106, %multiple_of3A] : memref<16x256x4096xf32, #tpu.memory_space<hbm>> -> memref<1x1x528xf32, #tpu.memory_space<hbm>>
        %dma_start3A_1135 = tpu.memref_squeeze %dma_start3A : memref<1x1x528xf32, #tpu.memory_space<hbm>> -> memref<528xf32, #tpu.memory_space<hbm>>
        %dma_start3A_1136 = tpu.memref_slice %arg2[%scan3A_400, %reduce_sum3A_106, %multiple_of3A] : memref<16x256x4096xf32, #tpu.memory_space<hbm>> -> memref<1x1x528xf32, #tpu.memory_space<hbm>>
        %dma_start3A_1137 = tpu.memref_squeeze %dma_start3A_1136 : memref<1x1x528xf32, #tpu.memory_space<hbm>> -> memref<528xf32, #tpu.memory_space<hbm>>
        tpu.enqueue_dma source(%dma_start3A_1137 : memref<528xf32, #tpu.memory_space<hbm>>) target(%arg8 : memref<528xf32, #tpu.memory_space<vmem>>) target_semaphore(%run_scoped3A : memref<!tpu.dma_semaphore, #tpu.memory_space<semaphore_mem>>)
        %dma_wait3A = tpu.memref_slice %arg2[%scan3A_400, %reduce_sum3A_106, %multiple_of3A] : memref<16x256x4096xf32, #tpu.memory_space<hbm>> -> memref<1x1x528xf32, #tpu.memory_space<hbm>>
        %dma_wait3A_1138 = tpu.memref_squeeze %dma_wait3A : memref<1x1x528xf32, #tpu.memory_space<hbm>> -> memref<528xf32, #tpu.memory_space<hbm>>
        %dma_wait3A_1139 = tpu.memref_slice %arg2[%scan3A_400, %reduce_sum3A_106, %multiple_of3A] : memref<16x256x4096xf32, #tpu.memory_space<hbm>> -> memref<1x1x528xf32, #tpu.memory_space<hbm>>
        %dma_wait3A_1140 = tpu.memref_squeeze %dma_wait3A_1139 : memref<1x1x528xf32, #tpu.memory_space<hbm>> -> memref<528xf32, #tpu.memory_space<hbm>>
        tpu.wait_dma2 semaphore(%run_scoped3A : memref<!tpu.dma_semaphore, #tpu.memory_space<semaphore_mem>>) src(%dma_wait3A_1140 : memref<528xf32, #tpu.memory_space<hbm>>) dst(%arg8 : memref<528xf32, #tpu.memory_space<vmem>>)
        tpu.yield
      }) : () -> ()
      "tpu.region"() ({
        %run_scoped3A = tpu.sem_alloc : memref<!tpu.dma_semaphore, #tpu.memory_space<semaphore_mem>>
        %dma_start3A = tpu.memref_slice %arg2[%scan3A_400, %reduce_sum3A_113, %multiple_of3A] : memref<16x256x4096xf32, #tpu.memory_space<hbm>> -> memref<1x1x528xf32, #tpu.memory_space<hbm>>
        %dma_start3A_1135 = tpu.memref_squeeze %dma_start3A : memref<1x1x528xf32, #tpu.memory_space<hbm>> -> memref<528xf32, #tpu.memory_space<hbm>>
        %dma_start3A_1136 = tpu.memref_slice %arg2[%scan3A_400, %reduce_sum3A_113, %multiple_of3A] : memref<16x256x4096xf32, #tpu.memory_space<hbm>> -> memref<1x1x528xf32, #tpu.memory_space<hbm>>
        %dma_start3A_1137 = tpu.memref_squeeze %dma_start3A_1136 : memref<1x1x528xf32, #tpu.memory_space<hbm>> -> memref<528xf32, #tpu.memory_space<hbm>>
        tpu.enqueue_dma source(%dma_start3A_1137 : memref<528xf32, #tpu.memory_space<hbm>>) target(%arg9 : memref<528xf32, #tpu.memory_space<vmem>>) target_semaphore(%run_scoped3A : memref<!tpu.dma_semaphore, #tpu.memory_space<semaphore_mem>>)
        %dma_wait3A = tpu.memref_slice %arg2[%scan3A_400, %reduce_sum3A_113, %multiple_of3A] : memref<16x256x4096xf32, #tpu.memory_space<hbm>> -> memref<1x1x528xf32, #tpu.memory_space<hbm>>
        %dma_wait3A_1138 = tpu.memref_squeeze %dma_wait3A : memref<1x1x528xf32, #tpu.memory_space<hbm>> -> memref<528xf32, #tpu.memory_space<hbm>>
        %dma_wait3A_1139 = tpu.memref_slice %arg2[%scan3A_400, %reduce_sum3A_113, %multiple_of3A] : memref<16x256x4096xf32, #tpu.memory_space<hbm>> -> memref<1x1x528xf32, #tpu.memory_space<hbm>>
        %dma_wait3A_1140 = tpu.memref_squeeze %dma_wait3A_1139 : memref<1x1x528xf32, #tpu.memory_space<hbm>> -> memref<528xf32, #tpu.memory_space<hbm>>
        tpu.wait_dma2 semaphore(%run_scoped3A : memref<!tpu.dma_semaphore, #tpu.memory_space<semaphore_mem>>) src(%dma_wait3A_1140 : memref<528xf32, #tpu.memory_space<hbm>>) dst(%arg9 : memref<528xf32, #tpu.memory_space<vmem>>)
        tpu.yield
      }) : () -> ()
      %add3A_401 = arith.constant 0 : i32
      %add3A_402 = vector.broadcast %add3A_401 : i32 to vector<16xi32>
      %add3A_403 = arith.addi %add3A_160, %add3A_402 : vector<16xi32>
      %add3A_404 = arith.constant 0 : i32
      %add3A_405 = vector.broadcast %add3A_404 : i32 to vector<16xi32>
      %add3A_406 = arith.addi %add3A_163, %add3A_405 : vector<16xi32>
      %gather3A = tpu.vector_load_idx %arg8[%add3A_403] : memref<528xf32, #tpu.memory_space<vmem>>[vector<16xi32>], vector<16xf32>,
      %gather3A_407 = tpu.vector_load_idx %arg9[%add3A_403] : memref<528xf32, #tpu.memory_space<vmem>>[vector<16xi32>], vector<16xf32>,
      %gather3A_408 = tpu.vector_load_idx %arg8[%add3A_406] : memref<528xf32, #tpu.memory_space<vmem>>[vector<16xi32>], vector<16xf32>,
      %gather3A_409 = tpu.vector_load_idx %arg9[%add3A_406] : memref<528xf32, #tpu.memory_space<vmem>>[vector<16xi32>], vector<16xf32>,
      %mul3A_410 = vector.broadcast %reduce_sum3A_134 : f32 to vector<16xf32>
      %mul3A_411 = arith.mulf %mul3A_410, %gather3A : vector<16xf32>
      %mul3A_412 = vector.broadcast %reduce_sum3A_141 : f32 to vector<16xf32>
      %mul3A_413 = arith.mulf %mul3A_412, %gather3A_407 : vector<16xf32>
      %add3A_414 = arith.addf %mul3A_411, %mul3A_413 : vector<16xf32>
      %mul3A_415 = vector.broadcast %reduce_sum3A_148 : f32 to vector<16xf32>
      %mul3A_416 = arith.mulf %mul3A_415, %gather3A_408 : vector<16xf32>
      %add3A_417 = arith.addf %add3A_414, %mul3A_416 : vector<16xf32>
      %mul3A_418 = vector.broadcast %reduce_sum3A_155 : f32 to vector<16xf32>
      %mul3A_419 = arith.mulf %mul3A_418, %gather3A_409 : vector<16xf32>
      %add3A_420 = arith.addf %add3A_417, %mul3A_419 : vector<16xf32>
      %swap3A = arith.constant 0 : index
      %swap3A_421 = tpu.vector_load %arg10[%swap3A] {strides = array<i32>} : memref<512xf32, #tpu.memory_space<vmem>>, vector<16xf32>,
      tpu.vector_store %arg10[%swap3A], %add3A_420 {strides = array<i32>} : memref<512xf32, #tpu.memory_space<vmem>>, vector<16xf32>,
      %add3A_422 = arith.constant 16 : i32
      %add3A_423 = vector.broadcast %add3A_422 : i32 to vector<16xi32>
      %add3A_424 = arith.addi %add3A_160, %add3A_423 : vector<16xi32>
      %add3A_425 = arith.constant 16 : i32
      %add3A_426 = vector.broadcast %add3A_425 : i32 to vector<16xi32>
      %add3A_427 = arith.addi %add3A_163, %add3A_426 : vector<16xi32>
      %gather3A_428 = tpu.vector_load_idx %arg8[%add3A_424] : memref<528xf32, #tpu.memory_space<vmem>>[vector<16xi32>], vector<16xf32>,
      %gather3A_429 = tpu.vector_load_idx %arg9[%add3A_424] : memref<528xf32, #tpu.memory_space<vmem>>[vector<16xi32>], vector<16xf32>,
      %gather3A_430 = tpu.vector_load_idx %arg8[%add3A_427] : memref<528xf32, #tpu.memory_space<vmem>>[vector<16xi32>], vector<16xf32>,
      %gather3A_431 = tpu.vector_load_idx %arg9[%add3A_427] : memref<528xf32, #tpu.memory_space<vmem>>[vector<16xi32>], vector<16xf32>,
      %mul3A_432 = vector.broadcast %reduce_sum3A_134 : f32 to vector<16xf32>
      %mul3A_433 = arith.mulf %mul3A_432, %gather3A_428 : vector<16xf32>
      %mul3A_434 = vector.broadcast %reduce_sum3A_141 : f32 to vector<16xf32>
      %mul3A_435 = arith.mulf %mul3A_434, %gather3A_429 : vector<16xf32>
      %add3A_436 = arith.addf %mul3A_433, %mul3A_435 : vector<16xf32>
      %mul3A_437 = vector.broadcast %reduce_sum3A_148 : f32 to vector<16xf32>
      %mul3A_438 = arith.mulf %mul3A_437, %gather3A_430 : vector<16xf32>
      %add3A_439 = arith.addf %add3A_436, %mul3A_438 : vector<16xf32>
      %mul3A_440 = vector.broadcast %reduce_sum3A_155 : f32 to vector<16xf32>
      %mul3A_441 = arith.mulf %mul3A_440, %gather3A_431 : vector<16xf32>
      %add3A_442 = arith.addf %add3A_439, %mul3A_441 : vector<16xf32>
      %swap3A_443 = arith.constant 16 : index
      %swap3A_444 = tpu.vector_load %arg10[%swap3A_443] {strides = array<i32>} : memref<512xf32, #tpu.memory_space<vmem>>, vector<16xf32>,
      tpu.vector_store %arg10[%swap3A_443], %add3A_442 {strides = array<i32>} : memref<512xf32, #tpu.memory_space<vmem>>, vector<16xf32>,
      %add3A_445 = arith.constant 32 : i32
      %add3A_446 = vector.broadcast %add3A_445 : i32 to vector<16xi32>
      %add3A_447 = arith.addi %add3A_160, %add3A_446 : vector<16xi32>
      %add3A_448 = arith.constant 32 : i32
      %add3A_449 = vector.broadcast %add3A_448 : i32 to vector<16xi32>
      %add3A_450 = arith.addi %add3A_163, %add3A_449 : vector<16xi32>
      %gather3A_451 = tpu.vector_load_idx %arg8[%add3A_447] : memref<528xf32, #tpu.memory_space<vmem>>[vector<16xi32>], vector<16xf32>,
      %gather3A_452 = tpu.vector_load_idx %arg9[%add3A_447] : memref<528xf32, #tpu.memory_space<vmem>>[vector<16xi32>], vector<16xf32>,
      %gather3A_453 = tpu.vector_load_idx %arg8[%add3A_450] : memref<528xf32, #tpu.memory_space<vmem>>[vector<16xi32>], vector<16xf32>,
      %gather3A_454 = tpu.vector_load_idx %arg9[%add3A_450] : memref<528xf32, #tpu.memory_space<vmem>>[vector<16xi32>], vector<16xf32>,
      %mul3A_455 = vector.broadcast %reduce_sum3A_134 : f32 to vector<16xf32>
      %mul3A_456 = arith.mulf %mul3A_455, %gather3A_451 : vector<16xf32>
      %mul3A_457 = vector.broadcast %reduce_sum3A_141 : f32 to vector<16xf32>
      %mul3A_458 = arith.mulf %mul3A_457, %gather3A_452 : vector<16xf32>
      %add3A_459 = arith.addf %mul3A_456, %mul3A_458 : vector<16xf32>
      %mul3A_460 = vector.broadcast %reduce_sum3A_148 : f32 to vector<16xf32>
      %mul3A_461 = arith.mulf %mul3A_460, %gather3A_453 : vector<16xf32>
      %add3A_462 = arith.addf %add3A_459, %mul3A_461 : vector<16xf32>
      %mul3A_463 = vector.broadcast %reduce_sum3A_155 : f32 to vector<16xf32>
      %mul3A_464 = arith.mulf %mul3A_463, %gather3A_454 : vector<16xf32>
      %add3A_465 = arith.addf %add3A_462, %mul3A_464 : vector<16xf32>
      %swap3A_466 = arith.constant 32 : index
      %swap3A_467 = tpu.vector_load %arg10[%swap3A_466] {strides = array<i32>} : memref<512xf32, #tpu.memory_space<vmem>>, vector<16xf32>,
      tpu.vector_store %arg10[%swap3A_466], %add3A_465 {strides = array<i32>} : memref<512xf32, #tpu.memory_space<vmem>>, vector<16xf32>,
      %add3A_468 = arith.constant 48 : i32
      %add3A_469 = vector.broadcast %add3A_468 : i32 to vector<16xi32>
      %add3A_470 = arith.addi %add3A_160, %add3A_469 : vector<16xi32>
      %add3A_471 = arith.constant 48 : i32
      %add3A_472 = vector.broadcast %add3A_471 : i32 to vector<16xi32>
      %add3A_473 = arith.addi %add3A_163, %add3A_472 : vector<16xi32>
      %gather3A_474 = tpu.vector_load_idx %arg8[%add3A_470] : memref<528xf32, #tpu.memory_space<vmem>>[vector<16xi32>], vector<16xf32>,
      %gather3A_475 = tpu.vector_load_idx %arg9[%add3A_470] : memref<528xf32, #tpu.memory_space<vmem>>[vector<16xi32>], vector<16xf32>,
      %gather3A_476 = tpu.vector_load_idx %arg8[%add3A_473] : memref<528xf32, #tpu.memory_space<vmem>>[vector<16xi32>], vector<16xf32>,
      %gather3A_477 = tpu.vector_load_idx %arg9[%add3A_473] : memref<528xf32, #tpu.memory_space<vmem>>[vector<16xi32>], vector<16xf32>,
      %mul3A_478 = vector.broadcast %reduce_sum3A_134 : f32 to vector<16xf32>
      %mul3A_479 = arith.mulf %mul3A_478, %gather3A_474 : vector<16xf32>
      %mul3A_480 = vector.broadcast %reduce_sum3A_141 : f32 to vector<16xf32>
      %mul3A_481 = arith.mulf %mul3A_480, %gather3A_475 : vector<16xf32>
      %add3A_482 = arith.addf %mul3A_479, %mul3A_481 : vector<16xf32>
      %mul3A_483 = vector.broadcast %reduce_sum3A_148 : f32 to vector<16xf32>
      %mul3A_484 = arith.mulf %mul3A_483, %gather3A_476 : vector<16xf32>
      %add3A_485 = arith.addf %add3A_482, %mul3A_484 : vector<16xf32>
      %mul3A_486 = vector.broadcast %reduce_sum3A_155 : f32 to vector<16xf32>
      %mul3A_487 = arith.mulf %mul3A_486, %gather3A_477 : vector<16xf32>
      %add3A_488 = arith.addf %add3A_485, %mul3A_487 : vector<16xf32>
      %swap3A_489 = arith.constant 48 : index
      %swap3A_490 = tpu.vector_load %arg10[%swap3A_489] {strides = array<i32>} : memref<512xf32, #tpu.memory_space<vmem>>, vector<16xf32>,
      tpu.vector_store %arg10[%swap3A_489], %add3A_488 {strides = array<i32>} : memref<512xf32, #tpu.memory_space<vmem>>, vector<16xf32>,
      %add3A_491 = arith.constant 64 : i32
      %add3A_492 = vector.broadcast %add3A_491 : i32 to vector<16xi32>
      %add3A_493 = arith.addi %add3A_160, %add3A_492 : vector<16xi32>
      %add3A_494 = arith.constant 64 : i32
      %add3A_495 = vector.broadcast %add3A_494 : i32 to vector<16xi32>
      %add3A_496 = arith.addi %add3A_163, %add3A_495 : vector<16xi32>
      %gather3A_497 = tpu.vector_load_idx %arg8[%add3A_493] : memref<528xf32, #tpu.memory_space<vmem>>[vector<16xi32>], vector<16xf32>,
      %gather3A_498 = tpu.vector_load_idx %arg9[%add3A_493] : memref<528xf32, #tpu.memory_space<vmem>>[vector<16xi32>], vector<16xf32>,
      %gather3A_499 = tpu.vector_load_idx %arg8[%add3A_496] : memref<528xf32, #tpu.memory_space<vmem>>[vector<16xi32>], vector<16xf32>,
      %gather3A_500 = tpu.vector_load_idx %arg9[%add3A_496] : memref<528xf32, #tpu.memory_space<vmem>>[vector<16xi32>], vector<16xf32>,
      %mul3A_501 = vector.broadcast %reduce_sum3A_134 : f32 to vector<16xf32>
      %mul3A_502 = arith.mulf %mul3A_501, %gather3A_497 : vector<16xf32>
      %mul3A_503 = vector.broadcast %reduce_sum3A_141 : f32 to vector<16xf32>
      %mul3A_504 = arith.mulf %mul3A_503, %gather3A_498 : vector<16xf32>
      %add3A_505 = arith.addf %mul3A_502, %mul3A_504 : vector<16xf32>
      %mul3A_506 = vector.broadcast %reduce_sum3A_148 : f32 to vector<16xf32>
      %mul3A_507 = arith.mulf %mul3A_506, %gather3A_499 : vector<16xf32>
      %add3A_508 = arith.addf %add3A_505, %mul3A_507 : vector<16xf32>
      %mul3A_509 = vector.broadcast %reduce_sum3A_155 : f32 to vector<16xf32>
      %mul3A_510 = arith.mulf %mul3A_509, %gather3A_500 : vector<16xf32>
      %add3A_511 = arith.addf %add3A_508, %mul3A_510 : vector<16xf32>
      %swap3A_512 = arith.constant 64 : index
      %swap3A_513 = tpu.vector_load %arg10[%swap3A_512] {strides = array<i32>} : memref<512xf32, #tpu.memory_space<vmem>>, vector<16xf32>,
      tpu.vector_store %arg10[%swap3A_512], %add3A_511 {strides = array<i32>} : memref<512xf32, #tpu.memory_space<vmem>>, vector<16xf32>,
      %add3A_514 = arith.constant 80 : i32
      %add3A_515 = vector.broadcast %add3A_514 : i32 to vector<16xi32>
      %add3A_516 = arith.addi %add3A_160, %add3A_515 : vector<16xi32>
      %add3A_517 = arith.constant 80 : i32
      %add3A_518 = vector.broadcast %add3A_517 : i32 to vector<16xi32>
      %add3A_519 = arith.addi %add3A_163, %add3A_518 : vector<16xi32>
      %gather3A_520 = tpu.vector_load_idx %arg8[%add3A_516] : memref<528xf32, #tpu.memory_space<vmem>>[vector<16xi32>], vector<16xf32>,
      %gather3A_521 = tpu.vector_load_idx %arg9[%add3A_516] : memref<528xf32, #tpu.memory_space<vmem>>[vector<16xi32>], vector<16xf32>,
      %gather3A_522 = tpu.vector_load_idx %arg8[%add3A_519] : memref<528xf32, #tpu.memory_space<vmem>>[vector<16xi32>], vector<16xf32>,
      %gather3A_523 = tpu.vector_load_idx %arg9[%add3A_519] : memref<528xf32, #tpu.memory_space<vmem>>[vector<16xi32>], vector<16xf32>,
      %mul3A_524 = vector.broadcast %reduce_sum3A_134 : f32 to vector<16xf32>
      %mul3A_525 = arith.mulf %mul3A_524, %gather3A_520 : vector<16xf32>
      %mul3A_526 = vector.broadcast %reduce_sum3A_141 : f32 to vector<16xf32>
      %mul3A_527 = arith.mulf %mul3A_526, %gather3A_521 : vector<16xf32>
      %add3A_528 = arith.addf %mul3A_525, %mul3A_527 : vector<16xf32>
      %mul3A_529 = vector.broadcast %reduce_sum3A_148 : f32 to vector<16xf32>
      %mul3A_530 = arith.mulf %mul3A_529, %gather3A_522 : vector<16xf32>
      %add3A_531 = arith.addf %add3A_528, %mul3A_530 : vector<16xf32>
      %mul3A_532 = vector.broadcast %reduce_sum3A_155 : f32 to vector<16xf32>
      %mul3A_533 = arith.mulf %mul3A_532, %gather3A_523 : vector<16xf32>
      %add3A_534 = arith.addf %add3A_531, %mul3A_533 : vector<16xf32>
      %swap3A_535 = arith.constant 80 : index
      %swap3A_536 = tpu.vector_load %arg10[%swap3A_535] {strides = array<i32>} : memref<512xf32, #tpu.memory_space<vmem>>, vector<16xf32>,
      tpu.vector_store %arg10[%swap3A_535], %add3A_534 {strides = array<i32>} : memref<512xf32, #tpu.memory_space<vmem>>, vector<16xf32>,
      %add3A_537 = arith.constant 96 : i32
      %add3A_538 = vector.broadcast %add3A_537 : i32 to vector<16xi32>
      %add3A_539 = arith.addi %add3A_160, %add3A_538 : vector<16xi32>
      %add3A_540 = arith.constant 96 : i32
      %add3A_541 = vector.broadcast %add3A_540 : i32 to vector<16xi32>
      %add3A_542 = arith.addi %add3A_163, %add3A_541 : vector<16xi32>
      %gather3A_543 = tpu.vector_load_idx %arg8[%add3A_539] : memref<528xf32, #tpu.memory_space<vmem>>[vector<16xi32>], vector<16xf32>,
      %gather3A_544 = tpu.vector_load_idx %arg9[%add3A_539] : memref<528xf32, #tpu.memory_space<vmem>>[vector<16xi32>], vector<16xf32>,
      %gather3A_545 = tpu.vector_load_idx %arg8[%add3A_542] : memref<528xf32, #tpu.memory_space<vmem>>[vector<16xi32>], vector<16xf32>,
      %gather3A_546 = tpu.vector_load_idx %arg9[%add3A_542] : memref<528xf32, #tpu.memory_space<vmem>>[vector<16xi32>], vector<16xf32>,
      %mul3A_547 = vector.broadcast %reduce_sum3A_134 : f32 to vector<16xf32>
      %mul3A_548 = arith.mulf %mul3A_547, %gather3A_543 : vector<16xf32>
      %mul3A_549 = vector.broadcast %reduce_sum3A_141 : f32 to vector<16xf32>
      %mul3A_550 = arith.mulf %mul3A_549, %gather3A_544 : vector<16xf32>
      %add3A_551 = arith.addf %mul3A_548, %mul3A_550 : vector<16xf32>
      %mul3A_552 = vector.broadcast %reduce_sum3A_148 : f32 to vector<16xf32>
      %mul3A_553 = arith.mulf %mul3A_552, %gather3A_545 : vector<16xf32>
      %add3A_554 = arith.addf %add3A_551, %mul3A_553 : vector<16xf32>
      %mul3A_555 = vector.broadcast %reduce_sum3A_155 : f32 to vector<16xf32>
      %mul3A_556 = arith.mulf %mul3A_555, %gather3A_546 : vector<16xf32>
      %add3A_557 = arith.addf %add3A_554, %mul3A_556 : vector<16xf32>
      %swap3A_558 = arith.constant 96 : index
      %swap3A_559 = tpu.vector_load %arg10[%swap3A_558] {strides = array<i32>} : memref<512xf32, #tpu.memory_space<vmem>>, vector<16xf32>,
      tpu.vector_store %arg10[%swap3A_558], %add3A_557 {strides = array<i32>} : memref<512xf32, #tpu.memory_space<vmem>>, vector<16xf32>,
      %add3A_560 = arith.constant 112 : i32
      %add3A_561 = vector.broadcast %add3A_560 : i32 to vector<16xi32>
      %add3A_562 = arith.addi %add3A_160, %add3A_561 : vector<16xi32>
      %add3A_563 = arith.constant 112 : i32
      %add3A_564 = vector.broadcast %add3A_563 : i32 to vector<16xi32>
      %add3A_565 = arith.addi %add3A_163, %add3A_564 : vector<16xi32>
      %gather3A_566 = tpu.vector_load_idx %arg8[%add3A_562] : memref<528xf32, #tpu.memory_space<vmem>>[vector<16xi32>], vector<16xf32>,
      %gather3A_567 = tpu.vector_load_idx %arg9[%add3A_562] : memref<528xf32, #tpu.memory_space<vmem>>[vector<16xi32>], vector<16xf32>,
      %gather3A_568 = tpu.vector_load_idx %arg8[%add3A_565] : memref<528xf32, #tpu.memory_space<vmem>>[vector<16xi32>], vector<16xf32>,
      %gather3A_569 = tpu.vector_load_idx %arg9[%add3A_565] : memref<528xf32, #tpu.memory_space<vmem>>[vector<16xi32>], vector<16xf32>,
      %mul3A_570 = vector.broadcast %reduce_sum3A_134 : f32 to vector<16xf32>
      %mul3A_571 = arith.mulf %mul3A_570, %gather3A_566 : vector<16xf32>
      %mul3A_572 = vector.broadcast %reduce_sum3A_141 : f32 to vector<16xf32>
      %mul3A_573 = arith.mulf %mul3A_572, %gather3A_567 : vector<16xf32>
      %add3A_574 = arith.addf %mul3A_571, %mul3A_573 : vector<16xf32>
      %mul3A_575 = vector.broadcast %reduce_sum3A_148 : f32 to vector<16xf32>
      %mul3A_576 = arith.mulf %mul3A_575, %gather3A_568 : vector<16xf32>
      %add3A_577 = arith.addf %add3A_574, %mul3A_576 : vector<16xf32>
      %mul3A_578 = vector.broadcast %reduce_sum3A_155 : f32 to vector<16xf32>
      %mul3A_579 = arith.mulf %mul3A_578, %gather3A_569 : vector<16xf32>
      %add3A_580 = arith.addf %add3A_577, %mul3A_579 : vector<16xf32>
      %swap3A_581 = arith.constant 112 : index
      %swap3A_582 = tpu.vector_load %arg10[%swap3A_581] {strides = array<i32>} : memref<512xf32, #tpu.memory_space<vmem>>, vector<16xf32>,
      tpu.vector_store %arg10[%swap3A_581], %add3A_580 {strides = array<i32>} : memref<512xf32, #tpu.memory_space<vmem>>, vector<16xf32>,
      %add3A_583 = arith.constant 128 : i32
      %add3A_584 = vector.broadcast %add3A_583 : i32 to vector<16xi32>
      %add3A_585 = arith.addi %add3A_160, %add3A_584 : vector<16xi32>
      %add3A_586 = arith.constant 128 : i32
      %add3A_587 = vector.broadcast %add3A_586 : i32 to vector<16xi32>
      %add3A_588 = arith.addi %add3A_163, %add3A_587 : vector<16xi32>
      %gather3A_589 = tpu.vector_load_idx %arg8[%add3A_585] : memref<528xf32, #tpu.memory_space<vmem>>[vector<16xi32>], vector<16xf32>,
      %gather3A_590 = tpu.vector_load_idx %arg9[%add3A_585] : memref<528xf32, #tpu.memory_space<vmem>>[vector<16xi32>], vector<16xf32>,
      %gather3A_591 = tpu.vector_load_idx %arg8[%add3A_588] : memref<528xf32, #tpu.memory_space<vmem>>[vector<16xi32>], vector<16xf32>,
      %gather3A_592 = tpu.vector_load_idx %arg9[%add3A_588] : memref<528xf32, #tpu.memory_space<vmem>>[vector<16xi32>], vector<16xf32>,
      %mul3A_593 = vector.broadcast %reduce_sum3A_134 : f32 to vector<16xf32>
      %mul3A_594 = arith.mulf %mul3A_593, %gather3A_589 : vector<16xf32>
      %mul3A_595 = vector.broadcast %reduce_sum3A_141 : f32 to vector<16xf32>
      %mul3A_596 = arith.mulf %mul3A_595, %gather3A_590 : vector<16xf32>
      %add3A_597 = arith.addf %mul3A_594, %mul3A_596 : vector<16xf32>
      %mul3A_598 = vector.broadcast %reduce_sum3A_148 : f32 to vector<16xf32>
      %mul3A_599 = arith.mulf %mul3A_598, %gather3A_591 : vector<16xf32>
      %add3A_600 = arith.addf %add3A_597, %mul3A_599 : vector<16xf32>
      %mul3A_601 = vector.broadcast %reduce_sum3A_155 : f32 to vector<16xf32>
      %mul3A_602 = arith.mulf %mul3A_601, %gather3A_592 : vector<16xf32>
      %add3A_603 = arith.addf %add3A_600, %mul3A_602 : vector<16xf32>
      %swap3A_604 = arith.constant 128 : index
      %swap3A_605 = tpu.vector_load %arg10[%swap3A_604] {strides = array<i32>} : memref<512xf32, #tpu.memory_space<vmem>>, vector<16xf32>,
      tpu.vector_store %arg10[%swap3A_604], %add3A_603 {strides = array<i32>} : memref<512xf32, #tpu.memory_space<vmem>>, vector<16xf32>,
      %add3A_606 = arith.constant 144 : i32
      %add3A_607 = vector.broadcast %add3A_606 : i32 to vector<16xi32>
      %add3A_608 = arith.addi %add3A_160, %add3A_607 : vector<16xi32>
      %add3A_609 = arith.constant 144 : i32
      %add3A_610 = vector.broadcast %add3A_609 : i32 to vector<16xi32>
      %add3A_611 = arith.addi %add3A_163, %add3A_610 : vector<16xi32>
      %gather3A_612 = tpu.vector_load_idx %arg8[%add3A_608] : memref<528xf32, #tpu.memory_space<vmem>>[vector<16xi32>], vector<16xf32>,
      %gather3A_613 = tpu.vector_load_idx %arg9[%add3A_608] : memref<528xf32, #tpu.memory_space<vmem>>[vector<16xi32>], vector<16xf32>,
      %gather3A_614 = tpu.vector_load_idx %arg8[%add3A_611] : memref<528xf32, #tpu.memory_space<vmem>>[vector<16xi32>], vector<16xf32>,
      %gather3A_615 = tpu.vector_load_idx %arg9[%add3A_611] : memref<528xf32, #tpu.memory_space<vmem>>[vector<16xi32>], vector<16xf32>,
      %mul3A_616 = vector.broadcast %reduce_sum3A_134 : f32 to vector<16xf32>
      %mul3A_617 = arith.mulf %mul3A_616, %gather3A_612 : vector<16xf32>
      %mul3A_618 = vector.broadcast %reduce_sum3A_141 : f32 to vector<16xf32>
      %mul3A_619 = arith.mulf %mul3A_618, %gather3A_613 : vector<16xf32>
      %add3A_620 = arith.addf %mul3A_617, %mul3A_619 : vector<16xf32>
      %mul3A_621 = vector.broadcast %reduce_sum3A_148 : f32 to vector<16xf32>
      %mul3A_622 = arith.mulf %mul3A_621, %gather3A_614 : vector<16xf32>
      %add3A_623 = arith.addf %add3A_620, %mul3A_622 : vector<16xf32>
      %mul3A_624 = vector.broadcast %reduce_sum3A_155 : f32 to vector<16xf32>
      %mul3A_625 = arith.mulf %mul3A_624, %gather3A_615 : vector<16xf32>
      %add3A_626 = arith.addf %add3A_623, %mul3A_625 : vector<16xf32>
      %swap3A_627 = arith.constant 144 : index
      %swap3A_628 = tpu.vector_load %arg10[%swap3A_627] {strides = array<i32>} : memref<512xf32, #tpu.memory_space<vmem>>, vector<16xf32>,
      tpu.vector_store %arg10[%swap3A_627], %add3A_626 {strides = array<i32>} : memref<512xf32, #tpu.memory_space<vmem>>, vector<16xf32>,
      %add3A_629 = arith.constant 160 : i32
      %add3A_630 = vector.broadcast %add3A_629 : i32 to vector<16xi32>
      %add3A_631 = arith.addi %add3A_160, %add3A_630 : vector<16xi32>
      %add3A_632 = arith.constant 160 : i32
      %add3A_633 = vector.broadcast %add3A_632 : i32 to vector<16xi32>
      %add3A_634 = arith.addi %add3A_163, %add3A_633 : vector<16xi32>
      %gather3A_635 = tpu.vector_load_idx %arg8[%add3A_631] : memref<528xf32, #tpu.memory_space<vmem>>[vector<16xi32>], vector<16xf32>,
      %gather3A_636 = tpu.vector_load_idx %arg9[%add3A_631] : memref<528xf32, #tpu.memory_space<vmem>>[vector<16xi32>], vector<16xf32>,
      %gather3A_637 = tpu.vector_load_idx %arg8[%add3A_634] : memref<528xf32, #tpu.memory_space<vmem>>[vector<16xi32>], vector<16xf32>,
      %gather3A_638 = tpu.vector_load_idx %arg9[%add3A_634] : memref<528xf32, #tpu.memory_space<vmem>>[vector<16xi32>], vector<16xf32>,
      %mul3A_639 = vector.broadcast %reduce_sum3A_134 : f32 to vector<16xf32>
      %mul3A_640 = arith.mulf %mul3A_639, %gather3A_635 : vector<16xf32>
      %mul3A_641 = vector.broadcast %reduce_sum3A_141 : f32 to vector<16xf32>
      %mul3A_642 = arith.mulf %mul3A_641, %gather3A_636 : vector<16xf32>
      %add3A_643 = arith.addf %mul3A_640, %mul3A_642 : vector<16xf32>
      %mul3A_644 = vector.broadcast %reduce_sum3A_148 : f32 to vector<16xf32>
      %mul3A_645 = arith.mulf %mul3A_644, %gather3A_637 : vector<16xf32>
      %add3A_646 = arith.addf %add3A_643, %mul3A_645 : vector<16xf32>
      %mul3A_647 = vector.broadcast %reduce_sum3A_155 : f32 to vector<16xf32>
      %mul3A_648 = arith.mulf %mul3A_647, %gather3A_638 : vector<16xf32>
      %add3A_649 = arith.addf %add3A_646, %mul3A_648 : vector<16xf32>
      %swap3A_650 = arith.constant 160 : index
      %swap3A_651 = tpu.vector_load %arg10[%swap3A_650] {strides = array<i32>} : memref<512xf32, #tpu.memory_space<vmem>>, vector<16xf32>,
      tpu.vector_store %arg10[%swap3A_650], %add3A_649 {strides = array<i32>} : memref<512xf32, #tpu.memory_space<vmem>>, vector<16xf32>,
      %add3A_652 = arith.constant 176 : i32
      %add3A_653 = vector.broadcast %add3A_652 : i32 to vector<16xi32>
      %add3A_654 = arith.addi %add3A_160, %add3A_653 : vector<16xi32>
      %add3A_655 = arith.constant 176 : i32
      %add3A_656 = vector.broadcast %add3A_655 : i32 to vector<16xi32>
      %add3A_657 = arith.addi %add3A_163, %add3A_656 : vector<16xi32>
      %gather3A_658 = tpu.vector_load_idx %arg8[%add3A_654] : memref<528xf32, #tpu.memory_space<vmem>>[vector<16xi32>], vector<16xf32>,
      %gather3A_659 = tpu.vector_load_idx %arg9[%add3A_654] : memref<528xf32, #tpu.memory_space<vmem>>[vector<16xi32>], vector<16xf32>,
      %gather3A_660 = tpu.vector_load_idx %arg8[%add3A_657] : memref<528xf32, #tpu.memory_space<vmem>>[vector<16xi32>], vector<16xf32>,
      %gather3A_661 = tpu.vector_load_idx %arg9[%add3A_657] : memref<528xf32, #tpu.memory_space<vmem>>[vector<16xi32>], vector<16xf32>,
      %mul3A_662 = vector.broadcast %reduce_sum3A_134 : f32 to vector<16xf32>
      %mul3A_663 = arith.mulf %mul3A_662, %gather3A_658 : vector<16xf32>
      %mul3A_664 = vector.broadcast %reduce_sum3A_141 : f32 to vector<16xf32>
      %mul3A_665 = arith.mulf %mul3A_664, %gather3A_659 : vector<16xf32>
      %add3A_666 = arith.addf %mul3A_663, %mul3A_665 : vector<16xf32>
      %mul3A_667 = vector.broadcast %reduce_sum3A_148 : f32 to vector<16xf32>
      %mul3A_668 = arith.mulf %mul3A_667, %gather3A_660 : vector<16xf32>
      %add3A_669 = arith.addf %add3A_666, %mul3A_668 : vector<16xf32>
      %mul3A_670 = vector.broadcast %reduce_sum3A_155 : f32 to vector<16xf32>
      %mul3A_671 = arith.mulf %mul3A_670, %gather3A_661 : vector<16xf32>
      %add3A_672 = arith.addf %add3A_669, %mul3A_671 : vector<16xf32>
      %swap3A_673 = arith.constant 176 : index
      %swap3A_674 = tpu.vector_load %arg10[%swap3A_673] {strides = array<i32>} : memref<512xf32, #tpu.memory_space<vmem>>, vector<16xf32>,
      tpu.vector_store %arg10[%swap3A_673], %add3A_672 {strides = array<i32>} : memref<512xf32, #tpu.memory_space<vmem>>, vector<16xf32>,
      %add3A_675 = arith.constant 192 : i32
      %add3A_676 = vector.broadcast %add3A_675 : i32 to vector<16xi32>
      %add3A_677 = arith.addi %add3A_160, %add3A_676 : vector<16xi32>
      %add3A_678 = arith.constant 192 : i32
      %add3A_679 = vector.broadcast %add3A_678 : i32 to vector<16xi32>
      %add3A_680 = arith.addi %add3A_163, %add3A_679 : vector<16xi32>
      %gather3A_681 = tpu.vector_load_idx %arg8[%add3A_677] : memref<528xf32, #tpu.memory_space<vmem>>[vector<16xi32>], vector<16xf32>,
      %gather3A_682 = tpu.vector_load_idx %arg9[%add3A_677] : memref<528xf32, #tpu.memory_space<vmem>>[vector<16xi32>], vector<16xf32>,
      %gather3A_683 = tpu.vector_load_idx %arg8[%add3A_680] : memref<528xf32, #tpu.memory_space<vmem>>[vector<16xi32>], vector<16xf32>,
      %gather3A_684 = tpu.vector_load_idx %arg9[%add3A_680] : memref<528xf32, #tpu.memory_space<vmem>>[vector<16xi32>], vector<16xf32>,
      %mul3A_685 = vector.broadcast %reduce_sum3A_134 : f32 to vector<16xf32>
      %mul3A_686 = arith.mulf %mul3A_685, %gather3A_681 : vector<16xf32>
      %mul3A_687 = vector.broadcast %reduce_sum3A_141 : f32 to vector<16xf32>
      %mul3A_688 = arith.mulf %mul3A_687, %gather3A_682 : vector<16xf32>
      %add3A_689 = arith.addf %mul3A_686, %mul3A_688 : vector<16xf32>
      %mul3A_690 = vector.broadcast %reduce_sum3A_148 : f32 to vector<16xf32>
      %mul3A_691 = arith.mulf %mul3A_690, %gather3A_683 : vector<16xf32>
      %add3A_692 = arith.addf %add3A_689, %mul3A_691 : vector<16xf32>
      %mul3A_693 = vector.broadcast %reduce_sum3A_155 : f32 to vector<16xf32>
      %mul3A_694 = arith.mulf %mul3A_693, %gather3A_684 : vector<16xf32>
      %add3A_695 = arith.addf %add3A_692, %mul3A_694 : vector<16xf32>
      %swap3A_696 = arith.constant 192 : index
      %swap3A_697 = tpu.vector_load %arg10[%swap3A_696] {strides = array<i32>} : memref<512xf32, #tpu.memory_space<vmem>>, vector<16xf32>,
      tpu.vector_store %arg10[%swap3A_696], %add3A_695 {strides = array<i32>} : memref<512xf32, #tpu.memory_space<vmem>>, vector<16xf32>,
      %add3A_698 = arith.constant 208 : i32
      %add3A_699 = vector.broadcast %add3A_698 : i32 to vector<16xi32>
      %add3A_700 = arith.addi %add3A_160, %add3A_699 : vector<16xi32>
      %add3A_701 = arith.constant 208 : i32
      %add3A_702 = vector.broadcast %add3A_701 : i32 to vector<16xi32>
      %add3A_703 = arith.addi %add3A_163, %add3A_702 : vector<16xi32>
      %gather3A_704 = tpu.vector_load_idx %arg8[%add3A_700] : memref<528xf32, #tpu.memory_space<vmem>>[vector<16xi32>], vector<16xf32>,
      %gather3A_705 = tpu.vector_load_idx %arg9[%add3A_700] : memref<528xf32, #tpu.memory_space<vmem>>[vector<16xi32>], vector<16xf32>,
      %gather3A_706 = tpu.vector_load_idx %arg8[%add3A_703] : memref<528xf32, #tpu.memory_space<vmem>>[vector<16xi32>], vector<16xf32>,
      %gather3A_707 = tpu.vector_load_idx %arg9[%add3A_703] : memref<528xf32, #tpu.memory_space<vmem>>[vector<16xi32>], vector<16xf32>,
      %mul3A_708 = vector.broadcast %reduce_sum3A_134 : f32 to vector<16xf32>
      %mul3A_709 = arith.mulf %mul3A_708, %gather3A_704 : vector<16xf32>
      %mul3A_710 = vector.broadcast %reduce_sum3A_141 : f32 to vector<16xf32>
      %mul3A_711 = arith.mulf %mul3A_710, %gather3A_705 : vector<16xf32>
      %add3A_712 = arith.addf %mul3A_709, %mul3A_711 : vector<16xf32>
      %mul3A_713 = vector.broadcast %reduce_sum3A_148 : f32 to vector<16xf32>
      %mul3A_714 = arith.mulf %mul3A_713, %gather3A_706 : vector<16xf32>
      %add3A_715 = arith.addf %add3A_712, %mul3A_714 : vector<16xf32>
      %mul3A_716 = vector.broadcast %reduce_sum3A_155 : f32 to vector<16xf32>
      %mul3A_717 = arith.mulf %mul3A_716, %gather3A_707 : vector<16xf32>
      %add3A_718 = arith.addf %add3A_715, %mul3A_717 : vector<16xf32>
      %swap3A_719 = arith.constant 208 : index
      %swap3A_720 = tpu.vector_load %arg10[%swap3A_719] {strides = array<i32>} : memref<512xf32, #tpu.memory_space<vmem>>, vector<16xf32>,
      tpu.vector_store %arg10[%swap3A_719], %add3A_718 {strides = array<i32>} : memref<512xf32, #tpu.memory_space<vmem>>, vector<16xf32>,
      %add3A_721 = arith.constant 224 : i32
      %add3A_722 = vector.broadcast %add3A_721 : i32 to vector<16xi32>
      %add3A_723 = arith.addi %add3A_160, %add3A_722 : vector<16xi32>
      %add3A_724 = arith.constant 224 : i32
      %add3A_725 = vector.broadcast %add3A_724 : i32 to vector<16xi32>
      %add3A_726 = arith.addi %add3A_163, %add3A_725 : vector<16xi32>
      %gather3A_727 = tpu.vector_load_idx %arg8[%add3A_723] : memref<528xf32, #tpu.memory_space<vmem>>[vector<16xi32>], vector<16xf32>,
      %gather3A_728 = tpu.vector_load_idx %arg9[%add3A_723] : memref<528xf32, #tpu.memory_space<vmem>>[vector<16xi32>], vector<16xf32>,
      %gather3A_729 = tpu.vector_load_idx %arg8[%add3A_726] : memref<528xf32, #tpu.memory_space<vmem>>[vector<16xi32>], vector<16xf32>,
      %gather3A_730 = tpu.vector_load_idx %arg9[%add3A_726] : memref<528xf32, #tpu.memory_space<vmem>>[vector<16xi32>], vector<16xf32>,
      %mul3A_731 = vector.broadcast %reduce_sum3A_134 : f32 to vector<16xf32>
      %mul3A_732 = arith.mulf %mul3A_731, %gather3A_727 : vector<16xf32>
      %mul3A_733 = vector.broadcast %reduce_sum3A_141 : f32 to vector<16xf32>
      %mul3A_734 = arith.mulf %mul3A_733, %gather3A_728 : vector<16xf32>
      %add3A_735 = arith.addf %mul3A_732, %mul3A_734 : vector<16xf32>
      %mul3A_736 = vector.broadcast %reduce_sum3A_148 : f32 to vector<16xf32>
      %mul3A_737 = arith.mulf %mul3A_736, %gather3A_729 : vector<16xf32>
      %add3A_738 = arith.addf %add3A_735, %mul3A_737 : vector<16xf32>
      %mul3A_739 = vector.broadcast %reduce_sum3A_155 : f32 to vector<16xf32>
      %mul3A_740 = arith.mulf %mul3A_739, %gather3A_730 : vector<16xf32>
      %add3A_741 = arith.addf %add3A_738, %mul3A_740 : vector<16xf32>
      %swap3A_742 = arith.constant 224 : index
      %swap3A_743 = tpu.vector_load %arg10[%swap3A_742] {strides = array<i32>} : memref<512xf32, #tpu.memory_space<vmem>>, vector<16xf32>,
      tpu.vector_store %arg10[%swap3A_742], %add3A_741 {strides = array<i32>} : memref<512xf32, #tpu.memory_space<vmem>>, vector<16xf32>,
      %add3A_744 = arith.constant 240 : i32
      %add3A_745 = vector.broadcast %add3A_744 : i32 to vector<16xi32>
      %add3A_746 = arith.addi %add3A_160, %add3A_745 : vector<16xi32>
      %add3A_747 = arith.constant 240 : i32
      %add3A_748 = vector.broadcast %add3A_747 : i32 to vector<16xi32>
      %add3A_749 = arith.addi %add3A_163, %add3A_748 : vector<16xi32>
      %gather3A_750 = tpu.vector_load_idx %arg8[%add3A_746] : memref<528xf32, #tpu.memory_space<vmem>>[vector<16xi32>], vector<16xf32>,
      %gather3A_751 = tpu.vector_load_idx %arg9[%add3A_746] : memref<528xf32, #tpu.memory_space<vmem>>[vector<16xi32>], vector<16xf32>,
      %gather3A_752 = tpu.vector_load_idx %arg8[%add3A_749] : memref<528xf32, #tpu.memory_space<vmem>>[vector<16xi32>], vector<16xf32>,
      %gather3A_753 = tpu.vector_load_idx %arg9[%add3A_749] : memref<528xf32, #tpu.memory_space<vmem>>[vector<16xi32>], vector<16xf32>,
      %mul3A_754 = vector.broadcast %reduce_sum3A_134 : f32 to vector<16xf32>
      %mul3A_755 = arith.mulf %mul3A_754, %gather3A_750 : vector<16xf32>
      %mul3A_756 = vector.broadcast %reduce_sum3A_141 : f32 to vector<16xf32>
      %mul3A_757 = arith.mulf %mul3A_756, %gather3A_751 : vector<16xf32>
      %add3A_758 = arith.addf %mul3A_755, %mul3A_757 : vector<16xf32>
      %mul3A_759 = vector.broadcast %reduce_sum3A_148 : f32 to vector<16xf32>
      %mul3A_760 = arith.mulf %mul3A_759, %gather3A_752 : vector<16xf32>
      %add3A_761 = arith.addf %add3A_758, %mul3A_760 : vector<16xf32>
      %mul3A_762 = vector.broadcast %reduce_sum3A_155 : f32 to vector<16xf32>
      %mul3A_763 = arith.mulf %mul3A_762, %gather3A_753 : vector<16xf32>
      %add3A_764 = arith.addf %add3A_761, %mul3A_763 : vector<16xf32>
      %swap3A_765 = arith.constant 240 : index
      %swap3A_766 = tpu.vector_load %arg10[%swap3A_765] {strides = array<i32>} : memref<512xf32, #tpu.memory_space<vmem>>, vector<16xf32>,
      tpu.vector_store %arg10[%swap3A_765], %add3A_764 {strides = array<i32>} : memref<512xf32, #tpu.memory_space<vmem>>, vector<16xf32>,
      %add3A_767 = arith.constant 256 : i32
      %add3A_768 = vector.broadcast %add3A_767 : i32 to vector<16xi32>
      %add3A_769 = arith.addi %add3A_160, %add3A_768 : vector<16xi32>
      %add3A_770 = arith.constant 256 : i32
      %add3A_771 = vector.broadcast %add3A_770 : i32 to vector<16xi32>
      %add3A_772 = arith.addi %add3A_163, %add3A_771 : vector<16xi32>
      %gather3A_773 = tpu.vector_load_idx %arg8[%add3A_769] : memref<528xf32, #tpu.memory_space<vmem>>[vector<16xi32>], vector<16xf32>,
      %gather3A_774 = tpu.vector_load_idx %arg9[%add3A_769] : memref<528xf32, #tpu.memory_space<vmem>>[vector<16xi32>], vector<16xf32>,
      %gather3A_775 = tpu.vector_load_idx %arg8[%add3A_772] : memref<528xf32, #tpu.memory_space<vmem>>[vector<16xi32>], vector<16xf32>,
      %gather3A_776 = tpu.vector_load_idx %arg9[%add3A_772] : memref<528xf32, #tpu.memory_space<vmem>>[vector<16xi32>], vector<16xf32>,
      %mul3A_777 = vector.broadcast %reduce_sum3A_134 : f32 to vector<16xf32>
      %mul3A_778 = arith.mulf %mul3A_777, %gather3A_773 : vector<16xf32>
      %mul3A_779 = vector.broadcast %reduce_sum3A_141 : f32 to vector<16xf32>
      %mul3A_780 = arith.mulf %mul3A_779, %gather3A_774 : vector<16xf32>
      %add3A_781 = arith.addf %mul3A_778, %mul3A_780 : vector<16xf32>
      %mul3A_782 = vector.broadcast %reduce_sum3A_148 : f32 to vector<16xf32>
      %mul3A_783 = arith.mulf %mul3A_782, %gather3A_775 : vector<16xf32>
      %add3A_784 = arith.addf %add3A_781, %mul3A_783 : vector<16xf32>
      %mul3A_785 = vector.broadcast %reduce_sum3A_155 : f32 to vector<16xf32>
      %mul3A_786 = arith.mulf %mul3A_785, %gather3A_776 : vector<16xf32>
      %add3A_787 = arith.addf %add3A_784, %mul3A_786 : vector<16xf32>
      %swap3A_788 = arith.constant 256 : index
      %swap3A_789 = tpu.vector_load %arg10[%swap3A_788] {strides = array<i32>} : memref<512xf32, #tpu.memory_space<vmem>>, vector<16xf32>,
      tpu.vector_store %arg10[%swap3A_788], %add3A_787 {strides = array<i32>} : memref<512xf32, #tpu.memory_space<vmem>>, vector<16xf32>,
      %add3A_790 = arith.constant 272 : i32
      %add3A_791 = vector.broadcast %add3A_790 : i32 to vector<16xi32>
      %add3A_792 = arith.addi %add3A_160, %add3A_791 : vector<16xi32>
      %add3A_793 = arith.constant 272 : i32
      %add3A_794 = vector.broadcast %add3A_793 : i32 to vector<16xi32>
      %add3A_795 = arith.addi %add3A_163, %add3A_794 : vector<16xi32>
      %gather3A_796 = tpu.vector_load_idx %arg8[%add3A_792] : memref<528xf32, #tpu.memory_space<vmem>>[vector<16xi32>], vector<16xf32>,
      %gather3A_797 = tpu.vector_load_idx %arg9[%add3A_792] : memref<528xf32, #tpu.memory_space<vmem>>[vector<16xi32>], vector<16xf32>,
      %gather3A_798 = tpu.vector_load_idx %arg8[%add3A_795] : memref<528xf32, #tpu.memory_space<vmem>>[vector<16xi32>], vector<16xf32>,
      %gather3A_799 = tpu.vector_load_idx %arg9[%add3A_795] : memref<528xf32, #tpu.memory_space<vmem>>[vector<16xi32>], vector<16xf32>,
      %mul3A_800 = vector.broadcast %reduce_sum3A_134 : f32 to vector<16xf32>
      %mul3A_801 = arith.mulf %mul3A_800, %gather3A_796 : vector<16xf32>
      %mul3A_802 = vector.broadcast %reduce_sum3A_141 : f32 to vector<16xf32>
      %mul3A_803 = arith.mulf %mul3A_802, %gather3A_797 : vector<16xf32>
      %add3A_804 = arith.addf %mul3A_801, %mul3A_803 : vector<16xf32>
      %mul3A_805 = vector.broadcast %reduce_sum3A_148 : f32 to vector<16xf32>
      %mul3A_806 = arith.mulf %mul3A_805, %gather3A_798 : vector<16xf32>
      %add3A_807 = arith.addf %add3A_804, %mul3A_806 : vector<16xf32>
      %mul3A_808 = vector.broadcast %reduce_sum3A_155 : f32 to vector<16xf32>
      %mul3A_809 = arith.mulf %mul3A_808, %gather3A_799 : vector<16xf32>
      %add3A_810 = arith.addf %add3A_807, %mul3A_809 : vector<16xf32>
      %swap3A_811 = arith.constant 272 : index
      %swap3A_812 = tpu.vector_load %arg10[%swap3A_811] {strides = array<i32>} : memref<512xf32, #tpu.memory_space<vmem>>, vector<16xf32>,
      tpu.vector_store %arg10[%swap3A_811], %add3A_810 {strides = array<i32>} : memref<512xf32, #tpu.memory_space<vmem>>, vector<16xf32>,
      %add3A_813 = arith.constant 288 : i32
      %add3A_814 = vector.broadcast %add3A_813 : i32 to vector<16xi32>
      %add3A_815 = arith.addi %add3A_160, %add3A_814 : vector<16xi32>
      %add3A_816 = arith.constant 288 : i32
      %add3A_817 = vector.broadcast %add3A_816 : i32 to vector<16xi32>
      %add3A_818 = arith.addi %add3A_163, %add3A_817 : vector<16xi32>
      %gather3A_819 = tpu.vector_load_idx %arg8[%add3A_815] : memref<528xf32, #tpu.memory_space<vmem>>[vector<16xi32>], vector<16xf32>,
      %gather3A_820 = tpu.vector_load_idx %arg9[%add3A_815] : memref<528xf32, #tpu.memory_space<vmem>>[vector<16xi32>], vector<16xf32>,
      %gather3A_821 = tpu.vector_load_idx %arg8[%add3A_818] : memref<528xf32, #tpu.memory_space<vmem>>[vector<16xi32>], vector<16xf32>,
      %gather3A_822 = tpu.vector_load_idx %arg9[%add3A_818] : memref<528xf32, #tpu.memory_space<vmem>>[vector<16xi32>], vector<16xf32>,
      %mul3A_823 = vector.broadcast %reduce_sum3A_134 : f32 to vector<16xf32>
      %mul3A_824 = arith.mulf %mul3A_823, %gather3A_819 : vector<16xf32>
      %mul3A_825 = vector.broadcast %reduce_sum3A_141 : f32 to vector<16xf32>
      %mul3A_826 = arith.mulf %mul3A_825, %gather3A_820 : vector<16xf32>
      %add3A_827 = arith.addf %mul3A_824, %mul3A_826 : vector<16xf32>
      %mul3A_828 = vector.broadcast %reduce_sum3A_148 : f32 to vector<16xf32>
      %mul3A_829 = arith.mulf %mul3A_828, %gather3A_821 : vector<16xf32>
      %add3A_830 = arith.addf %add3A_827, %mul3A_829 : vector<16xf32>
      %mul3A_831 = vector.broadcast %reduce_sum3A_155 : f32 to vector<16xf32>
      %mul3A_832 = arith.mulf %mul3A_831, %gather3A_822 : vector<16xf32>
      %add3A_833 = arith.addf %add3A_830, %mul3A_832 : vector<16xf32>
      %swap3A_834 = arith.constant 288 : index
      %swap3A_835 = tpu.vector_load %arg10[%swap3A_834] {strides = array<i32>} : memref<512xf32, #tpu.memory_space<vmem>>, vector<16xf32>,
      tpu.vector_store %arg10[%swap3A_834], %add3A_833 {strides = array<i32>} : memref<512xf32, #tpu.memory_space<vmem>>, vector<16xf32>,
      %add3A_836 = arith.constant 304 : i32
      %add3A_837 = vector.broadcast %add3A_836 : i32 to vector<16xi32>
      %add3A_838 = arith.addi %add3A_160, %add3A_837 : vector<16xi32>
      %add3A_839 = arith.constant 304 : i32
      %add3A_840 = vector.broadcast %add3A_839 : i32 to vector<16xi32>
      %add3A_841 = arith.addi %add3A_163, %add3A_840 : vector<16xi32>
      %gather3A_842 = tpu.vector_load_idx %arg8[%add3A_838] : memref<528xf32, #tpu.memory_space<vmem>>[vector<16xi32>], vector<16xf32>,
      %gather3A_843 = tpu.vector_load_idx %arg9[%add3A_838] : memref<528xf32, #tpu.memory_space<vmem>>[vector<16xi32>], vector<16xf32>,
      %gather3A_844 = tpu.vector_load_idx %arg8[%add3A_841] : memref<528xf32, #tpu.memory_space<vmem>>[vector<16xi32>], vector<16xf32>,
      %gather3A_845 = tpu.vector_load_idx %arg9[%add3A_841] : memref<528xf32, #tpu.memory_space<vmem>>[vector<16xi32>], vector<16xf32>,
      %mul3A_846 = vector.broadcast %reduce_sum3A_134 : f32 to vector<16xf32>
      %mul3A_847 = arith.mulf %mul3A_846, %gather3A_842 : vector<16xf32>
      %mul3A_848 = vector.broadcast %reduce_sum3A_141 : f32 to vector<16xf32>
      %mul3A_849 = arith.mulf %mul3A_848, %gather3A_843 : vector<16xf32>
      %add3A_850 = arith.addf %mul3A_847, %mul3A_849 : vector<16xf32>
      %mul3A_851 = vector.broadcast %reduce_sum3A_148 : f32 to vector<16xf32>
      %mul3A_852 = arith.mulf %mul3A_851, %gather3A_844 : vector<16xf32>
      %add3A_853 = arith.addf %add3A_850, %mul3A_852 : vector<16xf32>
      %mul3A_854 = vector.broadcast %reduce_sum3A_155 : f32 to vector<16xf32>
      %mul3A_855 = arith.mulf %mul3A_854, %gather3A_845 : vector<16xf32>
      %add3A_856 = arith.addf %add3A_853, %mul3A_855 : vector<16xf32>
      %swap3A_857 = arith.constant 304 : index
      %swap3A_858 = tpu.vector_load %arg10[%swap3A_857] {strides = array<i32>} : memref<512xf32, #tpu.memory_space<vmem>>, vector<16xf32>,
      tpu.vector_store %arg10[%swap3A_857], %add3A_856 {strides = array<i32>} : memref<512xf32, #tpu.memory_space<vmem>>, vector<16xf32>,
      %add3A_859 = arith.constant 320 : i32
      %add3A_860 = vector.broadcast %add3A_859 : i32 to vector<16xi32>
      %add3A_861 = arith.addi %add3A_160, %add3A_860 : vector<16xi32>
      %add3A_862 = arith.constant 320 : i32
      %add3A_863 = vector.broadcast %add3A_862 : i32 to vector<16xi32>
      %add3A_864 = arith.addi %add3A_163, %add3A_863 : vector<16xi32>
      %gather3A_865 = tpu.vector_load_idx %arg8[%add3A_861] : memref<528xf32, #tpu.memory_space<vmem>>[vector<16xi32>], vector<16xf32>,
      %gather3A_866 = tpu.vector_load_idx %arg9[%add3A_861] : memref<528xf32, #tpu.memory_space<vmem>>[vector<16xi32>], vector<16xf32>,
      %gather3A_867 = tpu.vector_load_idx %arg8[%add3A_864] : memref<528xf32, #tpu.memory_space<vmem>>[vector<16xi32>], vector<16xf32>,
      %gather3A_868 = tpu.vector_load_idx %arg9[%add3A_864] : memref<528xf32, #tpu.memory_space<vmem>>[vector<16xi32>], vector<16xf32>,
      %mul3A_869 = vector.broadcast %reduce_sum3A_134 : f32 to vector<16xf32>
      %mul3A_870 = arith.mulf %mul3A_869, %gather3A_865 : vector<16xf32>
      %mul3A_871 = vector.broadcast %reduce_sum3A_141 : f32 to vector<16xf32>
      %mul3A_872 = arith.mulf %mul3A_871, %gather3A_866 : vector<16xf32>
      %add3A_873 = arith.addf %mul3A_870, %mul3A_872 : vector<16xf32>
      %mul3A_874 = vector.broadcast %reduce_sum3A_148 : f32 to vector<16xf32>
      %mul3A_875 = arith.mulf %mul3A_874, %gather3A_867 : vector<16xf32>
      %add3A_876 = arith.addf %add3A_873, %mul3A_875 : vector<16xf32>
      %mul3A_877 = vector.broadcast %reduce_sum3A_155 : f32 to vector<16xf32>
      %mul3A_878 = arith.mulf %mul3A_877, %gather3A_868 : vector<16xf32>
      %add3A_879 = arith.addf %add3A_876, %mul3A_878 : vector<16xf32>
      %swap3A_880 = arith.constant 320 : index
      %swap3A_881 = tpu.vector_load %arg10[%swap3A_880] {strides = array<i32>} : memref<512xf32, #tpu.memory_space<vmem>>, vector<16xf32>,
      tpu.vector_store %arg10[%swap3A_880], %add3A_879 {strides = array<i32>} : memref<512xf32, #tpu.memory_space<vmem>>, vector<16xf32>,
      %add3A_882 = arith.constant 336 : i32
      %add3A_883 = vector.broadcast %add3A_882 : i32 to vector<16xi32>
      %add3A_884 = arith.addi %add3A_160, %add3A_883 : vector<16xi32>
      %add3A_885 = arith.constant 336 : i32
      %add3A_886 = vector.broadcast %add3A_885 : i32 to vector<16xi32>
      %add3A_887 = arith.addi %add3A_163, %add3A_886 : vector<16xi32>
      %gather3A_888 = tpu.vector_load_idx %arg8[%add3A_884] : memref<528xf32, #tpu.memory_space<vmem>>[vector<16xi32>], vector<16xf32>,
      %gather3A_889 = tpu.vector_load_idx %arg9[%add3A_884] : memref<528xf32, #tpu.memory_space<vmem>>[vector<16xi32>], vector<16xf32>,
      %gather3A_890 = tpu.vector_load_idx %arg8[%add3A_887] : memref<528xf32, #tpu.memory_space<vmem>>[vector<16xi32>], vector<16xf32>,
      %gather3A_891 = tpu.vector_load_idx %arg9[%add3A_887] : memref<528xf32, #tpu.memory_space<vmem>>[vector<16xi32>], vector<16xf32>,
      %mul3A_892 = vector.broadcast %reduce_sum3A_134 : f32 to vector<16xf32>
      %mul3A_893 = arith.mulf %mul3A_892, %gather3A_888 : vector<16xf32>
      %mul3A_894 = vector.broadcast %reduce_sum3A_141 : f32 to vector<16xf32>
      %mul3A_895 = arith.mulf %mul3A_894, %gather3A_889 : vector<16xf32>
      %add3A_896 = arith.addf %mul3A_893, %mul3A_895 : vector<16xf32>
      %mul3A_897 = vector.broadcast %reduce_sum3A_148 : f32 to vector<16xf32>
      %mul3A_898 = arith.mulf %mul3A_897, %gather3A_890 : vector<16xf32>
      %add3A_899 = arith.addf %add3A_896, %mul3A_898 : vector<16xf32>
      %mul3A_900 = vector.broadcast %reduce_sum3A_155 : f32 to vector<16xf32>
      %mul3A_901 = arith.mulf %mul3A_900, %gather3A_891 : vector<16xf32>
      %add3A_902 = arith.addf %add3A_899, %mul3A_901 : vector<16xf32>
      %swap3A_903 = arith.constant 336 : index
      %swap3A_904 = tpu.vector_load %arg10[%swap3A_903] {strides = array<i32>} : memref<512xf32, #tpu.memory_space<vmem>>, vector<16xf32>,
      tpu.vector_store %arg10[%swap3A_903], %add3A_902 {strides = array<i32>} : memref<512xf32, #tpu.memory_space<vmem>>, vector<16xf32>,
      %add3A_905 = arith.constant 352 : i32
      %add3A_906 = vector.broadcast %add3A_905 : i32 to vector<16xi32>
      %add3A_907 = arith.addi %add3A_160, %add3A_906 : vector<16xi32>
      %add3A_908 = arith.constant 352 : i32
      %add3A_909 = vector.broadcast %add3A_908 : i32 to vector<16xi32>
      %add3A_910 = arith.addi %add3A_163, %add3A_909 : vector<16xi32>
      %gather3A_911 = tpu.vector_load_idx %arg8[%add3A_907] : memref<528xf32, #tpu.memory_space<vmem>>[vector<16xi32>], vector<16xf32>,
      %gather3A_912 = tpu.vector_load_idx %arg9[%add3A_907] : memref<528xf32, #tpu.memory_space<vmem>>[vector<16xi32>], vector<16xf32>,
      %gather3A_913 = tpu.vector_load_idx %arg8[%add3A_910] : memref<528xf32, #tpu.memory_space<vmem>>[vector<16xi32>], vector<16xf32>,
      %gather3A_914 = tpu.vector_load_idx %arg9[%add3A_910] : memref<528xf32, #tpu.memory_space<vmem>>[vector<16xi32>], vector<16xf32>,
      %mul3A_915 = vector.broadcast %reduce_sum3A_134 : f32 to vector<16xf32>
      %mul3A_916 = arith.mulf %mul3A_915, %gather3A_911 : vector<16xf32>
      %mul3A_917 = vector.broadcast %reduce_sum3A_141 : f32 to vector<16xf32>
      %mul3A_918 = arith.mulf %mul3A_917, %gather3A_912 : vector<16xf32>
      %add3A_919 = arith.addf %mul3A_916, %mul3A_918 : vector<16xf32>
      %mul3A_920 = vector.broadcast %reduce_sum3A_148 : f32 to vector<16xf32>
      %mul3A_921 = arith.mulf %mul3A_920, %gather3A_913 : vector<16xf32>
      %add3A_922 = arith.addf %add3A_919, %mul3A_921 : vector<16xf32>
      %mul3A_923 = vector.broadcast %reduce_sum3A_155 : f32 to vector<16xf32>
      %mul3A_924 = arith.mulf %mul3A_923, %gather3A_914 : vector<16xf32>
      %add3A_925 = arith.addf %add3A_922, %mul3A_924 : vector<16xf32>
      %swap3A_926 = arith.constant 352 : index
      %swap3A_927 = tpu.vector_load %arg10[%swap3A_926] {strides = array<i32>} : memref<512xf32, #tpu.memory_space<vmem>>, vector<16xf32>,
      tpu.vector_store %arg10[%swap3A_926], %add3A_925 {strides = array<i32>} : memref<512xf32, #tpu.memory_space<vmem>>, vector<16xf32>,
      %add3A_928 = arith.constant 368 : i32
      %add3A_929 = vector.broadcast %add3A_928 : i32 to vector<16xi32>
      %add3A_930 = arith.addi %add3A_160, %add3A_929 : vector<16xi32>
      %add3A_931 = arith.constant 368 : i32
      %add3A_932 = vector.broadcast %add3A_931 : i32 to vector<16xi32>
      %add3A_933 = arith.addi %add3A_163, %add3A_932 : vector<16xi32>
      %gather3A_934 = tpu.vector_load_idx %arg8[%add3A_930] : memref<528xf32, #tpu.memory_space<vmem>>[vector<16xi32>], vector<16xf32>,
      %gather3A_935 = tpu.vector_load_idx %arg9[%add3A_930] : memref<528xf32, #tpu.memory_space<vmem>>[vector<16xi32>], vector<16xf32>,
      %gather3A_936 = tpu.vector_load_idx %arg8[%add3A_933] : memref<528xf32, #tpu.memory_space<vmem>>[vector<16xi32>], vector<16xf32>,
      %gather3A_937 = tpu.vector_load_idx %arg9[%add3A_933] : memref<528xf32, #tpu.memory_space<vmem>>[vector<16xi32>], vector<16xf32>,
      %mul3A_938 = vector.broadcast %reduce_sum3A_134 : f32 to vector<16xf32>
      %mul3A_939 = arith.mulf %mul3A_938, %gather3A_934 : vector<16xf32>
      %mul3A_940 = vector.broadcast %reduce_sum3A_141 : f32 to vector<16xf32>
      %mul3A_941 = arith.mulf %mul3A_940, %gather3A_935 : vector<16xf32>
      %add3A_942 = arith.addf %mul3A_939, %mul3A_941 : vector<16xf32>
      %mul3A_943 = vector.broadcast %reduce_sum3A_148 : f32 to vector<16xf32>
      %mul3A_944 = arith.mulf %mul3A_943, %gather3A_936 : vector<16xf32>
      %add3A_945 = arith.addf %add3A_942, %mul3A_944 : vector<16xf32>
      %mul3A_946 = vector.broadcast %reduce_sum3A_155 : f32 to vector<16xf32>
      %mul3A_947 = arith.mulf %mul3A_946, %gather3A_937 : vector<16xf32>
      %add3A_948 = arith.addf %add3A_945, %mul3A_947 : vector<16xf32>
      %swap3A_949 = arith.constant 368 : index
      %swap3A_950 = tpu.vector_load %arg10[%swap3A_949] {strides = array<i32>} : memref<512xf32, #tpu.memory_space<vmem>>, vector<16xf32>,
      tpu.vector_store %arg10[%swap3A_949], %add3A_948 {strides = array<i32>} : memref<512xf32, #tpu.memory_space<vmem>>, vector<16xf32>,
      %add3A_951 = arith.constant 384 : i32
      %add3A_952 = vector.broadcast %add3A_951 : i32 to vector<16xi32>
      %add3A_953 = arith.addi %add3A_160, %add3A_952 : vector<16xi32>
      %add3A_954 = arith.constant 384 : i32
      %add3A_955 = vector.broadcast %add3A_954 : i32 to vector<16xi32>
      %add3A_956 = arith.addi %add3A_163, %add3A_955 : vector<16xi32>
      %gather3A_957 = tpu.vector_load_idx %arg8[%add3A_953] : memref<528xf32, #tpu.memory_space<vmem>>[vector<16xi32>], vector<16xf32>,
      %gather3A_958 = tpu.vector_load_idx %arg9[%add3A_953] : memref<528xf32, #tpu.memory_space<vmem>>[vector<16xi32>], vector<16xf32>,
      %gather3A_959 = tpu.vector_load_idx %arg8[%add3A_956] : memref<528xf32, #tpu.memory_space<vmem>>[vector<16xi32>], vector<16xf32>,
      %gather3A_960 = tpu.vector_load_idx %arg9[%add3A_956] : memref<528xf32, #tpu.memory_space<vmem>>[vector<16xi32>], vector<16xf32>,
      %mul3A_961 = vector.broadcast %reduce_sum3A_134 : f32 to vector<16xf32>
      %mul3A_962 = arith.mulf %mul3A_961, %gather3A_957 : vector<16xf32>
      %mul3A_963 = vector.broadcast %reduce_sum3A_141 : f32 to vector<16xf32>
      %mul3A_964 = arith.mulf %mul3A_963, %gather3A_958 : vector<16xf32>
      %add3A_965 = arith.addf %mul3A_962, %mul3A_964 : vector<16xf32>
      %mul3A_966 = vector.broadcast %reduce_sum3A_148 : f32 to vector<16xf32>
      %mul3A_967 = arith.mulf %mul3A_966, %gather3A_959 : vector<16xf32>
      %add3A_968 = arith.addf %add3A_965, %mul3A_967 : vector<16xf32>
      %mul3A_969 = vector.broadcast %reduce_sum3A_155 : f32 to vector<16xf32>
      %mul3A_970 = arith.mulf %mul3A_969, %gather3A_960 : vector<16xf32>
      %add3A_971 = arith.addf %add3A_968, %mul3A_970 : vector<16xf32>
      %swap3A_972 = arith.constant 384 : index
      %swap3A_973 = tpu.vector_load %arg10[%swap3A_972] {strides = array<i32>} : memref<512xf32, #tpu.memory_space<vmem>>, vector<16xf32>,
      tpu.vector_store %arg10[%swap3A_972], %add3A_971 {strides = array<i32>} : memref<512xf32, #tpu.memory_space<vmem>>, vector<16xf32>,
      %add3A_974 = arith.constant 400 : i32
      %add3A_975 = vector.broadcast %add3A_974 : i32 to vector<16xi32>
      %add3A_976 = arith.addi %add3A_160, %add3A_975 : vector<16xi32>
      %add3A_977 = arith.constant 400 : i32
      %add3A_978 = vector.broadcast %add3A_977 : i32 to vector<16xi32>
      %add3A_979 = arith.addi %add3A_163, %add3A_978 : vector<16xi32>
      %gather3A_980 = tpu.vector_load_idx %arg8[%add3A_976] : memref<528xf32, #tpu.memory_space<vmem>>[vector<16xi32>], vector<16xf32>,
      %gather3A_981 = tpu.vector_load_idx %arg9[%add3A_976] : memref<528xf32, #tpu.memory_space<vmem>>[vector<16xi32>], vector<16xf32>,
      %gather3A_982 = tpu.vector_load_idx %arg8[%add3A_979] : memref<528xf32, #tpu.memory_space<vmem>>[vector<16xi32>], vector<16xf32>,
      %gather3A_983 = tpu.vector_load_idx %arg9[%add3A_979] : memref<528xf32, #tpu.memory_space<vmem>>[vector<16xi32>], vector<16xf32>,
      %mul3A_984 = vector.broadcast %reduce_sum3A_134 : f32 to vector<16xf32>
      %mul3A_985 = arith.mulf %mul3A_984, %gather3A_980 : vector<16xf32>
      %mul3A_986 = vector.broadcast %reduce_sum3A_141 : f32 to vector<16xf32>
      %mul3A_987 = arith.mulf %mul3A_986, %gather3A_981 : vector<16xf32>
      %add3A_988 = arith.addf %mul3A_985, %mul3A_987 : vector<16xf32>
      %mul3A_989 = vector.broadcast %reduce_sum3A_148 : f32 to vector<16xf32>
      %mul3A_990 = arith.mulf %mul3A_989, %gather3A_982 : vector<16xf32>
      %add3A_991 = arith.addf %add3A_988, %mul3A_990 : vector<16xf32>
      %mul3A_992 = vector.broadcast %reduce_sum3A_155 : f32 to vector<16xf32>
      %mul3A_993 = arith.mulf %mul3A_992, %gather3A_983 : vector<16xf32>
      %add3A_994 = arith.addf %add3A_991, %mul3A_993 : vector<16xf32>
      %swap3A_995 = arith.constant 400 : index
      %swap3A_996 = tpu.vector_load %arg10[%swap3A_995] {strides = array<i32>} : memref<512xf32, #tpu.memory_space<vmem>>, vector<16xf32>,
      tpu.vector_store %arg10[%swap3A_995], %add3A_994 {strides = array<i32>} : memref<512xf32, #tpu.memory_space<vmem>>, vector<16xf32>,
      %add3A_997 = arith.constant 416 : i32
      %add3A_998 = vector.broadcast %add3A_997 : i32 to vector<16xi32>
      %add3A_999 = arith.addi %add3A_160, %add3A_998 : vector<16xi32>
      %add3A_1000 = arith.constant 416 : i32
      %add3A_1001 = vector.broadcast %add3A_1000 : i32 to vector<16xi32>
      %add3A_1002 = arith.addi %add3A_163, %add3A_1001 : vector<16xi32>
      %gather3A_1003 = tpu.vector_load_idx %arg8[%add3A_999] : memref<528xf32, #tpu.memory_space<vmem>>[vector<16xi32>], vector<16xf32>,
      %gather3A_1004 = tpu.vector_load_idx %arg9[%add3A_999] : memref<528xf32, #tpu.memory_space<vmem>>[vector<16xi32>], vector<16xf32>,
      %gather3A_1005 = tpu.vector_load_idx %arg8[%add3A_1002] : memref<528xf32, #tpu.memory_space<vmem>>[vector<16xi32>], vector<16xf32>,
      %gather3A_1006 = tpu.vector_load_idx %arg9[%add3A_1002] : memref<528xf32, #tpu.memory_space<vmem>>[vector<16xi32>], vector<16xf32>,
      %mul3A_1007 = vector.broadcast %reduce_sum3A_134 : f32 to vector<16xf32>
      %mul3A_1008 = arith.mulf %mul3A_1007, %gather3A_1003 : vector<16xf32>
      %mul3A_1009 = vector.broadcast %reduce_sum3A_141 : f32 to vector<16xf32>
      %mul3A_1010 = arith.mulf %mul3A_1009, %gather3A_1004 : vector<16xf32>
      %add3A_1011 = arith.addf %mul3A_1008, %mul3A_1010 : vector<16xf32>
      %mul3A_1012 = vector.broadcast %reduce_sum3A_148 : f32 to vector<16xf32>
      %mul3A_1013 = arith.mulf %mul3A_1012, %gather3A_1005 : vector<16xf32>
      %add3A_1014 = arith.addf %add3A_1011, %mul3A_1013 : vector<16xf32>
      %mul3A_1015 = vector.broadcast %reduce_sum3A_155 : f32 to vector<16xf32>
      %mul3A_1016 = arith.mulf %mul3A_1015, %gather3A_1006 : vector<16xf32>
      %add3A_1017 = arith.addf %add3A_1014, %mul3A_1016 : vector<16xf32>
      %swap3A_1018 = arith.constant 416 : index
      %swap3A_1019 = tpu.vector_load %arg10[%swap3A_1018] {strides = array<i32>} : memref<512xf32, #tpu.memory_space<vmem>>, vector<16xf32>,
      tpu.vector_store %arg10[%swap3A_1018], %add3A_1017 {strides = array<i32>} : memref<512xf32, #tpu.memory_space<vmem>>, vector<16xf32>,
      %add3A_1020 = arith.constant 432 : i32
      %add3A_1021 = vector.broadcast %add3A_1020 : i32 to vector<16xi32>
      %add3A_1022 = arith.addi %add3A_160, %add3A_1021 : vector<16xi32>
      %add3A_1023 = arith.constant 432 : i32
      %add3A_1024 = vector.broadcast %add3A_1023 : i32 to vector<16xi32>
      %add3A_1025 = arith.addi %add3A_163, %add3A_1024 : vector<16xi32>
      %gather3A_1026 = tpu.vector_load_idx %arg8[%add3A_1022] : memref<528xf32, #tpu.memory_space<vmem>>[vector<16xi32>], vector<16xf32>,
      %gather3A_1027 = tpu.vector_load_idx %arg9[%add3A_1022] : memref<528xf32, #tpu.memory_space<vmem>>[vector<16xi32>], vector<16xf32>,
      %gather3A_1028 = tpu.vector_load_idx %arg8[%add3A_1025] : memref<528xf32, #tpu.memory_space<vmem>>[vector<16xi32>], vector<16xf32>,
      %gather3A_1029 = tpu.vector_load_idx %arg9[%add3A_1025] : memref<528xf32, #tpu.memory_space<vmem>>[vector<16xi32>], vector<16xf32>,
      %mul3A_1030 = vector.broadcast %reduce_sum3A_134 : f32 to vector<16xf32>
      %mul3A_1031 = arith.mulf %mul3A_1030, %gather3A_1026 : vector<16xf32>
      %mul3A_1032 = vector.broadcast %reduce_sum3A_141 : f32 to vector<16xf32>
      %mul3A_1033 = arith.mulf %mul3A_1032, %gather3A_1027 : vector<16xf32>
      %add3A_1034 = arith.addf %mul3A_1031, %mul3A_1033 : vector<16xf32>
      %mul3A_1035 = vector.broadcast %reduce_sum3A_148 : f32 to vector<16xf32>
      %mul3A_1036 = arith.mulf %mul3A_1035, %gather3A_1028 : vector<16xf32>
      %add3A_1037 = arith.addf %add3A_1034, %mul3A_1036 : vector<16xf32>
      %mul3A_1038 = vector.broadcast %reduce_sum3A_155 : f32 to vector<16xf32>
      %mul3A_1039 = arith.mulf %mul3A_1038, %gather3A_1029 : vector<16xf32>
      %add3A_1040 = arith.addf %add3A_1037, %mul3A_1039 : vector<16xf32>
      %swap3A_1041 = arith.constant 432 : index
      %swap3A_1042 = tpu.vector_load %arg10[%swap3A_1041] {strides = array<i32>} : memref<512xf32, #tpu.memory_space<vmem>>, vector<16xf32>,
      tpu.vector_store %arg10[%swap3A_1041], %add3A_1040 {strides = array<i32>} : memref<512xf32, #tpu.memory_space<vmem>>, vector<16xf32>,
      %add3A_1043 = arith.constant 448 : i32
      %add3A_1044 = vector.broadcast %add3A_1043 : i32 to vector<16xi32>
      %add3A_1045 = arith.addi %add3A_160, %add3A_1044 : vector<16xi32>
      %add3A_1046 = arith.constant 448 : i32
      %add3A_1047 = vector.broadcast %add3A_1046 : i32 to vector<16xi32>
      %add3A_1048 = arith.addi %add3A_163, %add3A_1047 : vector<16xi32>
      %gather3A_1049 = tpu.vector_load_idx %arg8[%add3A_1045] : memref<528xf32, #tpu.memory_space<vmem>>[vector<16xi32>], vector<16xf32>,
      %gather3A_1050 = tpu.vector_load_idx %arg9[%add3A_1045] : memref<528xf32, #tpu.memory_space<vmem>>[vector<16xi32>], vector<16xf32>,
      %gather3A_1051 = tpu.vector_load_idx %arg8[%add3A_1048] : memref<528xf32, #tpu.memory_space<vmem>>[vector<16xi32>], vector<16xf32>,
      %gather3A_1052 = tpu.vector_load_idx %arg9[%add3A_1048] : memref<528xf32, #tpu.memory_space<vmem>>[vector<16xi32>], vector<16xf32>,
      %mul3A_1053 = vector.broadcast %reduce_sum3A_134 : f32 to vector<16xf32>
      %mul3A_1054 = arith.mulf %mul3A_1053, %gather3A_1049 : vector<16xf32>
      %mul3A_1055 = vector.broadcast %reduce_sum3A_141 : f32 to vector<16xf32>
      %mul3A_1056 = arith.mulf %mul3A_1055, %gather3A_1050 : vector<16xf32>
      %add3A_1057 = arith.addf %mul3A_1054, %mul3A_1056 : vector<16xf32>
      %mul3A_1058 = vector.broadcast %reduce_sum3A_148 : f32 to vector<16xf32>
      %mul3A_1059 = arith.mulf %mul3A_1058, %gather3A_1051 : vector<16xf32>
      %add3A_1060 = arith.addf %add3A_1057, %mul3A_1059 : vector<16xf32>
      %mul3A_1061 = vector.broadcast %reduce_sum3A_155 : f32 to vector<16xf32>
      %mul3A_1062 = arith.mulf %mul3A_1061, %gather3A_1052 : vector<16xf32>
      %add3A_1063 = arith.addf %add3A_1060, %mul3A_1062 : vector<16xf32>
      %swap3A_1064 = arith.constant 448 : index
      %swap3A_1065 = tpu.vector_load %arg10[%swap3A_1064] {strides = array<i32>} : memref<512xf32, #tpu.memory_space<vmem>>, vector<16xf32>,
      tpu.vector_store %arg10[%swap3A_1064], %add3A_1063 {strides = array<i32>} : memref<512xf32, #tpu.memory_space<vmem>>, vector<16xf32>,
      %add3A_1066 = arith.constant 464 : i32
      %add3A_1067 = vector.broadcast %add3A_1066 : i32 to vector<16xi32>
      %add3A_1068 = arith.addi %add3A_160, %add3A_1067 : vector<16xi32>
      %add3A_1069 = arith.constant 464 : i32
      %add3A_1070 = vector.broadcast %add3A_1069 : i32 to vector<16xi32>
      %add3A_1071 = arith.addi %add3A_163, %add3A_1070 : vector<16xi32>
      %gather3A_1072 = tpu.vector_load_idx %arg8[%add3A_1068] : memref<528xf32, #tpu.memory_space<vmem>>[vector<16xi32>], vector<16xf32>,
      %gather3A_1073 = tpu.vector_load_idx %arg9[%add3A_1068] : memref<528xf32, #tpu.memory_space<vmem>>[vector<16xi32>], vector<16xf32>,
      %gather3A_1074 = tpu.vector_load_idx %arg8[%add3A_1071] : memref<528xf32, #tpu.memory_space<vmem>>[vector<16xi32>], vector<16xf32>,
      %gather3A_1075 = tpu.vector_load_idx %arg9[%add3A_1071] : memref<528xf32, #tpu.memory_space<vmem>>[vector<16xi32>], vector<16xf32>,
      %mul3A_1076 = vector.broadcast %reduce_sum3A_134 : f32 to vector<16xf32>
      %mul3A_1077 = arith.mulf %mul3A_1076, %gather3A_1072 : vector<16xf32>
      %mul3A_1078 = vector.broadcast %reduce_sum3A_141 : f32 to vector<16xf32>
      %mul3A_1079 = arith.mulf %mul3A_1078, %gather3A_1073 : vector<16xf32>
      %add3A_1080 = arith.addf %mul3A_1077, %mul3A_1079 : vector<16xf32>
      %mul3A_1081 = vector.broadcast %reduce_sum3A_148 : f32 to vector<16xf32>
      %mul3A_1082 = arith.mulf %mul3A_1081, %gather3A_1074 : vector<16xf32>
      %add3A_1083 = arith.addf %add3A_1080, %mul3A_1082 : vector<16xf32>
      %mul3A_1084 = vector.broadcast %reduce_sum3A_155 : f32 to vector<16xf32>
      %mul3A_1085 = arith.mulf %mul3A_1084, %gather3A_1075 : vector<16xf32>
      %add3A_1086 = arith.addf %add3A_1083, %mul3A_1085 : vector<16xf32>
      %swap3A_1087 = arith.constant 464 : index
      %swap3A_1088 = tpu.vector_load %arg10[%swap3A_1087] {strides = array<i32>} : memref<512xf32, #tpu.memory_space<vmem>>, vector<16xf32>,
      tpu.vector_store %arg10[%swap3A_1087], %add3A_1086 {strides = array<i32>} : memref<512xf32, #tpu.memory_space<vmem>>, vector<16xf32>,
      %add3A_1089 = arith.constant 480 : i32
      %add3A_1090 = vector.broadcast %add3A_1089 : i32 to vector<16xi32>
      %add3A_1091 = arith.addi %add3A_160, %add3A_1090 : vector<16xi32>
      %add3A_1092 = arith.constant 480 : i32
      %add3A_1093 = vector.broadcast %add3A_1092 : i32 to vector<16xi32>
      %add3A_1094 = arith.addi %add3A_163, %add3A_1093 : vector<16xi32>
      %gather3A_1095 = tpu.vector_load_idx %arg8[%add3A_1091] : memref<528xf32, #tpu.memory_space<vmem>>[vector<16xi32>], vector<16xf32>,
      %gather3A_1096 = tpu.vector_load_idx %arg9[%add3A_1091] : memref<528xf32, #tpu.memory_space<vmem>>[vector<16xi32>], vector<16xf32>,
      %gather3A_1097 = tpu.vector_load_idx %arg8[%add3A_1094] : memref<528xf32, #tpu.memory_space<vmem>>[vector<16xi32>], vector<16xf32>,
      %gather3A_1098 = tpu.vector_load_idx %arg9[%add3A_1094] : memref<528xf32, #tpu.memory_space<vmem>>[vector<16xi32>], vector<16xf32>,
      %mul3A_1099 = vector.broadcast %reduce_sum3A_134 : f32 to vector<16xf32>
      %mul3A_1100 = arith.mulf %mul3A_1099, %gather3A_1095 : vector<16xf32>
      %mul3A_1101 = vector.broadcast %reduce_sum3A_141 : f32 to vector<16xf32>
      %mul3A_1102 = arith.mulf %mul3A_1101, %gather3A_1096 : vector<16xf32>
      %add3A_1103 = arith.addf %mul3A_1100, %mul3A_1102 : vector<16xf32>
      %mul3A_1104 = vector.broadcast %reduce_sum3A_148 : f32 to vector<16xf32>
      %mul3A_1105 = arith.mulf %mul3A_1104, %gather3A_1097 : vector<16xf32>
      %add3A_1106 = arith.addf %add3A_1103, %mul3A_1105 : vector<16xf32>
      %mul3A_1107 = vector.broadcast %reduce_sum3A_155 : f32 to vector<16xf32>
      %mul3A_1108 = arith.mulf %mul3A_1107, %gather3A_1098 : vector<16xf32>
      %add3A_1109 = arith.addf %add3A_1106, %mul3A_1108 : vector<16xf32>
      %swap3A_1110 = arith.constant 480 : index
      %swap3A_1111 = tpu.vector_load %arg10[%swap3A_1110] {strides = array<i32>} : memref<512xf32, #tpu.memory_space<vmem>>, vector<16xf32>,
      tpu.vector_store %arg10[%swap3A_1110], %add3A_1109 {strides = array<i32>} : memref<512xf32, #tpu.memory_space<vmem>>, vector<16xf32>,
      %add3A_1112 = arith.constant 496 : i32
      %add3A_1113 = vector.broadcast %add3A_1112 : i32 to vector<16xi32>
      %add3A_1114 = arith.addi %add3A_160, %add3A_1113 : vector<16xi32>
      %add3A_1115 = arith.constant 496 : i32
      %add3A_1116 = vector.broadcast %add3A_1115 : i32 to vector<16xi32>
      %add3A_1117 = arith.addi %add3A_163, %add3A_1116 : vector<16xi32>
      %gather3A_1118 = tpu.vector_load_idx %arg8[%add3A_1114] : memref<528xf32, #tpu.memory_space<vmem>>[vector<16xi32>], vector<16xf32>,
      %gather3A_1119 = tpu.vector_load_idx %arg9[%add3A_1114] : memref<528xf32, #tpu.memory_space<vmem>>[vector<16xi32>], vector<16xf32>,
      %gather3A_1120 = tpu.vector_load_idx %arg8[%add3A_1117] : memref<528xf32, #tpu.memory_space<vmem>>[vector<16xi32>], vector<16xf32>,
      %gather3A_1121 = tpu.vector_load_idx %arg9[%add3A_1117] : memref<528xf32, #tpu.memory_space<vmem>>[vector<16xi32>], vector<16xf32>,
      %mul3A_1122 = vector.broadcast %reduce_sum3A_134 : f32 to vector<16xf32>
      %mul3A_1123 = arith.mulf %mul3A_1122, %gather3A_1118 : vector<16xf32>
      %mul3A_1124 = vector.broadcast %reduce_sum3A_141 : f32 to vector<16xf32>
      %mul3A_1125 = arith.mulf %mul3A_1124, %gather3A_1119 : vector<16xf32>
      %add3A_1126 = arith.addf %mul3A_1123, %mul3A_1125 : vector<16xf32>
      %mul3A_1127 = vector.broadcast %reduce_sum3A_148 : f32 to vector<16xf32>
      %mul3A_1128 = arith.mulf %mul3A_1127, %gather3A_1120 : vector<16xf32>
      %add3A_1129 = arith.addf %add3A_1126, %mul3A_1128 : vector<16xf32>
      %mul3A_1130 = vector.broadcast %reduce_sum3A_155 : f32 to vector<16xf32>
      %mul3A_1131 = arith.mulf %mul3A_1130, %gather3A_1121 : vector<16xf32>
      %add3A_1132 = arith.addf %add3A_1129, %mul3A_1131 : vector<16xf32>
      %swap3A_1133 = arith.constant 496 : index
      %swap3A_1134 = tpu.vector_load %arg10[%swap3A_1133] {strides = array<i32>} : memref<512xf32, #tpu.memory_space<vmem>>, vector<16xf32>,
      tpu.vector_store %arg10[%swap3A_1133], %add3A_1132 {strides = array<i32>} : memref<512xf32, #tpu.memory_space<vmem>>, vector<16xf32>,
      "tpu.region"() ({
        %run_scoped3A = tpu.sem_alloc : memref<!tpu.dma_semaphore, #tpu.memory_space<semaphore_mem>>
        %dma_start3A = arith.constant 0 : i32
        %dma_start3A_1135 = tpu.memref_slice %arg5[%scan3A_400, %add3A_158, %dma_start3A] : memref<16x128x512xf32, #tpu.memory_space<hbm>> -> memref<1x1x512xf32, #tpu.memory_space<hbm>>
        %dma_start3A_1136 = tpu.memref_squeeze %dma_start3A_1135 : memref<1x1x512xf32, #tpu.memory_space<hbm>> -> memref<512xf32, #tpu.memory_space<hbm>>
        %dma_start3A_1137 = arith.constant 0 : i32
        %dma_start3A_1138 = tpu.memref_slice %arg5[%scan3A_400, %add3A_158, %dma_start3A_1137] : memref<16x128x512xf32, #tpu.memory_space<hbm>> -> memref<1x1x512xf32, #tpu.memory_space<hbm>>
        %dma_start3A_1139 = tpu.memref_squeeze %dma_start3A_1138 : memref<1x1x512xf32, #tpu.memory_space<hbm>> -> memref<512xf32, #tpu.memory_space<hbm>>
        tpu.enqueue_dma source(%arg10 : memref<512xf32, #tpu.memory_space<vmem>>) target(%dma_start3A_1139 : memref<512xf32, #tpu.memory_space<hbm>>) target_semaphore(%run_scoped3A : memref<!tpu.dma_semaphore, #tpu.memory_space<semaphore_mem>>)
        %dma_wait3A = arith.constant 0 : i32
        %dma_wait3A_1140 = tpu.memref_slice %arg5[%scan3A_400, %add3A_158, %dma_wait3A] : memref<16x128x512xf32, #tpu.memory_space<hbm>> -> memref<1x1x512xf32, #tpu.memory_space<hbm>>
        %dma_wait3A_1141 = tpu.memref_squeeze %dma_wait3A_1140 : memref<1x1x512xf32, #tpu.memory_space<hbm>> -> memref<512xf32, #tpu.memory_space<hbm>>
        %dma_wait3A_1142 = arith.constant 0 : i32
        %dma_wait3A_1143 = tpu.memref_slice %arg5[%scan3A_400, %add3A_158, %dma_wait3A_1142] : memref<16x128x512xf32, #tpu.memory_space<hbm>> -> memref<1x1x512xf32, #tpu.memory_space<hbm>>
        %dma_wait3A_1144 = tpu.memref_squeeze %dma_wait3A_1143 : memref<1x1x512xf32, #tpu.memory_space<hbm>> -> memref<512xf32, #tpu.memory_space<hbm>>
        tpu.wait_dma2 semaphore(%run_scoped3A : memref<!tpu.dma_semaphore, #tpu.memory_space<semaphore_mem>>) src(%arg10 : memref<512xf32, #tpu.memory_space<vmem>>) dst(%dma_wait3A_1144 : memref<512xf32, #tpu.memory_space<hbm>>)
        tpu.yield
      }) : () -> ()
    }
    %scan3A_168 = arith.constant 16 : i32
    %mul3A_169 = arith.constant 4 : i32
    %mul3A_170 = arith.muli %select_n3A_30, %mul3A_169 : i32
    %add3A_171 = arith.constant 1 : i32
    %add3A_172 = arith.addi %mul3A_170, %add3A_171 : i32
    %eq3A_173 = vector.broadcast %add3A_172 : i32 to vector<16xi32>
    %eq3A_174 = arith.cmpi eq, %iota3A, %eq3A_173 : vector<16xi32>
    %jit3A_175 = arith.constant 0 : i32
    %broadcast_in_dim3A_176 = vector.broadcast %jit3A_175 : i32 to vector<16xi32>
    %select_n3A_177 = arith.select %eq3A_174, %min3A_47, %broadcast_in_dim3A_176 : vector<16xi1>, vector<16xi32>
    %reduce_sum3A_178 = arith.constant true
    %reduce_sum3A_179 = vector.broadcast %reduce_sum3A_178 : i1 to vector<16xi1>
    %reduce_sum3A_180 = tpu.scan <sum>, %select_n3A_177 masked %reduce_sum3A_179 : vector<16xi32>, vector<16xi1> -> vector<16xi32>
    %reduce_sum3A_181 = vector.extract %reduce_sum3A_180[15] : i32 from vector<16xi32>
    %jit3A_182 = arith.constant 0 : i32
    %broadcast_in_dim3A_183 = vector.broadcast %jit3A_182 : i32 to vector<16xi32>
    %select_n3A_184 = arith.select %eq3A_174, %min3A_53, %broadcast_in_dim3A_183 : vector<16xi1>, vector<16xi32>
    %reduce_sum3A_185 = arith.constant true
    %reduce_sum3A_186 = vector.broadcast %reduce_sum3A_185 : i1 to vector<16xi1>
    %reduce_sum3A_187 = tpu.scan <sum>, %select_n3A_184 masked %reduce_sum3A_186 : vector<16xi32>, vector<16xi1> -> vector<16xi32>
    %reduce_sum3A_188 = vector.extract %reduce_sum3A_187[15] : i32 from vector<16xi32>
    %jit3A_189 = arith.constant 0 : i32
    %broadcast_in_dim3A_190 = vector.broadcast %jit3A_189 : i32 to vector<16xi32>
    %select_n3A_191 = arith.select %eq3A_174, %min3A_78, %broadcast_in_dim3A_190 : vector<16xi1>, vector<16xi32>
    %reduce_sum3A_192 = arith.constant true
    %reduce_sum3A_193 = vector.broadcast %reduce_sum3A_192 : i1 to vector<16xi1>
    %reduce_sum3A_194 = tpu.scan <sum>, %select_n3A_191 masked %reduce_sum3A_193 : vector<16xi32>, vector<16xi1> -> vector<16xi32>
    %reduce_sum3A_195 = vector.extract %reduce_sum3A_194[15] : i32 from vector<16xi32>
    %multiple_of3A_196 = tpu.assume_multiple %reduce_sum3A_195, 8 : i32
    %jit3A_197 = arith.constant 0 : i32
    %broadcast_in_dim3A_198 = vector.broadcast %jit3A_197 : i32 to vector<16xi32>
    %select_n3A_199 = arith.select %eq3A_174, %sub3A_79, %broadcast_in_dim3A_198 : vector<16xi1>, vector<16xi32>
    %reduce_sum3A_200 = arith.constant true
    %reduce_sum3A_201 = vector.broadcast %reduce_sum3A_200 : i1 to vector<16xi1>
    %reduce_sum3A_202 = tpu.scan <sum>, %select_n3A_199 masked %reduce_sum3A_201 : vector<16xi32>, vector<16xi1> -> vector<16xi32>
    %reduce_sum3A_203 = vector.extract %reduce_sum3A_202[15] : i32 from vector<16xi32>
    %jit3A_204 = arith.constant 0.000000e+00 : f32
    %broadcast_in_dim3A_205 = vector.broadcast %jit3A_204 : f32 to vector<16xf32>
    %select_n3A_206 = arith.select %eq3A_174, %mul3A_86, %broadcast_in_dim3A_205 : vector<16xi1>, vector<16xf32>
    %reduce_sum3A_207 = arith.constant true
    %reduce_sum3A_208 = vector.broadcast %reduce_sum3A_207 : i1 to vector<16xi1>
    %reduce_sum3A_209 = tpu.scan <sum>, %select_n3A_206 masked %reduce_sum3A_208 : vector<16xf32>, vector<16xi1> -> vector<16xf32>
    %reduce_sum3A_210 = vector.extract %reduce_sum3A_209[15] : f32 from vector<16xf32>
    %jit3A_211 = arith.constant 0.000000e+00 : f32
    %broadcast_in_dim3A_212 = vector.broadcast %jit3A_211 : f32 to vector<16xf32>
    %select_n3A_213 = arith.select %eq3A_174, %mul3A_90, %broadcast_in_dim3A_212 : vector<16xi1>, vector<16xf32>
    %reduce_sum3A_214 = arith.constant true
    %reduce_sum3A_215 = vector.broadcast %reduce_sum3A_214 : i1 to vector<16xi1>
    %reduce_sum3A_216 = tpu.scan <sum>, %select_n3A_213 masked %reduce_sum3A_215 : vector<16xf32>, vector<16xi1> -> vector<16xf32>
    %reduce_sum3A_217 = vector.extract %reduce_sum3A_216[15] : f32 from vector<16xf32>
    %jit3A_218 = arith.constant 0.000000e+00 : f32
    %broadcast_in_dim3A_219 = vector.broadcast %jit3A_218 : f32 to vector<16xf32>
    %select_n3A_220 = arith.select %eq3A_174, %mul3A_94, %broadcast_in_dim3A_219 : vector<16xi1>, vector<16xf32>
    %reduce_sum3A_221 = arith.constant true
    %reduce_sum3A_222 = vector.broadcast %reduce_sum3A_221 : i1 to vector<16xi1>
    %reduce_sum3A_223 = tpu.scan <sum>, %select_n3A_220 masked %reduce_sum3A_222 : vector<16xf32>, vector<16xi1> -> vector<16xf32>
    %reduce_sum3A_224 = vector.extract %reduce_sum3A_223[15] : f32 from vector<16xf32>
    %jit3A_225 = arith.constant 0.000000e+00 : f32
    %broadcast_in_dim3A_226 = vector.broadcast %jit3A_225 : f32 to vector<16xf32>
    %select_n3A_227 = arith.select %eq3A_174, %mul3A_95, %broadcast_in_dim3A_226 : vector<16xi1>, vector<16xf32>
    %reduce_sum3A_228 = arith.constant true
    %reduce_sum3A_229 = vector.broadcast %reduce_sum3A_228 : i1 to vector<16xi1>
    %reduce_sum3A_230 = tpu.scan <sum>, %select_n3A_227 masked %reduce_sum3A_229 : vector<16xf32>, vector<16xi1> -> vector<16xf32>
    %reduce_sum3A_231 = vector.extract %reduce_sum3A_230[15] : f32 from vector<16xf32>
    %mul3A_232 = arith.constant 16 : i32
    %mul3A_233 = arith.muli %select_n3A, %mul3A_232 : i32
    %add3A_234 = arith.addi %mul3A_233, %add3A_172 : i32
    %add3A_235 = vector.broadcast %reduce_sum3A_203 : i32 to vector<16xi32>
    %add3A_236 = arith.addi %add3A_235, %iota3A : vector<16xi32>
    %add3A_237 = arith.constant 1 : i32
    %add3A_238 = vector.broadcast %add3A_237 : i32 to vector<16xi32>
    %add3A_239 = arith.addi %add3A_236, %add3A_238 : vector<16xi32>
    %scan3A_240 = arith.constant 0 : i32
    %scan3A_241 = arith.constant 0 : i32
    %scan3A_242 = arith.constant 16 : i32
    %scan3A_243 = arith.addi %scan3A_241, %scan3A_242 : i32
    %scan3A_244 = arith.constant 1 : i32
    scf.for %scan3A_400 = %scan3A_241 to %scan3A_243 step %scan3A_244  : i32 {
      "tpu.region"() ({
        %run_scoped3A = tpu.sem_alloc : memref<!tpu.dma_semaphore, #tpu.memory_space<semaphore_mem>>
        %dma_start3A = tpu.memref_slice %arg2[%scan3A_400, %reduce_sum3A_181, %multiple_of3A_196] : memref<16x256x4096xf32, #tpu.memory_space<hbm>> -> memref<1x1x528xf32, #tpu.memory_space<hbm>>
        %dma_start3A_1135 = tpu.memref_squeeze %dma_start3A : memref<1x1x528xf32, #tpu.memory_space<hbm>> -> memref<528xf32, #tpu.memory_space<hbm>>
        %dma_start3A_1136 = tpu.memref_slice %arg2[%scan3A_400, %reduce_sum3A_181, %multiple_of3A_196] : memref<16x256x4096xf32, #tpu.memory_space<hbm>> -> memref<1x1x528xf32, #tpu.memory_space<hbm>>
        %dma_start3A_1137 = tpu.memref_squeeze %dma_start3A_1136 : memref<1x1x528xf32, #tpu.memory_space<hbm>> -> memref<528xf32, #tpu.memory_space<hbm>>
        tpu.enqueue_dma source(%dma_start3A_1137 : memref<528xf32, #tpu.memory_space<hbm>>) target(%arg8 : memref<528xf32, #tpu.memory_space<vmem>>) target_semaphore(%run_scoped3A : memref<!tpu.dma_semaphore, #tpu.memory_space<semaphore_mem>>)
        %dma_wait3A = tpu.memref_slice %arg2[%scan3A_400, %reduce_sum3A_181, %multiple_of3A_196] : memref<16x256x4096xf32, #tpu.memory_space<hbm>> -> memref<1x1x528xf32, #tpu.memory_space<hbm>>
        %dma_wait3A_1138 = tpu.memref_squeeze %dma_wait3A : memref<1x1x528xf32, #tpu.memory_space<hbm>> -> memref<528xf32, #tpu.memory_space<hbm>>
        %dma_wait3A_1139 = tpu.memref_slice %arg2[%scan3A_400, %reduce_sum3A_181, %multiple_of3A_196] : memref<16x256x4096xf32, #tpu.memory_space<hbm>> -> memref<1x1x528xf32, #tpu.memory_space<hbm>>
        %dma_wait3A_1140 = tpu.memref_squeeze %dma_wait3A_1139 : memref<1x1x528xf32, #tpu.memory_space<hbm>> -> memref<528xf32, #tpu.memory_space<hbm>>
        tpu.wait_dma2 semaphore(%run_scoped3A : memref<!tpu.dma_semaphore, #tpu.memory_space<semaphore_mem>>) src(%dma_wait3A_1140 : memref<528xf32, #tpu.memory_space<hbm>>) dst(%arg8 : memref<528xf32, #tpu.memory_space<vmem>>)
        tpu.yield
      }) : () -> ()
      "tpu.region"() ({
        %run_scoped3A = tpu.sem_alloc : memref<!tpu.dma_semaphore, #tpu.memory_space<semaphore_mem>>
        %dma_start3A = tpu.memref_slice %arg2[%scan3A_400, %reduce_sum3A_188, %multiple_of3A_196] : memref<16x256x4096xf32, #tpu.memory_space<hbm>> -> memref<1x1x528xf32, #tpu.memory_space<hbm>>
        %dma_start3A_1135 = tpu.memref_squeeze %dma_start3A : memref<1x1x528xf32, #tpu.memory_space<hbm>> -> memref<528xf32, #tpu.memory_space<hbm>>
        %dma_start3A_1136 = tpu.memref_slice %arg2[%scan3A_400, %reduce_sum3A_188, %multiple_of3A_196] : memref<16x256x4096xf32, #tpu.memory_space<hbm>> -> memref<1x1x528xf32, #tpu.memory_space<hbm>>
        %dma_start3A_1137 = tpu.memref_squeeze %dma_start3A_1136 : memref<1x1x528xf32, #tpu.memory_space<hbm>> -> memref<528xf32, #tpu.memory_space<hbm>>
        tpu.enqueue_dma source(%dma_start3A_1137 : memref<528xf32, #tpu.memory_space<hbm>>) target(%arg9 : memref<528xf32, #tpu.memory_space<vmem>>) target_semaphore(%run_scoped3A : memref<!tpu.dma_semaphore, #tpu.memory_space<semaphore_mem>>)
        %dma_wait3A = tpu.memref_slice %arg2[%scan3A_400, %reduce_sum3A_188, %multiple_of3A_196] : memref<16x256x4096xf32, #tpu.memory_space<hbm>> -> memref<1x1x528xf32, #tpu.memory_space<hbm>>
        %dma_wait3A_1138 = tpu.memref_squeeze %dma_wait3A : memref<1x1x528xf32, #tpu.memory_space<hbm>> -> memref<528xf32, #tpu.memory_space<hbm>>
        %dma_wait3A_1139 = tpu.memref_slice %arg2[%scan3A_400, %reduce_sum3A_188, %multiple_of3A_196] : memref<16x256x4096xf32, #tpu.memory_space<hbm>> -> memref<1x1x528xf32, #tpu.memory_space<hbm>>
        %dma_wait3A_1140 = tpu.memref_squeeze %dma_wait3A_1139 : memref<1x1x528xf32, #tpu.memory_space<hbm>> -> memref<528xf32, #tpu.memory_space<hbm>>
        tpu.wait_dma2 semaphore(%run_scoped3A : memref<!tpu.dma_semaphore, #tpu.memory_space<semaphore_mem>>) src(%dma_wait3A_1140 : memref<528xf32, #tpu.memory_space<hbm>>) dst(%arg9 : memref<528xf32, #tpu.memory_space<vmem>>)
        tpu.yield
      }) : () -> ()
      %add3A_401 = arith.constant 0 : i32
      %add3A_402 = vector.broadcast %add3A_401 : i32 to vector<16xi32>
      %add3A_403 = arith.addi %add3A_236, %add3A_402 : vector<16xi32>
      %add3A_404 = arith.constant 0 : i32
      %add3A_405 = vector.broadcast %add3A_404 : i32 to vector<16xi32>
      %add3A_406 = arith.addi %add3A_239, %add3A_405 : vector<16xi32>
      %gather3A = tpu.vector_load_idx %arg8[%add3A_403] : memref<528xf32, #tpu.memory_space<vmem>>[vector<16xi32>], vector<16xf32>,
      %gather3A_407 = tpu.vector_load_idx %arg9[%add3A_403] : memref<528xf32, #tpu.memory_space<vmem>>[vector<16xi32>], vector<16xf32>,
      %gather3A_408 = tpu.vector_load_idx %arg8[%add3A_406] : memref<528xf32, #tpu.memory_space<vmem>>[vector<16xi32>], vector<16xf32>,
      %gather3A_409 = tpu.vector_load_idx %arg9[%add3A_406] : memref<528xf32, #tpu.memory_space<vmem>>[vector<16xi32>], vector<16xf32>,
      %mul3A_410 = vector.broadcast %reduce_sum3A_210 : f32 to vector<16xf32>
      %mul3A_411 = arith.mulf %mul3A_410, %gather3A : vector<16xf32>
      %mul3A_412 = vector.broadcast %reduce_sum3A_217 : f32 to vector<16xf32>
      %mul3A_413 = arith.mulf %mul3A_412, %gather3A_407 : vector<16xf32>
      %add3A_414 = arith.addf %mul3A_411, %mul3A_413 : vector<16xf32>
      %mul3A_415 = vector.broadcast %reduce_sum3A_224 : f32 to vector<16xf32>
      %mul3A_416 = arith.mulf %mul3A_415, %gather3A_408 : vector<16xf32>
      %add3A_417 = arith.addf %add3A_414, %mul3A_416 : vector<16xf32>
      %mul3A_418 = vector.broadcast %reduce_sum3A_231 : f32 to vector<16xf32>
      %mul3A_419 = arith.mulf %mul3A_418, %gather3A_409 : vector<16xf32>
      %add3A_420 = arith.addf %add3A_417, %mul3A_419 : vector<16xf32>
      %swap3A = arith.constant 0 : index
      %swap3A_421 = tpu.vector_load %arg10[%swap3A] {strides = array<i32>} : memref<512xf32, #tpu.memory_space<vmem>>, vector<16xf32>,
      tpu.vector_store %arg10[%swap3A], %add3A_420 {strides = array<i32>} : memref<512xf32, #tpu.memory_space<vmem>>, vector<16xf32>,
      %add3A_422 = arith.constant 16 : i32
      %add3A_423 = vector.broadcast %add3A_422 : i32 to vector<16xi32>
      %add3A_424 = arith.addi %add3A_236, %add3A_423 : vector<16xi32>
      %add3A_425 = arith.constant 16 : i32
      %add3A_426 = vector.broadcast %add3A_425 : i32 to vector<16xi32>
      %add3A_427 = arith.addi %add3A_239, %add3A_426 : vector<16xi32>
      %gather3A_428 = tpu.vector_load_idx %arg8[%add3A_424] : memref<528xf32, #tpu.memory_space<vmem>>[vector<16xi32>], vector<16xf32>,
      %gather3A_429 = tpu.vector_load_idx %arg9[%add3A_424] : memref<528xf32, #tpu.memory_space<vmem>>[vector<16xi32>], vector<16xf32>,
      %gather3A_430 = tpu.vector_load_idx %arg8[%add3A_427] : memref<528xf32, #tpu.memory_space<vmem>>[vector<16xi32>], vector<16xf32>,
      %gather3A_431 = tpu.vector_load_idx %arg9[%add3A_427] : memref<528xf32, #tpu.memory_space<vmem>>[vector<16xi32>], vector<16xf32>,
      %mul3A_432 = vector.broadcast %reduce_sum3A_210 : f32 to vector<16xf32>
      %mul3A_433 = arith.mulf %mul3A_432, %gather3A_428 : vector<16xf32>
      %mul3A_434 = vector.broadcast %reduce_sum3A_217 : f32 to vector<16xf32>
      %mul3A_435 = arith.mulf %mul3A_434, %gather3A_429 : vector<16xf32>
      %add3A_436 = arith.addf %mul3A_433, %mul3A_435 : vector<16xf32>
      %mul3A_437 = vector.broadcast %reduce_sum3A_224 : f32 to vector<16xf32>
      %mul3A_438 = arith.mulf %mul3A_437, %gather3A_430 : vector<16xf32>
      %add3A_439 = arith.addf %add3A_436, %mul3A_438 : vector<16xf32>
      %mul3A_440 = vector.broadcast %reduce_sum3A_231 : f32 to vector<16xf32>
      %mul3A_441 = arith.mulf %mul3A_440, %gather3A_431 : vector<16xf32>
      %add3A_442 = arith.addf %add3A_439, %mul3A_441 : vector<16xf32>
      %swap3A_443 = arith.constant 16 : index
      %swap3A_444 = tpu.vector_load %arg10[%swap3A_443] {strides = array<i32>} : memref<512xf32, #tpu.memory_space<vmem>>, vector<16xf32>,
      tpu.vector_store %arg10[%swap3A_443], %add3A_442 {strides = array<i32>} : memref<512xf32, #tpu.memory_space<vmem>>, vector<16xf32>,
      %add3A_445 = arith.constant 32 : i32
      %add3A_446 = vector.broadcast %add3A_445 : i32 to vector<16xi32>
      %add3A_447 = arith.addi %add3A_236, %add3A_446 : vector<16xi32>
      %add3A_448 = arith.constant 32 : i32
      %add3A_449 = vector.broadcast %add3A_448 : i32 to vector<16xi32>
      %add3A_450 = arith.addi %add3A_239, %add3A_449 : vector<16xi32>
      %gather3A_451 = tpu.vector_load_idx %arg8[%add3A_447] : memref<528xf32, #tpu.memory_space<vmem>>[vector<16xi32>], vector<16xf32>,
      %gather3A_452 = tpu.vector_load_idx %arg9[%add3A_447] : memref<528xf32, #tpu.memory_space<vmem>>[vector<16xi32>], vector<16xf32>,
      %gather3A_453 = tpu.vector_load_idx %arg8[%add3A_450] : memref<528xf32, #tpu.memory_space<vmem>>[vector<16xi32>], vector<16xf32>,
      %gather3A_454 = tpu.vector_load_idx %arg9[%add3A_450] : memref<528xf32, #tpu.memory_space<vmem>>[vector<16xi32>], vector<16xf32>,
      %mul3A_455 = vector.broadcast %reduce_sum3A_210 : f32 to vector<16xf32>
      %mul3A_456 = arith.mulf %mul3A_455, %gather3A_451 : vector<16xf32>
      %mul3A_457 = vector.broadcast %reduce_sum3A_217 : f32 to vector<16xf32>
      %mul3A_458 = arith.mulf %mul3A_457, %gather3A_452 : vector<16xf32>
      %add3A_459 = arith.addf %mul3A_456, %mul3A_458 : vector<16xf32>
      %mul3A_460 = vector.broadcast %reduce_sum3A_224 : f32 to vector<16xf32>
      %mul3A_461 = arith.mulf %mul3A_460, %gather3A_453 : vector<16xf32>
      %add3A_462 = arith.addf %add3A_459, %mul3A_461 : vector<16xf32>
      %mul3A_463 = vector.broadcast %reduce_sum3A_231 : f32 to vector<16xf32>
      %mul3A_464 = arith.mulf %mul3A_463, %gather3A_454 : vector<16xf32>
      %add3A_465 = arith.addf %add3A_462, %mul3A_464 : vector<16xf32>
      %swap3A_466 = arith.constant 32 : index
      %swap3A_467 = tpu.vector_load %arg10[%swap3A_466] {strides = array<i32>} : memref<512xf32, #tpu.memory_space<vmem>>, vector<16xf32>,
      tpu.vector_store %arg10[%swap3A_466], %add3A_465 {strides = array<i32>} : memref<512xf32, #tpu.memory_space<vmem>>, vector<16xf32>,
      %add3A_468 = arith.constant 48 : i32
      %add3A_469 = vector.broadcast %add3A_468 : i32 to vector<16xi32>
      %add3A_470 = arith.addi %add3A_236, %add3A_469 : vector<16xi32>
      %add3A_471 = arith.constant 48 : i32
      %add3A_472 = vector.broadcast %add3A_471 : i32 to vector<16xi32>
      %add3A_473 = arith.addi %add3A_239, %add3A_472 : vector<16xi32>
      %gather3A_474 = tpu.vector_load_idx %arg8[%add3A_470] : memref<528xf32, #tpu.memory_space<vmem>>[vector<16xi32>], vector<16xf32>,
      %gather3A_475 = tpu.vector_load_idx %arg9[%add3A_470] : memref<528xf32, #tpu.memory_space<vmem>>[vector<16xi32>], vector<16xf32>,
      %gather3A_476 = tpu.vector_load_idx %arg8[%add3A_473] : memref<528xf32, #tpu.memory_space<vmem>>[vector<16xi32>], vector<16xf32>,
      %gather3A_477 = tpu.vector_load_idx %arg9[%add3A_473] : memref<528xf32, #tpu.memory_space<vmem>>[vector<16xi32>], vector<16xf32>,
      %mul3A_478 = vector.broadcast %reduce_sum3A_210 : f32 to vector<16xf32>
      %mul3A_479 = arith.mulf %mul3A_478, %gather3A_474 : vector<16xf32>
      %mul3A_480 = vector.broadcast %reduce_sum3A_217 : f32 to vector<16xf32>
      %mul3A_481 = arith.mulf %mul3A_480, %gather3A_475 : vector<16xf32>
      %add3A_482 = arith.addf %mul3A_479, %mul3A_481 : vector<16xf32>
      %mul3A_483 = vector.broadcast %reduce_sum3A_224 : f32 to vector<16xf32>
      %mul3A_484 = arith.mulf %mul3A_483, %gather3A_476 : vector<16xf32>
      %add3A_485 = arith.addf %add3A_482, %mul3A_484 : vector<16xf32>
      %mul3A_486 = vector.broadcast %reduce_sum3A_231 : f32 to vector<16xf32>
      %mul3A_487 = arith.mulf %mul3A_486, %gather3A_477 : vector<16xf32>
      %add3A_488 = arith.addf %add3A_485, %mul3A_487 : vector<16xf32>
      %swap3A_489 = arith.constant 48 : index
      %swap3A_490 = tpu.vector_load %arg10[%swap3A_489] {strides = array<i32>} : memref<512xf32, #tpu.memory_space<vmem>>, vector<16xf32>,
      tpu.vector_store %arg10[%swap3A_489], %add3A_488 {strides = array<i32>} : memref<512xf32, #tpu.memory_space<vmem>>, vector<16xf32>,
      %add3A_491 = arith.constant 64 : i32
      %add3A_492 = vector.broadcast %add3A_491 : i32 to vector<16xi32>
      %add3A_493 = arith.addi %add3A_236, %add3A_492 : vector<16xi32>
      %add3A_494 = arith.constant 64 : i32
      %add3A_495 = vector.broadcast %add3A_494 : i32 to vector<16xi32>
      %add3A_496 = arith.addi %add3A_239, %add3A_495 : vector<16xi32>
      %gather3A_497 = tpu.vector_load_idx %arg8[%add3A_493] : memref<528xf32, #tpu.memory_space<vmem>>[vector<16xi32>], vector<16xf32>,
      %gather3A_498 = tpu.vector_load_idx %arg9[%add3A_493] : memref<528xf32, #tpu.memory_space<vmem>>[vector<16xi32>], vector<16xf32>,
      %gather3A_499 = tpu.vector_load_idx %arg8[%add3A_496] : memref<528xf32, #tpu.memory_space<vmem>>[vector<16xi32>], vector<16xf32>,
      %gather3A_500 = tpu.vector_load_idx %arg9[%add3A_496] : memref<528xf32, #tpu.memory_space<vmem>>[vector<16xi32>], vector<16xf32>,
      %mul3A_501 = vector.broadcast %reduce_sum3A_210 : f32 to vector<16xf32>
      %mul3A_502 = arith.mulf %mul3A_501, %gather3A_497 : vector<16xf32>
      %mul3A_503 = vector.broadcast %reduce_sum3A_217 : f32 to vector<16xf32>
      %mul3A_504 = arith.mulf %mul3A_503, %gather3A_498 : vector<16xf32>
      %add3A_505 = arith.addf %mul3A_502, %mul3A_504 : vector<16xf32>
      %mul3A_506 = vector.broadcast %reduce_sum3A_224 : f32 to vector<16xf32>
      %mul3A_507 = arith.mulf %mul3A_506, %gather3A_499 : vector<16xf32>
      %add3A_508 = arith.addf %add3A_505, %mul3A_507 : vector<16xf32>
      %mul3A_509 = vector.broadcast %reduce_sum3A_231 : f32 to vector<16xf32>
      %mul3A_510 = arith.mulf %mul3A_509, %gather3A_500 : vector<16xf32>
      %add3A_511 = arith.addf %add3A_508, %mul3A_510 : vector<16xf32>
      %swap3A_512 = arith.constant 64 : index
      %swap3A_513 = tpu.vector_load %arg10[%swap3A_512] {strides = array<i32>} : memref<512xf32, #tpu.memory_space<vmem>>, vector<16xf32>,
      tpu.vector_store %arg10[%swap3A_512], %add3A_511 {strides = array<i32>} : memref<512xf32, #tpu.memory_space<vmem>>, vector<16xf32>,
      %add3A_514 = arith.constant 80 : i32
      %add3A_515 = vector.broadcast %add3A_514 : i32 to vector<16xi32>
      %add3A_516 = arith.addi %add3A_236, %add3A_515 : vector<16xi32>
      %add3A_517 = arith.constant 80 : i32
      %add3A_518 = vector.broadcast %add3A_517 : i32 to vector<16xi32>
      %add3A_519 = arith.addi %add3A_239, %add3A_518 : vector<16xi32>
      %gather3A_520 = tpu.vector_load_idx %arg8[%add3A_516] : memref<528xf32, #tpu.memory_space<vmem>>[vector<16xi32>], vector<16xf32>,
      %gather3A_521 = tpu.vector_load_idx %arg9[%add3A_516] : memref<528xf32, #tpu.memory_space<vmem>>[vector<16xi32>], vector<16xf32>,
      %gather3A_522 = tpu.vector_load_idx %arg8[%add3A_519] : memref<528xf32, #tpu.memory_space<vmem>>[vector<16xi32>], vector<16xf32>,
      %gather3A_523 = tpu.vector_load_idx %arg9[%add3A_519] : memref<528xf32, #tpu.memory_space<vmem>>[vector<16xi32>], vector<16xf32>,
      %mul3A_524 = vector.broadcast %reduce_sum3A_210 : f32 to vector<16xf32>
      %mul3A_525 = arith.mulf %mul3A_524, %gather3A_520 : vector<16xf32>
      %mul3A_526 = vector.broadcast %reduce_sum3A_217 : f32 to vector<16xf32>
      %mul3A_527 = arith.mulf %mul3A_526, %gather3A_521 : vector<16xf32>
      %add3A_528 = arith.addf %mul3A_525, %mul3A_527 : vector<16xf32>
      %mul3A_529 = vector.broadcast %reduce_sum3A_224 : f32 to vector<16xf32>
      %mul3A_530 = arith.mulf %mul3A_529, %gather3A_522 : vector<16xf32>
      %add3A_531 = arith.addf %add3A_528, %mul3A_530 : vector<16xf32>
      %mul3A_532 = vector.broadcast %reduce_sum3A_231 : f32 to vector<16xf32>
      %mul3A_533 = arith.mulf %mul3A_532, %gather3A_523 : vector<16xf32>
      %add3A_534 = arith.addf %add3A_531, %mul3A_533 : vector<16xf32>
      %swap3A_535 = arith.constant 80 : index
      %swap3A_536 = tpu.vector_load %arg10[%swap3A_535] {strides = array<i32>} : memref<512xf32, #tpu.memory_space<vmem>>, vector<16xf32>,
      tpu.vector_store %arg10[%swap3A_535], %add3A_534 {strides = array<i32>} : memref<512xf32, #tpu.memory_space<vmem>>, vector<16xf32>,
      %add3A_537 = arith.constant 96 : i32
      %add3A_538 = vector.broadcast %add3A_537 : i32 to vector<16xi32>
      %add3A_539 = arith.addi %add3A_236, %add3A_538 : vector<16xi32>
      %add3A_540 = arith.constant 96 : i32
      %add3A_541 = vector.broadcast %add3A_540 : i32 to vector<16xi32>
      %add3A_542 = arith.addi %add3A_239, %add3A_541 : vector<16xi32>
      %gather3A_543 = tpu.vector_load_idx %arg8[%add3A_539] : memref<528xf32, #tpu.memory_space<vmem>>[vector<16xi32>], vector<16xf32>,
      %gather3A_544 = tpu.vector_load_idx %arg9[%add3A_539] : memref<528xf32, #tpu.memory_space<vmem>>[vector<16xi32>], vector<16xf32>,
      %gather3A_545 = tpu.vector_load_idx %arg8[%add3A_542] : memref<528xf32, #tpu.memory_space<vmem>>[vector<16xi32>], vector<16xf32>,
      %gather3A_546 = tpu.vector_load_idx %arg9[%add3A_542] : memref<528xf32, #tpu.memory_space<vmem>>[vector<16xi32>], vector<16xf32>,
      %mul3A_547 = vector.broadcast %reduce_sum3A_210 : f32 to vector<16xf32>
      %mul3A_548 = arith.mulf %mul3A_547, %gather3A_543 : vector<16xf32>
      %mul3A_549 = vector.broadcast %reduce_sum3A_217 : f32 to vector<16xf32>
      %mul3A_550 = arith.mulf %mul3A_549, %gather3A_544 : vector<16xf32>
      %add3A_551 = arith.addf %mul3A_548, %mul3A_550 : vector<16xf32>
      %mul3A_552 = vector.broadcast %reduce_sum3A_224 : f32 to vector<16xf32>
      %mul3A_553 = arith.mulf %mul3A_552, %gather3A_545 : vector<16xf32>
      %add3A_554 = arith.addf %add3A_551, %mul3A_553 : vector<16xf32>
      %mul3A_555 = vector.broadcast %reduce_sum3A_231 : f32 to vector<16xf32>
      %mul3A_556 = arith.mulf %mul3A_555, %gather3A_546 : vector<16xf32>
      %add3A_557 = arith.addf %add3A_554, %mul3A_556 : vector<16xf32>
      %swap3A_558 = arith.constant 96 : index
      %swap3A_559 = tpu.vector_load %arg10[%swap3A_558] {strides = array<i32>} : memref<512xf32, #tpu.memory_space<vmem>>, vector<16xf32>,
      tpu.vector_store %arg10[%swap3A_558], %add3A_557 {strides = array<i32>} : memref<512xf32, #tpu.memory_space<vmem>>, vector<16xf32>,
      %add3A_560 = arith.constant 112 : i32
      %add3A_561 = vector.broadcast %add3A_560 : i32 to vector<16xi32>
      %add3A_562 = arith.addi %add3A_236, %add3A_561 : vector<16xi32>
      %add3A_563 = arith.constant 112 : i32
      %add3A_564 = vector.broadcast %add3A_563 : i32 to vector<16xi32>
      %add3A_565 = arith.addi %add3A_239, %add3A_564 : vector<16xi32>
      %gather3A_566 = tpu.vector_load_idx %arg8[%add3A_562] : memref<528xf32, #tpu.memory_space<vmem>>[vector<16xi32>], vector<16xf32>,
      %gather3A_567 = tpu.vector_load_idx %arg9[%add3A_562] : memref<528xf32, #tpu.memory_space<vmem>>[vector<16xi32>], vector<16xf32>,
      %gather3A_568 = tpu.vector_load_idx %arg8[%add3A_565] : memref<528xf32, #tpu.memory_space<vmem>>[vector<16xi32>], vector<16xf32>,
      %gather3A_569 = tpu.vector_load_idx %arg9[%add3A_565] : memref<528xf32, #tpu.memory_space<vmem>>[vector<16xi32>], vector<16xf32>,
      %mul3A_570 = vector.broadcast %reduce_sum3A_210 : f32 to vector<16xf32>
      %mul3A_571 = arith.mulf %mul3A_570, %gather3A_566 : vector<16xf32>
      %mul3A_572 = vector.broadcast %reduce_sum3A_217 : f32 to vector<16xf32>
      %mul3A_573 = arith.mulf %mul3A_572, %gather3A_567 : vector<16xf32>
      %add3A_574 = arith.addf %mul3A_571, %mul3A_573 : vector<16xf32>
      %mul3A_575 = vector.broadcast %reduce_sum3A_224 : f32 to vector<16xf32>
      %mul3A_576 = arith.mulf %mul3A_575, %gather3A_568 : vector<16xf32>
      %add3A_577 = arith.addf %add3A_574, %mul3A_576 : vector<16xf32>
      %mul3A_578 = vector.broadcast %reduce_sum3A_231 : f32 to vector<16xf32>
      %mul3A_579 = arith.mulf %mul3A_578, %gather3A_569 : vector<16xf32>
      %add3A_580 = arith.addf %add3A_577, %mul3A_579 : vector<16xf32>
      %swap3A_581 = arith.constant 112 : index
      %swap3A_582 = tpu.vector_load %arg10[%swap3A_581] {strides = array<i32>} : memref<512xf32, #tpu.memory_space<vmem>>, vector<16xf32>,
      tpu.vector_store %arg10[%swap3A_581], %add3A_580 {strides = array<i32>} : memref<512xf32, #tpu.memory_space<vmem>>, vector<16xf32>,
      %add3A_583 = arith.constant 128 : i32
      %add3A_584 = vector.broadcast %add3A_583 : i32 to vector<16xi32>
      %add3A_585 = arith.addi %add3A_236, %add3A_584 : vector<16xi32>
      %add3A_586 = arith.constant 128 : i32
      %add3A_587 = vector.broadcast %add3A_586 : i32 to vector<16xi32>
      %add3A_588 = arith.addi %add3A_239, %add3A_587 : vector<16xi32>
      %gather3A_589 = tpu.vector_load_idx %arg8[%add3A_585] : memref<528xf32, #tpu.memory_space<vmem>>[vector<16xi32>], vector<16xf32>,
      %gather3A_590 = tpu.vector_load_idx %arg9[%add3A_585] : memref<528xf32, #tpu.memory_space<vmem>>[vector<16xi32>], vector<16xf32>,
      %gather3A_591 = tpu.vector_load_idx %arg8[%add3A_588] : memref<528xf32, #tpu.memory_space<vmem>>[vector<16xi32>], vector<16xf32>,
      %gather3A_592 = tpu.vector_load_idx %arg9[%add3A_588] : memref<528xf32, #tpu.memory_space<vmem>>[vector<16xi32>], vector<16xf32>,
      %mul3A_593 = vector.broadcast %reduce_sum3A_210 : f32 to vector<16xf32>
      %mul3A_594 = arith.mulf %mul3A_593, %gather3A_589 : vector<16xf32>
      %mul3A_595 = vector.broadcast %reduce_sum3A_217 : f32 to vector<16xf32>
      %mul3A_596 = arith.mulf %mul3A_595, %gather3A_590 : vector<16xf32>
      %add3A_597 = arith.addf %mul3A_594, %mul3A_596 : vector<16xf32>
      %mul3A_598 = vector.broadcast %reduce_sum3A_224 : f32 to vector<16xf32>
      %mul3A_599 = arith.mulf %mul3A_598, %gather3A_591 : vector<16xf32>
      %add3A_600 = arith.addf %add3A_597, %mul3A_599 : vector<16xf32>
      %mul3A_601 = vector.broadcast %reduce_sum3A_231 : f32 to vector<16xf32>
      %mul3A_602 = arith.mulf %mul3A_601, %gather3A_592 : vector<16xf32>
      %add3A_603 = arith.addf %add3A_600, %mul3A_602 : vector<16xf32>
      %swap3A_604 = arith.constant 128 : index
      %swap3A_605 = tpu.vector_load %arg10[%swap3A_604] {strides = array<i32>} : memref<512xf32, #tpu.memory_space<vmem>>, vector<16xf32>,
      tpu.vector_store %arg10[%swap3A_604], %add3A_603 {strides = array<i32>} : memref<512xf32, #tpu.memory_space<vmem>>, vector<16xf32>,
      %add3A_606 = arith.constant 144 : i32
      %add3A_607 = vector.broadcast %add3A_606 : i32 to vector<16xi32>
      %add3A_608 = arith.addi %add3A_236, %add3A_607 : vector<16xi32>
      %add3A_609 = arith.constant 144 : i32
      %add3A_610 = vector.broadcast %add3A_609 : i32 to vector<16xi32>
      %add3A_611 = arith.addi %add3A_239, %add3A_610 : vector<16xi32>
      %gather3A_612 = tpu.vector_load_idx %arg8[%add3A_608] : memref<528xf32, #tpu.memory_space<vmem>>[vector<16xi32>], vector<16xf32>,
      %gather3A_613 = tpu.vector_load_idx %arg9[%add3A_608] : memref<528xf32, #tpu.memory_space<vmem>>[vector<16xi32>], vector<16xf32>,
      %gather3A_614 = tpu.vector_load_idx %arg8[%add3A_611] : memref<528xf32, #tpu.memory_space<vmem>>[vector<16xi32>], vector<16xf32>,
      %gather3A_615 = tpu.vector_load_idx %arg9[%add3A_611] : memref<528xf32, #tpu.memory_space<vmem>>[vector<16xi32>], vector<16xf32>,
      %mul3A_616 = vector.broadcast %reduce_sum3A_210 : f32 to vector<16xf32>
      %mul3A_617 = arith.mulf %mul3A_616, %gather3A_612 : vector<16xf32>
      %mul3A_618 = vector.broadcast %reduce_sum3A_217 : f32 to vector<16xf32>
      %mul3A_619 = arith.mulf %mul3A_618, %gather3A_613 : vector<16xf32>
      %add3A_620 = arith.addf %mul3A_617, %mul3A_619 : vector<16xf32>
      %mul3A_621 = vector.broadcast %reduce_sum3A_224 : f32 to vector<16xf32>
      %mul3A_622 = arith.mulf %mul3A_621, %gather3A_614 : vector<16xf32>
      %add3A_623 = arith.addf %add3A_620, %mul3A_622 : vector<16xf32>
      %mul3A_624 = vector.broadcast %reduce_sum3A_231 : f32 to vector<16xf32>
      %mul3A_625 = arith.mulf %mul3A_624, %gather3A_615 : vector<16xf32>
      %add3A_626 = arith.addf %add3A_623, %mul3A_625 : vector<16xf32>
      %swap3A_627 = arith.constant 144 : index
      %swap3A_628 = tpu.vector_load %arg10[%swap3A_627] {strides = array<i32>} : memref<512xf32, #tpu.memory_space<vmem>>, vector<16xf32>,
      tpu.vector_store %arg10[%swap3A_627], %add3A_626 {strides = array<i32>} : memref<512xf32, #tpu.memory_space<vmem>>, vector<16xf32>,
      %add3A_629 = arith.constant 160 : i32
      %add3A_630 = vector.broadcast %add3A_629 : i32 to vector<16xi32>
      %add3A_631 = arith.addi %add3A_236, %add3A_630 : vector<16xi32>
      %add3A_632 = arith.constant 160 : i32
      %add3A_633 = vector.broadcast %add3A_632 : i32 to vector<16xi32>
      %add3A_634 = arith.addi %add3A_239, %add3A_633 : vector<16xi32>
      %gather3A_635 = tpu.vector_load_idx %arg8[%add3A_631] : memref<528xf32, #tpu.memory_space<vmem>>[vector<16xi32>], vector<16xf32>,
      %gather3A_636 = tpu.vector_load_idx %arg9[%add3A_631] : memref<528xf32, #tpu.memory_space<vmem>>[vector<16xi32>], vector<16xf32>,
      %gather3A_637 = tpu.vector_load_idx %arg8[%add3A_634] : memref<528xf32, #tpu.memory_space<vmem>>[vector<16xi32>], vector<16xf32>,
      %gather3A_638 = tpu.vector_load_idx %arg9[%add3A_634] : memref<528xf32, #tpu.memory_space<vmem>>[vector<16xi32>], vector<16xf32>,
      %mul3A_639 = vector.broadcast %reduce_sum3A_210 : f32 to vector<16xf32>
      %mul3A_640 = arith.mulf %mul3A_639, %gather3A_635 : vector<16xf32>
      %mul3A_641 = vector.broadcast %reduce_sum3A_217 : f32 to vector<16xf32>
      %mul3A_642 = arith.mulf %mul3A_641, %gather3A_636 : vector<16xf32>
      %add3A_643 = arith.addf %mul3A_640, %mul3A_642 : vector<16xf32>
      %mul3A_644 = vector.broadcast %reduce_sum3A_224 : f32 to vector<16xf32>
      %mul3A_645 = arith.mulf %mul3A_644, %gather3A_637 : vector<16xf32>
      %add3A_646 = arith.addf %add3A_643, %mul3A_645 : vector<16xf32>
      %mul3A_647 = vector.broadcast %reduce_sum3A_231 : f32 to vector<16xf32>
      %mul3A_648 = arith.mulf %mul3A_647, %gather3A_638 : vector<16xf32>
      %add3A_649 = arith.addf %add3A_646, %mul3A_648 : vector<16xf32>
      %swap3A_650 = arith.constant 160 : index
      %swap3A_651 = tpu.vector_load %arg10[%swap3A_650] {strides = array<i32>} : memref<512xf32, #tpu.memory_space<vmem>>, vector<16xf32>,
      tpu.vector_store %arg10[%swap3A_650], %add3A_649 {strides = array<i32>} : memref<512xf32, #tpu.memory_space<vmem>>, vector<16xf32>,
      %add3A_652 = arith.constant 176 : i32
      %add3A_653 = vector.broadcast %add3A_652 : i32 to vector<16xi32>
      %add3A_654 = arith.addi %add3A_236, %add3A_653 : vector<16xi32>
      %add3A_655 = arith.constant 176 : i32
      %add3A_656 = vector.broadcast %add3A_655 : i32 to vector<16xi32>
      %add3A_657 = arith.addi %add3A_239, %add3A_656 : vector<16xi32>
      %gather3A_658 = tpu.vector_load_idx %arg8[%add3A_654] : memref<528xf32, #tpu.memory_space<vmem>>[vector<16xi32>], vector<16xf32>,
      %gather3A_659 = tpu.vector_load_idx %arg9[%add3A_654] : memref<528xf32, #tpu.memory_space<vmem>>[vector<16xi32>], vector<16xf32>,
      %gather3A_660 = tpu.vector_load_idx %arg8[%add3A_657] : memref<528xf32, #tpu.memory_space<vmem>>[vector<16xi32>], vector<16xf32>,
      %gather3A_661 = tpu.vector_load_idx %arg9[%add3A_657] : memref<528xf32, #tpu.memory_space<vmem>>[vector<16xi32>], vector<16xf32>,
      %mul3A_662 = vector.broadcast %reduce_sum3A_210 : f32 to vector<16xf32>
      %mul3A_663 = arith.mulf %mul3A_662, %gather3A_658 : vector<16xf32>
      %mul3A_664 = vector.broadcast %reduce_sum3A_217 : f32 to vector<16xf32>
      %mul3A_665 = arith.mulf %mul3A_664, %gather3A_659 : vector<16xf32>
      %add3A_666 = arith.addf %mul3A_663, %mul3A_665 : vector<16xf32>
      %mul3A_667 = vector.broadcast %reduce_sum3A_224 : f32 to vector<16xf32>
      %mul3A_668 = arith.mulf %mul3A_667, %gather3A_660 : vector<16xf32>
      %add3A_669 = arith.addf %add3A_666, %mul3A_668 : vector<16xf32>
      %mul3A_670 = vector.broadcast %reduce_sum3A_231 : f32 to vector<16xf32>
      %mul3A_671 = arith.mulf %mul3A_670, %gather3A_661 : vector<16xf32>
      %add3A_672 = arith.addf %add3A_669, %mul3A_671 : vector<16xf32>
      %swap3A_673 = arith.constant 176 : index
      %swap3A_674 = tpu.vector_load %arg10[%swap3A_673] {strides = array<i32>} : memref<512xf32, #tpu.memory_space<vmem>>, vector<16xf32>,
      tpu.vector_store %arg10[%swap3A_673], %add3A_672 {strides = array<i32>} : memref<512xf32, #tpu.memory_space<vmem>>, vector<16xf32>,
      %add3A_675 = arith.constant 192 : i32
      %add3A_676 = vector.broadcast %add3A_675 : i32 to vector<16xi32>
      %add3A_677 = arith.addi %add3A_236, %add3A_676 : vector<16xi32>
      %add3A_678 = arith.constant 192 : i32
      %add3A_679 = vector.broadcast %add3A_678 : i32 to vector<16xi32>
      %add3A_680 = arith.addi %add3A_239, %add3A_679 : vector<16xi32>
      %gather3A_681 = tpu.vector_load_idx %arg8[%add3A_677] : memref<528xf32, #tpu.memory_space<vmem>>[vector<16xi32>], vector<16xf32>,
      %gather3A_682 = tpu.vector_load_idx %arg9[%add3A_677] : memref<528xf32, #tpu.memory_space<vmem>>[vector<16xi32>], vector<16xf32>,
      %gather3A_683 = tpu.vector_load_idx %arg8[%add3A_680] : memref<528xf32, #tpu.memory_space<vmem>>[vector<16xi32>], vector<16xf32>,
      %gather3A_684 = tpu.vector_load_idx %arg9[%add3A_680] : memref<528xf32, #tpu.memory_space<vmem>>[vector<16xi32>], vector<16xf32>,
      %mul3A_685 = vector.broadcast %reduce_sum3A_210 : f32 to vector<16xf32>
      %mul3A_686 = arith.mulf %mul3A_685, %gather3A_681 : vector<16xf32>
      %mul3A_687 = vector.broadcast %reduce_sum3A_217 : f32 to vector<16xf32>
      %mul3A_688 = arith.mulf %mul3A_687, %gather3A_682 : vector<16xf32>
      %add3A_689 = arith.addf %mul3A_686, %mul3A_688 : vector<16xf32>
      %mul3A_690 = vector.broadcast %reduce_sum3A_224 : f32 to vector<16xf32>
      %mul3A_691 = arith.mulf %mul3A_690, %gather3A_683 : vector<16xf32>
      %add3A_692 = arith.addf %add3A_689, %mul3A_691 : vector<16xf32>
      %mul3A_693 = vector.broadcast %reduce_sum3A_231 : f32 to vector<16xf32>
      %mul3A_694 = arith.mulf %mul3A_693, %gather3A_684 : vector<16xf32>
      %add3A_695 = arith.addf %add3A_692, %mul3A_694 : vector<16xf32>
      %swap3A_696 = arith.constant 192 : index
      %swap3A_697 = tpu.vector_load %arg10[%swap3A_696] {strides = array<i32>} : memref<512xf32, #tpu.memory_space<vmem>>, vector<16xf32>,
      tpu.vector_store %arg10[%swap3A_696], %add3A_695 {strides = array<i32>} : memref<512xf32, #tpu.memory_space<vmem>>, vector<16xf32>,
      %add3A_698 = arith.constant 208 : i32
      %add3A_699 = vector.broadcast %add3A_698 : i32 to vector<16xi32>
      %add3A_700 = arith.addi %add3A_236, %add3A_699 : vector<16xi32>
      %add3A_701 = arith.constant 208 : i32
      %add3A_702 = vector.broadcast %add3A_701 : i32 to vector<16xi32>
      %add3A_703 = arith.addi %add3A_239, %add3A_702 : vector<16xi32>
      %gather3A_704 = tpu.vector_load_idx %arg8[%add3A_700] : memref<528xf32, #tpu.memory_space<vmem>>[vector<16xi32>], vector<16xf32>,
      %gather3A_705 = tpu.vector_load_idx %arg9[%add3A_700] : memref<528xf32, #tpu.memory_space<vmem>>[vector<16xi32>], vector<16xf32>,
      %gather3A_706 = tpu.vector_load_idx %arg8[%add3A_703] : memref<528xf32, #tpu.memory_space<vmem>>[vector<16xi32>], vector<16xf32>,
      %gather3A_707 = tpu.vector_load_idx %arg9[%add3A_703] : memref<528xf32, #tpu.memory_space<vmem>>[vector<16xi32>], vector<16xf32>,
      %mul3A_708 = vector.broadcast %reduce_sum3A_210 : f32 to vector<16xf32>
      %mul3A_709 = arith.mulf %mul3A_708, %gather3A_704 : vector<16xf32>
      %mul3A_710 = vector.broadcast %reduce_sum3A_217 : f32 to vector<16xf32>
      %mul3A_711 = arith.mulf %mul3A_710, %gather3A_705 : vector<16xf32>
      %add3A_712 = arith.addf %mul3A_709, %mul3A_711 : vector<16xf32>
      %mul3A_713 = vector.broadcast %reduce_sum3A_224 : f32 to vector<16xf32>
      %mul3A_714 = arith.mulf %mul3A_713, %gather3A_706 : vector<16xf32>
      %add3A_715 = arith.addf %add3A_712, %mul3A_714 : vector<16xf32>
      %mul3A_716 = vector.broadcast %reduce_sum3A_231 : f32 to vector<16xf32>
      %mul3A_717 = arith.mulf %mul3A_716, %gather3A_707 : vector<16xf32>
      %add3A_718 = arith.addf %add3A_715, %mul3A_717 : vector<16xf32>
      %swap3A_719 = arith.constant 208 : index
      %swap3A_720 = tpu.vector_load %arg10[%swap3A_719] {strides = array<i32>} : memref<512xf32, #tpu.memory_space<vmem>>, vector<16xf32>,
      tpu.vector_store %arg10[%swap3A_719], %add3A_718 {strides = array<i32>} : memref<512xf32, #tpu.memory_space<vmem>>, vector<16xf32>,
      %add3A_721 = arith.constant 224 : i32
      %add3A_722 = vector.broadcast %add3A_721 : i32 to vector<16xi32>
      %add3A_723 = arith.addi %add3A_236, %add3A_722 : vector<16xi32>
      %add3A_724 = arith.constant 224 : i32
      %add3A_725 = vector.broadcast %add3A_724 : i32 to vector<16xi32>
      %add3A_726 = arith.addi %add3A_239, %add3A_725 : vector<16xi32>
      %gather3A_727 = tpu.vector_load_idx %arg8[%add3A_723] : memref<528xf32, #tpu.memory_space<vmem>>[vector<16xi32>], vector<16xf32>,
      %gather3A_728 = tpu.vector_load_idx %arg9[%add3A_723] : memref<528xf32, #tpu.memory_space<vmem>>[vector<16xi32>], vector<16xf32>,
      %gather3A_729 = tpu.vector_load_idx %arg8[%add3A_726] : memref<528xf32, #tpu.memory_space<vmem>>[vector<16xi32>], vector<16xf32>,
      %gather3A_730 = tpu.vector_load_idx %arg9[%add3A_726] : memref<528xf32, #tpu.memory_space<vmem>>[vector<16xi32>], vector<16xf32>,
      %mul3A_731 = vector.broadcast %reduce_sum3A_210 : f32 to vector<16xf32>
      %mul3A_732 = arith.mulf %mul3A_731, %gather3A_727 : vector<16xf32>
      %mul3A_733 = vector.broadcast %reduce_sum3A_217 : f32 to vector<16xf32>
      %mul3A_734 = arith.mulf %mul3A_733, %gather3A_728 : vector<16xf32>
      %add3A_735 = arith.addf %mul3A_732, %mul3A_734 : vector<16xf32>
      %mul3A_736 = vector.broadcast %reduce_sum3A_224 : f32 to vector<16xf32>
      %mul3A_737 = arith.mulf %mul3A_736, %gather3A_729 : vector<16xf32>
      %add3A_738 = arith.addf %add3A_735, %mul3A_737 : vector<16xf32>
      %mul3A_739 = vector.broadcast %reduce_sum3A_231 : f32 to vector<16xf32>
      %mul3A_740 = arith.mulf %mul3A_739, %gather3A_730 : vector<16xf32>
      %add3A_741 = arith.addf %add3A_738, %mul3A_740 : vector<16xf32>
      %swap3A_742 = arith.constant 224 : index
      %swap3A_743 = tpu.vector_load %arg10[%swap3A_742] {strides = array<i32>} : memref<512xf32, #tpu.memory_space<vmem>>, vector<16xf32>,
      tpu.vector_store %arg10[%swap3A_742], %add3A_741 {strides = array<i32>} : memref<512xf32, #tpu.memory_space<vmem>>, vector<16xf32>,
      %add3A_744 = arith.constant 240 : i32
      %add3A_745 = vector.broadcast %add3A_744 : i32 to vector<16xi32>
      %add3A_746 = arith.addi %add3A_236, %add3A_745 : vector<16xi32>
      %add3A_747 = arith.constant 240 : i32
      %add3A_748 = vector.broadcast %add3A_747 : i32 to vector<16xi32>
      %add3A_749 = arith.addi %add3A_239, %add3A_748 : vector<16xi32>
      %gather3A_750 = tpu.vector_load_idx %arg8[%add3A_746] : memref<528xf32, #tpu.memory_space<vmem>>[vector<16xi32>], vector<16xf32>,
      %gather3A_751 = tpu.vector_load_idx %arg9[%add3A_746] : memref<528xf32, #tpu.memory_space<vmem>>[vector<16xi32>], vector<16xf32>,
      %gather3A_752 = tpu.vector_load_idx %arg8[%add3A_749] : memref<528xf32, #tpu.memory_space<vmem>>[vector<16xi32>], vector<16xf32>,
      %gather3A_753 = tpu.vector_load_idx %arg9[%add3A_749] : memref<528xf32, #tpu.memory_space<vmem>>[vector<16xi32>], vector<16xf32>,
      %mul3A_754 = vector.broadcast %reduce_sum3A_210 : f32 to vector<16xf32>
      %mul3A_755 = arith.mulf %mul3A_754, %gather3A_750 : vector<16xf32>
      %mul3A_756 = vector.broadcast %reduce_sum3A_217 : f32 to vector<16xf32>
      %mul3A_757 = arith.mulf %mul3A_756, %gather3A_751 : vector<16xf32>
      %add3A_758 = arith.addf %mul3A_755, %mul3A_757 : vector<16xf32>
      %mul3A_759 = vector.broadcast %reduce_sum3A_224 : f32 to vector<16xf32>
      %mul3A_760 = arith.mulf %mul3A_759, %gather3A_752 : vector<16xf32>
      %add3A_761 = arith.addf %add3A_758, %mul3A_760 : vector<16xf32>
      %mul3A_762 = vector.broadcast %reduce_sum3A_231 : f32 to vector<16xf32>
      %mul3A_763 = arith.mulf %mul3A_762, %gather3A_753 : vector<16xf32>
      %add3A_764 = arith.addf %add3A_761, %mul3A_763 : vector<16xf32>
      %swap3A_765 = arith.constant 240 : index
      %swap3A_766 = tpu.vector_load %arg10[%swap3A_765] {strides = array<i32>} : memref<512xf32, #tpu.memory_space<vmem>>, vector<16xf32>,
      tpu.vector_store %arg10[%swap3A_765], %add3A_764 {strides = array<i32>} : memref<512xf32, #tpu.memory_space<vmem>>, vector<16xf32>,
      %add3A_767 = arith.constant 256 : i32
      %add3A_768 = vector.broadcast %add3A_767 : i32 to vector<16xi32>
      %add3A_769 = arith.addi %add3A_236, %add3A_768 : vector<16xi32>
      %add3A_770 = arith.constant 256 : i32
      %add3A_771 = vector.broadcast %add3A_770 : i32 to vector<16xi32>
      %add3A_772 = arith.addi %add3A_239, %add3A_771 : vector<16xi32>
      %gather3A_773 = tpu.vector_load_idx %arg8[%add3A_769] : memref<528xf32, #tpu.memory_space<vmem>>[vector<16xi32>], vector<16xf32>,
      %gather3A_774 = tpu.vector_load_idx %arg9[%add3A_769] : memref<528xf32, #tpu.memory_space<vmem>>[vector<16xi32>], vector<16xf32>,
      %gather3A_775 = tpu.vector_load_idx %arg8[%add3A_772] : memref<528xf32, #tpu.memory_space<vmem>>[vector<16xi32>], vector<16xf32>,
      %gather3A_776 = tpu.vector_load_idx %arg9[%add3A_772] : memref<528xf32, #tpu.memory_space<vmem>>[vector<16xi32>], vector<16xf32>,
      %mul3A_777 = vector.broadcast %reduce_sum3A_210 : f32 to vector<16xf32>
      %mul3A_778 = arith.mulf %mul3A_777, %gather3A_773 : vector<16xf32>
      %mul3A_779 = vector.broadcast %reduce_sum3A_217 : f32 to vector<16xf32>
      %mul3A_780 = arith.mulf %mul3A_779, %gather3A_774 : vector<16xf32>
      %add3A_781 = arith.addf %mul3A_778, %mul3A_780 : vector<16xf32>
      %mul3A_782 = vector.broadcast %reduce_sum3A_224 : f32 to vector<16xf32>
      %mul3A_783 = arith.mulf %mul3A_782, %gather3A_775 : vector<16xf32>
      %add3A_784 = arith.addf %add3A_781, %mul3A_783 : vector<16xf32>
      %mul3A_785 = vector.broadcast %reduce_sum3A_231 : f32 to vector<16xf32>
      %mul3A_786 = arith.mulf %mul3A_785, %gather3A_776 : vector<16xf32>
      %add3A_787 = arith.addf %add3A_784, %mul3A_786 : vector<16xf32>
      %swap3A_788 = arith.constant 256 : index
      %swap3A_789 = tpu.vector_load %arg10[%swap3A_788] {strides = array<i32>} : memref<512xf32, #tpu.memory_space<vmem>>, vector<16xf32>,
      tpu.vector_store %arg10[%swap3A_788], %add3A_787 {strides = array<i32>} : memref<512xf32, #tpu.memory_space<vmem>>, vector<16xf32>,
      %add3A_790 = arith.constant 272 : i32
      %add3A_791 = vector.broadcast %add3A_790 : i32 to vector<16xi32>
      %add3A_792 = arith.addi %add3A_236, %add3A_791 : vector<16xi32>
      %add3A_793 = arith.constant 272 : i32
      %add3A_794 = vector.broadcast %add3A_793 : i32 to vector<16xi32>
      %add3A_795 = arith.addi %add3A_239, %add3A_794 : vector<16xi32>
      %gather3A_796 = tpu.vector_load_idx %arg8[%add3A_792] : memref<528xf32, #tpu.memory_space<vmem>>[vector<16xi32>], vector<16xf32>,
      %gather3A_797 = tpu.vector_load_idx %arg9[%add3A_792] : memref<528xf32, #tpu.memory_space<vmem>>[vector<16xi32>], vector<16xf32>,
      %gather3A_798 = tpu.vector_load_idx %arg8[%add3A_795] : memref<528xf32, #tpu.memory_space<vmem>>[vector<16xi32>], vector<16xf32>,
      %gather3A_799 = tpu.vector_load_idx %arg9[%add3A_795] : memref<528xf32, #tpu.memory_space<vmem>>[vector<16xi32>], vector<16xf32>,
      %mul3A_800 = vector.broadcast %reduce_sum3A_210 : f32 to vector<16xf32>
      %mul3A_801 = arith.mulf %mul3A_800, %gather3A_796 : vector<16xf32>
      %mul3A_802 = vector.broadcast %reduce_sum3A_217 : f32 to vector<16xf32>
      %mul3A_803 = arith.mulf %mul3A_802, %gather3A_797 : vector<16xf32>
      %add3A_804 = arith.addf %mul3A_801, %mul3A_803 : vector<16xf32>
      %mul3A_805 = vector.broadcast %reduce_sum3A_224 : f32 to vector<16xf32>
      %mul3A_806 = arith.mulf %mul3A_805, %gather3A_798 : vector<16xf32>
      %add3A_807 = arith.addf %add3A_804, %mul3A_806 : vector<16xf32>
      %mul3A_808 = vector.broadcast %reduce_sum3A_231 : f32 to vector<16xf32>
      %mul3A_809 = arith.mulf %mul3A_808, %gather3A_799 : vector<16xf32>
      %add3A_810 = arith.addf %add3A_807, %mul3A_809 : vector<16xf32>
      %swap3A_811 = arith.constant 272 : index
      %swap3A_812 = tpu.vector_load %arg10[%swap3A_811] {strides = array<i32>} : memref<512xf32, #tpu.memory_space<vmem>>, vector<16xf32>,
      tpu.vector_store %arg10[%swap3A_811], %add3A_810 {strides = array<i32>} : memref<512xf32, #tpu.memory_space<vmem>>, vector<16xf32>,
      %add3A_813 = arith.constant 288 : i32
      %add3A_814 = vector.broadcast %add3A_813 : i32 to vector<16xi32>
      %add3A_815 = arith.addi %add3A_236, %add3A_814 : vector<16xi32>
      %add3A_816 = arith.constant 288 : i32
      %add3A_817 = vector.broadcast %add3A_816 : i32 to vector<16xi32>
      %add3A_818 = arith.addi %add3A_239, %add3A_817 : vector<16xi32>
      %gather3A_819 = tpu.vector_load_idx %arg8[%add3A_815] : memref<528xf32, #tpu.memory_space<vmem>>[vector<16xi32>], vector<16xf32>,
      %gather3A_820 = tpu.vector_load_idx %arg9[%add3A_815] : memref<528xf32, #tpu.memory_space<vmem>>[vector<16xi32>], vector<16xf32>,
      %gather3A_821 = tpu.vector_load_idx %arg8[%add3A_818] : memref<528xf32, #tpu.memory_space<vmem>>[vector<16xi32>], vector<16xf32>,
      %gather3A_822 = tpu.vector_load_idx %arg9[%add3A_818] : memref<528xf32, #tpu.memory_space<vmem>>[vector<16xi32>], vector<16xf32>,
      %mul3A_823 = vector.broadcast %reduce_sum3A_210 : f32 to vector<16xf32>
      %mul3A_824 = arith.mulf %mul3A_823, %gather3A_819 : vector<16xf32>
      %mul3A_825 = vector.broadcast %reduce_sum3A_217 : f32 to vector<16xf32>
      %mul3A_826 = arith.mulf %mul3A_825, %gather3A_820 : vector<16xf32>
      %add3A_827 = arith.addf %mul3A_824, %mul3A_826 : vector<16xf32>
      %mul3A_828 = vector.broadcast %reduce_sum3A_224 : f32 to vector<16xf32>
      %mul3A_829 = arith.mulf %mul3A_828, %gather3A_821 : vector<16xf32>
      %add3A_830 = arith.addf %add3A_827, %mul3A_829 : vector<16xf32>
      %mul3A_831 = vector.broadcast %reduce_sum3A_231 : f32 to vector<16xf32>
      %mul3A_832 = arith.mulf %mul3A_831, %gather3A_822 : vector<16xf32>
      %add3A_833 = arith.addf %add3A_830, %mul3A_832 : vector<16xf32>
      %swap3A_834 = arith.constant 288 : index
      %swap3A_835 = tpu.vector_load %arg10[%swap3A_834] {strides = array<i32>} : memref<512xf32, #tpu.memory_space<vmem>>, vector<16xf32>,
      tpu.vector_store %arg10[%swap3A_834], %add3A_833 {strides = array<i32>} : memref<512xf32, #tpu.memory_space<vmem>>, vector<16xf32>,
      %add3A_836 = arith.constant 304 : i32
      %add3A_837 = vector.broadcast %add3A_836 : i32 to vector<16xi32>
      %add3A_838 = arith.addi %add3A_236, %add3A_837 : vector<16xi32>
      %add3A_839 = arith.constant 304 : i32
      %add3A_840 = vector.broadcast %add3A_839 : i32 to vector<16xi32>
      %add3A_841 = arith.addi %add3A_239, %add3A_840 : vector<16xi32>
      %gather3A_842 = tpu.vector_load_idx %arg8[%add3A_838] : memref<528xf32, #tpu.memory_space<vmem>>[vector<16xi32>], vector<16xf32>,
      %gather3A_843 = tpu.vector_load_idx %arg9[%add3A_838] : memref<528xf32, #tpu.memory_space<vmem>>[vector<16xi32>], vector<16xf32>,
      %gather3A_844 = tpu.vector_load_idx %arg8[%add3A_841] : memref<528xf32, #tpu.memory_space<vmem>>[vector<16xi32>], vector<16xf32>,
      %gather3A_845 = tpu.vector_load_idx %arg9[%add3A_841] : memref<528xf32, #tpu.memory_space<vmem>>[vector<16xi32>], vector<16xf32>,
      %mul3A_846 = vector.broadcast %reduce_sum3A_210 : f32 to vector<16xf32>
      %mul3A_847 = arith.mulf %mul3A_846, %gather3A_842 : vector<16xf32>
      %mul3A_848 = vector.broadcast %reduce_sum3A_217 : f32 to vector<16xf32>
      %mul3A_849 = arith.mulf %mul3A_848, %gather3A_843 : vector<16xf32>
      %add3A_850 = arith.addf %mul3A_847, %mul3A_849 : vector<16xf32>
      %mul3A_851 = vector.broadcast %reduce_sum3A_224 : f32 to vector<16xf32>
      %mul3A_852 = arith.mulf %mul3A_851, %gather3A_844 : vector<16xf32>
      %add3A_853 = arith.addf %add3A_850, %mul3A_852 : vector<16xf32>
      %mul3A_854 = vector.broadcast %reduce_sum3A_231 : f32 to vector<16xf32>
      %mul3A_855 = arith.mulf %mul3A_854, %gather3A_845 : vector<16xf32>
      %add3A_856 = arith.addf %add3A_853, %mul3A_855 : vector<16xf32>
      %swap3A_857 = arith.constant 304 : index
      %swap3A_858 = tpu.vector_load %arg10[%swap3A_857] {strides = array<i32>} : memref<512xf32, #tpu.memory_space<vmem>>, vector<16xf32>,
      tpu.vector_store %arg10[%swap3A_857], %add3A_856 {strides = array<i32>} : memref<512xf32, #tpu.memory_space<vmem>>, vector<16xf32>,
      %add3A_859 = arith.constant 320 : i32
      %add3A_860 = vector.broadcast %add3A_859 : i32 to vector<16xi32>
      %add3A_861 = arith.addi %add3A_236, %add3A_860 : vector<16xi32>
      %add3A_862 = arith.constant 320 : i32
      %add3A_863 = vector.broadcast %add3A_862 : i32 to vector<16xi32>
      %add3A_864 = arith.addi %add3A_239, %add3A_863 : vector<16xi32>
      %gather3A_865 = tpu.vector_load_idx %arg8[%add3A_861] : memref<528xf32, #tpu.memory_space<vmem>>[vector<16xi32>], vector<16xf32>,
      %gather3A_866 = tpu.vector_load_idx %arg9[%add3A_861] : memref<528xf32, #tpu.memory_space<vmem>>[vector<16xi32>], vector<16xf32>,
      %gather3A_867 = tpu.vector_load_idx %arg8[%add3A_864] : memref<528xf32, #tpu.memory_space<vmem>>[vector<16xi32>], vector<16xf32>,
      %gather3A_868 = tpu.vector_load_idx %arg9[%add3A_864] : memref<528xf32, #tpu.memory_space<vmem>>[vector<16xi32>], vector<16xf32>,
      %mul3A_869 = vector.broadcast %reduce_sum3A_210 : f32 to vector<16xf32>
      %mul3A_870 = arith.mulf %mul3A_869, %gather3A_865 : vector<16xf32>
      %mul3A_871 = vector.broadcast %reduce_sum3A_217 : f32 to vector<16xf32>
      %mul3A_872 = arith.mulf %mul3A_871, %gather3A_866 : vector<16xf32>
      %add3A_873 = arith.addf %mul3A_870, %mul3A_872 : vector<16xf32>
      %mul3A_874 = vector.broadcast %reduce_sum3A_224 : f32 to vector<16xf32>
      %mul3A_875 = arith.mulf %mul3A_874, %gather3A_867 : vector<16xf32>
      %add3A_876 = arith.addf %add3A_873, %mul3A_875 : vector<16xf32>
      %mul3A_877 = vector.broadcast %reduce_sum3A_231 : f32 to vector<16xf32>
      %mul3A_878 = arith.mulf %mul3A_877, %gather3A_868 : vector<16xf32>
      %add3A_879 = arith.addf %add3A_876, %mul3A_878 : vector<16xf32>
      %swap3A_880 = arith.constant 320 : index
      %swap3A_881 = tpu.vector_load %arg10[%swap3A_880] {strides = array<i32>} : memref<512xf32, #tpu.memory_space<vmem>>, vector<16xf32>,
      tpu.vector_store %arg10[%swap3A_880], %add3A_879 {strides = array<i32>} : memref<512xf32, #tpu.memory_space<vmem>>, vector<16xf32>,
      %add3A_882 = arith.constant 336 : i32
      %add3A_883 = vector.broadcast %add3A_882 : i32 to vector<16xi32>
      %add3A_884 = arith.addi %add3A_236, %add3A_883 : vector<16xi32>
      %add3A_885 = arith.constant 336 : i32
      %add3A_886 = vector.broadcast %add3A_885 : i32 to vector<16xi32>
      %add3A_887 = arith.addi %add3A_239, %add3A_886 : vector<16xi32>
      %gather3A_888 = tpu.vector_load_idx %arg8[%add3A_884] : memref<528xf32, #tpu.memory_space<vmem>>[vector<16xi32>], vector<16xf32>,
      %gather3A_889 = tpu.vector_load_idx %arg9[%add3A_884] : memref<528xf32, #tpu.memory_space<vmem>>[vector<16xi32>], vector<16xf32>,
      %gather3A_890 = tpu.vector_load_idx %arg8[%add3A_887] : memref<528xf32, #tpu.memory_space<vmem>>[vector<16xi32>], vector<16xf32>,
      %gather3A_891 = tpu.vector_load_idx %arg9[%add3A_887] : memref<528xf32, #tpu.memory_space<vmem>>[vector<16xi32>], vector<16xf32>,
      %mul3A_892 = vector.broadcast %reduce_sum3A_210 : f32 to vector<16xf32>
      %mul3A_893 = arith.mulf %mul3A_892, %gather3A_888 : vector<16xf32>
      %mul3A_894 = vector.broadcast %reduce_sum3A_217 : f32 to vector<16xf32>
      %mul3A_895 = arith.mulf %mul3A_894, %gather3A_889 : vector<16xf32>
      %add3A_896 = arith.addf %mul3A_893, %mul3A_895 : vector<16xf32>
      %mul3A_897 = vector.broadcast %reduce_sum3A_224 : f32 to vector<16xf32>
      %mul3A_898 = arith.mulf %mul3A_897, %gather3A_890 : vector<16xf32>
      %add3A_899 = arith.addf %add3A_896, %mul3A_898 : vector<16xf32>
      %mul3A_900 = vector.broadcast %reduce_sum3A_231 : f32 to vector<16xf32>
      %mul3A_901 = arith.mulf %mul3A_900, %gather3A_891 : vector<16xf32>
      %add3A_902 = arith.addf %add3A_899, %mul3A_901 : vector<16xf32>
      %swap3A_903 = arith.constant 336 : index
      %swap3A_904 = tpu.vector_load %arg10[%swap3A_903] {strides = array<i32>} : memref<512xf32, #tpu.memory_space<vmem>>, vector<16xf32>,
      tpu.vector_store %arg10[%swap3A_903], %add3A_902 {strides = array<i32>} : memref<512xf32, #tpu.memory_space<vmem>>, vector<16xf32>,
      %add3A_905 = arith.constant 352 : i32
      %add3A_906 = vector.broadcast %add3A_905 : i32 to vector<16xi32>
      %add3A_907 = arith.addi %add3A_236, %add3A_906 : vector<16xi32>
      %add3A_908 = arith.constant 352 : i32
      %add3A_909 = vector.broadcast %add3A_908 : i32 to vector<16xi32>
      %add3A_910 = arith.addi %add3A_239, %add3A_909 : vector<16xi32>
      %gather3A_911 = tpu.vector_load_idx %arg8[%add3A_907] : memref<528xf32, #tpu.memory_space<vmem>>[vector<16xi32>], vector<16xf32>,
      %gather3A_912 = tpu.vector_load_idx %arg9[%add3A_907] : memref<528xf32, #tpu.memory_space<vmem>>[vector<16xi32>], vector<16xf32>,
      %gather3A_913 = tpu.vector_load_idx %arg8[%add3A_910] : memref<528xf32, #tpu.memory_space<vmem>>[vector<16xi32>], vector<16xf32>,
      %gather3A_914 = tpu.vector_load_idx %arg9[%add3A_910] : memref<528xf32, #tpu.memory_space<vmem>>[vector<16xi32>], vector<16xf32>,
      %mul3A_915 = vector.broadcast %reduce_sum3A_210 : f32 to vector<16xf32>
      %mul3A_916 = arith.mulf %mul3A_915, %gather3A_911 : vector<16xf32>
      %mul3A_917 = vector.broadcast %reduce_sum3A_217 : f32 to vector<16xf32>
      %mul3A_918 = arith.mulf %mul3A_917, %gather3A_912 : vector<16xf32>
      %add3A_919 = arith.addf %mul3A_916, %mul3A_918 : vector<16xf32>
      %mul3A_920 = vector.broadcast %reduce_sum3A_224 : f32 to vector<16xf32>
      %mul3A_921 = arith.mulf %mul3A_920, %gather3A_913 : vector<16xf32>
      %add3A_922 = arith.addf %add3A_919, %mul3A_921 : vector<16xf32>
      %mul3A_923 = vector.broadcast %reduce_sum3A_231 : f32 to vector<16xf32>
      %mul3A_924 = arith.mulf %mul3A_923, %gather3A_914 : vector<16xf32>
      %add3A_925 = arith.addf %add3A_922, %mul3A_924 : vector<16xf32>
      %swap3A_926 = arith.constant 352 : index
      %swap3A_927 = tpu.vector_load %arg10[%swap3A_926] {strides = array<i32>} : memref<512xf32, #tpu.memory_space<vmem>>, vector<16xf32>,
      tpu.vector_store %arg10[%swap3A_926], %add3A_925 {strides = array<i32>} : memref<512xf32, #tpu.memory_space<vmem>>, vector<16xf32>,
      %add3A_928 = arith.constant 368 : i32
      %add3A_929 = vector.broadcast %add3A_928 : i32 to vector<16xi32>
      %add3A_930 = arith.addi %add3A_236, %add3A_929 : vector<16xi32>
      %add3A_931 = arith.constant 368 : i32
      %add3A_932 = vector.broadcast %add3A_931 : i32 to vector<16xi32>
      %add3A_933 = arith.addi %add3A_239, %add3A_932 : vector<16xi32>
      %gather3A_934 = tpu.vector_load_idx %arg8[%add3A_930] : memref<528xf32, #tpu.memory_space<vmem>>[vector<16xi32>], vector<16xf32>,
      %gather3A_935 = tpu.vector_load_idx %arg9[%add3A_930] : memref<528xf32, #tpu.memory_space<vmem>>[vector<16xi32>], vector<16xf32>,
      %gather3A_936 = tpu.vector_load_idx %arg8[%add3A_933] : memref<528xf32, #tpu.memory_space<vmem>>[vector<16xi32>], vector<16xf32>,
      %gather3A_937 = tpu.vector_load_idx %arg9[%add3A_933] : memref<528xf32, #tpu.memory_space<vmem>>[vector<16xi32>], vector<16xf32>,
      %mul3A_938 = vector.broadcast %reduce_sum3A_210 : f32 to vector<16xf32>
      %mul3A_939 = arith.mulf %mul3A_938, %gather3A_934 : vector<16xf32>
      %mul3A_940 = vector.broadcast %reduce_sum3A_217 : f32 to vector<16xf32>
      %mul3A_941 = arith.mulf %mul3A_940, %gather3A_935 : vector<16xf32>
      %add3A_942 = arith.addf %mul3A_939, %mul3A_941 : vector<16xf32>
      %mul3A_943 = vector.broadcast %reduce_sum3A_224 : f32 to vector<16xf32>
      %mul3A_944 = arith.mulf %mul3A_943, %gather3A_936 : vector<16xf32>
      %add3A_945 = arith.addf %add3A_942, %mul3A_944 : vector<16xf32>
      %mul3A_946 = vector.broadcast %reduce_sum3A_231 : f32 to vector<16xf32>
      %mul3A_947 = arith.mulf %mul3A_946, %gather3A_937 : vector<16xf32>
      %add3A_948 = arith.addf %add3A_945, %mul3A_947 : vector<16xf32>
      %swap3A_949 = arith.constant 368 : index
      %swap3A_950 = tpu.vector_load %arg10[%swap3A_949] {strides = array<i32>} : memref<512xf32, #tpu.memory_space<vmem>>, vector<16xf32>,
      tpu.vector_store %arg10[%swap3A_949], %add3A_948 {strides = array<i32>} : memref<512xf32, #tpu.memory_space<vmem>>, vector<16xf32>,
      %add3A_951 = arith.constant 384 : i32
      %add3A_952 = vector.broadcast %add3A_951 : i32 to vector<16xi32>
      %add3A_953 = arith.addi %add3A_236, %add3A_952 : vector<16xi32>
      %add3A_954 = arith.constant 384 : i32
      %add3A_955 = vector.broadcast %add3A_954 : i32 to vector<16xi32>
      %add3A_956 = arith.addi %add3A_239, %add3A_955 : vector<16xi32>
      %gather3A_957 = tpu.vector_load_idx %arg8[%add3A_953] : memref<528xf32, #tpu.memory_space<vmem>>[vector<16xi32>], vector<16xf32>,
      %gather3A_958 = tpu.vector_load_idx %arg9[%add3A_953] : memref<528xf32, #tpu.memory_space<vmem>>[vector<16xi32>], vector<16xf32>,
      %gather3A_959 = tpu.vector_load_idx %arg8[%add3A_956] : memref<528xf32, #tpu.memory_space<vmem>>[vector<16xi32>], vector<16xf32>,
      %gather3A_960 = tpu.vector_load_idx %arg9[%add3A_956] : memref<528xf32, #tpu.memory_space<vmem>>[vector<16xi32>], vector<16xf32>,
      %mul3A_961 = vector.broadcast %reduce_sum3A_210 : f32 to vector<16xf32>
      %mul3A_962 = arith.mulf %mul3A_961, %gather3A_957 : vector<16xf32>
      %mul3A_963 = vector.broadcast %reduce_sum3A_217 : f32 to vector<16xf32>
      %mul3A_964 = arith.mulf %mul3A_963, %gather3A_958 : vector<16xf32>
      %add3A_965 = arith.addf %mul3A_962, %mul3A_964 : vector<16xf32>
      %mul3A_966 = vector.broadcast %reduce_sum3A_224 : f32 to vector<16xf32>
      %mul3A_967 = arith.mulf %mul3A_966, %gather3A_959 : vector<16xf32>
      %add3A_968 = arith.addf %add3A_965, %mul3A_967 : vector<16xf32>
      %mul3A_969 = vector.broadcast %reduce_sum3A_231 : f32 to vector<16xf32>
      %mul3A_970 = arith.mulf %mul3A_969, %gather3A_960 : vector<16xf32>
      %add3A_971 = arith.addf %add3A_968, %mul3A_970 : vector<16xf32>
      %swap3A_972 = arith.constant 384 : index
      %swap3A_973 = tpu.vector_load %arg10[%swap3A_972] {strides = array<i32>} : memref<512xf32, #tpu.memory_space<vmem>>, vector<16xf32>,
      tpu.vector_store %arg10[%swap3A_972], %add3A_971 {strides = array<i32>} : memref<512xf32, #tpu.memory_space<vmem>>, vector<16xf32>,
      %add3A_974 = arith.constant 400 : i32
      %add3A_975 = vector.broadcast %add3A_974 : i32 to vector<16xi32>
      %add3A_976 = arith.addi %add3A_236, %add3A_975 : vector<16xi32>
      %add3A_977 = arith.constant 400 : i32
      %add3A_978 = vector.broadcast %add3A_977 : i32 to vector<16xi32>
      %add3A_979 = arith.addi %add3A_239, %add3A_978 : vector<16xi32>
      %gather3A_980 = tpu.vector_load_idx %arg8[%add3A_976] : memref<528xf32, #tpu.memory_space<vmem>>[vector<16xi32>], vector<16xf32>,
      %gather3A_981 = tpu.vector_load_idx %arg9[%add3A_976] : memref<528xf32, #tpu.memory_space<vmem>>[vector<16xi32>], vector<16xf32>,
      %gather3A_982 = tpu.vector_load_idx %arg8[%add3A_979] : memref<528xf32, #tpu.memory_space<vmem>>[vector<16xi32>], vector<16xf32>,
      %gather3A_983 = tpu.vector_load_idx %arg9[%add3A_979] : memref<528xf32, #tpu.memory_space<vmem>>[vector<16xi32>], vector<16xf32>,
      %mul3A_984 = vector.broadcast %reduce_sum3A_210 : f32 to vector<16xf32>
      %mul3A_985 = arith.mulf %mul3A_984, %gather3A_980 : vector<16xf32>
      %mul3A_986 = vector.broadcast %reduce_sum3A_217 : f32 to vector<16xf32>
      %mul3A_987 = arith.mulf %mul3A_986, %gather3A_981 : vector<16xf32>
      %add3A_988 = arith.addf %mul3A_985, %mul3A_987 : vector<16xf32>
      %mul3A_989 = vector.broadcast %reduce_sum3A_224 : f32 to vector<16xf32>
      %mul3A_990 = arith.mulf %mul3A_989, %gather3A_982 : vector<16xf32>
      %add3A_991 = arith.addf %add3A_988, %mul3A_990 : vector<16xf32>
      %mul3A_992 = vector.broadcast %reduce_sum3A_231 : f32 to vector<16xf32>
      %mul3A_993 = arith.mulf %mul3A_992, %gather3A_983 : vector<16xf32>
      %add3A_994 = arith.addf %add3A_991, %mul3A_993 : vector<16xf32>
      %swap3A_995 = arith.constant 400 : index
      %swap3A_996 = tpu.vector_load %arg10[%swap3A_995] {strides = array<i32>} : memref<512xf32, #tpu.memory_space<vmem>>, vector<16xf32>,
      tpu.vector_store %arg10[%swap3A_995], %add3A_994 {strides = array<i32>} : memref<512xf32, #tpu.memory_space<vmem>>, vector<16xf32>,
      %add3A_997 = arith.constant 416 : i32
      %add3A_998 = vector.broadcast %add3A_997 : i32 to vector<16xi32>
      %add3A_999 = arith.addi %add3A_236, %add3A_998 : vector<16xi32>
      %add3A_1000 = arith.constant 416 : i32
      %add3A_1001 = vector.broadcast %add3A_1000 : i32 to vector<16xi32>
      %add3A_1002 = arith.addi %add3A_239, %add3A_1001 : vector<16xi32>
      %gather3A_1003 = tpu.vector_load_idx %arg8[%add3A_999] : memref<528xf32, #tpu.memory_space<vmem>>[vector<16xi32>], vector<16xf32>,
      %gather3A_1004 = tpu.vector_load_idx %arg9[%add3A_999] : memref<528xf32, #tpu.memory_space<vmem>>[vector<16xi32>], vector<16xf32>,
      %gather3A_1005 = tpu.vector_load_idx %arg8[%add3A_1002] : memref<528xf32, #tpu.memory_space<vmem>>[vector<16xi32>], vector<16xf32>,
      %gather3A_1006 = tpu.vector_load_idx %arg9[%add3A_1002] : memref<528xf32, #tpu.memory_space<vmem>>[vector<16xi32>], vector<16xf32>,
      %mul3A_1007 = vector.broadcast %reduce_sum3A_210 : f32 to vector<16xf32>
      %mul3A_1008 = arith.mulf %mul3A_1007, %gather3A_1003 : vector<16xf32>
      %mul3A_1009 = vector.broadcast %reduce_sum3A_217 : f32 to vector<16xf32>
      %mul3A_1010 = arith.mulf %mul3A_1009, %gather3A_1004 : vector<16xf32>
      %add3A_1011 = arith.addf %mul3A_1008, %mul3A_1010 : vector<16xf32>
      %mul3A_1012 = vector.broadcast %reduce_sum3A_224 : f32 to vector<16xf32>
      %mul3A_1013 = arith.mulf %mul3A_1012, %gather3A_1005 : vector<16xf32>
      %add3A_1014 = arith.addf %add3A_1011, %mul3A_1013 : vector<16xf32>
      %mul3A_1015 = vector.broadcast %reduce_sum3A_231 : f32 to vector<16xf32>
      %mul3A_1016 = arith.mulf %mul3A_1015, %gather3A_1006 : vector<16xf32>
      %add3A_1017 = arith.addf %add3A_1014, %mul3A_1016 : vector<16xf32>
      %swap3A_1018 = arith.constant 416 : index
      %swap3A_1019 = tpu.vector_load %arg10[%swap3A_1018] {strides = array<i32>} : memref<512xf32, #tpu.memory_space<vmem>>, vector<16xf32>,
      tpu.vector_store %arg10[%swap3A_1018], %add3A_1017 {strides = array<i32>} : memref<512xf32, #tpu.memory_space<vmem>>, vector<16xf32>,
      %add3A_1020 = arith.constant 432 : i32
      %add3A_1021 = vector.broadcast %add3A_1020 : i32 to vector<16xi32>
      %add3A_1022 = arith.addi %add3A_236, %add3A_1021 : vector<16xi32>
      %add3A_1023 = arith.constant 432 : i32
      %add3A_1024 = vector.broadcast %add3A_1023 : i32 to vector<16xi32>
      %add3A_1025 = arith.addi %add3A_239, %add3A_1024 : vector<16xi32>
      %gather3A_1026 = tpu.vector_load_idx %arg8[%add3A_1022] : memref<528xf32, #tpu.memory_space<vmem>>[vector<16xi32>], vector<16xf32>,
      %gather3A_1027 = tpu.vector_load_idx %arg9[%add3A_1022] : memref<528xf32, #tpu.memory_space<vmem>>[vector<16xi32>], vector<16xf32>,
      %gather3A_1028 = tpu.vector_load_idx %arg8[%add3A_1025] : memref<528xf32, #tpu.memory_space<vmem>>[vector<16xi32>], vector<16xf32>,
      %gather3A_1029 = tpu.vector_load_idx %arg9[%add3A_1025] : memref<528xf32, #tpu.memory_space<vmem>>[vector<16xi32>], vector<16xf32>,
      %mul3A_1030 = vector.broadcast %reduce_sum3A_210 : f32 to vector<16xf32>
      %mul3A_1031 = arith.mulf %mul3A_1030, %gather3A_1026 : vector<16xf32>
      %mul3A_1032 = vector.broadcast %reduce_sum3A_217 : f32 to vector<16xf32>
      %mul3A_1033 = arith.mulf %mul3A_1032, %gather3A_1027 : vector<16xf32>
      %add3A_1034 = arith.addf %mul3A_1031, %mul3A_1033 : vector<16xf32>
      %mul3A_1035 = vector.broadcast %reduce_sum3A_224 : f32 to vector<16xf32>
      %mul3A_1036 = arith.mulf %mul3A_1035, %gather3A_1028 : vector<16xf32>
      %add3A_1037 = arith.addf %add3A_1034, %mul3A_1036 : vector<16xf32>
      %mul3A_1038 = vector.broadcast %reduce_sum3A_231 : f32 to vector<16xf32>
      %mul3A_1039 = arith.mulf %mul3A_1038, %gather3A_1029 : vector<16xf32>
      %add3A_1040 = arith.addf %add3A_1037, %mul3A_1039 : vector<16xf32>
      %swap3A_1041 = arith.constant 432 : index
      %swap3A_1042 = tpu.vector_load %arg10[%swap3A_1041] {strides = array<i32>} : memref<512xf32, #tpu.memory_space<vmem>>, vector<16xf32>,
      tpu.vector_store %arg10[%swap3A_1041], %add3A_1040 {strides = array<i32>} : memref<512xf32, #tpu.memory_space<vmem>>, vector<16xf32>,
      %add3A_1043 = arith.constant 448 : i32
      %add3A_1044 = vector.broadcast %add3A_1043 : i32 to vector<16xi32>
      %add3A_1045 = arith.addi %add3A_236, %add3A_1044 : vector<16xi32>
      %add3A_1046 = arith.constant 448 : i32
      %add3A_1047 = vector.broadcast %add3A_1046 : i32 to vector<16xi32>
      %add3A_1048 = arith.addi %add3A_239, %add3A_1047 : vector<16xi32>
      %gather3A_1049 = tpu.vector_load_idx %arg8[%add3A_1045] : memref<528xf32, #tpu.memory_space<vmem>>[vector<16xi32>], vector<16xf32>,
      %gather3A_1050 = tpu.vector_load_idx %arg9[%add3A_1045] : memref<528xf32, #tpu.memory_space<vmem>>[vector<16xi32>], vector<16xf32>,
      %gather3A_1051 = tpu.vector_load_idx %arg8[%add3A_1048] : memref<528xf32, #tpu.memory_space<vmem>>[vector<16xi32>], vector<16xf32>,
      %gather3A_1052 = tpu.vector_load_idx %arg9[%add3A_1048] : memref<528xf32, #tpu.memory_space<vmem>>[vector<16xi32>], vector<16xf32>,
      %mul3A_1053 = vector.broadcast %reduce_sum3A_210 : f32 to vector<16xf32>
      %mul3A_1054 = arith.mulf %mul3A_1053, %gather3A_1049 : vector<16xf32>
      %mul3A_1055 = vector.broadcast %reduce_sum3A_217 : f32 to vector<16xf32>
      %mul3A_1056 = arith.mulf %mul3A_1055, %gather3A_1050 : vector<16xf32>
      %add3A_1057 = arith.addf %mul3A_1054, %mul3A_1056 : vector<16xf32>
      %mul3A_1058 = vector.broadcast %reduce_sum3A_224 : f32 to vector<16xf32>
      %mul3A_1059 = arith.mulf %mul3A_1058, %gather3A_1051 : vector<16xf32>
      %add3A_1060 = arith.addf %add3A_1057, %mul3A_1059 : vector<16xf32>
      %mul3A_1061 = vector.broadcast %reduce_sum3A_231 : f32 to vector<16xf32>
      %mul3A_1062 = arith.mulf %mul3A_1061, %gather3A_1052 : vector<16xf32>
      %add3A_1063 = arith.addf %add3A_1060, %mul3A_1062 : vector<16xf32>
      %swap3A_1064 = arith.constant 448 : index
      %swap3A_1065 = tpu.vector_load %arg10[%swap3A_1064] {strides = array<i32>} : memref<512xf32, #tpu.memory_space<vmem>>, vector<16xf32>,
      tpu.vector_store %arg10[%swap3A_1064], %add3A_1063 {strides = array<i32>} : memref<512xf32, #tpu.memory_space<vmem>>, vector<16xf32>,
      %add3A_1066 = arith.constant 464 : i32
      %add3A_1067 = vector.broadcast %add3A_1066 : i32 to vector<16xi32>
      %add3A_1068 = arith.addi %add3A_236, %add3A_1067 : vector<16xi32>
      %add3A_1069 = arith.constant 464 : i32
      %add3A_1070 = vector.broadcast %add3A_1069 : i32 to vector<16xi32>
      %add3A_1071 = arith.addi %add3A_239, %add3A_1070 : vector<16xi32>
      %gather3A_1072 = tpu.vector_load_idx %arg8[%add3A_1068] : memref<528xf32, #tpu.memory_space<vmem>>[vector<16xi32>], vector<16xf32>,
      %gather3A_1073 = tpu.vector_load_idx %arg9[%add3A_1068] : memref<528xf32, #tpu.memory_space<vmem>>[vector<16xi32>], vector<16xf32>,
      %gather3A_1074 = tpu.vector_load_idx %arg8[%add3A_1071] : memref<528xf32, #tpu.memory_space<vmem>>[vector<16xi32>], vector<16xf32>,
      %gather3A_1075 = tpu.vector_load_idx %arg9[%add3A_1071] : memref<528xf32, #tpu.memory_space<vmem>>[vector<16xi32>], vector<16xf32>,
      %mul3A_1076 = vector.broadcast %reduce_sum3A_210 : f32 to vector<16xf32>
      %mul3A_1077 = arith.mulf %mul3A_1076, %gather3A_1072 : vector<16xf32>
      %mul3A_1078 = vector.broadcast %reduce_sum3A_217 : f32 to vector<16xf32>
      %mul3A_1079 = arith.mulf %mul3A_1078, %gather3A_1073 : vector<16xf32>
      %add3A_1080 = arith.addf %mul3A_1077, %mul3A_1079 : vector<16xf32>
      %mul3A_1081 = vector.broadcast %reduce_sum3A_224 : f32 to vector<16xf32>
      %mul3A_1082 = arith.mulf %mul3A_1081, %gather3A_1074 : vector<16xf32>
      %add3A_1083 = arith.addf %add3A_1080, %mul3A_1082 : vector<16xf32>
      %mul3A_1084 = vector.broadcast %reduce_sum3A_231 : f32 to vector<16xf32>
      %mul3A_1085 = arith.mulf %mul3A_1084, %gather3A_1075 : vector<16xf32>
      %add3A_1086 = arith.addf %add3A_1083, %mul3A_1085 : vector<16xf32>
      %swap3A_1087 = arith.constant 464 : index
      %swap3A_1088 = tpu.vector_load %arg10[%swap3A_1087] {strides = array<i32>} : memref<512xf32, #tpu.memory_space<vmem>>, vector<16xf32>,
      tpu.vector_store %arg10[%swap3A_1087], %add3A_1086 {strides = array<i32>} : memref<512xf32, #tpu.memory_space<vmem>>, vector<16xf32>,
      %add3A_1089 = arith.constant 480 : i32
      %add3A_1090 = vector.broadcast %add3A_1089 : i32 to vector<16xi32>
      %add3A_1091 = arith.addi %add3A_236, %add3A_1090 : vector<16xi32>
      %add3A_1092 = arith.constant 480 : i32
      %add3A_1093 = vector.broadcast %add3A_1092 : i32 to vector<16xi32>
      %add3A_1094 = arith.addi %add3A_239, %add3A_1093 : vector<16xi32>
      %gather3A_1095 = tpu.vector_load_idx %arg8[%add3A_1091] : memref<528xf32, #tpu.memory_space<vmem>>[vector<16xi32>], vector<16xf32>,
      %gather3A_1096 = tpu.vector_load_idx %arg9[%add3A_1091] : memref<528xf32, #tpu.memory_space<vmem>>[vector<16xi32>], vector<16xf32>,
      %gather3A_1097 = tpu.vector_load_idx %arg8[%add3A_1094] : memref<528xf32, #tpu.memory_space<vmem>>[vector<16xi32>], vector<16xf32>,
      %gather3A_1098 = tpu.vector_load_idx %arg9[%add3A_1094] : memref<528xf32, #tpu.memory_space<vmem>>[vector<16xi32>], vector<16xf32>,
      %mul3A_1099 = vector.broadcast %reduce_sum3A_210 : f32 to vector<16xf32>
      %mul3A_1100 = arith.mulf %mul3A_1099, %gather3A_1095 : vector<16xf32>
      %mul3A_1101 = vector.broadcast %reduce_sum3A_217 : f32 to vector<16xf32>
      %mul3A_1102 = arith.mulf %mul3A_1101, %gather3A_1096 : vector<16xf32>
      %add3A_1103 = arith.addf %mul3A_1100, %mul3A_1102 : vector<16xf32>
      %mul3A_1104 = vector.broadcast %reduce_sum3A_224 : f32 to vector<16xf32>
      %mul3A_1105 = arith.mulf %mul3A_1104, %gather3A_1097 : vector<16xf32>
      %add3A_1106 = arith.addf %add3A_1103, %mul3A_1105 : vector<16xf32>
      %mul3A_1107 = vector.broadcast %reduce_sum3A_231 : f32 to vector<16xf32>
      %mul3A_1108 = arith.mulf %mul3A_1107, %gather3A_1098 : vector<16xf32>
      %add3A_1109 = arith.addf %add3A_1106, %mul3A_1108 : vector<16xf32>
      %swap3A_1110 = arith.constant 480 : index
      %swap3A_1111 = tpu.vector_load %arg10[%swap3A_1110] {strides = array<i32>} : memref<512xf32, #tpu.memory_space<vmem>>, vector<16xf32>,
      tpu.vector_store %arg10[%swap3A_1110], %add3A_1109 {strides = array<i32>} : memref<512xf32, #tpu.memory_space<vmem>>, vector<16xf32>,
      %add3A_1112 = arith.constant 496 : i32
      %add3A_1113 = vector.broadcast %add3A_1112 : i32 to vector<16xi32>
      %add3A_1114 = arith.addi %add3A_236, %add3A_1113 : vector<16xi32>
      %add3A_1115 = arith.constant 496 : i32
      %add3A_1116 = vector.broadcast %add3A_1115 : i32 to vector<16xi32>
      %add3A_1117 = arith.addi %add3A_239, %add3A_1116 : vector<16xi32>
      %gather3A_1118 = tpu.vector_load_idx %arg8[%add3A_1114] : memref<528xf32, #tpu.memory_space<vmem>>[vector<16xi32>], vector<16xf32>,
      %gather3A_1119 = tpu.vector_load_idx %arg9[%add3A_1114] : memref<528xf32, #tpu.memory_space<vmem>>[vector<16xi32>], vector<16xf32>,
      %gather3A_1120 = tpu.vector_load_idx %arg8[%add3A_1117] : memref<528xf32, #tpu.memory_space<vmem>>[vector<16xi32>], vector<16xf32>,
      %gather3A_1121 = tpu.vector_load_idx %arg9[%add3A_1117] : memref<528xf32, #tpu.memory_space<vmem>>[vector<16xi32>], vector<16xf32>,
      %mul3A_1122 = vector.broadcast %reduce_sum3A_210 : f32 to vector<16xf32>
      %mul3A_1123 = arith.mulf %mul3A_1122, %gather3A_1118 : vector<16xf32>
      %mul3A_1124 = vector.broadcast %reduce_sum3A_217 : f32 to vector<16xf32>
      %mul3A_1125 = arith.mulf %mul3A_1124, %gather3A_1119 : vector<16xf32>
      %add3A_1126 = arith.addf %mul3A_1123, %mul3A_1125 : vector<16xf32>
      %mul3A_1127 = vector.broadcast %reduce_sum3A_224 : f32 to vector<16xf32>
      %mul3A_1128 = arith.mulf %mul3A_1127, %gather3A_1120 : vector<16xf32>
      %add3A_1129 = arith.addf %add3A_1126, %mul3A_1128 : vector<16xf32>
      %mul3A_1130 = vector.broadcast %reduce_sum3A_231 : f32 to vector<16xf32>
      %mul3A_1131 = arith.mulf %mul3A_1130, %gather3A_1121 : vector<16xf32>
      %add3A_1132 = arith.addf %add3A_1129, %mul3A_1131 : vector<16xf32>
      %swap3A_1133 = arith.constant 496 : index
      %swap3A_1134 = tpu.vector_load %arg10[%swap3A_1133] {strides = array<i32>} : memref<512xf32, #tpu.memory_space<vmem>>, vector<16xf32>,
      tpu.vector_store %arg10[%swap3A_1133], %add3A_1132 {strides = array<i32>} : memref<512xf32, #tpu.memory_space<vmem>>, vector<16xf32>,
      "tpu.region"() ({
        %run_scoped3A = tpu.sem_alloc : memref<!tpu.dma_semaphore, #tpu.memory_space<semaphore_mem>>
        %dma_start3A = arith.constant 0 : i32
        %dma_start3A_1135 = tpu.memref_slice %arg5[%scan3A_400, %add3A_234, %dma_start3A] : memref<16x128x512xf32, #tpu.memory_space<hbm>> -> memref<1x1x512xf32, #tpu.memory_space<hbm>>
        %dma_start3A_1136 = tpu.memref_squeeze %dma_start3A_1135 : memref<1x1x512xf32, #tpu.memory_space<hbm>> -> memref<512xf32, #tpu.memory_space<hbm>>
        %dma_start3A_1137 = arith.constant 0 : i32
        %dma_start3A_1138 = tpu.memref_slice %arg5[%scan3A_400, %add3A_234, %dma_start3A_1137] : memref<16x128x512xf32, #tpu.memory_space<hbm>> -> memref<1x1x512xf32, #tpu.memory_space<hbm>>
        %dma_start3A_1139 = tpu.memref_squeeze %dma_start3A_1138 : memref<1x1x512xf32, #tpu.memory_space<hbm>> -> memref<512xf32, #tpu.memory_space<hbm>>
        tpu.enqueue_dma source(%arg10 : memref<512xf32, #tpu.memory_space<vmem>>) target(%dma_start3A_1139 : memref<512xf32, #tpu.memory_space<hbm>>) target_semaphore(%run_scoped3A : memref<!tpu.dma_semaphore, #tpu.memory_space<semaphore_mem>>)
        %dma_wait3A = arith.constant 0 : i32
        %dma_wait3A_1140 = tpu.memref_slice %arg5[%scan3A_400, %add3A_234, %dma_wait3A] : memref<16x128x512xf32, #tpu.memory_space<hbm>> -> memref<1x1x512xf32, #tpu.memory_space<hbm>>
        %dma_wait3A_1141 = tpu.memref_squeeze %dma_wait3A_1140 : memref<1x1x512xf32, #tpu.memory_space<hbm>> -> memref<512xf32, #tpu.memory_space<hbm>>
        %dma_wait3A_1142 = arith.constant 0 : i32
        %dma_wait3A_1143 = tpu.memref_slice %arg5[%scan3A_400, %add3A_234, %dma_wait3A_1142] : memref<16x128x512xf32, #tpu.memory_space<hbm>> -> memref<1x1x512xf32, #tpu.memory_space<hbm>>
        %dma_wait3A_1144 = tpu.memref_squeeze %dma_wait3A_1143 : memref<1x1x512xf32, #tpu.memory_space<hbm>> -> memref<512xf32, #tpu.memory_space<hbm>>
        tpu.wait_dma2 semaphore(%run_scoped3A : memref<!tpu.dma_semaphore, #tpu.memory_space<semaphore_mem>>) src(%arg10 : memref<512xf32, #tpu.memory_space<vmem>>) dst(%dma_wait3A_1144 : memref<512xf32, #tpu.memory_space<hbm>>)
        tpu.yield
      }) : () -> ()
    }
    %scan3A_245 = arith.constant 16 : i32
    %mul3A_246 = arith.constant 4 : i32
    %mul3A_247 = arith.muli %select_n3A_30, %mul3A_246 : i32
    %add3A_248 = arith.constant 2 : i32
    %add3A_249 = arith.addi %mul3A_247, %add3A_248 : i32
    %eq3A_250 = vector.broadcast %add3A_249 : i32 to vector<16xi32>
    %eq3A_251 = arith.cmpi eq, %iota3A, %eq3A_250 : vector<16xi32>
    %jit3A_252 = arith.constant 0 : i32
    %broadcast_in_dim3A_253 = vector.broadcast %jit3A_252 : i32 to vector<16xi32>
    %select_n3A_254 = arith.select %eq3A_251, %min3A_47, %broadcast_in_dim3A_253 : vector<16xi1>, vector<16xi32>
    %reduce_sum3A_255 = arith.constant true
    %reduce_sum3A_256 = vector.broadcast %reduce_sum3A_255 : i1 to vector<16xi1>
    %reduce_sum3A_257 = tpu.scan <sum>, %select_n3A_254 masked %reduce_sum3A_256 : vector<16xi32>, vector<16xi1> -> vector<16xi32>
    %reduce_sum3A_258 = vector.extract %reduce_sum3A_257[15] : i32 from vector<16xi32>
    %jit3A_259 = arith.constant 0 : i32
    %broadcast_in_dim3A_260 = vector.broadcast %jit3A_259 : i32 to vector<16xi32>
    %select_n3A_261 = arith.select %eq3A_251, %min3A_53, %broadcast_in_dim3A_260 : vector<16xi1>, vector<16xi32>
    %reduce_sum3A_262 = arith.constant true
    %reduce_sum3A_263 = vector.broadcast %reduce_sum3A_262 : i1 to vector<16xi1>
    %reduce_sum3A_264 = tpu.scan <sum>, %select_n3A_261 masked %reduce_sum3A_263 : vector<16xi32>, vector<16xi1> -> vector<16xi32>
    %reduce_sum3A_265 = vector.extract %reduce_sum3A_264[15] : i32 from vector<16xi32>
    %jit3A_266 = arith.constant 0 : i32
    %broadcast_in_dim3A_267 = vector.broadcast %jit3A_266 : i32 to vector<16xi32>
    %select_n3A_268 = arith.select %eq3A_251, %min3A_78, %broadcast_in_dim3A_267 : vector<16xi1>, vector<16xi32>
    %reduce_sum3A_269 = arith.constant true
    %reduce_sum3A_270 = vector.broadcast %reduce_sum3A_269 : i1 to vector<16xi1>
    %reduce_sum3A_271 = tpu.scan <sum>, %select_n3A_268 masked %reduce_sum3A_270 : vector<16xi32>, vector<16xi1> -> vector<16xi32>
    %reduce_sum3A_272 = vector.extract %reduce_sum3A_271[15] : i32 from vector<16xi32>
    %multiple_of3A_273 = tpu.assume_multiple %reduce_sum3A_272, 8 : i32
    %jit3A_274 = arith.constant 0 : i32
    %broadcast_in_dim3A_275 = vector.broadcast %jit3A_274 : i32 to vector<16xi32>
    %select_n3A_276 = arith.select %eq3A_251, %sub3A_79, %broadcast_in_dim3A_275 : vector<16xi1>, vector<16xi32>
    %reduce_sum3A_277 = arith.constant true
    %reduce_sum3A_278 = vector.broadcast %reduce_sum3A_277 : i1 to vector<16xi1>
    %reduce_sum3A_279 = tpu.scan <sum>, %select_n3A_276 masked %reduce_sum3A_278 : vector<16xi32>, vector<16xi1> -> vector<16xi32>
    %reduce_sum3A_280 = vector.extract %reduce_sum3A_279[15] : i32 from vector<16xi32>
    %jit3A_281 = arith.constant 0.000000e+00 : f32
    %broadcast_in_dim3A_282 = vector.broadcast %jit3A_281 : f32 to vector<16xf32>
    %select_n3A_283 = arith.select %eq3A_251, %mul3A_86, %broadcast_in_dim3A_282 : vector<16xi1>, vector<16xf32>
    %reduce_sum3A_284 = arith.constant true
    %reduce_sum3A_285 = vector.broadcast %reduce_sum3A_284 : i1 to vector<16xi1>
    %reduce_sum3A_286 = tpu.scan <sum>, %select_n3A_283 masked %reduce_sum3A_285 : vector<16xf32>, vector<16xi1> -> vector<16xf32>
    %reduce_sum3A_287 = vector.extract %reduce_sum3A_286[15] : f32 from vector<16xf32>
    %jit3A_288 = arith.constant 0.000000e+00 : f32
    %broadcast_in_dim3A_289 = vector.broadcast %jit3A_288 : f32 to vector<16xf32>
    %select_n3A_290 = arith.select %eq3A_251, %mul3A_90, %broadcast_in_dim3A_289 : vector<16xi1>, vector<16xf32>
    %reduce_sum3A_291 = arith.constant true
    %reduce_sum3A_292 = vector.broadcast %reduce_sum3A_291 : i1 to vector<16xi1>
    %reduce_sum3A_293 = tpu.scan <sum>, %select_n3A_290 masked %reduce_sum3A_292 : vector<16xf32>, vector<16xi1> -> vector<16xf32>
    %reduce_sum3A_294 = vector.extract %reduce_sum3A_293[15] : f32 from vector<16xf32>
    %jit3A_295 = arith.constant 0.000000e+00 : f32
    %broadcast_in_dim3A_296 = vector.broadcast %jit3A_295 : f32 to vector<16xf32>
    %select_n3A_297 = arith.select %eq3A_251, %mul3A_94, %broadcast_in_dim3A_296 : vector<16xi1>, vector<16xf32>
    %reduce_sum3A_298 = arith.constant true
    %reduce_sum3A_299 = vector.broadcast %reduce_sum3A_298 : i1 to vector<16xi1>
    %reduce_sum3A_300 = tpu.scan <sum>, %select_n3A_297 masked %reduce_sum3A_299 : vector<16xf32>, vector<16xi1> -> vector<16xf32>
    %reduce_sum3A_301 = vector.extract %reduce_sum3A_300[15] : f32 from vector<16xf32>
    %jit3A_302 = arith.constant 0.000000e+00 : f32
    %broadcast_in_dim3A_303 = vector.broadcast %jit3A_302 : f32 to vector<16xf32>
    %select_n3A_304 = arith.select %eq3A_251, %mul3A_95, %broadcast_in_dim3A_303 : vector<16xi1>, vector<16xf32>
    %reduce_sum3A_305 = arith.constant true
    %reduce_sum3A_306 = vector.broadcast %reduce_sum3A_305 : i1 to vector<16xi1>
    %reduce_sum3A_307 = tpu.scan <sum>, %select_n3A_304 masked %reduce_sum3A_306 : vector<16xf32>, vector<16xi1> -> vector<16xf32>
    %reduce_sum3A_308 = vector.extract %reduce_sum3A_307[15] : f32 from vector<16xf32>
    %mul3A_309 = arith.constant 16 : i32
    %mul3A_310 = arith.muli %select_n3A, %mul3A_309 : i32
    %add3A_311 = arith.addi %mul3A_310, %add3A_249 : i32
    %add3A_312 = vector.broadcast %reduce_sum3A_280 : i32 to vector<16xi32>
    %add3A_313 = arith.addi %add3A_312, %iota3A : vector<16xi32>
    %add3A_314 = arith.constant 1 : i32
    %add3A_315 = vector.broadcast %add3A_314 : i32 to vector<16xi32>
    %add3A_316 = arith.addi %add3A_313, %add3A_315 : vector<16xi32>
    %scan3A_317 = arith.constant 0 : i32
    %scan3A_318 = arith.constant 0 : i32
    %scan3A_319 = arith.constant 16 : i32
    %scan3A_320 = arith.addi %scan3A_318, %scan3A_319 : i32
    %scan3A_321 = arith.constant 1 : i32
    scf.for %scan3A_400 = %scan3A_318 to %scan3A_320 step %scan3A_321  : i32 {
      "tpu.region"() ({
        %run_scoped3A = tpu.sem_alloc : memref<!tpu.dma_semaphore, #tpu.memory_space<semaphore_mem>>
        %dma_start3A = tpu.memref_slice %arg2[%scan3A_400, %reduce_sum3A_258, %multiple_of3A_273] : memref<16x256x4096xf32, #tpu.memory_space<hbm>> -> memref<1x1x528xf32, #tpu.memory_space<hbm>>
        %dma_start3A_1135 = tpu.memref_squeeze %dma_start3A : memref<1x1x528xf32, #tpu.memory_space<hbm>> -> memref<528xf32, #tpu.memory_space<hbm>>
        %dma_start3A_1136 = tpu.memref_slice %arg2[%scan3A_400, %reduce_sum3A_258, %multiple_of3A_273] : memref<16x256x4096xf32, #tpu.memory_space<hbm>> -> memref<1x1x528xf32, #tpu.memory_space<hbm>>
        %dma_start3A_1137 = tpu.memref_squeeze %dma_start3A_1136 : memref<1x1x528xf32, #tpu.memory_space<hbm>> -> memref<528xf32, #tpu.memory_space<hbm>>
        tpu.enqueue_dma source(%dma_start3A_1137 : memref<528xf32, #tpu.memory_space<hbm>>) target(%arg8 : memref<528xf32, #tpu.memory_space<vmem>>) target_semaphore(%run_scoped3A : memref<!tpu.dma_semaphore, #tpu.memory_space<semaphore_mem>>)
        %dma_wait3A = tpu.memref_slice %arg2[%scan3A_400, %reduce_sum3A_258, %multiple_of3A_273] : memref<16x256x4096xf32, #tpu.memory_space<hbm>> -> memref<1x1x528xf32, #tpu.memory_space<hbm>>
        %dma_wait3A_1138 = tpu.memref_squeeze %dma_wait3A : memref<1x1x528xf32, #tpu.memory_space<hbm>> -> memref<528xf32, #tpu.memory_space<hbm>>
        %dma_wait3A_1139 = tpu.memref_slice %arg2[%scan3A_400, %reduce_sum3A_258, %multiple_of3A_273] : memref<16x256x4096xf32, #tpu.memory_space<hbm>> -> memref<1x1x528xf32, #tpu.memory_space<hbm>>
        %dma_wait3A_1140 = tpu.memref_squeeze %dma_wait3A_1139 : memref<1x1x528xf32, #tpu.memory_space<hbm>> -> memref<528xf32, #tpu.memory_space<hbm>>
        tpu.wait_dma2 semaphore(%run_scoped3A : memref<!tpu.dma_semaphore, #tpu.memory_space<semaphore_mem>>) src(%dma_wait3A_1140 : memref<528xf32, #tpu.memory_space<hbm>>) dst(%arg8 : memref<528xf32, #tpu.memory_space<vmem>>)
        tpu.yield
      }) : () -> ()
      "tpu.region"() ({
        %run_scoped3A = tpu.sem_alloc : memref<!tpu.dma_semaphore, #tpu.memory_space<semaphore_mem>>
        %dma_start3A = tpu.memref_slice %arg2[%scan3A_400, %reduce_sum3A_265, %multiple_of3A_273] : memref<16x256x4096xf32, #tpu.memory_space<hbm>> -> memref<1x1x528xf32, #tpu.memory_space<hbm>>
        %dma_start3A_1135 = tpu.memref_squeeze %dma_start3A : memref<1x1x528xf32, #tpu.memory_space<hbm>> -> memref<528xf32, #tpu.memory_space<hbm>>
        %dma_start3A_1136 = tpu.memref_slice %arg2[%scan3A_400, %reduce_sum3A_265, %multiple_of3A_273] : memref<16x256x4096xf32, #tpu.memory_space<hbm>> -> memref<1x1x528xf32, #tpu.memory_space<hbm>>
        %dma_start3A_1137 = tpu.memref_squeeze %dma_start3A_1136 : memref<1x1x528xf32, #tpu.memory_space<hbm>> -> memref<528xf32, #tpu.memory_space<hbm>>
        tpu.enqueue_dma source(%dma_start3A_1137 : memref<528xf32, #tpu.memory_space<hbm>>) target(%arg9 : memref<528xf32, #tpu.memory_space<vmem>>) target_semaphore(%run_scoped3A : memref<!tpu.dma_semaphore, #tpu.memory_space<semaphore_mem>>)
        %dma_wait3A = tpu.memref_slice %arg2[%scan3A_400, %reduce_sum3A_265, %multiple_of3A_273] : memref<16x256x4096xf32, #tpu.memory_space<hbm>> -> memref<1x1x528xf32, #tpu.memory_space<hbm>>
        %dma_wait3A_1138 = tpu.memref_squeeze %dma_wait3A : memref<1x1x528xf32, #tpu.memory_space<hbm>> -> memref<528xf32, #tpu.memory_space<hbm>>
        %dma_wait3A_1139 = tpu.memref_slice %arg2[%scan3A_400, %reduce_sum3A_265, %multiple_of3A_273] : memref<16x256x4096xf32, #tpu.memory_space<hbm>> -> memref<1x1x528xf32, #tpu.memory_space<hbm>>
        %dma_wait3A_1140 = tpu.memref_squeeze %dma_wait3A_1139 : memref<1x1x528xf32, #tpu.memory_space<hbm>> -> memref<528xf32, #tpu.memory_space<hbm>>
        tpu.wait_dma2 semaphore(%run_scoped3A : memref<!tpu.dma_semaphore, #tpu.memory_space<semaphore_mem>>) src(%dma_wait3A_1140 : memref<528xf32, #tpu.memory_space<hbm>>) dst(%arg9 : memref<528xf32, #tpu.memory_space<vmem>>)
        tpu.yield
      }) : () -> ()
      %add3A_401 = arith.constant 0 : i32
      %add3A_402 = vector.broadcast %add3A_401 : i32 to vector<16xi32>
      %add3A_403 = arith.addi %add3A_313, %add3A_402 : vector<16xi32>
      %add3A_404 = arith.constant 0 : i32
      %add3A_405 = vector.broadcast %add3A_404 : i32 to vector<16xi32>
      %add3A_406 = arith.addi %add3A_316, %add3A_405 : vector<16xi32>
      %gather3A = tpu.vector_load_idx %arg8[%add3A_403] : memref<528xf32, #tpu.memory_space<vmem>>[vector<16xi32>], vector<16xf32>,
      %gather3A_407 = tpu.vector_load_idx %arg9[%add3A_403] : memref<528xf32, #tpu.memory_space<vmem>>[vector<16xi32>], vector<16xf32>,
      %gather3A_408 = tpu.vector_load_idx %arg8[%add3A_406] : memref<528xf32, #tpu.memory_space<vmem>>[vector<16xi32>], vector<16xf32>,
      %gather3A_409 = tpu.vector_load_idx %arg9[%add3A_406] : memref<528xf32, #tpu.memory_space<vmem>>[vector<16xi32>], vector<16xf32>,
      %mul3A_410 = vector.broadcast %reduce_sum3A_287 : f32 to vector<16xf32>
      %mul3A_411 = arith.mulf %mul3A_410, %gather3A : vector<16xf32>
      %mul3A_412 = vector.broadcast %reduce_sum3A_294 : f32 to vector<16xf32>
      %mul3A_413 = arith.mulf %mul3A_412, %gather3A_407 : vector<16xf32>
      %add3A_414 = arith.addf %mul3A_411, %mul3A_413 : vector<16xf32>
      %mul3A_415 = vector.broadcast %reduce_sum3A_301 : f32 to vector<16xf32>
      %mul3A_416 = arith.mulf %mul3A_415, %gather3A_408 : vector<16xf32>
      %add3A_417 = arith.addf %add3A_414, %mul3A_416 : vector<16xf32>
      %mul3A_418 = vector.broadcast %reduce_sum3A_308 : f32 to vector<16xf32>
      %mul3A_419 = arith.mulf %mul3A_418, %gather3A_409 : vector<16xf32>
      %add3A_420 = arith.addf %add3A_417, %mul3A_419 : vector<16xf32>
      %swap3A = arith.constant 0 : index
      %swap3A_421 = tpu.vector_load %arg10[%swap3A] {strides = array<i32>} : memref<512xf32, #tpu.memory_space<vmem>>, vector<16xf32>,
      tpu.vector_store %arg10[%swap3A], %add3A_420 {strides = array<i32>} : memref<512xf32, #tpu.memory_space<vmem>>, vector<16xf32>,
      %add3A_422 = arith.constant 16 : i32
      %add3A_423 = vector.broadcast %add3A_422 : i32 to vector<16xi32>
      %add3A_424 = arith.addi %add3A_313, %add3A_423 : vector<16xi32>
      %add3A_425 = arith.constant 16 : i32
      %add3A_426 = vector.broadcast %add3A_425 : i32 to vector<16xi32>
      %add3A_427 = arith.addi %add3A_316, %add3A_426 : vector<16xi32>
      %gather3A_428 = tpu.vector_load_idx %arg8[%add3A_424] : memref<528xf32, #tpu.memory_space<vmem>>[vector<16xi32>], vector<16xf32>,
      %gather3A_429 = tpu.vector_load_idx %arg9[%add3A_424] : memref<528xf32, #tpu.memory_space<vmem>>[vector<16xi32>], vector<16xf32>,
      %gather3A_430 = tpu.vector_load_idx %arg8[%add3A_427] : memref<528xf32, #tpu.memory_space<vmem>>[vector<16xi32>], vector<16xf32>,
      %gather3A_431 = tpu.vector_load_idx %arg9[%add3A_427] : memref<528xf32, #tpu.memory_space<vmem>>[vector<16xi32>], vector<16xf32>,
      %mul3A_432 = vector.broadcast %reduce_sum3A_287 : f32 to vector<16xf32>
      %mul3A_433 = arith.mulf %mul3A_432, %gather3A_428 : vector<16xf32>
      %mul3A_434 = vector.broadcast %reduce_sum3A_294 : f32 to vector<16xf32>
      %mul3A_435 = arith.mulf %mul3A_434, %gather3A_429 : vector<16xf32>
      %add3A_436 = arith.addf %mul3A_433, %mul3A_435 : vector<16xf32>
      %mul3A_437 = vector.broadcast %reduce_sum3A_301 : f32 to vector<16xf32>
      %mul3A_438 = arith.mulf %mul3A_437, %gather3A_430 : vector<16xf32>
      %add3A_439 = arith.addf %add3A_436, %mul3A_438 : vector<16xf32>
      %mul3A_440 = vector.broadcast %reduce_sum3A_308 : f32 to vector<16xf32>
      %mul3A_441 = arith.mulf %mul3A_440, %gather3A_431 : vector<16xf32>
      %add3A_442 = arith.addf %add3A_439, %mul3A_441 : vector<16xf32>
      %swap3A_443 = arith.constant 16 : index
      %swap3A_444 = tpu.vector_load %arg10[%swap3A_443] {strides = array<i32>} : memref<512xf32, #tpu.memory_space<vmem>>, vector<16xf32>,
      tpu.vector_store %arg10[%swap3A_443], %add3A_442 {strides = array<i32>} : memref<512xf32, #tpu.memory_space<vmem>>, vector<16xf32>,
      %add3A_445 = arith.constant 32 : i32
      %add3A_446 = vector.broadcast %add3A_445 : i32 to vector<16xi32>
      %add3A_447 = arith.addi %add3A_313, %add3A_446 : vector<16xi32>
      %add3A_448 = arith.constant 32 : i32
      %add3A_449 = vector.broadcast %add3A_448 : i32 to vector<16xi32>
      %add3A_450 = arith.addi %add3A_316, %add3A_449 : vector<16xi32>
      %gather3A_451 = tpu.vector_load_idx %arg8[%add3A_447] : memref<528xf32, #tpu.memory_space<vmem>>[vector<16xi32>], vector<16xf32>,
      %gather3A_452 = tpu.vector_load_idx %arg9[%add3A_447] : memref<528xf32, #tpu.memory_space<vmem>>[vector<16xi32>], vector<16xf32>,
      %gather3A_453 = tpu.vector_load_idx %arg8[%add3A_450] : memref<528xf32, #tpu.memory_space<vmem>>[vector<16xi32>], vector<16xf32>,
      %gather3A_454 = tpu.vector_load_idx %arg9[%add3A_450] : memref<528xf32, #tpu.memory_space<vmem>>[vector<16xi32>], vector<16xf32>,
      %mul3A_455 = vector.broadcast %reduce_sum3A_287 : f32 to vector<16xf32>
      %mul3A_456 = arith.mulf %mul3A_455, %gather3A_451 : vector<16xf32>
      %mul3A_457 = vector.broadcast %reduce_sum3A_294 : f32 to vector<16xf32>
      %mul3A_458 = arith.mulf %mul3A_457, %gather3A_452 : vector<16xf32>
      %add3A_459 = arith.addf %mul3A_456, %mul3A_458 : vector<16xf32>
      %mul3A_460 = vector.broadcast %reduce_sum3A_301 : f32 to vector<16xf32>
      %mul3A_461 = arith.mulf %mul3A_460, %gather3A_453 : vector<16xf32>
      %add3A_462 = arith.addf %add3A_459, %mul3A_461 : vector<16xf32>
      %mul3A_463 = vector.broadcast %reduce_sum3A_308 : f32 to vector<16xf32>
      %mul3A_464 = arith.mulf %mul3A_463, %gather3A_454 : vector<16xf32>
      %add3A_465 = arith.addf %add3A_462, %mul3A_464 : vector<16xf32>
      %swap3A_466 = arith.constant 32 : index
      %swap3A_467 = tpu.vector_load %arg10[%swap3A_466] {strides = array<i32>} : memref<512xf32, #tpu.memory_space<vmem>>, vector<16xf32>,
      tpu.vector_store %arg10[%swap3A_466], %add3A_465 {strides = array<i32>} : memref<512xf32, #tpu.memory_space<vmem>>, vector<16xf32>,
      %add3A_468 = arith.constant 48 : i32
      %add3A_469 = vector.broadcast %add3A_468 : i32 to vector<16xi32>
      %add3A_470 = arith.addi %add3A_313, %add3A_469 : vector<16xi32>
      %add3A_471 = arith.constant 48 : i32
      %add3A_472 = vector.broadcast %add3A_471 : i32 to vector<16xi32>
      %add3A_473 = arith.addi %add3A_316, %add3A_472 : vector<16xi32>
      %gather3A_474 = tpu.vector_load_idx %arg8[%add3A_470] : memref<528xf32, #tpu.memory_space<vmem>>[vector<16xi32>], vector<16xf32>,
      %gather3A_475 = tpu.vector_load_idx %arg9[%add3A_470] : memref<528xf32, #tpu.memory_space<vmem>>[vector<16xi32>], vector<16xf32>,
      %gather3A_476 = tpu.vector_load_idx %arg8[%add3A_473] : memref<528xf32, #tpu.memory_space<vmem>>[vector<16xi32>], vector<16xf32>,
      %gather3A_477 = tpu.vector_load_idx %arg9[%add3A_473] : memref<528xf32, #tpu.memory_space<vmem>>[vector<16xi32>], vector<16xf32>,
      %mul3A_478 = vector.broadcast %reduce_sum3A_287 : f32 to vector<16xf32>
      %mul3A_479 = arith.mulf %mul3A_478, %gather3A_474 : vector<16xf32>
      %mul3A_480 = vector.broadcast %reduce_sum3A_294 : f32 to vector<16xf32>
      %mul3A_481 = arith.mulf %mul3A_480, %gather3A_475 : vector<16xf32>
      %add3A_482 = arith.addf %mul3A_479, %mul3A_481 : vector<16xf32>
      %mul3A_483 = vector.broadcast %reduce_sum3A_301 : f32 to vector<16xf32>
      %mul3A_484 = arith.mulf %mul3A_483, %gather3A_476 : vector<16xf32>
      %add3A_485 = arith.addf %add3A_482, %mul3A_484 : vector<16xf32>
      %mul3A_486 = vector.broadcast %reduce_sum3A_308 : f32 to vector<16xf32>
      %mul3A_487 = arith.mulf %mul3A_486, %gather3A_477 : vector<16xf32>
      %add3A_488 = arith.addf %add3A_485, %mul3A_487 : vector<16xf32>
      %swap3A_489 = arith.constant 48 : index
      %swap3A_490 = tpu.vector_load %arg10[%swap3A_489] {strides = array<i32>} : memref<512xf32, #tpu.memory_space<vmem>>, vector<16xf32>,
      tpu.vector_store %arg10[%swap3A_489], %add3A_488 {strides = array<i32>} : memref<512xf32, #tpu.memory_space<vmem>>, vector<16xf32>,
      %add3A_491 = arith.constant 64 : i32
      %add3A_492 = vector.broadcast %add3A_491 : i32 to vector<16xi32>
      %add3A_493 = arith.addi %add3A_313, %add3A_492 : vector<16xi32>
      %add3A_494 = arith.constant 64 : i32
      %add3A_495 = vector.broadcast %add3A_494 : i32 to vector<16xi32>
      %add3A_496 = arith.addi %add3A_316, %add3A_495 : vector<16xi32>
      %gather3A_497 = tpu.vector_load_idx %arg8[%add3A_493] : memref<528xf32, #tpu.memory_space<vmem>>[vector<16xi32>], vector<16xf32>,
      %gather3A_498 = tpu.vector_load_idx %arg9[%add3A_493] : memref<528xf32, #tpu.memory_space<vmem>>[vector<16xi32>], vector<16xf32>,
      %gather3A_499 = tpu.vector_load_idx %arg8[%add3A_496] : memref<528xf32, #tpu.memory_space<vmem>>[vector<16xi32>], vector<16xf32>,
      %gather3A_500 = tpu.vector_load_idx %arg9[%add3A_496] : memref<528xf32, #tpu.memory_space<vmem>>[vector<16xi32>], vector<16xf32>,
      %mul3A_501 = vector.broadcast %reduce_sum3A_287 : f32 to vector<16xf32>
      %mul3A_502 = arith.mulf %mul3A_501, %gather3A_497 : vector<16xf32>
      %mul3A_503 = vector.broadcast %reduce_sum3A_294 : f32 to vector<16xf32>
      %mul3A_504 = arith.mulf %mul3A_503, %gather3A_498 : vector<16xf32>
      %add3A_505 = arith.addf %mul3A_502, %mul3A_504 : vector<16xf32>
      %mul3A_506 = vector.broadcast %reduce_sum3A_301 : f32 to vector<16xf32>
      %mul3A_507 = arith.mulf %mul3A_506, %gather3A_499 : vector<16xf32>
      %add3A_508 = arith.addf %add3A_505, %mul3A_507 : vector<16xf32>
      %mul3A_509 = vector.broadcast %reduce_sum3A_308 : f32 to vector<16xf32>
      %mul3A_510 = arith.mulf %mul3A_509, %gather3A_500 : vector<16xf32>
      %add3A_511 = arith.addf %add3A_508, %mul3A_510 : vector<16xf32>
      %swap3A_512 = arith.constant 64 : index
      %swap3A_513 = tpu.vector_load %arg10[%swap3A_512] {strides = array<i32>} : memref<512xf32, #tpu.memory_space<vmem>>, vector<16xf32>,
      tpu.vector_store %arg10[%swap3A_512], %add3A_511 {strides = array<i32>} : memref<512xf32, #tpu.memory_space<vmem>>, vector<16xf32>,
      %add3A_514 = arith.constant 80 : i32
      %add3A_515 = vector.broadcast %add3A_514 : i32 to vector<16xi32>
      %add3A_516 = arith.addi %add3A_313, %add3A_515 : vector<16xi32>
      %add3A_517 = arith.constant 80 : i32
      %add3A_518 = vector.broadcast %add3A_517 : i32 to vector<16xi32>
      %add3A_519 = arith.addi %add3A_316, %add3A_518 : vector<16xi32>
      %gather3A_520 = tpu.vector_load_idx %arg8[%add3A_516] : memref<528xf32, #tpu.memory_space<vmem>>[vector<16xi32>], vector<16xf32>,
      %gather3A_521 = tpu.vector_load_idx %arg9[%add3A_516] : memref<528xf32, #tpu.memory_space<vmem>>[vector<16xi32>], vector<16xf32>,
      %gather3A_522 = tpu.vector_load_idx %arg8[%add3A_519] : memref<528xf32, #tpu.memory_space<vmem>>[vector<16xi32>], vector<16xf32>,
      %gather3A_523 = tpu.vector_load_idx %arg9[%add3A_519] : memref<528xf32, #tpu.memory_space<vmem>>[vector<16xi32>], vector<16xf32>,
      %mul3A_524 = vector.broadcast %reduce_sum3A_287 : f32 to vector<16xf32>
      %mul3A_525 = arith.mulf %mul3A_524, %gather3A_520 : vector<16xf32>
      %mul3A_526 = vector.broadcast %reduce_sum3A_294 : f32 to vector<16xf32>
      %mul3A_527 = arith.mulf %mul3A_526, %gather3A_521 : vector<16xf32>
      %add3A_528 = arith.addf %mul3A_525, %mul3A_527 : vector<16xf32>
      %mul3A_529 = vector.broadcast %reduce_sum3A_301 : f32 to vector<16xf32>
      %mul3A_530 = arith.mulf %mul3A_529, %gather3A_522 : vector<16xf32>
      %add3A_531 = arith.addf %add3A_528, %mul3A_530 : vector<16xf32>
      %mul3A_532 = vector.broadcast %reduce_sum3A_308 : f32 to vector<16xf32>
      %mul3A_533 = arith.mulf %mul3A_532, %gather3A_523 : vector<16xf32>
      %add3A_534 = arith.addf %add3A_531, %mul3A_533 : vector<16xf32>
      %swap3A_535 = arith.constant 80 : index
      %swap3A_536 = tpu.vector_load %arg10[%swap3A_535] {strides = array<i32>} : memref<512xf32, #tpu.memory_space<vmem>>, vector<16xf32>,
      tpu.vector_store %arg10[%swap3A_535], %add3A_534 {strides = array<i32>} : memref<512xf32, #tpu.memory_space<vmem>>, vector<16xf32>,
      %add3A_537 = arith.constant 96 : i32
      %add3A_538 = vector.broadcast %add3A_537 : i32 to vector<16xi32>
      %add3A_539 = arith.addi %add3A_313, %add3A_538 : vector<16xi32>
      %add3A_540 = arith.constant 96 : i32
      %add3A_541 = vector.broadcast %add3A_540 : i32 to vector<16xi32>
      %add3A_542 = arith.addi %add3A_316, %add3A_541 : vector<16xi32>
      %gather3A_543 = tpu.vector_load_idx %arg8[%add3A_539] : memref<528xf32, #tpu.memory_space<vmem>>[vector<16xi32>], vector<16xf32>,
      %gather3A_544 = tpu.vector_load_idx %arg9[%add3A_539] : memref<528xf32, #tpu.memory_space<vmem>>[vector<16xi32>], vector<16xf32>,
      %gather3A_545 = tpu.vector_load_idx %arg8[%add3A_542] : memref<528xf32, #tpu.memory_space<vmem>>[vector<16xi32>], vector<16xf32>,
      %gather3A_546 = tpu.vector_load_idx %arg9[%add3A_542] : memref<528xf32, #tpu.memory_space<vmem>>[vector<16xi32>], vector<16xf32>,
      %mul3A_547 = vector.broadcast %reduce_sum3A_287 : f32 to vector<16xf32>
      %mul3A_548 = arith.mulf %mul3A_547, %gather3A_543 : vector<16xf32>
      %mul3A_549 = vector.broadcast %reduce_sum3A_294 : f32 to vector<16xf32>
      %mul3A_550 = arith.mulf %mul3A_549, %gather3A_544 : vector<16xf32>
      %add3A_551 = arith.addf %mul3A_548, %mul3A_550 : vector<16xf32>
      %mul3A_552 = vector.broadcast %reduce_sum3A_301 : f32 to vector<16xf32>
      %mul3A_553 = arith.mulf %mul3A_552, %gather3A_545 : vector<16xf32>
      %add3A_554 = arith.addf %add3A_551, %mul3A_553 : vector<16xf32>
      %mul3A_555 = vector.broadcast %reduce_sum3A_308 : f32 to vector<16xf32>
      %mul3A_556 = arith.mulf %mul3A_555, %gather3A_546 : vector<16xf32>
      %add3A_557 = arith.addf %add3A_554, %mul3A_556 : vector<16xf32>
      %swap3A_558 = arith.constant 96 : index
      %swap3A_559 = tpu.vector_load %arg10[%swap3A_558] {strides = array<i32>} : memref<512xf32, #tpu.memory_space<vmem>>, vector<16xf32>,
      tpu.vector_store %arg10[%swap3A_558], %add3A_557 {strides = array<i32>} : memref<512xf32, #tpu.memory_space<vmem>>, vector<16xf32>,
      %add3A_560 = arith.constant 112 : i32
      %add3A_561 = vector.broadcast %add3A_560 : i32 to vector<16xi32>
      %add3A_562 = arith.addi %add3A_313, %add3A_561 : vector<16xi32>
      %add3A_563 = arith.constant 112 : i32
      %add3A_564 = vector.broadcast %add3A_563 : i32 to vector<16xi32>
      %add3A_565 = arith.addi %add3A_316, %add3A_564 : vector<16xi32>
      %gather3A_566 = tpu.vector_load_idx %arg8[%add3A_562] : memref<528xf32, #tpu.memory_space<vmem>>[vector<16xi32>], vector<16xf32>,
      %gather3A_567 = tpu.vector_load_idx %arg9[%add3A_562] : memref<528xf32, #tpu.memory_space<vmem>>[vector<16xi32>], vector<16xf32>,
      %gather3A_568 = tpu.vector_load_idx %arg8[%add3A_565] : memref<528xf32, #tpu.memory_space<vmem>>[vector<16xi32>], vector<16xf32>,
      %gather3A_569 = tpu.vector_load_idx %arg9[%add3A_565] : memref<528xf32, #tpu.memory_space<vmem>>[vector<16xi32>], vector<16xf32>,
      %mul3A_570 = vector.broadcast %reduce_sum3A_287 : f32 to vector<16xf32>
      %mul3A_571 = arith.mulf %mul3A_570, %gather3A_566 : vector<16xf32>
      %mul3A_572 = vector.broadcast %reduce_sum3A_294 : f32 to vector<16xf32>
      %mul3A_573 = arith.mulf %mul3A_572, %gather3A_567 : vector<16xf32>
      %add3A_574 = arith.addf %mul3A_571, %mul3A_573 : vector<16xf32>
      %mul3A_575 = vector.broadcast %reduce_sum3A_301 : f32 to vector<16xf32>
      %mul3A_576 = arith.mulf %mul3A_575, %gather3A_568 : vector<16xf32>
      %add3A_577 = arith.addf %add3A_574, %mul3A_576 : vector<16xf32>
      %mul3A_578 = vector.broadcast %reduce_sum3A_308 : f32 to vector<16xf32>
      %mul3A_579 = arith.mulf %mul3A_578, %gather3A_569 : vector<16xf32>
      %add3A_580 = arith.addf %add3A_577, %mul3A_579 : vector<16xf32>
      %swap3A_581 = arith.constant 112 : index
      %swap3A_582 = tpu.vector_load %arg10[%swap3A_581] {strides = array<i32>} : memref<512xf32, #tpu.memory_space<vmem>>, vector<16xf32>,
      tpu.vector_store %arg10[%swap3A_581], %add3A_580 {strides = array<i32>} : memref<512xf32, #tpu.memory_space<vmem>>, vector<16xf32>,
      %add3A_583 = arith.constant 128 : i32
      %add3A_584 = vector.broadcast %add3A_583 : i32 to vector<16xi32>
      %add3A_585 = arith.addi %add3A_313, %add3A_584 : vector<16xi32>
      %add3A_586 = arith.constant 128 : i32
      %add3A_587 = vector.broadcast %add3A_586 : i32 to vector<16xi32>
      %add3A_588 = arith.addi %add3A_316, %add3A_587 : vector<16xi32>
      %gather3A_589 = tpu.vector_load_idx %arg8[%add3A_585] : memref<528xf32, #tpu.memory_space<vmem>>[vector<16xi32>], vector<16xf32>,
      %gather3A_590 = tpu.vector_load_idx %arg9[%add3A_585] : memref<528xf32, #tpu.memory_space<vmem>>[vector<16xi32>], vector<16xf32>,
      %gather3A_591 = tpu.vector_load_idx %arg8[%add3A_588] : memref<528xf32, #tpu.memory_space<vmem>>[vector<16xi32>], vector<16xf32>,
      %gather3A_592 = tpu.vector_load_idx %arg9[%add3A_588] : memref<528xf32, #tpu.memory_space<vmem>>[vector<16xi32>], vector<16xf32>,
      %mul3A_593 = vector.broadcast %reduce_sum3A_287 : f32 to vector<16xf32>
      %mul3A_594 = arith.mulf %mul3A_593, %gather3A_589 : vector<16xf32>
      %mul3A_595 = vector.broadcast %reduce_sum3A_294 : f32 to vector<16xf32>
      %mul3A_596 = arith.mulf %mul3A_595, %gather3A_590 : vector<16xf32>
      %add3A_597 = arith.addf %mul3A_594, %mul3A_596 : vector<16xf32>
      %mul3A_598 = vector.broadcast %reduce_sum3A_301 : f32 to vector<16xf32>
      %mul3A_599 = arith.mulf %mul3A_598, %gather3A_591 : vector<16xf32>
      %add3A_600 = arith.addf %add3A_597, %mul3A_599 : vector<16xf32>
      %mul3A_601 = vector.broadcast %reduce_sum3A_308 : f32 to vector<16xf32>
      %mul3A_602 = arith.mulf %mul3A_601, %gather3A_592 : vector<16xf32>
      %add3A_603 = arith.addf %add3A_600, %mul3A_602 : vector<16xf32>
      %swap3A_604 = arith.constant 128 : index
      %swap3A_605 = tpu.vector_load %arg10[%swap3A_604] {strides = array<i32>} : memref<512xf32, #tpu.memory_space<vmem>>, vector<16xf32>,
      tpu.vector_store %arg10[%swap3A_604], %add3A_603 {strides = array<i32>} : memref<512xf32, #tpu.memory_space<vmem>>, vector<16xf32>,
      %add3A_606 = arith.constant 144 : i32
      %add3A_607 = vector.broadcast %add3A_606 : i32 to vector<16xi32>
      %add3A_608 = arith.addi %add3A_313, %add3A_607 : vector<16xi32>
      %add3A_609 = arith.constant 144 : i32
      %add3A_610 = vector.broadcast %add3A_609 : i32 to vector<16xi32>
      %add3A_611 = arith.addi %add3A_316, %add3A_610 : vector<16xi32>
      %gather3A_612 = tpu.vector_load_idx %arg8[%add3A_608] : memref<528xf32, #tpu.memory_space<vmem>>[vector<16xi32>], vector<16xf32>,
      %gather3A_613 = tpu.vector_load_idx %arg9[%add3A_608] : memref<528xf32, #tpu.memory_space<vmem>>[vector<16xi32>], vector<16xf32>,
      %gather3A_614 = tpu.vector_load_idx %arg8[%add3A_611] : memref<528xf32, #tpu.memory_space<vmem>>[vector<16xi32>], vector<16xf32>,
      %gather3A_615 = tpu.vector_load_idx %arg9[%add3A_611] : memref<528xf32, #tpu.memory_space<vmem>>[vector<16xi32>], vector<16xf32>,
      %mul3A_616 = vector.broadcast %reduce_sum3A_287 : f32 to vector<16xf32>
      %mul3A_617 = arith.mulf %mul3A_616, %gather3A_612 : vector<16xf32>
      %mul3A_618 = vector.broadcast %reduce_sum3A_294 : f32 to vector<16xf32>
      %mul3A_619 = arith.mulf %mul3A_618, %gather3A_613 : vector<16xf32>
      %add3A_620 = arith.addf %mul3A_617, %mul3A_619 : vector<16xf32>
      %mul3A_621 = vector.broadcast %reduce_sum3A_301 : f32 to vector<16xf32>
      %mul3A_622 = arith.mulf %mul3A_621, %gather3A_614 : vector<16xf32>
      %add3A_623 = arith.addf %add3A_620, %mul3A_622 : vector<16xf32>
      %mul3A_624 = vector.broadcast %reduce_sum3A_308 : f32 to vector<16xf32>
      %mul3A_625 = arith.mulf %mul3A_624, %gather3A_615 : vector<16xf32>
      %add3A_626 = arith.addf %add3A_623, %mul3A_625 : vector<16xf32>
      %swap3A_627 = arith.constant 144 : index
      %swap3A_628 = tpu.vector_load %arg10[%swap3A_627] {strides = array<i32>} : memref<512xf32, #tpu.memory_space<vmem>>, vector<16xf32>,
      tpu.vector_store %arg10[%swap3A_627], %add3A_626 {strides = array<i32>} : memref<512xf32, #tpu.memory_space<vmem>>, vector<16xf32>,
      %add3A_629 = arith.constant 160 : i32
      %add3A_630 = vector.broadcast %add3A_629 : i32 to vector<16xi32>
      %add3A_631 = arith.addi %add3A_313, %add3A_630 : vector<16xi32>
      %add3A_632 = arith.constant 160 : i32
      %add3A_633 = vector.broadcast %add3A_632 : i32 to vector<16xi32>
      %add3A_634 = arith.addi %add3A_316, %add3A_633 : vector<16xi32>
      %gather3A_635 = tpu.vector_load_idx %arg8[%add3A_631] : memref<528xf32, #tpu.memory_space<vmem>>[vector<16xi32>], vector<16xf32>,
      %gather3A_636 = tpu.vector_load_idx %arg9[%add3A_631] : memref<528xf32, #tpu.memory_space<vmem>>[vector<16xi32>], vector<16xf32>,
      %gather3A_637 = tpu.vector_load_idx %arg8[%add3A_634] : memref<528xf32, #tpu.memory_space<vmem>>[vector<16xi32>], vector<16xf32>,
      %gather3A_638 = tpu.vector_load_idx %arg9[%add3A_634] : memref<528xf32, #tpu.memory_space<vmem>>[vector<16xi32>], vector<16xf32>,
      %mul3A_639 = vector.broadcast %reduce_sum3A_287 : f32 to vector<16xf32>
      %mul3A_640 = arith.mulf %mul3A_639, %gather3A_635 : vector<16xf32>
      %mul3A_641 = vector.broadcast %reduce_sum3A_294 : f32 to vector<16xf32>
      %mul3A_642 = arith.mulf %mul3A_641, %gather3A_636 : vector<16xf32>
      %add3A_643 = arith.addf %mul3A_640, %mul3A_642 : vector<16xf32>
      %mul3A_644 = vector.broadcast %reduce_sum3A_301 : f32 to vector<16xf32>
      %mul3A_645 = arith.mulf %mul3A_644, %gather3A_637 : vector<16xf32>
      %add3A_646 = arith.addf %add3A_643, %mul3A_645 : vector<16xf32>
      %mul3A_647 = vector.broadcast %reduce_sum3A_308 : f32 to vector<16xf32>
      %mul3A_648 = arith.mulf %mul3A_647, %gather3A_638 : vector<16xf32>
      %add3A_649 = arith.addf %add3A_646, %mul3A_648 : vector<16xf32>
      %swap3A_650 = arith.constant 160 : index
      %swap3A_651 = tpu.vector_load %arg10[%swap3A_650] {strides = array<i32>} : memref<512xf32, #tpu.memory_space<vmem>>, vector<16xf32>,
      tpu.vector_store %arg10[%swap3A_650], %add3A_649 {strides = array<i32>} : memref<512xf32, #tpu.memory_space<vmem>>, vector<16xf32>,
      %add3A_652 = arith.constant 176 : i32
      %add3A_653 = vector.broadcast %add3A_652 : i32 to vector<16xi32>
      %add3A_654 = arith.addi %add3A_313, %add3A_653 : vector<16xi32>
      %add3A_655 = arith.constant 176 : i32
      %add3A_656 = vector.broadcast %add3A_655 : i32 to vector<16xi32>
      %add3A_657 = arith.addi %add3A_316, %add3A_656 : vector<16xi32>
      %gather3A_658 = tpu.vector_load_idx %arg8[%add3A_654] : memref<528xf32, #tpu.memory_space<vmem>>[vector<16xi32>], vector<16xf32>,
      %gather3A_659 = tpu.vector_load_idx %arg9[%add3A_654] : memref<528xf32, #tpu.memory_space<vmem>>[vector<16xi32>], vector<16xf32>,
      %gather3A_660 = tpu.vector_load_idx %arg8[%add3A_657] : memref<528xf32, #tpu.memory_space<vmem>>[vector<16xi32>], vector<16xf32>,
      %gather3A_661 = tpu.vector_load_idx %arg9[%add3A_657] : memref<528xf32, #tpu.memory_space<vmem>>[vector<16xi32>], vector<16xf32>,
      %mul3A_662 = vector.broadcast %reduce_sum3A_287 : f32 to vector<16xf32>
      %mul3A_663 = arith.mulf %mul3A_662, %gather3A_658 : vector<16xf32>
      %mul3A_664 = vector.broadcast %reduce_sum3A_294 : f32 to vector<16xf32>
      %mul3A_665 = arith.mulf %mul3A_664, %gather3A_659 : vector<16xf32>
      %add3A_666 = arith.addf %mul3A_663, %mul3A_665 : vector<16xf32>
      %mul3A_667 = vector.broadcast %reduce_sum3A_301 : f32 to vector<16xf32>
      %mul3A_668 = arith.mulf %mul3A_667, %gather3A_660 : vector<16xf32>
      %add3A_669 = arith.addf %add3A_666, %mul3A_668 : vector<16xf32>
      %mul3A_670 = vector.broadcast %reduce_sum3A_308 : f32 to vector<16xf32>
      %mul3A_671 = arith.mulf %mul3A_670, %gather3A_661 : vector<16xf32>
      %add3A_672 = arith.addf %add3A_669, %mul3A_671 : vector<16xf32>
      %swap3A_673 = arith.constant 176 : index
      %swap3A_674 = tpu.vector_load %arg10[%swap3A_673] {strides = array<i32>} : memref<512xf32, #tpu.memory_space<vmem>>, vector<16xf32>,
      tpu.vector_store %arg10[%swap3A_673], %add3A_672 {strides = array<i32>} : memref<512xf32, #tpu.memory_space<vmem>>, vector<16xf32>,
      %add3A_675 = arith.constant 192 : i32
      %add3A_676 = vector.broadcast %add3A_675 : i32 to vector<16xi32>
      %add3A_677 = arith.addi %add3A_313, %add3A_676 : vector<16xi32>
      %add3A_678 = arith.constant 192 : i32
      %add3A_679 = vector.broadcast %add3A_678 : i32 to vector<16xi32>
      %add3A_680 = arith.addi %add3A_316, %add3A_679 : vector<16xi32>
      %gather3A_681 = tpu.vector_load_idx %arg8[%add3A_677] : memref<528xf32, #tpu.memory_space<vmem>>[vector<16xi32>], vector<16xf32>,
      %gather3A_682 = tpu.vector_load_idx %arg9[%add3A_677] : memref<528xf32, #tpu.memory_space<vmem>>[vector<16xi32>], vector<16xf32>,
      %gather3A_683 = tpu.vector_load_idx %arg8[%add3A_680] : memref<528xf32, #tpu.memory_space<vmem>>[vector<16xi32>], vector<16xf32>,
      %gather3A_684 = tpu.vector_load_idx %arg9[%add3A_680] : memref<528xf32, #tpu.memory_space<vmem>>[vector<16xi32>], vector<16xf32>,
      %mul3A_685 = vector.broadcast %reduce_sum3A_287 : f32 to vector<16xf32>
      %mul3A_686 = arith.mulf %mul3A_685, %gather3A_681 : vector<16xf32>
      %mul3A_687 = vector.broadcast %reduce_sum3A_294 : f32 to vector<16xf32>
      %mul3A_688 = arith.mulf %mul3A_687, %gather3A_682 : vector<16xf32>
      %add3A_689 = arith.addf %mul3A_686, %mul3A_688 : vector<16xf32>
      %mul3A_690 = vector.broadcast %reduce_sum3A_301 : f32 to vector<16xf32>
      %mul3A_691 = arith.mulf %mul3A_690, %gather3A_683 : vector<16xf32>
      %add3A_692 = arith.addf %add3A_689, %mul3A_691 : vector<16xf32>
      %mul3A_693 = vector.broadcast %reduce_sum3A_308 : f32 to vector<16xf32>
      %mul3A_694 = arith.mulf %mul3A_693, %gather3A_684 : vector<16xf32>
      %add3A_695 = arith.addf %add3A_692, %mul3A_694 : vector<16xf32>
      %swap3A_696 = arith.constant 192 : index
      %swap3A_697 = tpu.vector_load %arg10[%swap3A_696] {strides = array<i32>} : memref<512xf32, #tpu.memory_space<vmem>>, vector<16xf32>,
      tpu.vector_store %arg10[%swap3A_696], %add3A_695 {strides = array<i32>} : memref<512xf32, #tpu.memory_space<vmem>>, vector<16xf32>,
      %add3A_698 = arith.constant 208 : i32
      %add3A_699 = vector.broadcast %add3A_698 : i32 to vector<16xi32>
      %add3A_700 = arith.addi %add3A_313, %add3A_699 : vector<16xi32>
      %add3A_701 = arith.constant 208 : i32
      %add3A_702 = vector.broadcast %add3A_701 : i32 to vector<16xi32>
      %add3A_703 = arith.addi %add3A_316, %add3A_702 : vector<16xi32>
      %gather3A_704 = tpu.vector_load_idx %arg8[%add3A_700] : memref<528xf32, #tpu.memory_space<vmem>>[vector<16xi32>], vector<16xf32>,
      %gather3A_705 = tpu.vector_load_idx %arg9[%add3A_700] : memref<528xf32, #tpu.memory_space<vmem>>[vector<16xi32>], vector<16xf32>,
      %gather3A_706 = tpu.vector_load_idx %arg8[%add3A_703] : memref<528xf32, #tpu.memory_space<vmem>>[vector<16xi32>], vector<16xf32>,
      %gather3A_707 = tpu.vector_load_idx %arg9[%add3A_703] : memref<528xf32, #tpu.memory_space<vmem>>[vector<16xi32>], vector<16xf32>,
      %mul3A_708 = vector.broadcast %reduce_sum3A_287 : f32 to vector<16xf32>
      %mul3A_709 = arith.mulf %mul3A_708, %gather3A_704 : vector<16xf32>
      %mul3A_710 = vector.broadcast %reduce_sum3A_294 : f32 to vector<16xf32>
      %mul3A_711 = arith.mulf %mul3A_710, %gather3A_705 : vector<16xf32>
      %add3A_712 = arith.addf %mul3A_709, %mul3A_711 : vector<16xf32>
      %mul3A_713 = vector.broadcast %reduce_sum3A_301 : f32 to vector<16xf32>
      %mul3A_714 = arith.mulf %mul3A_713, %gather3A_706 : vector<16xf32>
      %add3A_715 = arith.addf %add3A_712, %mul3A_714 : vector<16xf32>
      %mul3A_716 = vector.broadcast %reduce_sum3A_308 : f32 to vector<16xf32>
      %mul3A_717 = arith.mulf %mul3A_716, %gather3A_707 : vector<16xf32>
      %add3A_718 = arith.addf %add3A_715, %mul3A_717 : vector<16xf32>
      %swap3A_719 = arith.constant 208 : index
      %swap3A_720 = tpu.vector_load %arg10[%swap3A_719] {strides = array<i32>} : memref<512xf32, #tpu.memory_space<vmem>>, vector<16xf32>,
      tpu.vector_store %arg10[%swap3A_719], %add3A_718 {strides = array<i32>} : memref<512xf32, #tpu.memory_space<vmem>>, vector<16xf32>,
      %add3A_721 = arith.constant 224 : i32
      %add3A_722 = vector.broadcast %add3A_721 : i32 to vector<16xi32>
      %add3A_723 = arith.addi %add3A_313, %add3A_722 : vector<16xi32>
      %add3A_724 = arith.constant 224 : i32
      %add3A_725 = vector.broadcast %add3A_724 : i32 to vector<16xi32>
      %add3A_726 = arith.addi %add3A_316, %add3A_725 : vector<16xi32>
      %gather3A_727 = tpu.vector_load_idx %arg8[%add3A_723] : memref<528xf32, #tpu.memory_space<vmem>>[vector<16xi32>], vector<16xf32>,
      %gather3A_728 = tpu.vector_load_idx %arg9[%add3A_723] : memref<528xf32, #tpu.memory_space<vmem>>[vector<16xi32>], vector<16xf32>,
      %gather3A_729 = tpu.vector_load_idx %arg8[%add3A_726] : memref<528xf32, #tpu.memory_space<vmem>>[vector<16xi32>], vector<16xf32>,
      %gather3A_730 = tpu.vector_load_idx %arg9[%add3A_726] : memref<528xf32, #tpu.memory_space<vmem>>[vector<16xi32>], vector<16xf32>,
      %mul3A_731 = vector.broadcast %reduce_sum3A_287 : f32 to vector<16xf32>
      %mul3A_732 = arith.mulf %mul3A_731, %gather3A_727 : vector<16xf32>
      %mul3A_733 = vector.broadcast %reduce_sum3A_294 : f32 to vector<16xf32>
      %mul3A_734 = arith.mulf %mul3A_733, %gather3A_728 : vector<16xf32>
      %add3A_735 = arith.addf %mul3A_732, %mul3A_734 : vector<16xf32>
      %mul3A_736 = vector.broadcast %reduce_sum3A_301 : f32 to vector<16xf32>
      %mul3A_737 = arith.mulf %mul3A_736, %gather3A_729 : vector<16xf32>
      %add3A_738 = arith.addf %add3A_735, %mul3A_737 : vector<16xf32>
      %mul3A_739 = vector.broadcast %reduce_sum3A_308 : f32 to vector<16xf32>
      %mul3A_740 = arith.mulf %mul3A_739, %gather3A_730 : vector<16xf32>
      %add3A_741 = arith.addf %add3A_738, %mul3A_740 : vector<16xf32>
      %swap3A_742 = arith.constant 224 : index
      %swap3A_743 = tpu.vector_load %arg10[%swap3A_742] {strides = array<i32>} : memref<512xf32, #tpu.memory_space<vmem>>, vector<16xf32>,
      tpu.vector_store %arg10[%swap3A_742], %add3A_741 {strides = array<i32>} : memref<512xf32, #tpu.memory_space<vmem>>, vector<16xf32>,
      %add3A_744 = arith.constant 240 : i32
      %add3A_745 = vector.broadcast %add3A_744 : i32 to vector<16xi32>
      %add3A_746 = arith.addi %add3A_313, %add3A_745 : vector<16xi32>
      %add3A_747 = arith.constant 240 : i32
      %add3A_748 = vector.broadcast %add3A_747 : i32 to vector<16xi32>
      %add3A_749 = arith.addi %add3A_316, %add3A_748 : vector<16xi32>
      %gather3A_750 = tpu.vector_load_idx %arg8[%add3A_746] : memref<528xf32, #tpu.memory_space<vmem>>[vector<16xi32>], vector<16xf32>,
      %gather3A_751 = tpu.vector_load_idx %arg9[%add3A_746] : memref<528xf32, #tpu.memory_space<vmem>>[vector<16xi32>], vector<16xf32>,
      %gather3A_752 = tpu.vector_load_idx %arg8[%add3A_749] : memref<528xf32, #tpu.memory_space<vmem>>[vector<16xi32>], vector<16xf32>,
      %gather3A_753 = tpu.vector_load_idx %arg9[%add3A_749] : memref<528xf32, #tpu.memory_space<vmem>>[vector<16xi32>], vector<16xf32>,
      %mul3A_754 = vector.broadcast %reduce_sum3A_287 : f32 to vector<16xf32>
      %mul3A_755 = arith.mulf %mul3A_754, %gather3A_750 : vector<16xf32>
      %mul3A_756 = vector.broadcast %reduce_sum3A_294 : f32 to vector<16xf32>
      %mul3A_757 = arith.mulf %mul3A_756, %gather3A_751 : vector<16xf32>
      %add3A_758 = arith.addf %mul3A_755, %mul3A_757 : vector<16xf32>
      %mul3A_759 = vector.broadcast %reduce_sum3A_301 : f32 to vector<16xf32>
      %mul3A_760 = arith.mulf %mul3A_759, %gather3A_752 : vector<16xf32>
      %add3A_761 = arith.addf %add3A_758, %mul3A_760 : vector<16xf32>
      %mul3A_762 = vector.broadcast %reduce_sum3A_308 : f32 to vector<16xf32>
      %mul3A_763 = arith.mulf %mul3A_762, %gather3A_753 : vector<16xf32>
      %add3A_764 = arith.addf %add3A_761, %mul3A_763 : vector<16xf32>
      %swap3A_765 = arith.constant 240 : index
      %swap3A_766 = tpu.vector_load %arg10[%swap3A_765] {strides = array<i32>} : memref<512xf32, #tpu.memory_space<vmem>>, vector<16xf32>,
      tpu.vector_store %arg10[%swap3A_765], %add3A_764 {strides = array<i32>} : memref<512xf32, #tpu.memory_space<vmem>>, vector<16xf32>,
      %add3A_767 = arith.constant 256 : i32
      %add3A_768 = vector.broadcast %add3A_767 : i32 to vector<16xi32>
      %add3A_769 = arith.addi %add3A_313, %add3A_768 : vector<16xi32>
      %add3A_770 = arith.constant 256 : i32
      %add3A_771 = vector.broadcast %add3A_770 : i32 to vector<16xi32>
      %add3A_772 = arith.addi %add3A_316, %add3A_771 : vector<16xi32>
      %gather3A_773 = tpu.vector_load_idx %arg8[%add3A_769] : memref<528xf32, #tpu.memory_space<vmem>>[vector<16xi32>], vector<16xf32>,
      %gather3A_774 = tpu.vector_load_idx %arg9[%add3A_769] : memref<528xf32, #tpu.memory_space<vmem>>[vector<16xi32>], vector<16xf32>,
      %gather3A_775 = tpu.vector_load_idx %arg8[%add3A_772] : memref<528xf32, #tpu.memory_space<vmem>>[vector<16xi32>], vector<16xf32>,
      %gather3A_776 = tpu.vector_load_idx %arg9[%add3A_772] : memref<528xf32, #tpu.memory_space<vmem>>[vector<16xi32>], vector<16xf32>,
      %mul3A_777 = vector.broadcast %reduce_sum3A_287 : f32 to vector<16xf32>
      %mul3A_778 = arith.mulf %mul3A_777, %gather3A_773 : vector<16xf32>
      %mul3A_779 = vector.broadcast %reduce_sum3A_294 : f32 to vector<16xf32>
      %mul3A_780 = arith.mulf %mul3A_779, %gather3A_774 : vector<16xf32>
      %add3A_781 = arith.addf %mul3A_778, %mul3A_780 : vector<16xf32>
      %mul3A_782 = vector.broadcast %reduce_sum3A_301 : f32 to vector<16xf32>
      %mul3A_783 = arith.mulf %mul3A_782, %gather3A_775 : vector<16xf32>
      %add3A_784 = arith.addf %add3A_781, %mul3A_783 : vector<16xf32>
      %mul3A_785 = vector.broadcast %reduce_sum3A_308 : f32 to vector<16xf32>
      %mul3A_786 = arith.mulf %mul3A_785, %gather3A_776 : vector<16xf32>
      %add3A_787 = arith.addf %add3A_784, %mul3A_786 : vector<16xf32>
      %swap3A_788 = arith.constant 256 : index
      %swap3A_789 = tpu.vector_load %arg10[%swap3A_788] {strides = array<i32>} : memref<512xf32, #tpu.memory_space<vmem>>, vector<16xf32>,
      tpu.vector_store %arg10[%swap3A_788], %add3A_787 {strides = array<i32>} : memref<512xf32, #tpu.memory_space<vmem>>, vector<16xf32>,
      %add3A_790 = arith.constant 272 : i32
      %add3A_791 = vector.broadcast %add3A_790 : i32 to vector<16xi32>
      %add3A_792 = arith.addi %add3A_313, %add3A_791 : vector<16xi32>
      %add3A_793 = arith.constant 272 : i32
      %add3A_794 = vector.broadcast %add3A_793 : i32 to vector<16xi32>
      %add3A_795 = arith.addi %add3A_316, %add3A_794 : vector<16xi32>
      %gather3A_796 = tpu.vector_load_idx %arg8[%add3A_792] : memref<528xf32, #tpu.memory_space<vmem>>[vector<16xi32>], vector<16xf32>,
      %gather3A_797 = tpu.vector_load_idx %arg9[%add3A_792] : memref<528xf32, #tpu.memory_space<vmem>>[vector<16xi32>], vector<16xf32>,
      %gather3A_798 = tpu.vector_load_idx %arg8[%add3A_795] : memref<528xf32, #tpu.memory_space<vmem>>[vector<16xi32>], vector<16xf32>,
      %gather3A_799 = tpu.vector_load_idx %arg9[%add3A_795] : memref<528xf32, #tpu.memory_space<vmem>>[vector<16xi32>], vector<16xf32>,
      %mul3A_800 = vector.broadcast %reduce_sum3A_287 : f32 to vector<16xf32>
      %mul3A_801 = arith.mulf %mul3A_800, %gather3A_796 : vector<16xf32>
      %mul3A_802 = vector.broadcast %reduce_sum3A_294 : f32 to vector<16xf32>
      %mul3A_803 = arith.mulf %mul3A_802, %gather3A_797 : vector<16xf32>
      %add3A_804 = arith.addf %mul3A_801, %mul3A_803 : vector<16xf32>
      %mul3A_805 = vector.broadcast %reduce_sum3A_301 : f32 to vector<16xf32>
      %mul3A_806 = arith.mulf %mul3A_805, %gather3A_798 : vector<16xf32>
      %add3A_807 = arith.addf %add3A_804, %mul3A_806 : vector<16xf32>
      %mul3A_808 = vector.broadcast %reduce_sum3A_308 : f32 to vector<16xf32>
      %mul3A_809 = arith.mulf %mul3A_808, %gather3A_799 : vector<16xf32>
      %add3A_810 = arith.addf %add3A_807, %mul3A_809 : vector<16xf32>
      %swap3A_811 = arith.constant 272 : index
      %swap3A_812 = tpu.vector_load %arg10[%swap3A_811] {strides = array<i32>} : memref<512xf32, #tpu.memory_space<vmem>>, vector<16xf32>,
      tpu.vector_store %arg10[%swap3A_811], %add3A_810 {strides = array<i32>} : memref<512xf32, #tpu.memory_space<vmem>>, vector<16xf32>,
      %add3A_813 = arith.constant 288 : i32
      %add3A_814 = vector.broadcast %add3A_813 : i32 to vector<16xi32>
      %add3A_815 = arith.addi %add3A_313, %add3A_814 : vector<16xi32>
      %add3A_816 = arith.constant 288 : i32
      %add3A_817 = vector.broadcast %add3A_816 : i32 to vector<16xi32>
      %add3A_818 = arith.addi %add3A_316, %add3A_817 : vector<16xi32>
      %gather3A_819 = tpu.vector_load_idx %arg8[%add3A_815] : memref<528xf32, #tpu.memory_space<vmem>>[vector<16xi32>], vector<16xf32>,
      %gather3A_820 = tpu.vector_load_idx %arg9[%add3A_815] : memref<528xf32, #tpu.memory_space<vmem>>[vector<16xi32>], vector<16xf32>,
      %gather3A_821 = tpu.vector_load_idx %arg8[%add3A_818] : memref<528xf32, #tpu.memory_space<vmem>>[vector<16xi32>], vector<16xf32>,
      %gather3A_822 = tpu.vector_load_idx %arg9[%add3A_818] : memref<528xf32, #tpu.memory_space<vmem>>[vector<16xi32>], vector<16xf32>,
      %mul3A_823 = vector.broadcast %reduce_sum3A_287 : f32 to vector<16xf32>
      %mul3A_824 = arith.mulf %mul3A_823, %gather3A_819 : vector<16xf32>
      %mul3A_825 = vector.broadcast %reduce_sum3A_294 : f32 to vector<16xf32>
      %mul3A_826 = arith.mulf %mul3A_825, %gather3A_820 : vector<16xf32>
      %add3A_827 = arith.addf %mul3A_824, %mul3A_826 : vector<16xf32>
      %mul3A_828 = vector.broadcast %reduce_sum3A_301 : f32 to vector<16xf32>
      %mul3A_829 = arith.mulf %mul3A_828, %gather3A_821 : vector<16xf32>
      %add3A_830 = arith.addf %add3A_827, %mul3A_829 : vector<16xf32>
      %mul3A_831 = vector.broadcast %reduce_sum3A_308 : f32 to vector<16xf32>
      %mul3A_832 = arith.mulf %mul3A_831, %gather3A_822 : vector<16xf32>
      %add3A_833 = arith.addf %add3A_830, %mul3A_832 : vector<16xf32>
      %swap3A_834 = arith.constant 288 : index
      %swap3A_835 = tpu.vector_load %arg10[%swap3A_834] {strides = array<i32>} : memref<512xf32, #tpu.memory_space<vmem>>, vector<16xf32>,
      tpu.vector_store %arg10[%swap3A_834], %add3A_833 {strides = array<i32>} : memref<512xf32, #tpu.memory_space<vmem>>, vector<16xf32>,
      %add3A_836 = arith.constant 304 : i32
      %add3A_837 = vector.broadcast %add3A_836 : i32 to vector<16xi32>
      %add3A_838 = arith.addi %add3A_313, %add3A_837 : vector<16xi32>
      %add3A_839 = arith.constant 304 : i32
      %add3A_840 = vector.broadcast %add3A_839 : i32 to vector<16xi32>
      %add3A_841 = arith.addi %add3A_316, %add3A_840 : vector<16xi32>
      %gather3A_842 = tpu.vector_load_idx %arg8[%add3A_838] : memref<528xf32, #tpu.memory_space<vmem>>[vector<16xi32>], vector<16xf32>,
      %gather3A_843 = tpu.vector_load_idx %arg9[%add3A_838] : memref<528xf32, #tpu.memory_space<vmem>>[vector<16xi32>], vector<16xf32>,
      %gather3A_844 = tpu.vector_load_idx %arg8[%add3A_841] : memref<528xf32, #tpu.memory_space<vmem>>[vector<16xi32>], vector<16xf32>,
      %gather3A_845 = tpu.vector_load_idx %arg9[%add3A_841] : memref<528xf32, #tpu.memory_space<vmem>>[vector<16xi32>], vector<16xf32>,
      %mul3A_846 = vector.broadcast %reduce_sum3A_287 : f32 to vector<16xf32>
      %mul3A_847 = arith.mulf %mul3A_846, %gather3A_842 : vector<16xf32>
      %mul3A_848 = vector.broadcast %reduce_sum3A_294 : f32 to vector<16xf32>
      %mul3A_849 = arith.mulf %mul3A_848, %gather3A_843 : vector<16xf32>
      %add3A_850 = arith.addf %mul3A_847, %mul3A_849 : vector<16xf32>
      %mul3A_851 = vector.broadcast %reduce_sum3A_301 : f32 to vector<16xf32>
      %mul3A_852 = arith.mulf %mul3A_851, %gather3A_844 : vector<16xf32>
      %add3A_853 = arith.addf %add3A_850, %mul3A_852 : vector<16xf32>
      %mul3A_854 = vector.broadcast %reduce_sum3A_308 : f32 to vector<16xf32>
      %mul3A_855 = arith.mulf %mul3A_854, %gather3A_845 : vector<16xf32>
      %add3A_856 = arith.addf %add3A_853, %mul3A_855 : vector<16xf32>
      %swap3A_857 = arith.constant 304 : index
      %swap3A_858 = tpu.vector_load %arg10[%swap3A_857] {strides = array<i32>} : memref<512xf32, #tpu.memory_space<vmem>>, vector<16xf32>,
      tpu.vector_store %arg10[%swap3A_857], %add3A_856 {strides = array<i32>} : memref<512xf32, #tpu.memory_space<vmem>>, vector<16xf32>,
      %add3A_859 = arith.constant 320 : i32
      %add3A_860 = vector.broadcast %add3A_859 : i32 to vector<16xi32>
      %add3A_861 = arith.addi %add3A_313, %add3A_860 : vector<16xi32>
      %add3A_862 = arith.constant 320 : i32
      %add3A_863 = vector.broadcast %add3A_862 : i32 to vector<16xi32>
      %add3A_864 = arith.addi %add3A_316, %add3A_863 : vector<16xi32>
      %gather3A_865 = tpu.vector_load_idx %arg8[%add3A_861] : memref<528xf32, #tpu.memory_space<vmem>>[vector<16xi32>], vector<16xf32>,
      %gather3A_866 = tpu.vector_load_idx %arg9[%add3A_861] : memref<528xf32, #tpu.memory_space<vmem>>[vector<16xi32>], vector<16xf32>,
      %gather3A_867 = tpu.vector_load_idx %arg8[%add3A_864] : memref<528xf32, #tpu.memory_space<vmem>>[vector<16xi32>], vector<16xf32>,
      %gather3A_868 = tpu.vector_load_idx %arg9[%add3A_864] : memref<528xf32, #tpu.memory_space<vmem>>[vector<16xi32>], vector<16xf32>,
      %mul3A_869 = vector.broadcast %reduce_sum3A_287 : f32 to vector<16xf32>
      %mul3A_870 = arith.mulf %mul3A_869, %gather3A_865 : vector<16xf32>
      %mul3A_871 = vector.broadcast %reduce_sum3A_294 : f32 to vector<16xf32>
      %mul3A_872 = arith.mulf %mul3A_871, %gather3A_866 : vector<16xf32>
      %add3A_873 = arith.addf %mul3A_870, %mul3A_872 : vector<16xf32>
      %mul3A_874 = vector.broadcast %reduce_sum3A_301 : f32 to vector<16xf32>
      %mul3A_875 = arith.mulf %mul3A_874, %gather3A_867 : vector<16xf32>
      %add3A_876 = arith.addf %add3A_873, %mul3A_875 : vector<16xf32>
      %mul3A_877 = vector.broadcast %reduce_sum3A_308 : f32 to vector<16xf32>
      %mul3A_878 = arith.mulf %mul3A_877, %gather3A_868 : vector<16xf32>
      %add3A_879 = arith.addf %add3A_876, %mul3A_878 : vector<16xf32>
      %swap3A_880 = arith.constant 320 : index
      %swap3A_881 = tpu.vector_load %arg10[%swap3A_880] {strides = array<i32>} : memref<512xf32, #tpu.memory_space<vmem>>, vector<16xf32>,
      tpu.vector_store %arg10[%swap3A_880], %add3A_879 {strides = array<i32>} : memref<512xf32, #tpu.memory_space<vmem>>, vector<16xf32>,
      %add3A_882 = arith.constant 336 : i32
      %add3A_883 = vector.broadcast %add3A_882 : i32 to vector<16xi32>
      %add3A_884 = arith.addi %add3A_313, %add3A_883 : vector<16xi32>
      %add3A_885 = arith.constant 336 : i32
      %add3A_886 = vector.broadcast %add3A_885 : i32 to vector<16xi32>
      %add3A_887 = arith.addi %add3A_316, %add3A_886 : vector<16xi32>
      %gather3A_888 = tpu.vector_load_idx %arg8[%add3A_884] : memref<528xf32, #tpu.memory_space<vmem>>[vector<16xi32>], vector<16xf32>,
      %gather3A_889 = tpu.vector_load_idx %arg9[%add3A_884] : memref<528xf32, #tpu.memory_space<vmem>>[vector<16xi32>], vector<16xf32>,
      %gather3A_890 = tpu.vector_load_idx %arg8[%add3A_887] : memref<528xf32, #tpu.memory_space<vmem>>[vector<16xi32>], vector<16xf32>,
      %gather3A_891 = tpu.vector_load_idx %arg9[%add3A_887] : memref<528xf32, #tpu.memory_space<vmem>>[vector<16xi32>], vector<16xf32>,
      %mul3A_892 = vector.broadcast %reduce_sum3A_287 : f32 to vector<16xf32>
      %mul3A_893 = arith.mulf %mul3A_892, %gather3A_888 : vector<16xf32>
      %mul3A_894 = vector.broadcast %reduce_sum3A_294 : f32 to vector<16xf32>
      %mul3A_895 = arith.mulf %mul3A_894, %gather3A_889 : vector<16xf32>
      %add3A_896 = arith.addf %mul3A_893, %mul3A_895 : vector<16xf32>
      %mul3A_897 = vector.broadcast %reduce_sum3A_301 : f32 to vector<16xf32>
      %mul3A_898 = arith.mulf %mul3A_897, %gather3A_890 : vector<16xf32>
      %add3A_899 = arith.addf %add3A_896, %mul3A_898 : vector<16xf32>
      %mul3A_900 = vector.broadcast %reduce_sum3A_308 : f32 to vector<16xf32>
      %mul3A_901 = arith.mulf %mul3A_900, %gather3A_891 : vector<16xf32>
      %add3A_902 = arith.addf %add3A_899, %mul3A_901 : vector<16xf32>
      %swap3A_903 = arith.constant 336 : index
      %swap3A_904 = tpu.vector_load %arg10[%swap3A_903] {strides = array<i32>} : memref<512xf32, #tpu.memory_space<vmem>>, vector<16xf32>,
      tpu.vector_store %arg10[%swap3A_903], %add3A_902 {strides = array<i32>} : memref<512xf32, #tpu.memory_space<vmem>>, vector<16xf32>,
      %add3A_905 = arith.constant 352 : i32
      %add3A_906 = vector.broadcast %add3A_905 : i32 to vector<16xi32>
      %add3A_907 = arith.addi %add3A_313, %add3A_906 : vector<16xi32>
      %add3A_908 = arith.constant 352 : i32
      %add3A_909 = vector.broadcast %add3A_908 : i32 to vector<16xi32>
      %add3A_910 = arith.addi %add3A_316, %add3A_909 : vector<16xi32>
      %gather3A_911 = tpu.vector_load_idx %arg8[%add3A_907] : memref<528xf32, #tpu.memory_space<vmem>>[vector<16xi32>], vector<16xf32>,
      %gather3A_912 = tpu.vector_load_idx %arg9[%add3A_907] : memref<528xf32, #tpu.memory_space<vmem>>[vector<16xi32>], vector<16xf32>,
      %gather3A_913 = tpu.vector_load_idx %arg8[%add3A_910] : memref<528xf32, #tpu.memory_space<vmem>>[vector<16xi32>], vector<16xf32>,
      %gather3A_914 = tpu.vector_load_idx %arg9[%add3A_910] : memref<528xf32, #tpu.memory_space<vmem>>[vector<16xi32>], vector<16xf32>,
      %mul3A_915 = vector.broadcast %reduce_sum3A_287 : f32 to vector<16xf32>
      %mul3A_916 = arith.mulf %mul3A_915, %gather3A_911 : vector<16xf32>
      %mul3A_917 = vector.broadcast %reduce_sum3A_294 : f32 to vector<16xf32>
      %mul3A_918 = arith.mulf %mul3A_917, %gather3A_912 : vector<16xf32>
      %add3A_919 = arith.addf %mul3A_916, %mul3A_918 : vector<16xf32>
      %mul3A_920 = vector.broadcast %reduce_sum3A_301 : f32 to vector<16xf32>
      %mul3A_921 = arith.mulf %mul3A_920, %gather3A_913 : vector<16xf32>
      %add3A_922 = arith.addf %add3A_919, %mul3A_921 : vector<16xf32>
      %mul3A_923 = vector.broadcast %reduce_sum3A_308 : f32 to vector<16xf32>
      %mul3A_924 = arith.mulf %mul3A_923, %gather3A_914 : vector<16xf32>
      %add3A_925 = arith.addf %add3A_922, %mul3A_924 : vector<16xf32>
      %swap3A_926 = arith.constant 352 : index
      %swap3A_927 = tpu.vector_load %arg10[%swap3A_926] {strides = array<i32>} : memref<512xf32, #tpu.memory_space<vmem>>, vector<16xf32>,
      tpu.vector_store %arg10[%swap3A_926], %add3A_925 {strides = array<i32>} : memref<512xf32, #tpu.memory_space<vmem>>, vector<16xf32>,
      %add3A_928 = arith.constant 368 : i32
      %add3A_929 = vector.broadcast %add3A_928 : i32 to vector<16xi32>
      %add3A_930 = arith.addi %add3A_313, %add3A_929 : vector<16xi32>
      %add3A_931 = arith.constant 368 : i32
      %add3A_932 = vector.broadcast %add3A_931 : i32 to vector<16xi32>
      %add3A_933 = arith.addi %add3A_316, %add3A_932 : vector<16xi32>
      %gather3A_934 = tpu.vector_load_idx %arg8[%add3A_930] : memref<528xf32, #tpu.memory_space<vmem>>[vector<16xi32>], vector<16xf32>,
      %gather3A_935 = tpu.vector_load_idx %arg9[%add3A_930] : memref<528xf32, #tpu.memory_space<vmem>>[vector<16xi32>], vector<16xf32>,
      %gather3A_936 = tpu.vector_load_idx %arg8[%add3A_933] : memref<528xf32, #tpu.memory_space<vmem>>[vector<16xi32>], vector<16xf32>,
      %gather3A_937 = tpu.vector_load_idx %arg9[%add3A_933] : memref<528xf32, #tpu.memory_space<vmem>>[vector<16xi32>], vector<16xf32>,
      %mul3A_938 = vector.broadcast %reduce_sum3A_287 : f32 to vector<16xf32>
      %mul3A_939 = arith.mulf %mul3A_938, %gather3A_934 : vector<16xf32>
      %mul3A_940 = vector.broadcast %reduce_sum3A_294 : f32 to vector<16xf32>
      %mul3A_941 = arith.mulf %mul3A_940, %gather3A_935 : vector<16xf32>
      %add3A_942 = arith.addf %mul3A_939, %mul3A_941 : vector<16xf32>
      %mul3A_943 = vector.broadcast %reduce_sum3A_301 : f32 to vector<16xf32>
      %mul3A_944 = arith.mulf %mul3A_943, %gather3A_936 : vector<16xf32>
      %add3A_945 = arith.addf %add3A_942, %mul3A_944 : vector<16xf32>
      %mul3A_946 = vector.broadcast %reduce_sum3A_308 : f32 to vector<16xf32>
      %mul3A_947 = arith.mulf %mul3A_946, %gather3A_937 : vector<16xf32>
      %add3A_948 = arith.addf %add3A_945, %mul3A_947 : vector<16xf32>
      %swap3A_949 = arith.constant 368 : index
      %swap3A_950 = tpu.vector_load %arg10[%swap3A_949] {strides = array<i32>} : memref<512xf32, #tpu.memory_space<vmem>>, vector<16xf32>,
      tpu.vector_store %arg10[%swap3A_949], %add3A_948 {strides = array<i32>} : memref<512xf32, #tpu.memory_space<vmem>>, vector<16xf32>,
      %add3A_951 = arith.constant 384 : i32
      %add3A_952 = vector.broadcast %add3A_951 : i32 to vector<16xi32>
      %add3A_953 = arith.addi %add3A_313, %add3A_952 : vector<16xi32>
      %add3A_954 = arith.constant 384 : i32
      %add3A_955 = vector.broadcast %add3A_954 : i32 to vector<16xi32>
      %add3A_956 = arith.addi %add3A_316, %add3A_955 : vector<16xi32>
      %gather3A_957 = tpu.vector_load_idx %arg8[%add3A_953] : memref<528xf32, #tpu.memory_space<vmem>>[vector<16xi32>], vector<16xf32>,
      %gather3A_958 = tpu.vector_load_idx %arg9[%add3A_953] : memref<528xf32, #tpu.memory_space<vmem>>[vector<16xi32>], vector<16xf32>,
      %gather3A_959 = tpu.vector_load_idx %arg8[%add3A_956] : memref<528xf32, #tpu.memory_space<vmem>>[vector<16xi32>], vector<16xf32>,
      %gather3A_960 = tpu.vector_load_idx %arg9[%add3A_956] : memref<528xf32, #tpu.memory_space<vmem>>[vector<16xi32>], vector<16xf32>,
      %mul3A_961 = vector.broadcast %reduce_sum3A_287 : f32 to vector<16xf32>
      %mul3A_962 = arith.mulf %mul3A_961, %gather3A_957 : vector<16xf32>
      %mul3A_963 = vector.broadcast %reduce_sum3A_294 : f32 to vector<16xf32>
      %mul3A_964 = arith.mulf %mul3A_963, %gather3A_958 : vector<16xf32>
      %add3A_965 = arith.addf %mul3A_962, %mul3A_964 : vector<16xf32>
      %mul3A_966 = vector.broadcast %reduce_sum3A_301 : f32 to vector<16xf32>
      %mul3A_967 = arith.mulf %mul3A_966, %gather3A_959 : vector<16xf32>
      %add3A_968 = arith.addf %add3A_965, %mul3A_967 : vector<16xf32>
      %mul3A_969 = vector.broadcast %reduce_sum3A_308 : f32 to vector<16xf32>
      %mul3A_970 = arith.mulf %mul3A_969, %gather3A_960 : vector<16xf32>
      %add3A_971 = arith.addf %add3A_968, %mul3A_970 : vector<16xf32>
      %swap3A_972 = arith.constant 384 : index
      %swap3A_973 = tpu.vector_load %arg10[%swap3A_972] {strides = array<i32>} : memref<512xf32, #tpu.memory_space<vmem>>, vector<16xf32>,
      tpu.vector_store %arg10[%swap3A_972], %add3A_971 {strides = array<i32>} : memref<512xf32, #tpu.memory_space<vmem>>, vector<16xf32>,
      %add3A_974 = arith.constant 400 : i32
      %add3A_975 = vector.broadcast %add3A_974 : i32 to vector<16xi32>
      %add3A_976 = arith.addi %add3A_313, %add3A_975 : vector<16xi32>
      %add3A_977 = arith.constant 400 : i32
      %add3A_978 = vector.broadcast %add3A_977 : i32 to vector<16xi32>
      %add3A_979 = arith.addi %add3A_316, %add3A_978 : vector<16xi32>
      %gather3A_980 = tpu.vector_load_idx %arg8[%add3A_976] : memref<528xf32, #tpu.memory_space<vmem>>[vector<16xi32>], vector<16xf32>,
      %gather3A_981 = tpu.vector_load_idx %arg9[%add3A_976] : memref<528xf32, #tpu.memory_space<vmem>>[vector<16xi32>], vector<16xf32>,
      %gather3A_982 = tpu.vector_load_idx %arg8[%add3A_979] : memref<528xf32, #tpu.memory_space<vmem>>[vector<16xi32>], vector<16xf32>,
      %gather3A_983 = tpu.vector_load_idx %arg9[%add3A_979] : memref<528xf32, #tpu.memory_space<vmem>>[vector<16xi32>], vector<16xf32>,
      %mul3A_984 = vector.broadcast %reduce_sum3A_287 : f32 to vector<16xf32>
      %mul3A_985 = arith.mulf %mul3A_984, %gather3A_980 : vector<16xf32>
      %mul3A_986 = vector.broadcast %reduce_sum3A_294 : f32 to vector<16xf32>
      %mul3A_987 = arith.mulf %mul3A_986, %gather3A_981 : vector<16xf32>
      %add3A_988 = arith.addf %mul3A_985, %mul3A_987 : vector<16xf32>
      %mul3A_989 = vector.broadcast %reduce_sum3A_301 : f32 to vector<16xf32>
      %mul3A_990 = arith.mulf %mul3A_989, %gather3A_982 : vector<16xf32>
      %add3A_991 = arith.addf %add3A_988, %mul3A_990 : vector<16xf32>
      %mul3A_992 = vector.broadcast %reduce_sum3A_308 : f32 to vector<16xf32>
      %mul3A_993 = arith.mulf %mul3A_992, %gather3A_983 : vector<16xf32>
      %add3A_994 = arith.addf %add3A_991, %mul3A_993 : vector<16xf32>
      %swap3A_995 = arith.constant 400 : index
      %swap3A_996 = tpu.vector_load %arg10[%swap3A_995] {strides = array<i32>} : memref<512xf32, #tpu.memory_space<vmem>>, vector<16xf32>,
      tpu.vector_store %arg10[%swap3A_995], %add3A_994 {strides = array<i32>} : memref<512xf32, #tpu.memory_space<vmem>>, vector<16xf32>,
      %add3A_997 = arith.constant 416 : i32
      %add3A_998 = vector.broadcast %add3A_997 : i32 to vector<16xi32>
      %add3A_999 = arith.addi %add3A_313, %add3A_998 : vector<16xi32>
      %add3A_1000 = arith.constant 416 : i32
      %add3A_1001 = vector.broadcast %add3A_1000 : i32 to vector<16xi32>
      %add3A_1002 = arith.addi %add3A_316, %add3A_1001 : vector<16xi32>
      %gather3A_1003 = tpu.vector_load_idx %arg8[%add3A_999] : memref<528xf32, #tpu.memory_space<vmem>>[vector<16xi32>], vector<16xf32>,
      %gather3A_1004 = tpu.vector_load_idx %arg9[%add3A_999] : memref<528xf32, #tpu.memory_space<vmem>>[vector<16xi32>], vector<16xf32>,
      %gather3A_1005 = tpu.vector_load_idx %arg8[%add3A_1002] : memref<528xf32, #tpu.memory_space<vmem>>[vector<16xi32>], vector<16xf32>,
      %gather3A_1006 = tpu.vector_load_idx %arg9[%add3A_1002] : memref<528xf32, #tpu.memory_space<vmem>>[vector<16xi32>], vector<16xf32>,
      %mul3A_1007 = vector.broadcast %reduce_sum3A_287 : f32 to vector<16xf32>
      %mul3A_1008 = arith.mulf %mul3A_1007, %gather3A_1003 : vector<16xf32>
      %mul3A_1009 = vector.broadcast %reduce_sum3A_294 : f32 to vector<16xf32>
      %mul3A_1010 = arith.mulf %mul3A_1009, %gather3A_1004 : vector<16xf32>
      %add3A_1011 = arith.addf %mul3A_1008, %mul3A_1010 : vector<16xf32>
      %mul3A_1012 = vector.broadcast %reduce_sum3A_301 : f32 to vector<16xf32>
      %mul3A_1013 = arith.mulf %mul3A_1012, %gather3A_1005 : vector<16xf32>
      %add3A_1014 = arith.addf %add3A_1011, %mul3A_1013 : vector<16xf32>
      %mul3A_1015 = vector.broadcast %reduce_sum3A_308 : f32 to vector<16xf32>
      %mul3A_1016 = arith.mulf %mul3A_1015, %gather3A_1006 : vector<16xf32>
      %add3A_1017 = arith.addf %add3A_1014, %mul3A_1016 : vector<16xf32>
      %swap3A_1018 = arith.constant 416 : index
      %swap3A_1019 = tpu.vector_load %arg10[%swap3A_1018] {strides = array<i32>} : memref<512xf32, #tpu.memory_space<vmem>>, vector<16xf32>,
      tpu.vector_store %arg10[%swap3A_1018], %add3A_1017 {strides = array<i32>} : memref<512xf32, #tpu.memory_space<vmem>>, vector<16xf32>,
      %add3A_1020 = arith.constant 432 : i32
      %add3A_1021 = vector.broadcast %add3A_1020 : i32 to vector<16xi32>
      %add3A_1022 = arith.addi %add3A_313, %add3A_1021 : vector<16xi32>
      %add3A_1023 = arith.constant 432 : i32
      %add3A_1024 = vector.broadcast %add3A_1023 : i32 to vector<16xi32>
      %add3A_1025 = arith.addi %add3A_316, %add3A_1024 : vector<16xi32>
      %gather3A_1026 = tpu.vector_load_idx %arg8[%add3A_1022] : memref<528xf32, #tpu.memory_space<vmem>>[vector<16xi32>], vector<16xf32>,
      %gather3A_1027 = tpu.vector_load_idx %arg9[%add3A_1022] : memref<528xf32, #tpu.memory_space<vmem>>[vector<16xi32>], vector<16xf32>,
      %gather3A_1028 = tpu.vector_load_idx %arg8[%add3A_1025] : memref<528xf32, #tpu.memory_space<vmem>>[vector<16xi32>], vector<16xf32>,
      %gather3A_1029 = tpu.vector_load_idx %arg9[%add3A_1025] : memref<528xf32, #tpu.memory_space<vmem>>[vector<16xi32>], vector<16xf32>,
      %mul3A_1030 = vector.broadcast %reduce_sum3A_287 : f32 to vector<16xf32>
      %mul3A_1031 = arith.mulf %mul3A_1030, %gather3A_1026 : vector<16xf32>
      %mul3A_1032 = vector.broadcast %reduce_sum3A_294 : f32 to vector<16xf32>
      %mul3A_1033 = arith.mulf %mul3A_1032, %gather3A_1027 : vector<16xf32>
      %add3A_1034 = arith.addf %mul3A_1031, %mul3A_1033 : vector<16xf32>
      %mul3A_1035 = vector.broadcast %reduce_sum3A_301 : f32 to vector<16xf32>
      %mul3A_1036 = arith.mulf %mul3A_1035, %gather3A_1028 : vector<16xf32>
      %add3A_1037 = arith.addf %add3A_1034, %mul3A_1036 : vector<16xf32>
      %mul3A_1038 = vector.broadcast %reduce_sum3A_308 : f32 to vector<16xf32>
      %mul3A_1039 = arith.mulf %mul3A_1038, %gather3A_1029 : vector<16xf32>
      %add3A_1040 = arith.addf %add3A_1037, %mul3A_1039 : vector<16xf32>
      %swap3A_1041 = arith.constant 432 : index
      %swap3A_1042 = tpu.vector_load %arg10[%swap3A_1041] {strides = array<i32>} : memref<512xf32, #tpu.memory_space<vmem>>, vector<16xf32>,
      tpu.vector_store %arg10[%swap3A_1041], %add3A_1040 {strides = array<i32>} : memref<512xf32, #tpu.memory_space<vmem>>, vector<16xf32>,
      %add3A_1043 = arith.constant 448 : i32
      %add3A_1044 = vector.broadcast %add3A_1043 : i32 to vector<16xi32>
      %add3A_1045 = arith.addi %add3A_313, %add3A_1044 : vector<16xi32>
      %add3A_1046 = arith.constant 448 : i32
      %add3A_1047 = vector.broadcast %add3A_1046 : i32 to vector<16xi32>
      %add3A_1048 = arith.addi %add3A_316, %add3A_1047 : vector<16xi32>
      %gather3A_1049 = tpu.vector_load_idx %arg8[%add3A_1045] : memref<528xf32, #tpu.memory_space<vmem>>[vector<16xi32>], vector<16xf32>,
      %gather3A_1050 = tpu.vector_load_idx %arg9[%add3A_1045] : memref<528xf32, #tpu.memory_space<vmem>>[vector<16xi32>], vector<16xf32>,
      %gather3A_1051 = tpu.vector_load_idx %arg8[%add3A_1048] : memref<528xf32, #tpu.memory_space<vmem>>[vector<16xi32>], vector<16xf32>,
      %gather3A_1052 = tpu.vector_load_idx %arg9[%add3A_1048] : memref<528xf32, #tpu.memory_space<vmem>>[vector<16xi32>], vector<16xf32>,
      %mul3A_1053 = vector.broadcast %reduce_sum3A_287 : f32 to vector<16xf32>
      %mul3A_1054 = arith.mulf %mul3A_1053, %gather3A_1049 : vector<16xf32>
      %mul3A_1055 = vector.broadcast %reduce_sum3A_294 : f32 to vector<16xf32>
      %mul3A_1056 = arith.mulf %mul3A_1055, %gather3A_1050 : vector<16xf32>
      %add3A_1057 = arith.addf %mul3A_1054, %mul3A_1056 : vector<16xf32>
      %mul3A_1058 = vector.broadcast %reduce_sum3A_301 : f32 to vector<16xf32>
      %mul3A_1059 = arith.mulf %mul3A_1058, %gather3A_1051 : vector<16xf32>
      %add3A_1060 = arith.addf %add3A_1057, %mul3A_1059 : vector<16xf32>
      %mul3A_1061 = vector.broadcast %reduce_sum3A_308 : f32 to vector<16xf32>
      %mul3A_1062 = arith.mulf %mul3A_1061, %gather3A_1052 : vector<16xf32>
      %add3A_1063 = arith.addf %add3A_1060, %mul3A_1062 : vector<16xf32>
      %swap3A_1064 = arith.constant 448 : index
      %swap3A_1065 = tpu.vector_load %arg10[%swap3A_1064] {strides = array<i32>} : memref<512xf32, #tpu.memory_space<vmem>>, vector<16xf32>,
      tpu.vector_store %arg10[%swap3A_1064], %add3A_1063 {strides = array<i32>} : memref<512xf32, #tpu.memory_space<vmem>>, vector<16xf32>,
      %add3A_1066 = arith.constant 464 : i32
      %add3A_1067 = vector.broadcast %add3A_1066 : i32 to vector<16xi32>
      %add3A_1068 = arith.addi %add3A_313, %add3A_1067 : vector<16xi32>
      %add3A_1069 = arith.constant 464 : i32
      %add3A_1070 = vector.broadcast %add3A_1069 : i32 to vector<16xi32>
      %add3A_1071 = arith.addi %add3A_316, %add3A_1070 : vector<16xi32>
      %gather3A_1072 = tpu.vector_load_idx %arg8[%add3A_1068] : memref<528xf32, #tpu.memory_space<vmem>>[vector<16xi32>], vector<16xf32>,
      %gather3A_1073 = tpu.vector_load_idx %arg9[%add3A_1068] : memref<528xf32, #tpu.memory_space<vmem>>[vector<16xi32>], vector<16xf32>,
      %gather3A_1074 = tpu.vector_load_idx %arg8[%add3A_1071] : memref<528xf32, #tpu.memory_space<vmem>>[vector<16xi32>], vector<16xf32>,
      %gather3A_1075 = tpu.vector_load_idx %arg9[%add3A_1071] : memref<528xf32, #tpu.memory_space<vmem>>[vector<16xi32>], vector<16xf32>,
      %mul3A_1076 = vector.broadcast %reduce_sum3A_287 : f32 to vector<16xf32>
      %mul3A_1077 = arith.mulf %mul3A_1076, %gather3A_1072 : vector<16xf32>
      %mul3A_1078 = vector.broadcast %reduce_sum3A_294 : f32 to vector<16xf32>
      %mul3A_1079 = arith.mulf %mul3A_1078, %gather3A_1073 : vector<16xf32>
      %add3A_1080 = arith.addf %mul3A_1077, %mul3A_1079 : vector<16xf32>
      %mul3A_1081 = vector.broadcast %reduce_sum3A_301 : f32 to vector<16xf32>
      %mul3A_1082 = arith.mulf %mul3A_1081, %gather3A_1074 : vector<16xf32>
      %add3A_1083 = arith.addf %add3A_1080, %mul3A_1082 : vector<16xf32>
      %mul3A_1084 = vector.broadcast %reduce_sum3A_308 : f32 to vector<16xf32>
      %mul3A_1085 = arith.mulf %mul3A_1084, %gather3A_1075 : vector<16xf32>
      %add3A_1086 = arith.addf %add3A_1083, %mul3A_1085 : vector<16xf32>
      %swap3A_1087 = arith.constant 464 : index
      %swap3A_1088 = tpu.vector_load %arg10[%swap3A_1087] {strides = array<i32>} : memref<512xf32, #tpu.memory_space<vmem>>, vector<16xf32>,
      tpu.vector_store %arg10[%swap3A_1087], %add3A_1086 {strides = array<i32>} : memref<512xf32, #tpu.memory_space<vmem>>, vector<16xf32>,
      %add3A_1089 = arith.constant 480 : i32
      %add3A_1090 = vector.broadcast %add3A_1089 : i32 to vector<16xi32>
      %add3A_1091 = arith.addi %add3A_313, %add3A_1090 : vector<16xi32>
      %add3A_1092 = arith.constant 480 : i32
      %add3A_1093 = vector.broadcast %add3A_1092 : i32 to vector<16xi32>
      %add3A_1094 = arith.addi %add3A_316, %add3A_1093 : vector<16xi32>
      %gather3A_1095 = tpu.vector_load_idx %arg8[%add3A_1091] : memref<528xf32, #tpu.memory_space<vmem>>[vector<16xi32>], vector<16xf32>,
      %gather3A_1096 = tpu.vector_load_idx %arg9[%add3A_1091] : memref<528xf32, #tpu.memory_space<vmem>>[vector<16xi32>], vector<16xf32>,
      %gather3A_1097 = tpu.vector_load_idx %arg8[%add3A_1094] : memref<528xf32, #tpu.memory_space<vmem>>[vector<16xi32>], vector<16xf32>,
      %gather3A_1098 = tpu.vector_load_idx %arg9[%add3A_1094] : memref<528xf32, #tpu.memory_space<vmem>>[vector<16xi32>], vector<16xf32>,
      %mul3A_1099 = vector.broadcast %reduce_sum3A_287 : f32 to vector<16xf32>
      %mul3A_1100 = arith.mulf %mul3A_1099, %gather3A_1095 : vector<16xf32>
      %mul3A_1101 = vector.broadcast %reduce_sum3A_294 : f32 to vector<16xf32>
      %mul3A_1102 = arith.mulf %mul3A_1101, %gather3A_1096 : vector<16xf32>
      %add3A_1103 = arith.addf %mul3A_1100, %mul3A_1102 : vector<16xf32>
      %mul3A_1104 = vector.broadcast %reduce_sum3A_301 : f32 to vector<16xf32>
      %mul3A_1105 = arith.mulf %mul3A_1104, %gather3A_1097 : vector<16xf32>
      %add3A_1106 = arith.addf %add3A_1103, %mul3A_1105 : vector<16xf32>
      %mul3A_1107 = vector.broadcast %reduce_sum3A_308 : f32 to vector<16xf32>
      %mul3A_1108 = arith.mulf %mul3A_1107, %gather3A_1098 : vector<16xf32>
      %add3A_1109 = arith.addf %add3A_1106, %mul3A_1108 : vector<16xf32>
      %swap3A_1110 = arith.constant 480 : index
      %swap3A_1111 = tpu.vector_load %arg10[%swap3A_1110] {strides = array<i32>} : memref<512xf32, #tpu.memory_space<vmem>>, vector<16xf32>,
      tpu.vector_store %arg10[%swap3A_1110], %add3A_1109 {strides = array<i32>} : memref<512xf32, #tpu.memory_space<vmem>>, vector<16xf32>,
      %add3A_1112 = arith.constant 496 : i32
      %add3A_1113 = vector.broadcast %add3A_1112 : i32 to vector<16xi32>
      %add3A_1114 = arith.addi %add3A_313, %add3A_1113 : vector<16xi32>
      %add3A_1115 = arith.constant 496 : i32
      %add3A_1116 = vector.broadcast %add3A_1115 : i32 to vector<16xi32>
      %add3A_1117 = arith.addi %add3A_316, %add3A_1116 : vector<16xi32>
      %gather3A_1118 = tpu.vector_load_idx %arg8[%add3A_1114] : memref<528xf32, #tpu.memory_space<vmem>>[vector<16xi32>], vector<16xf32>,
      %gather3A_1119 = tpu.vector_load_idx %arg9[%add3A_1114] : memref<528xf32, #tpu.memory_space<vmem>>[vector<16xi32>], vector<16xf32>,
      %gather3A_1120 = tpu.vector_load_idx %arg8[%add3A_1117] : memref<528xf32, #tpu.memory_space<vmem>>[vector<16xi32>], vector<16xf32>,
      %gather3A_1121 = tpu.vector_load_idx %arg9[%add3A_1117] : memref<528xf32, #tpu.memory_space<vmem>>[vector<16xi32>], vector<16xf32>,
      %mul3A_1122 = vector.broadcast %reduce_sum3A_287 : f32 to vector<16xf32>
      %mul3A_1123 = arith.mulf %mul3A_1122, %gather3A_1118 : vector<16xf32>
      %mul3A_1124 = vector.broadcast %reduce_sum3A_294 : f32 to vector<16xf32>
      %mul3A_1125 = arith.mulf %mul3A_1124, %gather3A_1119 : vector<16xf32>
      %add3A_1126 = arith.addf %mul3A_1123, %mul3A_1125 : vector<16xf32>
      %mul3A_1127 = vector.broadcast %reduce_sum3A_301 : f32 to vector<16xf32>
      %mul3A_1128 = arith.mulf %mul3A_1127, %gather3A_1120 : vector<16xf32>
      %add3A_1129 = arith.addf %add3A_1126, %mul3A_1128 : vector<16xf32>
      %mul3A_1130 = vector.broadcast %reduce_sum3A_308 : f32 to vector<16xf32>
      %mul3A_1131 = arith.mulf %mul3A_1130, %gather3A_1121 : vector<16xf32>
      %add3A_1132 = arith.addf %add3A_1129, %mul3A_1131 : vector<16xf32>
      %swap3A_1133 = arith.constant 496 : index
      %swap3A_1134 = tpu.vector_load %arg10[%swap3A_1133] {strides = array<i32>} : memref<512xf32, #tpu.memory_space<vmem>>, vector<16xf32>,
      tpu.vector_store %arg10[%swap3A_1133], %add3A_1132 {strides = array<i32>} : memref<512xf32, #tpu.memory_space<vmem>>, vector<16xf32>,
      "tpu.region"() ({
        %run_scoped3A = tpu.sem_alloc : memref<!tpu.dma_semaphore, #tpu.memory_space<semaphore_mem>>
        %dma_start3A = arith.constant 0 : i32
        %dma_start3A_1135 = tpu.memref_slice %arg5[%scan3A_400, %add3A_311, %dma_start3A] : memref<16x128x512xf32, #tpu.memory_space<hbm>> -> memref<1x1x512xf32, #tpu.memory_space<hbm>>
        %dma_start3A_1136 = tpu.memref_squeeze %dma_start3A_1135 : memref<1x1x512xf32, #tpu.memory_space<hbm>> -> memref<512xf32, #tpu.memory_space<hbm>>
        %dma_start3A_1137 = arith.constant 0 : i32
        %dma_start3A_1138 = tpu.memref_slice %arg5[%scan3A_400, %add3A_311, %dma_start3A_1137] : memref<16x128x512xf32, #tpu.memory_space<hbm>> -> memref<1x1x512xf32, #tpu.memory_space<hbm>>
        %dma_start3A_1139 = tpu.memref_squeeze %dma_start3A_1138 : memref<1x1x512xf32, #tpu.memory_space<hbm>> -> memref<512xf32, #tpu.memory_space<hbm>>
        tpu.enqueue_dma source(%arg10 : memref<512xf32, #tpu.memory_space<vmem>>) target(%dma_start3A_1139 : memref<512xf32, #tpu.memory_space<hbm>>) target_semaphore(%run_scoped3A : memref<!tpu.dma_semaphore, #tpu.memory_space<semaphore_mem>>)
        %dma_wait3A = arith.constant 0 : i32
        %dma_wait3A_1140 = tpu.memref_slice %arg5[%scan3A_400, %add3A_311, %dma_wait3A] : memref<16x128x512xf32, #tpu.memory_space<hbm>> -> memref<1x1x512xf32, #tpu.memory_space<hbm>>
        %dma_wait3A_1141 = tpu.memref_squeeze %dma_wait3A_1140 : memref<1x1x512xf32, #tpu.memory_space<hbm>> -> memref<512xf32, #tpu.memory_space<hbm>>
        %dma_wait3A_1142 = arith.constant 0 : i32
        %dma_wait3A_1143 = tpu.memref_slice %arg5[%scan3A_400, %add3A_311, %dma_wait3A_1142] : memref<16x128x512xf32, #tpu.memory_space<hbm>> -> memref<1x1x512xf32, #tpu.memory_space<hbm>>
        %dma_wait3A_1144 = tpu.memref_squeeze %dma_wait3A_1143 : memref<1x1x512xf32, #tpu.memory_space<hbm>> -> memref<512xf32, #tpu.memory_space<hbm>>
        tpu.wait_dma2 semaphore(%run_scoped3A : memref<!tpu.dma_semaphore, #tpu.memory_space<semaphore_mem>>) src(%arg10 : memref<512xf32, #tpu.memory_space<vmem>>) dst(%dma_wait3A_1144 : memref<512xf32, #tpu.memory_space<hbm>>)
        tpu.yield
      }) : () -> ()
    }
    %scan3A_322 = arith.constant 16 : i32
    %mul3A_323 = arith.constant 4 : i32
    %mul3A_324 = arith.muli %select_n3A_30, %mul3A_323 : i32
    %add3A_325 = arith.constant 3 : i32
    %add3A_326 = arith.addi %mul3A_324, %add3A_325 : i32
    %eq3A_327 = vector.broadcast %add3A_326 : i32 to vector<16xi32>
    %eq3A_328 = arith.cmpi eq, %iota3A, %eq3A_327 : vector<16xi32>
    %jit3A_329 = arith.constant 0 : i32
    %broadcast_in_dim3A_330 = vector.broadcast %jit3A_329 : i32 to vector<16xi32>
    %select_n3A_331 = arith.select %eq3A_328, %min3A_47, %broadcast_in_dim3A_330 : vector<16xi1>, vector<16xi32>
    %reduce_sum3A_332 = arith.constant true
    %reduce_sum3A_333 = vector.broadcast %reduce_sum3A_332 : i1 to vector<16xi1>
    %reduce_sum3A_334 = tpu.scan <sum>, %select_n3A_331 masked %reduce_sum3A_333 : vector<16xi32>, vector<16xi1> -> vector<16xi32>
    %reduce_sum3A_335 = vector.extract %reduce_sum3A_334[15] : i32 from vector<16xi32>
    %jit3A_336 = arith.constant 0 : i32
    %broadcast_in_dim3A_337 = vector.broadcast %jit3A_336 : i32 to vector<16xi32>
    %select_n3A_338 = arith.select %eq3A_328, %min3A_53, %broadcast_in_dim3A_337 : vector<16xi1>, vector<16xi32>
    %reduce_sum3A_339 = arith.constant true
    %reduce_sum3A_340 = vector.broadcast %reduce_sum3A_339 : i1 to vector<16xi1>
    %reduce_sum3A_341 = tpu.scan <sum>, %select_n3A_338 masked %reduce_sum3A_340 : vector<16xi32>, vector<16xi1> -> vector<16xi32>
    %reduce_sum3A_342 = vector.extract %reduce_sum3A_341[15] : i32 from vector<16xi32>
    %jit3A_343 = arith.constant 0 : i32
    %broadcast_in_dim3A_344 = vector.broadcast %jit3A_343 : i32 to vector<16xi32>
    %select_n3A_345 = arith.select %eq3A_328, %min3A_78, %broadcast_in_dim3A_344 : vector<16xi1>, vector<16xi32>
    %reduce_sum3A_346 = arith.constant true
    %reduce_sum3A_347 = vector.broadcast %reduce_sum3A_346 : i1 to vector<16xi1>
    %reduce_sum3A_348 = tpu.scan <sum>, %select_n3A_345 masked %reduce_sum3A_347 : vector<16xi32>, vector<16xi1> -> vector<16xi32>
    %reduce_sum3A_349 = vector.extract %reduce_sum3A_348[15] : i32 from vector<16xi32>
    %multiple_of3A_350 = tpu.assume_multiple %reduce_sum3A_349, 8 : i32
    %jit3A_351 = arith.constant 0 : i32
    %broadcast_in_dim3A_352 = vector.broadcast %jit3A_351 : i32 to vector<16xi32>
    %select_n3A_353 = arith.select %eq3A_328, %sub3A_79, %broadcast_in_dim3A_352 : vector<16xi1>, vector<16xi32>
    %reduce_sum3A_354 = arith.constant true
    %reduce_sum3A_355 = vector.broadcast %reduce_sum3A_354 : i1 to vector<16xi1>
    %reduce_sum3A_356 = tpu.scan <sum>, %select_n3A_353 masked %reduce_sum3A_355 : vector<16xi32>, vector<16xi1> -> vector<16xi32>
    %reduce_sum3A_357 = vector.extract %reduce_sum3A_356[15] : i32 from vector<16xi32>
    %jit3A_358 = arith.constant 0.000000e+00 : f32
    %broadcast_in_dim3A_359 = vector.broadcast %jit3A_358 : f32 to vector<16xf32>
    %select_n3A_360 = arith.select %eq3A_328, %mul3A_86, %broadcast_in_dim3A_359 : vector<16xi1>, vector<16xf32>
    %reduce_sum3A_361 = arith.constant true
    %reduce_sum3A_362 = vector.broadcast %reduce_sum3A_361 : i1 to vector<16xi1>
    %reduce_sum3A_363 = tpu.scan <sum>, %select_n3A_360 masked %reduce_sum3A_362 : vector<16xf32>, vector<16xi1> -> vector<16xf32>
    %reduce_sum3A_364 = vector.extract %reduce_sum3A_363[15] : f32 from vector<16xf32>
    %jit3A_365 = arith.constant 0.000000e+00 : f32
    %broadcast_in_dim3A_366 = vector.broadcast %jit3A_365 : f32 to vector<16xf32>
    %select_n3A_367 = arith.select %eq3A_328, %mul3A_90, %broadcast_in_dim3A_366 : vector<16xi1>, vector<16xf32>
    %reduce_sum3A_368 = arith.constant true
    %reduce_sum3A_369 = vector.broadcast %reduce_sum3A_368 : i1 to vector<16xi1>
    %reduce_sum3A_370 = tpu.scan <sum>, %select_n3A_367 masked %reduce_sum3A_369 : vector<16xf32>, vector<16xi1> -> vector<16xf32>
    %reduce_sum3A_371 = vector.extract %reduce_sum3A_370[15] : f32 from vector<16xf32>
    %jit3A_372 = arith.constant 0.000000e+00 : f32
    %broadcast_in_dim3A_373 = vector.broadcast %jit3A_372 : f32 to vector<16xf32>
    %select_n3A_374 = arith.select %eq3A_328, %mul3A_94, %broadcast_in_dim3A_373 : vector<16xi1>, vector<16xf32>
    %reduce_sum3A_375 = arith.constant true
    %reduce_sum3A_376 = vector.broadcast %reduce_sum3A_375 : i1 to vector<16xi1>
    %reduce_sum3A_377 = tpu.scan <sum>, %select_n3A_374 masked %reduce_sum3A_376 : vector<16xf32>, vector<16xi1> -> vector<16xf32>
    %reduce_sum3A_378 = vector.extract %reduce_sum3A_377[15] : f32 from vector<16xf32>
    %jit3A_379 = arith.constant 0.000000e+00 : f32
    %broadcast_in_dim3A_380 = vector.broadcast %jit3A_379 : f32 to vector<16xf32>
    %select_n3A_381 = arith.select %eq3A_328, %mul3A_95, %broadcast_in_dim3A_380 : vector<16xi1>, vector<16xf32>
    %reduce_sum3A_382 = arith.constant true
    %reduce_sum3A_383 = vector.broadcast %reduce_sum3A_382 : i1 to vector<16xi1>
    %reduce_sum3A_384 = tpu.scan <sum>, %select_n3A_381 masked %reduce_sum3A_383 : vector<16xf32>, vector<16xi1> -> vector<16xf32>
    %reduce_sum3A_385 = vector.extract %reduce_sum3A_384[15] : f32 from vector<16xf32>
    %mul3A_386 = arith.constant 16 : i32
    %mul3A_387 = arith.muli %select_n3A, %mul3A_386 : i32
    %add3A_388 = arith.addi %mul3A_387, %add3A_326 : i32
    %add3A_389 = vector.broadcast %reduce_sum3A_357 : i32 to vector<16xi32>
    %add3A_390 = arith.addi %add3A_389, %iota3A : vector<16xi32>
    %add3A_391 = arith.constant 1 : i32
    %add3A_392 = vector.broadcast %add3A_391 : i32 to vector<16xi32>
    %add3A_393 = arith.addi %add3A_390, %add3A_392 : vector<16xi32>
    %scan3A_394 = arith.constant 0 : i32
    %scan3A_395 = arith.constant 0 : i32
    %scan3A_396 = arith.constant 16 : i32
    %scan3A_397 = arith.addi %scan3A_395, %scan3A_396 : i32
    %scan3A_398 = arith.constant 1 : i32
    scf.for %scan3A_400 = %scan3A_395 to %scan3A_397 step %scan3A_398  : i32 {
      "tpu.region"() ({
        %run_scoped3A = tpu.sem_alloc : memref<!tpu.dma_semaphore, #tpu.memory_space<semaphore_mem>>
        %dma_start3A = tpu.memref_slice %arg2[%scan3A_400, %reduce_sum3A_335, %multiple_of3A_350] : memref<16x256x4096xf32, #tpu.memory_space<hbm>> -> memref<1x1x528xf32, #tpu.memory_space<hbm>>
        %dma_start3A_1135 = tpu.memref_squeeze %dma_start3A : memref<1x1x528xf32, #tpu.memory_space<hbm>> -> memref<528xf32, #tpu.memory_space<hbm>>
        %dma_start3A_1136 = tpu.memref_slice %arg2[%scan3A_400, %reduce_sum3A_335, %multiple_of3A_350] : memref<16x256x4096xf32, #tpu.memory_space<hbm>> -> memref<1x1x528xf32, #tpu.memory_space<hbm>>
        %dma_start3A_1137 = tpu.memref_squeeze %dma_start3A_1136 : memref<1x1x528xf32, #tpu.memory_space<hbm>> -> memref<528xf32, #tpu.memory_space<hbm>>
        tpu.enqueue_dma source(%dma_start3A_1137 : memref<528xf32, #tpu.memory_space<hbm>>) target(%arg8 : memref<528xf32, #tpu.memory_space<vmem>>) target_semaphore(%run_scoped3A : memref<!tpu.dma_semaphore, #tpu.memory_space<semaphore_mem>>)
        %dma_wait3A = tpu.memref_slice %arg2[%scan3A_400, %reduce_sum3A_335, %multiple_of3A_350] : memref<16x256x4096xf32, #tpu.memory_space<hbm>> -> memref<1x1x528xf32, #tpu.memory_space<hbm>>
        %dma_wait3A_1138 = tpu.memref_squeeze %dma_wait3A : memref<1x1x528xf32, #tpu.memory_space<hbm>> -> memref<528xf32, #tpu.memory_space<hbm>>
        %dma_wait3A_1139 = tpu.memref_slice %arg2[%scan3A_400, %reduce_sum3A_335, %multiple_of3A_350] : memref<16x256x4096xf32, #tpu.memory_space<hbm>> -> memref<1x1x528xf32, #tpu.memory_space<hbm>>
        %dma_wait3A_1140 = tpu.memref_squeeze %dma_wait3A_1139 : memref<1x1x528xf32, #tpu.memory_space<hbm>> -> memref<528xf32, #tpu.memory_space<hbm>>
        tpu.wait_dma2 semaphore(%run_scoped3A : memref<!tpu.dma_semaphore, #tpu.memory_space<semaphore_mem>>) src(%dma_wait3A_1140 : memref<528xf32, #tpu.memory_space<hbm>>) dst(%arg8 : memref<528xf32, #tpu.memory_space<vmem>>)
        tpu.yield
      }) : () -> ()
      "tpu.region"() ({
        %run_scoped3A = tpu.sem_alloc : memref<!tpu.dma_semaphore, #tpu.memory_space<semaphore_mem>>
        %dma_start3A = tpu.memref_slice %arg2[%scan3A_400, %reduce_sum3A_342, %multiple_of3A_350] : memref<16x256x4096xf32, #tpu.memory_space<hbm>> -> memref<1x1x528xf32, #tpu.memory_space<hbm>>
        %dma_start3A_1135 = tpu.memref_squeeze %dma_start3A : memref<1x1x528xf32, #tpu.memory_space<hbm>> -> memref<528xf32, #tpu.memory_space<hbm>>
        %dma_start3A_1136 = tpu.memref_slice %arg2[%scan3A_400, %reduce_sum3A_342, %multiple_of3A_350] : memref<16x256x4096xf32, #tpu.memory_space<hbm>> -> memref<1x1x528xf32, #tpu.memory_space<hbm>>
        %dma_start3A_1137 = tpu.memref_squeeze %dma_start3A_1136 : memref<1x1x528xf32, #tpu.memory_space<hbm>> -> memref<528xf32, #tpu.memory_space<hbm>>
        tpu.enqueue_dma source(%dma_start3A_1137 : memref<528xf32, #tpu.memory_space<hbm>>) target(%arg9 : memref<528xf32, #tpu.memory_space<vmem>>) target_semaphore(%run_scoped3A : memref<!tpu.dma_semaphore, #tpu.memory_space<semaphore_mem>>)
        %dma_wait3A = tpu.memref_slice %arg2[%scan3A_400, %reduce_sum3A_342, %multiple_of3A_350] : memref<16x256x4096xf32, #tpu.memory_space<hbm>> -> memref<1x1x528xf32, #tpu.memory_space<hbm>>
        %dma_wait3A_1138 = tpu.memref_squeeze %dma_wait3A : memref<1x1x528xf32, #tpu.memory_space<hbm>> -> memref<528xf32, #tpu.memory_space<hbm>>
        %dma_wait3A_1139 = tpu.memref_slice %arg2[%scan3A_400, %reduce_sum3A_342, %multiple_of3A_350] : memref<16x256x4096xf32, #tpu.memory_space<hbm>> -> memref<1x1x528xf32, #tpu.memory_space<hbm>>
        %dma_wait3A_1140 = tpu.memref_squeeze %dma_wait3A_1139 : memref<1x1x528xf32, #tpu.memory_space<hbm>> -> memref<528xf32, #tpu.memory_space<hbm>>
        tpu.wait_dma2 semaphore(%run_scoped3A : memref<!tpu.dma_semaphore, #tpu.memory_space<semaphore_mem>>) src(%dma_wait3A_1140 : memref<528xf32, #tpu.memory_space<hbm>>) dst(%arg9 : memref<528xf32, #tpu.memory_space<vmem>>)
        tpu.yield
      }) : () -> ()
      %add3A_401 = arith.constant 0 : i32
      %add3A_402 = vector.broadcast %add3A_401 : i32 to vector<16xi32>
      %add3A_403 = arith.addi %add3A_390, %add3A_402 : vector<16xi32>
      %add3A_404 = arith.constant 0 : i32
      %add3A_405 = vector.broadcast %add3A_404 : i32 to vector<16xi32>
      %add3A_406 = arith.addi %add3A_393, %add3A_405 : vector<16xi32>
      %gather3A = tpu.vector_load_idx %arg8[%add3A_403] : memref<528xf32, #tpu.memory_space<vmem>>[vector<16xi32>], vector<16xf32>,
      %gather3A_407 = tpu.vector_load_idx %arg9[%add3A_403] : memref<528xf32, #tpu.memory_space<vmem>>[vector<16xi32>], vector<16xf32>,
      %gather3A_408 = tpu.vector_load_idx %arg8[%add3A_406] : memref<528xf32, #tpu.memory_space<vmem>>[vector<16xi32>], vector<16xf32>,
      %gather3A_409 = tpu.vector_load_idx %arg9[%add3A_406] : memref<528xf32, #tpu.memory_space<vmem>>[vector<16xi32>], vector<16xf32>,
      %mul3A_410 = vector.broadcast %reduce_sum3A_364 : f32 to vector<16xf32>
      %mul3A_411 = arith.mulf %mul3A_410, %gather3A : vector<16xf32>
      %mul3A_412 = vector.broadcast %reduce_sum3A_371 : f32 to vector<16xf32>
      %mul3A_413 = arith.mulf %mul3A_412, %gather3A_407 : vector<16xf32>
      %add3A_414 = arith.addf %mul3A_411, %mul3A_413 : vector<16xf32>
      %mul3A_415 = vector.broadcast %reduce_sum3A_378 : f32 to vector<16xf32>
      %mul3A_416 = arith.mulf %mul3A_415, %gather3A_408 : vector<16xf32>
      %add3A_417 = arith.addf %add3A_414, %mul3A_416 : vector<16xf32>
      %mul3A_418 = vector.broadcast %reduce_sum3A_385 : f32 to vector<16xf32>
      %mul3A_419 = arith.mulf %mul3A_418, %gather3A_409 : vector<16xf32>
      %add3A_420 = arith.addf %add3A_417, %mul3A_419 : vector<16xf32>
      %swap3A = arith.constant 0 : index
      %swap3A_421 = tpu.vector_load %arg10[%swap3A] {strides = array<i32>} : memref<512xf32, #tpu.memory_space<vmem>>, vector<16xf32>,
      tpu.vector_store %arg10[%swap3A], %add3A_420 {strides = array<i32>} : memref<512xf32, #tpu.memory_space<vmem>>, vector<16xf32>,
      %add3A_422 = arith.constant 16 : i32
      %add3A_423 = vector.broadcast %add3A_422 : i32 to vector<16xi32>
      %add3A_424 = arith.addi %add3A_390, %add3A_423 : vector<16xi32>
      %add3A_425 = arith.constant 16 : i32
      %add3A_426 = vector.broadcast %add3A_425 : i32 to vector<16xi32>
      %add3A_427 = arith.addi %add3A_393, %add3A_426 : vector<16xi32>
      %gather3A_428 = tpu.vector_load_idx %arg8[%add3A_424] : memref<528xf32, #tpu.memory_space<vmem>>[vector<16xi32>], vector<16xf32>,
      %gather3A_429 = tpu.vector_load_idx %arg9[%add3A_424] : memref<528xf32, #tpu.memory_space<vmem>>[vector<16xi32>], vector<16xf32>,
      %gather3A_430 = tpu.vector_load_idx %arg8[%add3A_427] : memref<528xf32, #tpu.memory_space<vmem>>[vector<16xi32>], vector<16xf32>,
      %gather3A_431 = tpu.vector_load_idx %arg9[%add3A_427] : memref<528xf32, #tpu.memory_space<vmem>>[vector<16xi32>], vector<16xf32>,
      %mul3A_432 = vector.broadcast %reduce_sum3A_364 : f32 to vector<16xf32>
      %mul3A_433 = arith.mulf %mul3A_432, %gather3A_428 : vector<16xf32>
      %mul3A_434 = vector.broadcast %reduce_sum3A_371 : f32 to vector<16xf32>
      %mul3A_435 = arith.mulf %mul3A_434, %gather3A_429 : vector<16xf32>
      %add3A_436 = arith.addf %mul3A_433, %mul3A_435 : vector<16xf32>
      %mul3A_437 = vector.broadcast %reduce_sum3A_378 : f32 to vector<16xf32>
      %mul3A_438 = arith.mulf %mul3A_437, %gather3A_430 : vector<16xf32>
      %add3A_439 = arith.addf %add3A_436, %mul3A_438 : vector<16xf32>
      %mul3A_440 = vector.broadcast %reduce_sum3A_385 : f32 to vector<16xf32>
      %mul3A_441 = arith.mulf %mul3A_440, %gather3A_431 : vector<16xf32>
      %add3A_442 = arith.addf %add3A_439, %mul3A_441 : vector<16xf32>
      %swap3A_443 = arith.constant 16 : index
      %swap3A_444 = tpu.vector_load %arg10[%swap3A_443] {strides = array<i32>} : memref<512xf32, #tpu.memory_space<vmem>>, vector<16xf32>,
      tpu.vector_store %arg10[%swap3A_443], %add3A_442 {strides = array<i32>} : memref<512xf32, #tpu.memory_space<vmem>>, vector<16xf32>,
      %add3A_445 = arith.constant 32 : i32
      %add3A_446 = vector.broadcast %add3A_445 : i32 to vector<16xi32>
      %add3A_447 = arith.addi %add3A_390, %add3A_446 : vector<16xi32>
      %add3A_448 = arith.constant 32 : i32
      %add3A_449 = vector.broadcast %add3A_448 : i32 to vector<16xi32>
      %add3A_450 = arith.addi %add3A_393, %add3A_449 : vector<16xi32>
      %gather3A_451 = tpu.vector_load_idx %arg8[%add3A_447] : memref<528xf32, #tpu.memory_space<vmem>>[vector<16xi32>], vector<16xf32>,
      %gather3A_452 = tpu.vector_load_idx %arg9[%add3A_447] : memref<528xf32, #tpu.memory_space<vmem>>[vector<16xi32>], vector<16xf32>,
      %gather3A_453 = tpu.vector_load_idx %arg8[%add3A_450] : memref<528xf32, #tpu.memory_space<vmem>>[vector<16xi32>], vector<16xf32>,
      %gather3A_454 = tpu.vector_load_idx %arg9[%add3A_450] : memref<528xf32, #tpu.memory_space<vmem>>[vector<16xi32>], vector<16xf32>,
      %mul3A_455 = vector.broadcast %reduce_sum3A_364 : f32 to vector<16xf32>
      %mul3A_456 = arith.mulf %mul3A_455, %gather3A_451 : vector<16xf32>
      %mul3A_457 = vector.broadcast %reduce_sum3A_371 : f32 to vector<16xf32>
      %mul3A_458 = arith.mulf %mul3A_457, %gather3A_452 : vector<16xf32>
      %add3A_459 = arith.addf %mul3A_456, %mul3A_458 : vector<16xf32>
      %mul3A_460 = vector.broadcast %reduce_sum3A_378 : f32 to vector<16xf32>
      %mul3A_461 = arith.mulf %mul3A_460, %gather3A_453 : vector<16xf32>
      %add3A_462 = arith.addf %add3A_459, %mul3A_461 : vector<16xf32>
      %mul3A_463 = vector.broadcast %reduce_sum3A_385 : f32 to vector<16xf32>
      %mul3A_464 = arith.mulf %mul3A_463, %gather3A_454 : vector<16xf32>
      %add3A_465 = arith.addf %add3A_462, %mul3A_464 : vector<16xf32>
      %swap3A_466 = arith.constant 32 : index
      %swap3A_467 = tpu.vector_load %arg10[%swap3A_466] {strides = array<i32>} : memref<512xf32, #tpu.memory_space<vmem>>, vector<16xf32>,
      tpu.vector_store %arg10[%swap3A_466], %add3A_465 {strides = array<i32>} : memref<512xf32, #tpu.memory_space<vmem>>, vector<16xf32>,
      %add3A_468 = arith.constant 48 : i32
      %add3A_469 = vector.broadcast %add3A_468 : i32 to vector<16xi32>
      %add3A_470 = arith.addi %add3A_390, %add3A_469 : vector<16xi32>
      %add3A_471 = arith.constant 48 : i32
      %add3A_472 = vector.broadcast %add3A_471 : i32 to vector<16xi32>
      %add3A_473 = arith.addi %add3A_393, %add3A_472 : vector<16xi32>
      %gather3A_474 = tpu.vector_load_idx %arg8[%add3A_470] : memref<528xf32, #tpu.memory_space<vmem>>[vector<16xi32>], vector<16xf32>,
      %gather3A_475 = tpu.vector_load_idx %arg9[%add3A_470] : memref<528xf32, #tpu.memory_space<vmem>>[vector<16xi32>], vector<16xf32>,
      %gather3A_476 = tpu.vector_load_idx %arg8[%add3A_473] : memref<528xf32, #tpu.memory_space<vmem>>[vector<16xi32>], vector<16xf32>,
      %gather3A_477 = tpu.vector_load_idx %arg9[%add3A_473] : memref<528xf32, #tpu.memory_space<vmem>>[vector<16xi32>], vector<16xf32>,
      %mul3A_478 = vector.broadcast %reduce_sum3A_364 : f32 to vector<16xf32>
      %mul3A_479 = arith.mulf %mul3A_478, %gather3A_474 : vector<16xf32>
      %mul3A_480 = vector.broadcast %reduce_sum3A_371 : f32 to vector<16xf32>
      %mul3A_481 = arith.mulf %mul3A_480, %gather3A_475 : vector<16xf32>
      %add3A_482 = arith.addf %mul3A_479, %mul3A_481 : vector<16xf32>
      %mul3A_483 = vector.broadcast %reduce_sum3A_378 : f32 to vector<16xf32>
      %mul3A_484 = arith.mulf %mul3A_483, %gather3A_476 : vector<16xf32>
      %add3A_485 = arith.addf %add3A_482, %mul3A_484 : vector<16xf32>
      %mul3A_486 = vector.broadcast %reduce_sum3A_385 : f32 to vector<16xf32>
      %mul3A_487 = arith.mulf %mul3A_486, %gather3A_477 : vector<16xf32>
      %add3A_488 = arith.addf %add3A_485, %mul3A_487 : vector<16xf32>
      %swap3A_489 = arith.constant 48 : index
      %swap3A_490 = tpu.vector_load %arg10[%swap3A_489] {strides = array<i32>} : memref<512xf32, #tpu.memory_space<vmem>>, vector<16xf32>,
      tpu.vector_store %arg10[%swap3A_489], %add3A_488 {strides = array<i32>} : memref<512xf32, #tpu.memory_space<vmem>>, vector<16xf32>,
      %add3A_491 = arith.constant 64 : i32
      %add3A_492 = vector.broadcast %add3A_491 : i32 to vector<16xi32>
      %add3A_493 = arith.addi %add3A_390, %add3A_492 : vector<16xi32>
      %add3A_494 = arith.constant 64 : i32
      %add3A_495 = vector.broadcast %add3A_494 : i32 to vector<16xi32>
      %add3A_496 = arith.addi %add3A_393, %add3A_495 : vector<16xi32>
      %gather3A_497 = tpu.vector_load_idx %arg8[%add3A_493] : memref<528xf32, #tpu.memory_space<vmem>>[vector<16xi32>], vector<16xf32>,
      %gather3A_498 = tpu.vector_load_idx %arg9[%add3A_493] : memref<528xf32, #tpu.memory_space<vmem>>[vector<16xi32>], vector<16xf32>,
      %gather3A_499 = tpu.vector_load_idx %arg8[%add3A_496] : memref<528xf32, #tpu.memory_space<vmem>>[vector<16xi32>], vector<16xf32>,
      %gather3A_500 = tpu.vector_load_idx %arg9[%add3A_496] : memref<528xf32, #tpu.memory_space<vmem>>[vector<16xi32>], vector<16xf32>,
      %mul3A_501 = vector.broadcast %reduce_sum3A_364 : f32 to vector<16xf32>
      %mul3A_502 = arith.mulf %mul3A_501, %gather3A_497 : vector<16xf32>
      %mul3A_503 = vector.broadcast %reduce_sum3A_371 : f32 to vector<16xf32>
      %mul3A_504 = arith.mulf %mul3A_503, %gather3A_498 : vector<16xf32>
      %add3A_505 = arith.addf %mul3A_502, %mul3A_504 : vector<16xf32>
      %mul3A_506 = vector.broadcast %reduce_sum3A_378 : f32 to vector<16xf32>
      %mul3A_507 = arith.mulf %mul3A_506, %gather3A_499 : vector<16xf32>
      %add3A_508 = arith.addf %add3A_505, %mul3A_507 : vector<16xf32>
      %mul3A_509 = vector.broadcast %reduce_sum3A_385 : f32 to vector<16xf32>
      %mul3A_510 = arith.mulf %mul3A_509, %gather3A_500 : vector<16xf32>
      %add3A_511 = arith.addf %add3A_508, %mul3A_510 : vector<16xf32>
      %swap3A_512 = arith.constant 64 : index
      %swap3A_513 = tpu.vector_load %arg10[%swap3A_512] {strides = array<i32>} : memref<512xf32, #tpu.memory_space<vmem>>, vector<16xf32>,
      tpu.vector_store %arg10[%swap3A_512], %add3A_511 {strides = array<i32>} : memref<512xf32, #tpu.memory_space<vmem>>, vector<16xf32>,
      %add3A_514 = arith.constant 80 : i32
      %add3A_515 = vector.broadcast %add3A_514 : i32 to vector<16xi32>
      %add3A_516 = arith.addi %add3A_390, %add3A_515 : vector<16xi32>
      %add3A_517 = arith.constant 80 : i32
      %add3A_518 = vector.broadcast %add3A_517 : i32 to vector<16xi32>
      %add3A_519 = arith.addi %add3A_393, %add3A_518 : vector<16xi32>
      %gather3A_520 = tpu.vector_load_idx %arg8[%add3A_516] : memref<528xf32, #tpu.memory_space<vmem>>[vector<16xi32>], vector<16xf32>,
      %gather3A_521 = tpu.vector_load_idx %arg9[%add3A_516] : memref<528xf32, #tpu.memory_space<vmem>>[vector<16xi32>], vector<16xf32>,
      %gather3A_522 = tpu.vector_load_idx %arg8[%add3A_519] : memref<528xf32, #tpu.memory_space<vmem>>[vector<16xi32>], vector<16xf32>,
      %gather3A_523 = tpu.vector_load_idx %arg9[%add3A_519] : memref<528xf32, #tpu.memory_space<vmem>>[vector<16xi32>], vector<16xf32>,
      %mul3A_524 = vector.broadcast %reduce_sum3A_364 : f32 to vector<16xf32>
      %mul3A_525 = arith.mulf %mul3A_524, %gather3A_520 : vector<16xf32>
      %mul3A_526 = vector.broadcast %reduce_sum3A_371 : f32 to vector<16xf32>
      %mul3A_527 = arith.mulf %mul3A_526, %gather3A_521 : vector<16xf32>
      %add3A_528 = arith.addf %mul3A_525, %mul3A_527 : vector<16xf32>
      %mul3A_529 = vector.broadcast %reduce_sum3A_378 : f32 to vector<16xf32>
      %mul3A_530 = arith.mulf %mul3A_529, %gather3A_522 : vector<16xf32>
      %add3A_531 = arith.addf %add3A_528, %mul3A_530 : vector<16xf32>
      %mul3A_532 = vector.broadcast %reduce_sum3A_385 : f32 to vector<16xf32>
      %mul3A_533 = arith.mulf %mul3A_532, %gather3A_523 : vector<16xf32>
      %add3A_534 = arith.addf %add3A_531, %mul3A_533 : vector<16xf32>
      %swap3A_535 = arith.constant 80 : index
      %swap3A_536 = tpu.vector_load %arg10[%swap3A_535] {strides = array<i32>} : memref<512xf32, #tpu.memory_space<vmem>>, vector<16xf32>,
      tpu.vector_store %arg10[%swap3A_535], %add3A_534 {strides = array<i32>} : memref<512xf32, #tpu.memory_space<vmem>>, vector<16xf32>,
      %add3A_537 = arith.constant 96 : i32
      %add3A_538 = vector.broadcast %add3A_537 : i32 to vector<16xi32>
      %add3A_539 = arith.addi %add3A_390, %add3A_538 : vector<16xi32>
      %add3A_540 = arith.constant 96 : i32
      %add3A_541 = vector.broadcast %add3A_540 : i32 to vector<16xi32>
      %add3A_542 = arith.addi %add3A_393, %add3A_541 : vector<16xi32>
      %gather3A_543 = tpu.vector_load_idx %arg8[%add3A_539] : memref<528xf32, #tpu.memory_space<vmem>>[vector<16xi32>], vector<16xf32>,
      %gather3A_544 = tpu.vector_load_idx %arg9[%add3A_539] : memref<528xf32, #tpu.memory_space<vmem>>[vector<16xi32>], vector<16xf32>,
      %gather3A_545 = tpu.vector_load_idx %arg8[%add3A_542] : memref<528xf32, #tpu.memory_space<vmem>>[vector<16xi32>], vector<16xf32>,
      %gather3A_546 = tpu.vector_load_idx %arg9[%add3A_542] : memref<528xf32, #tpu.memory_space<vmem>>[vector<16xi32>], vector<16xf32>,
      %mul3A_547 = vector.broadcast %reduce_sum3A_364 : f32 to vector<16xf32>
      %mul3A_548 = arith.mulf %mul3A_547, %gather3A_543 : vector<16xf32>
      %mul3A_549 = vector.broadcast %reduce_sum3A_371 : f32 to vector<16xf32>
      %mul3A_550 = arith.mulf %mul3A_549, %gather3A_544 : vector<16xf32>
      %add3A_551 = arith.addf %mul3A_548, %mul3A_550 : vector<16xf32>
      %mul3A_552 = vector.broadcast %reduce_sum3A_378 : f32 to vector<16xf32>
      %mul3A_553 = arith.mulf %mul3A_552, %gather3A_545 : vector<16xf32>
      %add3A_554 = arith.addf %add3A_551, %mul3A_553 : vector<16xf32>
      %mul3A_555 = vector.broadcast %reduce_sum3A_385 : f32 to vector<16xf32>
      %mul3A_556 = arith.mulf %mul3A_555, %gather3A_546 : vector<16xf32>
      %add3A_557 = arith.addf %add3A_554, %mul3A_556 : vector<16xf32>
      %swap3A_558 = arith.constant 96 : index
      %swap3A_559 = tpu.vector_load %arg10[%swap3A_558] {strides = array<i32>} : memref<512xf32, #tpu.memory_space<vmem>>, vector<16xf32>,
      tpu.vector_store %arg10[%swap3A_558], %add3A_557 {strides = array<i32>} : memref<512xf32, #tpu.memory_space<vmem>>, vector<16xf32>,
      %add3A_560 = arith.constant 112 : i32
      %add3A_561 = vector.broadcast %add3A_560 : i32 to vector<16xi32>
      %add3A_562 = arith.addi %add3A_390, %add3A_561 : vector<16xi32>
      %add3A_563 = arith.constant 112 : i32
      %add3A_564 = vector.broadcast %add3A_563 : i32 to vector<16xi32>
      %add3A_565 = arith.addi %add3A_393, %add3A_564 : vector<16xi32>
      %gather3A_566 = tpu.vector_load_idx %arg8[%add3A_562] : memref<528xf32, #tpu.memory_space<vmem>>[vector<16xi32>], vector<16xf32>,
      %gather3A_567 = tpu.vector_load_idx %arg9[%add3A_562] : memref<528xf32, #tpu.memory_space<vmem>>[vector<16xi32>], vector<16xf32>,
      %gather3A_568 = tpu.vector_load_idx %arg8[%add3A_565] : memref<528xf32, #tpu.memory_space<vmem>>[vector<16xi32>], vector<16xf32>,
      %gather3A_569 = tpu.vector_load_idx %arg9[%add3A_565] : memref<528xf32, #tpu.memory_space<vmem>>[vector<16xi32>], vector<16xf32>,
      %mul3A_570 = vector.broadcast %reduce_sum3A_364 : f32 to vector<16xf32>
      %mul3A_571 = arith.mulf %mul3A_570, %gather3A_566 : vector<16xf32>
      %mul3A_572 = vector.broadcast %reduce_sum3A_371 : f32 to vector<16xf32>
      %mul3A_573 = arith.mulf %mul3A_572, %gather3A_567 : vector<16xf32>
      %add3A_574 = arith.addf %mul3A_571, %mul3A_573 : vector<16xf32>
      %mul3A_575 = vector.broadcast %reduce_sum3A_378 : f32 to vector<16xf32>
      %mul3A_576 = arith.mulf %mul3A_575, %gather3A_568 : vector<16xf32>
      %add3A_577 = arith.addf %add3A_574, %mul3A_576 : vector<16xf32>
      %mul3A_578 = vector.broadcast %reduce_sum3A_385 : f32 to vector<16xf32>
      %mul3A_579 = arith.mulf %mul3A_578, %gather3A_569 : vector<16xf32>
      %add3A_580 = arith.addf %add3A_577, %mul3A_579 : vector<16xf32>
      %swap3A_581 = arith.constant 112 : index
      %swap3A_582 = tpu.vector_load %arg10[%swap3A_581] {strides = array<i32>} : memref<512xf32, #tpu.memory_space<vmem>>, vector<16xf32>,
      tpu.vector_store %arg10[%swap3A_581], %add3A_580 {strides = array<i32>} : memref<512xf32, #tpu.memory_space<vmem>>, vector<16xf32>,
      %add3A_583 = arith.constant 128 : i32
      %add3A_584 = vector.broadcast %add3A_583 : i32 to vector<16xi32>
      %add3A_585 = arith.addi %add3A_390, %add3A_584 : vector<16xi32>
      %add3A_586 = arith.constant 128 : i32
      %add3A_587 = vector.broadcast %add3A_586 : i32 to vector<16xi32>
      %add3A_588 = arith.addi %add3A_393, %add3A_587 : vector<16xi32>
      %gather3A_589 = tpu.vector_load_idx %arg8[%add3A_585] : memref<528xf32, #tpu.memory_space<vmem>>[vector<16xi32>], vector<16xf32>,
      %gather3A_590 = tpu.vector_load_idx %arg9[%add3A_585] : memref<528xf32, #tpu.memory_space<vmem>>[vector<16xi32>], vector<16xf32>,
      %gather3A_591 = tpu.vector_load_idx %arg8[%add3A_588] : memref<528xf32, #tpu.memory_space<vmem>>[vector<16xi32>], vector<16xf32>,
      %gather3A_592 = tpu.vector_load_idx %arg9[%add3A_588] : memref<528xf32, #tpu.memory_space<vmem>>[vector<16xi32>], vector<16xf32>,
      %mul3A_593 = vector.broadcast %reduce_sum3A_364 : f32 to vector<16xf32>
      %mul3A_594 = arith.mulf %mul3A_593, %gather3A_589 : vector<16xf32>
      %mul3A_595 = vector.broadcast %reduce_sum3A_371 : f32 to vector<16xf32>
      %mul3A_596 = arith.mulf %mul3A_595, %gather3A_590 : vector<16xf32>
      %add3A_597 = arith.addf %mul3A_594, %mul3A_596 : vector<16xf32>
      %mul3A_598 = vector.broadcast %reduce_sum3A_378 : f32 to vector<16xf32>
      %mul3A_599 = arith.mulf %mul3A_598, %gather3A_591 : vector<16xf32>
      %add3A_600 = arith.addf %add3A_597, %mul3A_599 : vector<16xf32>
      %mul3A_601 = vector.broadcast %reduce_sum3A_385 : f32 to vector<16xf32>
      %mul3A_602 = arith.mulf %mul3A_601, %gather3A_592 : vector<16xf32>
      %add3A_603 = arith.addf %add3A_600, %mul3A_602 : vector<16xf32>
      %swap3A_604 = arith.constant 128 : index
      %swap3A_605 = tpu.vector_load %arg10[%swap3A_604] {strides = array<i32>} : memref<512xf32, #tpu.memory_space<vmem>>, vector<16xf32>,
      tpu.vector_store %arg10[%swap3A_604], %add3A_603 {strides = array<i32>} : memref<512xf32, #tpu.memory_space<vmem>>, vector<16xf32>,
      %add3A_606 = arith.constant 144 : i32
      %add3A_607 = vector.broadcast %add3A_606 : i32 to vector<16xi32>
      %add3A_608 = arith.addi %add3A_390, %add3A_607 : vector<16xi32>
      %add3A_609 = arith.constant 144 : i32
      %add3A_610 = vector.broadcast %add3A_609 : i32 to vector<16xi32>
      %add3A_611 = arith.addi %add3A_393, %add3A_610 : vector<16xi32>
      %gather3A_612 = tpu.vector_load_idx %arg8[%add3A_608] : memref<528xf32, #tpu.memory_space<vmem>>[vector<16xi32>], vector<16xf32>,
      %gather3A_613 = tpu.vector_load_idx %arg9[%add3A_608] : memref<528xf32, #tpu.memory_space<vmem>>[vector<16xi32>], vector<16xf32>,
      %gather3A_614 = tpu.vector_load_idx %arg8[%add3A_611] : memref<528xf32, #tpu.memory_space<vmem>>[vector<16xi32>], vector<16xf32>,
      %gather3A_615 = tpu.vector_load_idx %arg9[%add3A_611] : memref<528xf32, #tpu.memory_space<vmem>>[vector<16xi32>], vector<16xf32>,
      %mul3A_616 = vector.broadcast %reduce_sum3A_364 : f32 to vector<16xf32>
      %mul3A_617 = arith.mulf %mul3A_616, %gather3A_612 : vector<16xf32>
      %mul3A_618 = vector.broadcast %reduce_sum3A_371 : f32 to vector<16xf32>
      %mul3A_619 = arith.mulf %mul3A_618, %gather3A_613 : vector<16xf32>
      %add3A_620 = arith.addf %mul3A_617, %mul3A_619 : vector<16xf32>
      %mul3A_621 = vector.broadcast %reduce_sum3A_378 : f32 to vector<16xf32>
      %mul3A_622 = arith.mulf %mul3A_621, %gather3A_614 : vector<16xf32>
      %add3A_623 = arith.addf %add3A_620, %mul3A_622 : vector<16xf32>
      %mul3A_624 = vector.broadcast %reduce_sum3A_385 : f32 to vector<16xf32>
      %mul3A_625 = arith.mulf %mul3A_624, %gather3A_615 : vector<16xf32>
      %add3A_626 = arith.addf %add3A_623, %mul3A_625 : vector<16xf32>
      %swap3A_627 = arith.constant 144 : index
      %swap3A_628 = tpu.vector_load %arg10[%swap3A_627] {strides = array<i32>} : memref<512xf32, #tpu.memory_space<vmem>>, vector<16xf32>,
      tpu.vector_store %arg10[%swap3A_627], %add3A_626 {strides = array<i32>} : memref<512xf32, #tpu.memory_space<vmem>>, vector<16xf32>,
      %add3A_629 = arith.constant 160 : i32
      %add3A_630 = vector.broadcast %add3A_629 : i32 to vector<16xi32>
      %add3A_631 = arith.addi %add3A_390, %add3A_630 : vector<16xi32>
      %add3A_632 = arith.constant 160 : i32
      %add3A_633 = vector.broadcast %add3A_632 : i32 to vector<16xi32>
      %add3A_634 = arith.addi %add3A_393, %add3A_633 : vector<16xi32>
      %gather3A_635 = tpu.vector_load_idx %arg8[%add3A_631] : memref<528xf32, #tpu.memory_space<vmem>>[vector<16xi32>], vector<16xf32>,
      %gather3A_636 = tpu.vector_load_idx %arg9[%add3A_631] : memref<528xf32, #tpu.memory_space<vmem>>[vector<16xi32>], vector<16xf32>,
      %gather3A_637 = tpu.vector_load_idx %arg8[%add3A_634] : memref<528xf32, #tpu.memory_space<vmem>>[vector<16xi32>], vector<16xf32>,
      %gather3A_638 = tpu.vector_load_idx %arg9[%add3A_634] : memref<528xf32, #tpu.memory_space<vmem>>[vector<16xi32>], vector<16xf32>,
      %mul3A_639 = vector.broadcast %reduce_sum3A_364 : f32 to vector<16xf32>
      %mul3A_640 = arith.mulf %mul3A_639, %gather3A_635 : vector<16xf32>
      %mul3A_641 = vector.broadcast %reduce_sum3A_371 : f32 to vector<16xf32>
      %mul3A_642 = arith.mulf %mul3A_641, %gather3A_636 : vector<16xf32>
      %add3A_643 = arith.addf %mul3A_640, %mul3A_642 : vector<16xf32>
      %mul3A_644 = vector.broadcast %reduce_sum3A_378 : f32 to vector<16xf32>
      %mul3A_645 = arith.mulf %mul3A_644, %gather3A_637 : vector<16xf32>
      %add3A_646 = arith.addf %add3A_643, %mul3A_645 : vector<16xf32>
      %mul3A_647 = vector.broadcast %reduce_sum3A_385 : f32 to vector<16xf32>
      %mul3A_648 = arith.mulf %mul3A_647, %gather3A_638 : vector<16xf32>
      %add3A_649 = arith.addf %add3A_646, %mul3A_648 : vector<16xf32>
      %swap3A_650 = arith.constant 160 : index
      %swap3A_651 = tpu.vector_load %arg10[%swap3A_650] {strides = array<i32>} : memref<512xf32, #tpu.memory_space<vmem>>, vector<16xf32>,
      tpu.vector_store %arg10[%swap3A_650], %add3A_649 {strides = array<i32>} : memref<512xf32, #tpu.memory_space<vmem>>, vector<16xf32>,
      %add3A_652 = arith.constant 176 : i32
      %add3A_653 = vector.broadcast %add3A_652 : i32 to vector<16xi32>
      %add3A_654 = arith.addi %add3A_390, %add3A_653 : vector<16xi32>
      %add3A_655 = arith.constant 176 : i32
      %add3A_656 = vector.broadcast %add3A_655 : i32 to vector<16xi32>
      %add3A_657 = arith.addi %add3A_393, %add3A_656 : vector<16xi32>
      %gather3A_658 = tpu.vector_load_idx %arg8[%add3A_654] : memref<528xf32, #tpu.memory_space<vmem>>[vector<16xi32>], vector<16xf32>,
      %gather3A_659 = tpu.vector_load_idx %arg9[%add3A_654] : memref<528xf32, #tpu.memory_space<vmem>>[vector<16xi32>], vector<16xf32>,
      %gather3A_660 = tpu.vector_load_idx %arg8[%add3A_657] : memref<528xf32, #tpu.memory_space<vmem>>[vector<16xi32>], vector<16xf32>,
      %gather3A_661 = tpu.vector_load_idx %arg9[%add3A_657] : memref<528xf32, #tpu.memory_space<vmem>>[vector<16xi32>], vector<16xf32>,
      %mul3A_662 = vector.broadcast %reduce_sum3A_364 : f32 to vector<16xf32>
      %mul3A_663 = arith.mulf %mul3A_662, %gather3A_658 : vector<16xf32>
      %mul3A_664 = vector.broadcast %reduce_sum3A_371 : f32 to vector<16xf32>
      %mul3A_665 = arith.mulf %mul3A_664, %gather3A_659 : vector<16xf32>
      %add3A_666 = arith.addf %mul3A_663, %mul3A_665 : vector<16xf32>
      %mul3A_667 = vector.broadcast %reduce_sum3A_378 : f32 to vector<16xf32>
      %mul3A_668 = arith.mulf %mul3A_667, %gather3A_660 : vector<16xf32>
      %add3A_669 = arith.addf %add3A_666, %mul3A_668 : vector<16xf32>
      %mul3A_670 = vector.broadcast %reduce_sum3A_385 : f32 to vector<16xf32>
      %mul3A_671 = arith.mulf %mul3A_670, %gather3A_661 : vector<16xf32>
      %add3A_672 = arith.addf %add3A_669, %mul3A_671 : vector<16xf32>
      %swap3A_673 = arith.constant 176 : index
      %swap3A_674 = tpu.vector_load %arg10[%swap3A_673] {strides = array<i32>} : memref<512xf32, #tpu.memory_space<vmem>>, vector<16xf32>,
      tpu.vector_store %arg10[%swap3A_673], %add3A_672 {strides = array<i32>} : memref<512xf32, #tpu.memory_space<vmem>>, vector<16xf32>,
      %add3A_675 = arith.constant 192 : i32
      %add3A_676 = vector.broadcast %add3A_675 : i32 to vector<16xi32>
      %add3A_677 = arith.addi %add3A_390, %add3A_676 : vector<16xi32>
      %add3A_678 = arith.constant 192 : i32
      %add3A_679 = vector.broadcast %add3A_678 : i32 to vector<16xi32>
      %add3A_680 = arith.addi %add3A_393, %add3A_679 : vector<16xi32>
      %gather3A_681 = tpu.vector_load_idx %arg8[%add3A_677] : memref<528xf32, #tpu.memory_space<vmem>>[vector<16xi32>], vector<16xf32>,
      %gather3A_682 = tpu.vector_load_idx %arg9[%add3A_677] : memref<528xf32, #tpu.memory_space<vmem>>[vector<16xi32>], vector<16xf32>,
      %gather3A_683 = tpu.vector_load_idx %arg8[%add3A_680] : memref<528xf32, #tpu.memory_space<vmem>>[vector<16xi32>], vector<16xf32>,
      %gather3A_684 = tpu.vector_load_idx %arg9[%add3A_680] : memref<528xf32, #tpu.memory_space<vmem>>[vector<16xi32>], vector<16xf32>,
      %mul3A_685 = vector.broadcast %reduce_sum3A_364 : f32 to vector<16xf32>
      %mul3A_686 = arith.mulf %mul3A_685, %gather3A_681 : vector<16xf32>
      %mul3A_687 = vector.broadcast %reduce_sum3A_371 : f32 to vector<16xf32>
      %mul3A_688 = arith.mulf %mul3A_687, %gather3A_682 : vector<16xf32>
      %add3A_689 = arith.addf %mul3A_686, %mul3A_688 : vector<16xf32>
      %mul3A_690 = vector.broadcast %reduce_sum3A_378 : f32 to vector<16xf32>
      %mul3A_691 = arith.mulf %mul3A_690, %gather3A_683 : vector<16xf32>
      %add3A_692 = arith.addf %add3A_689, %mul3A_691 : vector<16xf32>
      %mul3A_693 = vector.broadcast %reduce_sum3A_385 : f32 to vector<16xf32>
      %mul3A_694 = arith.mulf %mul3A_693, %gather3A_684 : vector<16xf32>
      %add3A_695 = arith.addf %add3A_692, %mul3A_694 : vector<16xf32>
      %swap3A_696 = arith.constant 192 : index
      %swap3A_697 = tpu.vector_load %arg10[%swap3A_696] {strides = array<i32>} : memref<512xf32, #tpu.memory_space<vmem>>, vector<16xf32>,
      tpu.vector_store %arg10[%swap3A_696], %add3A_695 {strides = array<i32>} : memref<512xf32, #tpu.memory_space<vmem>>, vector<16xf32>,
      %add3A_698 = arith.constant 208 : i32
      %add3A_699 = vector.broadcast %add3A_698 : i32 to vector<16xi32>
      %add3A_700 = arith.addi %add3A_390, %add3A_699 : vector<16xi32>
      %add3A_701 = arith.constant 208 : i32
      %add3A_702 = vector.broadcast %add3A_701 : i32 to vector<16xi32>
      %add3A_703 = arith.addi %add3A_393, %add3A_702 : vector<16xi32>
      %gather3A_704 = tpu.vector_load_idx %arg8[%add3A_700] : memref<528xf32, #tpu.memory_space<vmem>>[vector<16xi32>], vector<16xf32>,
      %gather3A_705 = tpu.vector_load_idx %arg9[%add3A_700] : memref<528xf32, #tpu.memory_space<vmem>>[vector<16xi32>], vector<16xf32>,
      %gather3A_706 = tpu.vector_load_idx %arg8[%add3A_703] : memref<528xf32, #tpu.memory_space<vmem>>[vector<16xi32>], vector<16xf32>,
      %gather3A_707 = tpu.vector_load_idx %arg9[%add3A_703] : memref<528xf32, #tpu.memory_space<vmem>>[vector<16xi32>], vector<16xf32>,
      %mul3A_708 = vector.broadcast %reduce_sum3A_364 : f32 to vector<16xf32>
      %mul3A_709 = arith.mulf %mul3A_708, %gather3A_704 : vector<16xf32>
      %mul3A_710 = vector.broadcast %reduce_sum3A_371 : f32 to vector<16xf32>
      %mul3A_711 = arith.mulf %mul3A_710, %gather3A_705 : vector<16xf32>
      %add3A_712 = arith.addf %mul3A_709, %mul3A_711 : vector<16xf32>
      %mul3A_713 = vector.broadcast %reduce_sum3A_378 : f32 to vector<16xf32>
      %mul3A_714 = arith.mulf %mul3A_713, %gather3A_706 : vector<16xf32>
      %add3A_715 = arith.addf %add3A_712, %mul3A_714 : vector<16xf32>
      %mul3A_716 = vector.broadcast %reduce_sum3A_385 : f32 to vector<16xf32>
      %mul3A_717 = arith.mulf %mul3A_716, %gather3A_707 : vector<16xf32>
      %add3A_718 = arith.addf %add3A_715, %mul3A_717 : vector<16xf32>
      %swap3A_719 = arith.constant 208 : index
      %swap3A_720 = tpu.vector_load %arg10[%swap3A_719] {strides = array<i32>} : memref<512xf32, #tpu.memory_space<vmem>>, vector<16xf32>,
      tpu.vector_store %arg10[%swap3A_719], %add3A_718 {strides = array<i32>} : memref<512xf32, #tpu.memory_space<vmem>>, vector<16xf32>,
      %add3A_721 = arith.constant 224 : i32
      %add3A_722 = vector.broadcast %add3A_721 : i32 to vector<16xi32>
      %add3A_723 = arith.addi %add3A_390, %add3A_722 : vector<16xi32>
      %add3A_724 = arith.constant 224 : i32
      %add3A_725 = vector.broadcast %add3A_724 : i32 to vector<16xi32>
      %add3A_726 = arith.addi %add3A_393, %add3A_725 : vector<16xi32>
      %gather3A_727 = tpu.vector_load_idx %arg8[%add3A_723] : memref<528xf32, #tpu.memory_space<vmem>>[vector<16xi32>], vector<16xf32>,
      %gather3A_728 = tpu.vector_load_idx %arg9[%add3A_723] : memref<528xf32, #tpu.memory_space<vmem>>[vector<16xi32>], vector<16xf32>,
      %gather3A_729 = tpu.vector_load_idx %arg8[%add3A_726] : memref<528xf32, #tpu.memory_space<vmem>>[vector<16xi32>], vector<16xf32>,
      %gather3A_730 = tpu.vector_load_idx %arg9[%add3A_726] : memref<528xf32, #tpu.memory_space<vmem>>[vector<16xi32>], vector<16xf32>,
      %mul3A_731 = vector.broadcast %reduce_sum3A_364 : f32 to vector<16xf32>
      %mul3A_732 = arith.mulf %mul3A_731, %gather3A_727 : vector<16xf32>
      %mul3A_733 = vector.broadcast %reduce_sum3A_371 : f32 to vector<16xf32>
      %mul3A_734 = arith.mulf %mul3A_733, %gather3A_728 : vector<16xf32>
      %add3A_735 = arith.addf %mul3A_732, %mul3A_734 : vector<16xf32>
      %mul3A_736 = vector.broadcast %reduce_sum3A_378 : f32 to vector<16xf32>
      %mul3A_737 = arith.mulf %mul3A_736, %gather3A_729 : vector<16xf32>
      %add3A_738 = arith.addf %add3A_735, %mul3A_737 : vector<16xf32>
      %mul3A_739 = vector.broadcast %reduce_sum3A_385 : f32 to vector<16xf32>
      %mul3A_740 = arith.mulf %mul3A_739, %gather3A_730 : vector<16xf32>
      %add3A_741 = arith.addf %add3A_738, %mul3A_740 : vector<16xf32>
      %swap3A_742 = arith.constant 224 : index
      %swap3A_743 = tpu.vector_load %arg10[%swap3A_742] {strides = array<i32>} : memref<512xf32, #tpu.memory_space<vmem>>, vector<16xf32>,
      tpu.vector_store %arg10[%swap3A_742], %add3A_741 {strides = array<i32>} : memref<512xf32, #tpu.memory_space<vmem>>, vector<16xf32>,
      %add3A_744 = arith.constant 240 : i32
      %add3A_745 = vector.broadcast %add3A_744 : i32 to vector<16xi32>
      %add3A_746 = arith.addi %add3A_390, %add3A_745 : vector<16xi32>
      %add3A_747 = arith.constant 240 : i32
      %add3A_748 = vector.broadcast %add3A_747 : i32 to vector<16xi32>
      %add3A_749 = arith.addi %add3A_393, %add3A_748 : vector<16xi32>
      %gather3A_750 = tpu.vector_load_idx %arg8[%add3A_746] : memref<528xf32, #tpu.memory_space<vmem>>[vector<16xi32>], vector<16xf32>,
      %gather3A_751 = tpu.vector_load_idx %arg9[%add3A_746] : memref<528xf32, #tpu.memory_space<vmem>>[vector<16xi32>], vector<16xf32>,
      %gather3A_752 = tpu.vector_load_idx %arg8[%add3A_749] : memref<528xf32, #tpu.memory_space<vmem>>[vector<16xi32>], vector<16xf32>,
      %gather3A_753 = tpu.vector_load_idx %arg9[%add3A_749] : memref<528xf32, #tpu.memory_space<vmem>>[vector<16xi32>], vector<16xf32>,
      %mul3A_754 = vector.broadcast %reduce_sum3A_364 : f32 to vector<16xf32>
      %mul3A_755 = arith.mulf %mul3A_754, %gather3A_750 : vector<16xf32>
      %mul3A_756 = vector.broadcast %reduce_sum3A_371 : f32 to vector<16xf32>
      %mul3A_757 = arith.mulf %mul3A_756, %gather3A_751 : vector<16xf32>
      %add3A_758 = arith.addf %mul3A_755, %mul3A_757 : vector<16xf32>
      %mul3A_759 = vector.broadcast %reduce_sum3A_378 : f32 to vector<16xf32>
      %mul3A_760 = arith.mulf %mul3A_759, %gather3A_752 : vector<16xf32>
      %add3A_761 = arith.addf %add3A_758, %mul3A_760 : vector<16xf32>
      %mul3A_762 = vector.broadcast %reduce_sum3A_385 : f32 to vector<16xf32>
      %mul3A_763 = arith.mulf %mul3A_762, %gather3A_753 : vector<16xf32>
      %add3A_764 = arith.addf %add3A_761, %mul3A_763 : vector<16xf32>
      %swap3A_765 = arith.constant 240 : index
      %swap3A_766 = tpu.vector_load %arg10[%swap3A_765] {strides = array<i32>} : memref<512xf32, #tpu.memory_space<vmem>>, vector<16xf32>,
      tpu.vector_store %arg10[%swap3A_765], %add3A_764 {strides = array<i32>} : memref<512xf32, #tpu.memory_space<vmem>>, vector<16xf32>,
      %add3A_767 = arith.constant 256 : i32
      %add3A_768 = vector.broadcast %add3A_767 : i32 to vector<16xi32>
      %add3A_769 = arith.addi %add3A_390, %add3A_768 : vector<16xi32>
      %add3A_770 = arith.constant 256 : i32
      %add3A_771 = vector.broadcast %add3A_770 : i32 to vector<16xi32>
      %add3A_772 = arith.addi %add3A_393, %add3A_771 : vector<16xi32>
      %gather3A_773 = tpu.vector_load_idx %arg8[%add3A_769] : memref<528xf32, #tpu.memory_space<vmem>>[vector<16xi32>], vector<16xf32>,
      %gather3A_774 = tpu.vector_load_idx %arg9[%add3A_769] : memref<528xf32, #tpu.memory_space<vmem>>[vector<16xi32>], vector<16xf32>,
      %gather3A_775 = tpu.vector_load_idx %arg8[%add3A_772] : memref<528xf32, #tpu.memory_space<vmem>>[vector<16xi32>], vector<16xf32>,
      %gather3A_776 = tpu.vector_load_idx %arg9[%add3A_772] : memref<528xf32, #tpu.memory_space<vmem>>[vector<16xi32>], vector<16xf32>,
      %mul3A_777 = vector.broadcast %reduce_sum3A_364 : f32 to vector<16xf32>
      %mul3A_778 = arith.mulf %mul3A_777, %gather3A_773 : vector<16xf32>
      %mul3A_779 = vector.broadcast %reduce_sum3A_371 : f32 to vector<16xf32>
      %mul3A_780 = arith.mulf %mul3A_779, %gather3A_774 : vector<16xf32>
      %add3A_781 = arith.addf %mul3A_778, %mul3A_780 : vector<16xf32>
      %mul3A_782 = vector.broadcast %reduce_sum3A_378 : f32 to vector<16xf32>
      %mul3A_783 = arith.mulf %mul3A_782, %gather3A_775 : vector<16xf32>
      %add3A_784 = arith.addf %add3A_781, %mul3A_783 : vector<16xf32>
      %mul3A_785 = vector.broadcast %reduce_sum3A_385 : f32 to vector<16xf32>
      %mul3A_786 = arith.mulf %mul3A_785, %gather3A_776 : vector<16xf32>
      %add3A_787 = arith.addf %add3A_784, %mul3A_786 : vector<16xf32>
      %swap3A_788 = arith.constant 256 : index
      %swap3A_789 = tpu.vector_load %arg10[%swap3A_788] {strides = array<i32>} : memref<512xf32, #tpu.memory_space<vmem>>, vector<16xf32>,
      tpu.vector_store %arg10[%swap3A_788], %add3A_787 {strides = array<i32>} : memref<512xf32, #tpu.memory_space<vmem>>, vector<16xf32>,
      %add3A_790 = arith.constant 272 : i32
      %add3A_791 = vector.broadcast %add3A_790 : i32 to vector<16xi32>
      %add3A_792 = arith.addi %add3A_390, %add3A_791 : vector<16xi32>
      %add3A_793 = arith.constant 272 : i32
      %add3A_794 = vector.broadcast %add3A_793 : i32 to vector<16xi32>
      %add3A_795 = arith.addi %add3A_393, %add3A_794 : vector<16xi32>
      %gather3A_796 = tpu.vector_load_idx %arg8[%add3A_792] : memref<528xf32, #tpu.memory_space<vmem>>[vector<16xi32>], vector<16xf32>,
      %gather3A_797 = tpu.vector_load_idx %arg9[%add3A_792] : memref<528xf32, #tpu.memory_space<vmem>>[vector<16xi32>], vector<16xf32>,
      %gather3A_798 = tpu.vector_load_idx %arg8[%add3A_795] : memref<528xf32, #tpu.memory_space<vmem>>[vector<16xi32>], vector<16xf32>,
      %gather3A_799 = tpu.vector_load_idx %arg9[%add3A_795] : memref<528xf32, #tpu.memory_space<vmem>>[vector<16xi32>], vector<16xf32>,
      %mul3A_800 = vector.broadcast %reduce_sum3A_364 : f32 to vector<16xf32>
      %mul3A_801 = arith.mulf %mul3A_800, %gather3A_796 : vector<16xf32>
      %mul3A_802 = vector.broadcast %reduce_sum3A_371 : f32 to vector<16xf32>
      %mul3A_803 = arith.mulf %mul3A_802, %gather3A_797 : vector<16xf32>
      %add3A_804 = arith.addf %mul3A_801, %mul3A_803 : vector<16xf32>
      %mul3A_805 = vector.broadcast %reduce_sum3A_378 : f32 to vector<16xf32>
      %mul3A_806 = arith.mulf %mul3A_805, %gather3A_798 : vector<16xf32>
      %add3A_807 = arith.addf %add3A_804, %mul3A_806 : vector<16xf32>
      %mul3A_808 = vector.broadcast %reduce_sum3A_385 : f32 to vector<16xf32>
      %mul3A_809 = arith.mulf %mul3A_808, %gather3A_799 : vector<16xf32>
      %add3A_810 = arith.addf %add3A_807, %mul3A_809 : vector<16xf32>
      %swap3A_811 = arith.constant 272 : index
      %swap3A_812 = tpu.vector_load %arg10[%swap3A_811] {strides = array<i32>} : memref<512xf32, #tpu.memory_space<vmem>>, vector<16xf32>,
      tpu.vector_store %arg10[%swap3A_811], %add3A_810 {strides = array<i32>} : memref<512xf32, #tpu.memory_space<vmem>>, vector<16xf32>,
      %add3A_813 = arith.constant 288 : i32
      %add3A_814 = vector.broadcast %add3A_813 : i32 to vector<16xi32>
      %add3A_815 = arith.addi %add3A_390, %add3A_814 : vector<16xi32>
      %add3A_816 = arith.constant 288 : i32
      %add3A_817 = vector.broadcast %add3A_816 : i32 to vector<16xi32>
      %add3A_818 = arith.addi %add3A_393, %add3A_817 : vector<16xi32>
      %gather3A_819 = tpu.vector_load_idx %arg8[%add3A_815] : memref<528xf32, #tpu.memory_space<vmem>>[vector<16xi32>], vector<16xf32>,
      %gather3A_820 = tpu.vector_load_idx %arg9[%add3A_815] : memref<528xf32, #tpu.memory_space<vmem>>[vector<16xi32>], vector<16xf32>,
      %gather3A_821 = tpu.vector_load_idx %arg8[%add3A_818] : memref<528xf32, #tpu.memory_space<vmem>>[vector<16xi32>], vector<16xf32>,
      %gather3A_822 = tpu.vector_load_idx %arg9[%add3A_818] : memref<528xf32, #tpu.memory_space<vmem>>[vector<16xi32>], vector<16xf32>,
      %mul3A_823 = vector.broadcast %reduce_sum3A_364 : f32 to vector<16xf32>
      %mul3A_824 = arith.mulf %mul3A_823, %gather3A_819 : vector<16xf32>
      %mul3A_825 = vector.broadcast %reduce_sum3A_371 : f32 to vector<16xf32>
      %mul3A_826 = arith.mulf %mul3A_825, %gather3A_820 : vector<16xf32>
      %add3A_827 = arith.addf %mul3A_824, %mul3A_826 : vector<16xf32>
      %mul3A_828 = vector.broadcast %reduce_sum3A_378 : f32 to vector<16xf32>
      %mul3A_829 = arith.mulf %mul3A_828, %gather3A_821 : vector<16xf32>
      %add3A_830 = arith.addf %add3A_827, %mul3A_829 : vector<16xf32>
      %mul3A_831 = vector.broadcast %reduce_sum3A_385 : f32 to vector<16xf32>
      %mul3A_832 = arith.mulf %mul3A_831, %gather3A_822 : vector<16xf32>
      %add3A_833 = arith.addf %add3A_830, %mul3A_832 : vector<16xf32>
      %swap3A_834 = arith.constant 288 : index
      %swap3A_835 = tpu.vector_load %arg10[%swap3A_834] {strides = array<i32>} : memref<512xf32, #tpu.memory_space<vmem>>, vector<16xf32>,
      tpu.vector_store %arg10[%swap3A_834], %add3A_833 {strides = array<i32>} : memref<512xf32, #tpu.memory_space<vmem>>, vector<16xf32>,
      %add3A_836 = arith.constant 304 : i32
      %add3A_837 = vector.broadcast %add3A_836 : i32 to vector<16xi32>
      %add3A_838 = arith.addi %add3A_390, %add3A_837 : vector<16xi32>
      %add3A_839 = arith.constant 304 : i32
      %add3A_840 = vector.broadcast %add3A_839 : i32 to vector<16xi32>
      %add3A_841 = arith.addi %add3A_393, %add3A_840 : vector<16xi32>
      %gather3A_842 = tpu.vector_load_idx %arg8[%add3A_838] : memref<528xf32, #tpu.memory_space<vmem>>[vector<16xi32>], vector<16xf32>,
      %gather3A_843 = tpu.vector_load_idx %arg9[%add3A_838] : memref<528xf32, #tpu.memory_space<vmem>>[vector<16xi32>], vector<16xf32>,
      %gather3A_844 = tpu.vector_load_idx %arg8[%add3A_841] : memref<528xf32, #tpu.memory_space<vmem>>[vector<16xi32>], vector<16xf32>,
      %gather3A_845 = tpu.vector_load_idx %arg9[%add3A_841] : memref<528xf32, #tpu.memory_space<vmem>>[vector<16xi32>], vector<16xf32>,
      %mul3A_846 = vector.broadcast %reduce_sum3A_364 : f32 to vector<16xf32>
      %mul3A_847 = arith.mulf %mul3A_846, %gather3A_842 : vector<16xf32>
      %mul3A_848 = vector.broadcast %reduce_sum3A_371 : f32 to vector<16xf32>
      %mul3A_849 = arith.mulf %mul3A_848, %gather3A_843 : vector<16xf32>
      %add3A_850 = arith.addf %mul3A_847, %mul3A_849 : vector<16xf32>
      %mul3A_851 = vector.broadcast %reduce_sum3A_378 : f32 to vector<16xf32>
      %mul3A_852 = arith.mulf %mul3A_851, %gather3A_844 : vector<16xf32>
      %add3A_853 = arith.addf %add3A_850, %mul3A_852 : vector<16xf32>
      %mul3A_854 = vector.broadcast %reduce_sum3A_385 : f32 to vector<16xf32>
      %mul3A_855 = arith.mulf %mul3A_854, %gather3A_845 : vector<16xf32>
      %add3A_856 = arith.addf %add3A_853, %mul3A_855 : vector<16xf32>
      %swap3A_857 = arith.constant 304 : index
      %swap3A_858 = tpu.vector_load %arg10[%swap3A_857] {strides = array<i32>} : memref<512xf32, #tpu.memory_space<vmem>>, vector<16xf32>,
      tpu.vector_store %arg10[%swap3A_857], %add3A_856 {strides = array<i32>} : memref<512xf32, #tpu.memory_space<vmem>>, vector<16xf32>,
      %add3A_859 = arith.constant 320 : i32
      %add3A_860 = vector.broadcast %add3A_859 : i32 to vector<16xi32>
      %add3A_861 = arith.addi %add3A_390, %add3A_860 : vector<16xi32>
      %add3A_862 = arith.constant 320 : i32
      %add3A_863 = vector.broadcast %add3A_862 : i32 to vector<16xi32>
      %add3A_864 = arith.addi %add3A_393, %add3A_863 : vector<16xi32>
      %gather3A_865 = tpu.vector_load_idx %arg8[%add3A_861] : memref<528xf32, #tpu.memory_space<vmem>>[vector<16xi32>], vector<16xf32>,
      %gather3A_866 = tpu.vector_load_idx %arg9[%add3A_861] : memref<528xf32, #tpu.memory_space<vmem>>[vector<16xi32>], vector<16xf32>,
      %gather3A_867 = tpu.vector_load_idx %arg8[%add3A_864] : memref<528xf32, #tpu.memory_space<vmem>>[vector<16xi32>], vector<16xf32>,
      %gather3A_868 = tpu.vector_load_idx %arg9[%add3A_864] : memref<528xf32, #tpu.memory_space<vmem>>[vector<16xi32>], vector<16xf32>,
      %mul3A_869 = vector.broadcast %reduce_sum3A_364 : f32 to vector<16xf32>
      %mul3A_870 = arith.mulf %mul3A_869, %gather3A_865 : vector<16xf32>
      %mul3A_871 = vector.broadcast %reduce_sum3A_371 : f32 to vector<16xf32>
      %mul3A_872 = arith.mulf %mul3A_871, %gather3A_866 : vector<16xf32>
      %add3A_873 = arith.addf %mul3A_870, %mul3A_872 : vector<16xf32>
      %mul3A_874 = vector.broadcast %reduce_sum3A_378 : f32 to vector<16xf32>
      %mul3A_875 = arith.mulf %mul3A_874, %gather3A_867 : vector<16xf32>
      %add3A_876 = arith.addf %add3A_873, %mul3A_875 : vector<16xf32>
      %mul3A_877 = vector.broadcast %reduce_sum3A_385 : f32 to vector<16xf32>
      %mul3A_878 = arith.mulf %mul3A_877, %gather3A_868 : vector<16xf32>
      %add3A_879 = arith.addf %add3A_876, %mul3A_878 : vector<16xf32>
      %swap3A_880 = arith.constant 320 : index
      %swap3A_881 = tpu.vector_load %arg10[%swap3A_880] {strides = array<i32>} : memref<512xf32, #tpu.memory_space<vmem>>, vector<16xf32>,
      tpu.vector_store %arg10[%swap3A_880], %add3A_879 {strides = array<i32>} : memref<512xf32, #tpu.memory_space<vmem>>, vector<16xf32>,
      %add3A_882 = arith.constant 336 : i32
      %add3A_883 = vector.broadcast %add3A_882 : i32 to vector<16xi32>
      %add3A_884 = arith.addi %add3A_390, %add3A_883 : vector<16xi32>
      %add3A_885 = arith.constant 336 : i32
      %add3A_886 = vector.broadcast %add3A_885 : i32 to vector<16xi32>
      %add3A_887 = arith.addi %add3A_393, %add3A_886 : vector<16xi32>
      %gather3A_888 = tpu.vector_load_idx %arg8[%add3A_884] : memref<528xf32, #tpu.memory_space<vmem>>[vector<16xi32>], vector<16xf32>,
      %gather3A_889 = tpu.vector_load_idx %arg9[%add3A_884] : memref<528xf32, #tpu.memory_space<vmem>>[vector<16xi32>], vector<16xf32>,
      %gather3A_890 = tpu.vector_load_idx %arg8[%add3A_887] : memref<528xf32, #tpu.memory_space<vmem>>[vector<16xi32>], vector<16xf32>,
      %gather3A_891 = tpu.vector_load_idx %arg9[%add3A_887] : memref<528xf32, #tpu.memory_space<vmem>>[vector<16xi32>], vector<16xf32>,
      %mul3A_892 = vector.broadcast %reduce_sum3A_364 : f32 to vector<16xf32>
      %mul3A_893 = arith.mulf %mul3A_892, %gather3A_888 : vector<16xf32>
      %mul3A_894 = vector.broadcast %reduce_sum3A_371 : f32 to vector<16xf32>
      %mul3A_895 = arith.mulf %mul3A_894, %gather3A_889 : vector<16xf32>
      %add3A_896 = arith.addf %mul3A_893, %mul3A_895 : vector<16xf32>
      %mul3A_897 = vector.broadcast %reduce_sum3A_378 : f32 to vector<16xf32>
      %mul3A_898 = arith.mulf %mul3A_897, %gather3A_890 : vector<16xf32>
      %add3A_899 = arith.addf %add3A_896, %mul3A_898 : vector<16xf32>
      %mul3A_900 = vector.broadcast %reduce_sum3A_385 : f32 to vector<16xf32>
      %mul3A_901 = arith.mulf %mul3A_900, %gather3A_891 : vector<16xf32>
      %add3A_902 = arith.addf %add3A_899, %mul3A_901 : vector<16xf32>
      %swap3A_903 = arith.constant 336 : index
      %swap3A_904 = tpu.vector_load %arg10[%swap3A_903] {strides = array<i32>} : memref<512xf32, #tpu.memory_space<vmem>>, vector<16xf32>,
      tpu.vector_store %arg10[%swap3A_903], %add3A_902 {strides = array<i32>} : memref<512xf32, #tpu.memory_space<vmem>>, vector<16xf32>,
      %add3A_905 = arith.constant 352 : i32
      %add3A_906 = vector.broadcast %add3A_905 : i32 to vector<16xi32>
      %add3A_907 = arith.addi %add3A_390, %add3A_906 : vector<16xi32>
      %add3A_908 = arith.constant 352 : i32
      %add3A_909 = vector.broadcast %add3A_908 : i32 to vector<16xi32>
      %add3A_910 = arith.addi %add3A_393, %add3A_909 : vector<16xi32>
      %gather3A_911 = tpu.vector_load_idx %arg8[%add3A_907] : memref<528xf32, #tpu.memory_space<vmem>>[vector<16xi32>], vector<16xf32>,
      %gather3A_912 = tpu.vector_load_idx %arg9[%add3A_907] : memref<528xf32, #tpu.memory_space<vmem>>[vector<16xi32>], vector<16xf32>,
      %gather3A_913 = tpu.vector_load_idx %arg8[%add3A_910] : memref<528xf32, #tpu.memory_space<vmem>>[vector<16xi32>], vector<16xf32>,
      %gather3A_914 = tpu.vector_load_idx %arg9[%add3A_910] : memref<528xf32, #tpu.memory_space<vmem>>[vector<16xi32>], vector<16xf32>,
      %mul3A_915 = vector.broadcast %reduce_sum3A_364 : f32 to vector<16xf32>
      %mul3A_916 = arith.mulf %mul3A_915, %gather3A_911 : vector<16xf32>
      %mul3A_917 = vector.broadcast %reduce_sum3A_371 : f32 to vector<16xf32>
      %mul3A_918 = arith.mulf %mul3A_917, %gather3A_912 : vector<16xf32>
      %add3A_919 = arith.addf %mul3A_916, %mul3A_918 : vector<16xf32>
      %mul3A_920 = vector.broadcast %reduce_sum3A_378 : f32 to vector<16xf32>
      %mul3A_921 = arith.mulf %mul3A_920, %gather3A_913 : vector<16xf32>
      %add3A_922 = arith.addf %add3A_919, %mul3A_921 : vector<16xf32>
      %mul3A_923 = vector.broadcast %reduce_sum3A_385 : f32 to vector<16xf32>
      %mul3A_924 = arith.mulf %mul3A_923, %gather3A_914 : vector<16xf32>
      %add3A_925 = arith.addf %add3A_922, %mul3A_924 : vector<16xf32>
      %swap3A_926 = arith.constant 352 : index
      %swap3A_927 = tpu.vector_load %arg10[%swap3A_926] {strides = array<i32>} : memref<512xf32, #tpu.memory_space<vmem>>, vector<16xf32>,
      tpu.vector_store %arg10[%swap3A_926], %add3A_925 {strides = array<i32>} : memref<512xf32, #tpu.memory_space<vmem>>, vector<16xf32>,
      %add3A_928 = arith.constant 368 : i32
      %add3A_929 = vector.broadcast %add3A_928 : i32 to vector<16xi32>
      %add3A_930 = arith.addi %add3A_390, %add3A_929 : vector<16xi32>
      %add3A_931 = arith.constant 368 : i32
      %add3A_932 = vector.broadcast %add3A_931 : i32 to vector<16xi32>
      %add3A_933 = arith.addi %add3A_393, %add3A_932 : vector<16xi32>
      %gather3A_934 = tpu.vector_load_idx %arg8[%add3A_930] : memref<528xf32, #tpu.memory_space<vmem>>[vector<16xi32>], vector<16xf32>,
      %gather3A_935 = tpu.vector_load_idx %arg9[%add3A_930] : memref<528xf32, #tpu.memory_space<vmem>>[vector<16xi32>], vector<16xf32>,
      %gather3A_936 = tpu.vector_load_idx %arg8[%add3A_933] : memref<528xf32, #tpu.memory_space<vmem>>[vector<16xi32>], vector<16xf32>,
      %gather3A_937 = tpu.vector_load_idx %arg9[%add3A_933] : memref<528xf32, #tpu.memory_space<vmem>>[vector<16xi32>], vector<16xf32>,
      %mul3A_938 = vector.broadcast %reduce_sum3A_364 : f32 to vector<16xf32>
      %mul3A_939 = arith.mulf %mul3A_938, %gather3A_934 : vector<16xf32>
      %mul3A_940 = vector.broadcast %reduce_sum3A_371 : f32 to vector<16xf32>
      %mul3A_941 = arith.mulf %mul3A_940, %gather3A_935 : vector<16xf32>
      %add3A_942 = arith.addf %mul3A_939, %mul3A_941 : vector<16xf32>
      %mul3A_943 = vector.broadcast %reduce_sum3A_378 : f32 to vector<16xf32>
      %mul3A_944 = arith.mulf %mul3A_943, %gather3A_936 : vector<16xf32>
      %add3A_945 = arith.addf %add3A_942, %mul3A_944 : vector<16xf32>
      %mul3A_946 = vector.broadcast %reduce_sum3A_385 : f32 to vector<16xf32>
      %mul3A_947 = arith.mulf %mul3A_946, %gather3A_937 : vector<16xf32>
      %add3A_948 = arith.addf %add3A_945, %mul3A_947 : vector<16xf32>
      %swap3A_949 = arith.constant 368 : index
      %swap3A_950 = tpu.vector_load %arg10[%swap3A_949] {strides = array<i32>} : memref<512xf32, #tpu.memory_space<vmem>>, vector<16xf32>,
      tpu.vector_store %arg10[%swap3A_949], %add3A_948 {strides = array<i32>} : memref<512xf32, #tpu.memory_space<vmem>>, vector<16xf32>,
      %add3A_951 = arith.constant 384 : i32
      %add3A_952 = vector.broadcast %add3A_951 : i32 to vector<16xi32>
      %add3A_953 = arith.addi %add3A_390, %add3A_952 : vector<16xi32>
      %add3A_954 = arith.constant 384 : i32
      %add3A_955 = vector.broadcast %add3A_954 : i32 to vector<16xi32>
      %add3A_956 = arith.addi %add3A_393, %add3A_955 : vector<16xi32>
      %gather3A_957 = tpu.vector_load_idx %arg8[%add3A_953] : memref<528xf32, #tpu.memory_space<vmem>>[vector<16xi32>], vector<16xf32>,
      %gather3A_958 = tpu.vector_load_idx %arg9[%add3A_953] : memref<528xf32, #tpu.memory_space<vmem>>[vector<16xi32>], vector<16xf32>,
      %gather3A_959 = tpu.vector_load_idx %arg8[%add3A_956] : memref<528xf32, #tpu.memory_space<vmem>>[vector<16xi32>], vector<16xf32>,
      %gather3A_960 = tpu.vector_load_idx %arg9[%add3A_956] : memref<528xf32, #tpu.memory_space<vmem>>[vector<16xi32>], vector<16xf32>,
      %mul3A_961 = vector.broadcast %reduce_sum3A_364 : f32 to vector<16xf32>
      %mul3A_962 = arith.mulf %mul3A_961, %gather3A_957 : vector<16xf32>
      %mul3A_963 = vector.broadcast %reduce_sum3A_371 : f32 to vector<16xf32>
      %mul3A_964 = arith.mulf %mul3A_963, %gather3A_958 : vector<16xf32>
      %add3A_965 = arith.addf %mul3A_962, %mul3A_964 : vector<16xf32>
      %mul3A_966 = vector.broadcast %reduce_sum3A_378 : f32 to vector<16xf32>
      %mul3A_967 = arith.mulf %mul3A_966, %gather3A_959 : vector<16xf32>
      %add3A_968 = arith.addf %add3A_965, %mul3A_967 : vector<16xf32>
      %mul3A_969 = vector.broadcast %reduce_sum3A_385 : f32 to vector<16xf32>
      %mul3A_970 = arith.mulf %mul3A_969, %gather3A_960 : vector<16xf32>
      %add3A_971 = arith.addf %add3A_968, %mul3A_970 : vector<16xf32>
      %swap3A_972 = arith.constant 384 : index
      %swap3A_973 = tpu.vector_load %arg10[%swap3A_972] {strides = array<i32>} : memref<512xf32, #tpu.memory_space<vmem>>, vector<16xf32>,
      tpu.vector_store %arg10[%swap3A_972], %add3A_971 {strides = array<i32>} : memref<512xf32, #tpu.memory_space<vmem>>, vector<16xf32>,
      %add3A_974 = arith.constant 400 : i32
      %add3A_975 = vector.broadcast %add3A_974 : i32 to vector<16xi32>
      %add3A_976 = arith.addi %add3A_390, %add3A_975 : vector<16xi32>
      %add3A_977 = arith.constant 400 : i32
      %add3A_978 = vector.broadcast %add3A_977 : i32 to vector<16xi32>
      %add3A_979 = arith.addi %add3A_393, %add3A_978 : vector<16xi32>
      %gather3A_980 = tpu.vector_load_idx %arg8[%add3A_976] : memref<528xf32, #tpu.memory_space<vmem>>[vector<16xi32>], vector<16xf32>,
      %gather3A_981 = tpu.vector_load_idx %arg9[%add3A_976] : memref<528xf32, #tpu.memory_space<vmem>>[vector<16xi32>], vector<16xf32>,
      %gather3A_982 = tpu.vector_load_idx %arg8[%add3A_979] : memref<528xf32, #tpu.memory_space<vmem>>[vector<16xi32>], vector<16xf32>,
      %gather3A_983 = tpu.vector_load_idx %arg9[%add3A_979] : memref<528xf32, #tpu.memory_space<vmem>>[vector<16xi32>], vector<16xf32>,
      %mul3A_984 = vector.broadcast %reduce_sum3A_364 : f32 to vector<16xf32>
      %mul3A_985 = arith.mulf %mul3A_984, %gather3A_980 : vector<16xf32>
      %mul3A_986 = vector.broadcast %reduce_sum3A_371 : f32 to vector<16xf32>
      %mul3A_987 = arith.mulf %mul3A_986, %gather3A_981 : vector<16xf32>
      %add3A_988 = arith.addf %mul3A_985, %mul3A_987 : vector<16xf32>
      %mul3A_989 = vector.broadcast %reduce_sum3A_378 : f32 to vector<16xf32>
      %mul3A_990 = arith.mulf %mul3A_989, %gather3A_982 : vector<16xf32>
      %add3A_991 = arith.addf %add3A_988, %mul3A_990 : vector<16xf32>
      %mul3A_992 = vector.broadcast %reduce_sum3A_385 : f32 to vector<16xf32>
      %mul3A_993 = arith.mulf %mul3A_992, %gather3A_983 : vector<16xf32>
      %add3A_994 = arith.addf %add3A_991, %mul3A_993 : vector<16xf32>
      %swap3A_995 = arith.constant 400 : index
      %swap3A_996 = tpu.vector_load %arg10[%swap3A_995] {strides = array<i32>} : memref<512xf32, #tpu.memory_space<vmem>>, vector<16xf32>,
      tpu.vector_store %arg10[%swap3A_995], %add3A_994 {strides = array<i32>} : memref<512xf32, #tpu.memory_space<vmem>>, vector<16xf32>,
      %add3A_997 = arith.constant 416 : i32
      %add3A_998 = vector.broadcast %add3A_997 : i32 to vector<16xi32>
      %add3A_999 = arith.addi %add3A_390, %add3A_998 : vector<16xi32>
      %add3A_1000 = arith.constant 416 : i32
      %add3A_1001 = vector.broadcast %add3A_1000 : i32 to vector<16xi32>
      %add3A_1002 = arith.addi %add3A_393, %add3A_1001 : vector<16xi32>
      %gather3A_1003 = tpu.vector_load_idx %arg8[%add3A_999] : memref<528xf32, #tpu.memory_space<vmem>>[vector<16xi32>], vector<16xf32>,
      %gather3A_1004 = tpu.vector_load_idx %arg9[%add3A_999] : memref<528xf32, #tpu.memory_space<vmem>>[vector<16xi32>], vector<16xf32>,
      %gather3A_1005 = tpu.vector_load_idx %arg8[%add3A_1002] : memref<528xf32, #tpu.memory_space<vmem>>[vector<16xi32>], vector<16xf32>,
      %gather3A_1006 = tpu.vector_load_idx %arg9[%add3A_1002] : memref<528xf32, #tpu.memory_space<vmem>>[vector<16xi32>], vector<16xf32>,
      %mul3A_1007 = vector.broadcast %reduce_sum3A_364 : f32 to vector<16xf32>
      %mul3A_1008 = arith.mulf %mul3A_1007, %gather3A_1003 : vector<16xf32>
      %mul3A_1009 = vector.broadcast %reduce_sum3A_371 : f32 to vector<16xf32>
      %mul3A_1010 = arith.mulf %mul3A_1009, %gather3A_1004 : vector<16xf32>
      %add3A_1011 = arith.addf %mul3A_1008, %mul3A_1010 : vector<16xf32>
      %mul3A_1012 = vector.broadcast %reduce_sum3A_378 : f32 to vector<16xf32>
      %mul3A_1013 = arith.mulf %mul3A_1012, %gather3A_1005 : vector<16xf32>
      %add3A_1014 = arith.addf %add3A_1011, %mul3A_1013 : vector<16xf32>
      %mul3A_1015 = vector.broadcast %reduce_sum3A_385 : f32 to vector<16xf32>
      %mul3A_1016 = arith.mulf %mul3A_1015, %gather3A_1006 : vector<16xf32>
      %add3A_1017 = arith.addf %add3A_1014, %mul3A_1016 : vector<16xf32>
      %swap3A_1018 = arith.constant 416 : index
      %swap3A_1019 = tpu.vector_load %arg10[%swap3A_1018] {strides = array<i32>} : memref<512xf32, #tpu.memory_space<vmem>>, vector<16xf32>,
      tpu.vector_store %arg10[%swap3A_1018], %add3A_1017 {strides = array<i32>} : memref<512xf32, #tpu.memory_space<vmem>>, vector<16xf32>,
      %add3A_1020 = arith.constant 432 : i32
      %add3A_1021 = vector.broadcast %add3A_1020 : i32 to vector<16xi32>
      %add3A_1022 = arith.addi %add3A_390, %add3A_1021 : vector<16xi32>
      %add3A_1023 = arith.constant 432 : i32
      %add3A_1024 = vector.broadcast %add3A_1023 : i32 to vector<16xi32>
      %add3A_1025 = arith.addi %add3A_393, %add3A_1024 : vector<16xi32>
      %gather3A_1026 = tpu.vector_load_idx %arg8[%add3A_1022] : memref<528xf32, #tpu.memory_space<vmem>>[vector<16xi32>], vector<16xf32>,
      %gather3A_1027 = tpu.vector_load_idx %arg9[%add3A_1022] : memref<528xf32, #tpu.memory_space<vmem>>[vector<16xi32>], vector<16xf32>,
      %gather3A_1028 = tpu.vector_load_idx %arg8[%add3A_1025] : memref<528xf32, #tpu.memory_space<vmem>>[vector<16xi32>], vector<16xf32>,
      %gather3A_1029 = tpu.vector_load_idx %arg9[%add3A_1025] : memref<528xf32, #tpu.memory_space<vmem>>[vector<16xi32>], vector<16xf32>,
      %mul3A_1030 = vector.broadcast %reduce_sum3A_364 : f32 to vector<16xf32>
      %mul3A_1031 = arith.mulf %mul3A_1030, %gather3A_1026 : vector<16xf32>
      %mul3A_1032 = vector.broadcast %reduce_sum3A_371 : f32 to vector<16xf32>
      %mul3A_1033 = arith.mulf %mul3A_1032, %gather3A_1027 : vector<16xf32>
      %add3A_1034 = arith.addf %mul3A_1031, %mul3A_1033 : vector<16xf32>
      %mul3A_1035 = vector.broadcast %reduce_sum3A_378 : f32 to vector<16xf32>
      %mul3A_1036 = arith.mulf %mul3A_1035, %gather3A_1028 : vector<16xf32>
      %add3A_1037 = arith.addf %add3A_1034, %mul3A_1036 : vector<16xf32>
      %mul3A_1038 = vector.broadcast %reduce_sum3A_385 : f32 to vector<16xf32>
      %mul3A_1039 = arith.mulf %mul3A_1038, %gather3A_1029 : vector<16xf32>
      %add3A_1040 = arith.addf %add3A_1037, %mul3A_1039 : vector<16xf32>
      %swap3A_1041 = arith.constant 432 : index
      %swap3A_1042 = tpu.vector_load %arg10[%swap3A_1041] {strides = array<i32>} : memref<512xf32, #tpu.memory_space<vmem>>, vector<16xf32>,
      tpu.vector_store %arg10[%swap3A_1041], %add3A_1040 {strides = array<i32>} : memref<512xf32, #tpu.memory_space<vmem>>, vector<16xf32>,
      %add3A_1043 = arith.constant 448 : i32
      %add3A_1044 = vector.broadcast %add3A_1043 : i32 to vector<16xi32>
      %add3A_1045 = arith.addi %add3A_390, %add3A_1044 : vector<16xi32>
      %add3A_1046 = arith.constant 448 : i32
      %add3A_1047 = vector.broadcast %add3A_1046 : i32 to vector<16xi32>
      %add3A_1048 = arith.addi %add3A_393, %add3A_1047 : vector<16xi32>
      %gather3A_1049 = tpu.vector_load_idx %arg8[%add3A_1045] : memref<528xf32, #tpu.memory_space<vmem>>[vector<16xi32>], vector<16xf32>,
      %gather3A_1050 = tpu.vector_load_idx %arg9[%add3A_1045] : memref<528xf32, #tpu.memory_space<vmem>>[vector<16xi32>], vector<16xf32>,
      %gather3A_1051 = tpu.vector_load_idx %arg8[%add3A_1048] : memref<528xf32, #tpu.memory_space<vmem>>[vector<16xi32>], vector<16xf32>,
      %gather3A_1052 = tpu.vector_load_idx %arg9[%add3A_1048] : memref<528xf32, #tpu.memory_space<vmem>>[vector<16xi32>], vector<16xf32>,
      %mul3A_1053 = vector.broadcast %reduce_sum3A_364 : f32 to vector<16xf32>
      %mul3A_1054 = arith.mulf %mul3A_1053, %gather3A_1049 : vector<16xf32>
      %mul3A_1055 = vector.broadcast %reduce_sum3A_371 : f32 to vector<16xf32>
      %mul3A_1056 = arith.mulf %mul3A_1055, %gather3A_1050 : vector<16xf32>
      %add3A_1057 = arith.addf %mul3A_1054, %mul3A_1056 : vector<16xf32>
      %mul3A_1058 = vector.broadcast %reduce_sum3A_378 : f32 to vector<16xf32>
      %mul3A_1059 = arith.mulf %mul3A_1058, %gather3A_1051 : vector<16xf32>
      %add3A_1060 = arith.addf %add3A_1057, %mul3A_1059 : vector<16xf32>
      %mul3A_1061 = vector.broadcast %reduce_sum3A_385 : f32 to vector<16xf32>
      %mul3A_1062 = arith.mulf %mul3A_1061, %gather3A_1052 : vector<16xf32>
      %add3A_1063 = arith.addf %add3A_1060, %mul3A_1062 : vector<16xf32>
      %swap3A_1064 = arith.constant 448 : index
      %swap3A_1065 = tpu.vector_load %arg10[%swap3A_1064] {strides = array<i32>} : memref<512xf32, #tpu.memory_space<vmem>>, vector<16xf32>,
      tpu.vector_store %arg10[%swap3A_1064], %add3A_1063 {strides = array<i32>} : memref<512xf32, #tpu.memory_space<vmem>>, vector<16xf32>,
      %add3A_1066 = arith.constant 464 : i32
      %add3A_1067 = vector.broadcast %add3A_1066 : i32 to vector<16xi32>
      %add3A_1068 = arith.addi %add3A_390, %add3A_1067 : vector<16xi32>
      %add3A_1069 = arith.constant 464 : i32
      %add3A_1070 = vector.broadcast %add3A_1069 : i32 to vector<16xi32>
      %add3A_1071 = arith.addi %add3A_393, %add3A_1070 : vector<16xi32>
      %gather3A_1072 = tpu.vector_load_idx %arg8[%add3A_1068] : memref<528xf32, #tpu.memory_space<vmem>>[vector<16xi32>], vector<16xf32>,
      %gather3A_1073 = tpu.vector_load_idx %arg9[%add3A_1068] : memref<528xf32, #tpu.memory_space<vmem>>[vector<16xi32>], vector<16xf32>,
      %gather3A_1074 = tpu.vector_load_idx %arg8[%add3A_1071] : memref<528xf32, #tpu.memory_space<vmem>>[vector<16xi32>], vector<16xf32>,
      %gather3A_1075 = tpu.vector_load_idx %arg9[%add3A_1071] : memref<528xf32, #tpu.memory_space<vmem>>[vector<16xi32>], vector<16xf32>,
      %mul3A_1076 = vector.broadcast %reduce_sum3A_364 : f32 to vector<16xf32>
      %mul3A_1077 = arith.mulf %mul3A_1076, %gather3A_1072 : vector<16xf32>
      %mul3A_1078 = vector.broadcast %reduce_sum3A_371 : f32 to vector<16xf32>
      %mul3A_1079 = arith.mulf %mul3A_1078, %gather3A_1073 : vector<16xf32>
      %add3A_1080 = arith.addf %mul3A_1077, %mul3A_1079 : vector<16xf32>
      %mul3A_1081 = vector.broadcast %reduce_sum3A_378 : f32 to vector<16xf32>
      %mul3A_1082 = arith.mulf %mul3A_1081, %gather3A_1074 : vector<16xf32>
      %add3A_1083 = arith.addf %add3A_1080, %mul3A_1082 : vector<16xf32>
      %mul3A_1084 = vector.broadcast %reduce_sum3A_385 : f32 to vector<16xf32>
      %mul3A_1085 = arith.mulf %mul3A_1084, %gather3A_1075 : vector<16xf32>
      %add3A_1086 = arith.addf %add3A_1083, %mul3A_1085 : vector<16xf32>
      %swap3A_1087 = arith.constant 464 : index
      %swap3A_1088 = tpu.vector_load %arg10[%swap3A_1087] {strides = array<i32>} : memref<512xf32, #tpu.memory_space<vmem>>, vector<16xf32>,
      tpu.vector_store %arg10[%swap3A_1087], %add3A_1086 {strides = array<i32>} : memref<512xf32, #tpu.memory_space<vmem>>, vector<16xf32>,
      %add3A_1089 = arith.constant 480 : i32
      %add3A_1090 = vector.broadcast %add3A_1089 : i32 to vector<16xi32>
      %add3A_1091 = arith.addi %add3A_390, %add3A_1090 : vector<16xi32>
      %add3A_1092 = arith.constant 480 : i32
      %add3A_1093 = vector.broadcast %add3A_1092 : i32 to vector<16xi32>
      %add3A_1094 = arith.addi %add3A_393, %add3A_1093 : vector<16xi32>
      %gather3A_1095 = tpu.vector_load_idx %arg8[%add3A_1091] : memref<528xf32, #tpu.memory_space<vmem>>[vector<16xi32>], vector<16xf32>,
      %gather3A_1096 = tpu.vector_load_idx %arg9[%add3A_1091] : memref<528xf32, #tpu.memory_space<vmem>>[vector<16xi32>], vector<16xf32>,
      %gather3A_1097 = tpu.vector_load_idx %arg8[%add3A_1094] : memref<528xf32, #tpu.memory_space<vmem>>[vector<16xi32>], vector<16xf32>,
      %gather3A_1098 = tpu.vector_load_idx %arg9[%add3A_1094] : memref<528xf32, #tpu.memory_space<vmem>>[vector<16xi32>], vector<16xf32>,
      %mul3A_1099 = vector.broadcast %reduce_sum3A_364 : f32 to vector<16xf32>
      %mul3A_1100 = arith.mulf %mul3A_1099, %gather3A_1095 : vector<16xf32>
      %mul3A_1101 = vector.broadcast %reduce_sum3A_371 : f32 to vector<16xf32>
      %mul3A_1102 = arith.mulf %mul3A_1101, %gather3A_1096 : vector<16xf32>
      %add3A_1103 = arith.addf %mul3A_1100, %mul3A_1102 : vector<16xf32>
      %mul3A_1104 = vector.broadcast %reduce_sum3A_378 : f32 to vector<16xf32>
      %mul3A_1105 = arith.mulf %mul3A_1104, %gather3A_1097 : vector<16xf32>
      %add3A_1106 = arith.addf %add3A_1103, %mul3A_1105 : vector<16xf32>
      %mul3A_1107 = vector.broadcast %reduce_sum3A_385 : f32 to vector<16xf32>
      %mul3A_1108 = arith.mulf %mul3A_1107, %gather3A_1098 : vector<16xf32>
      %add3A_1109 = arith.addf %add3A_1106, %mul3A_1108 : vector<16xf32>
      %swap3A_1110 = arith.constant 480 : index
      %swap3A_1111 = tpu.vector_load %arg10[%swap3A_1110] {strides = array<i32>} : memref<512xf32, #tpu.memory_space<vmem>>, vector<16xf32>,
      tpu.vector_store %arg10[%swap3A_1110], %add3A_1109 {strides = array<i32>} : memref<512xf32, #tpu.memory_space<vmem>>, vector<16xf32>,
      %add3A_1112 = arith.constant 496 : i32
      %add3A_1113 = vector.broadcast %add3A_1112 : i32 to vector<16xi32>
      %add3A_1114 = arith.addi %add3A_390, %add3A_1113 : vector<16xi32>
      %add3A_1115 = arith.constant 496 : i32
      %add3A_1116 = vector.broadcast %add3A_1115 : i32 to vector<16xi32>
      %add3A_1117 = arith.addi %add3A_393, %add3A_1116 : vector<16xi32>
      %gather3A_1118 = tpu.vector_load_idx %arg8[%add3A_1114] : memref<528xf32, #tpu.memory_space<vmem>>[vector<16xi32>], vector<16xf32>,
      %gather3A_1119 = tpu.vector_load_idx %arg9[%add3A_1114] : memref<528xf32, #tpu.memory_space<vmem>>[vector<16xi32>], vector<16xf32>,
      %gather3A_1120 = tpu.vector_load_idx %arg8[%add3A_1117] : memref<528xf32, #tpu.memory_space<vmem>>[vector<16xi32>], vector<16xf32>,
      %gather3A_1121 = tpu.vector_load_idx %arg9[%add3A_1117] : memref<528xf32, #tpu.memory_space<vmem>>[vector<16xi32>], vector<16xf32>,
      %mul3A_1122 = vector.broadcast %reduce_sum3A_364 : f32 to vector<16xf32>
      %mul3A_1123 = arith.mulf %mul3A_1122, %gather3A_1118 : vector<16xf32>
      %mul3A_1124 = vector.broadcast %reduce_sum3A_371 : f32 to vector<16xf32>
      %mul3A_1125 = arith.mulf %mul3A_1124, %gather3A_1119 : vector<16xf32>
      %add3A_1126 = arith.addf %mul3A_1123, %mul3A_1125 : vector<16xf32>
      %mul3A_1127 = vector.broadcast %reduce_sum3A_378 : f32 to vector<16xf32>
      %mul3A_1128 = arith.mulf %mul3A_1127, %gather3A_1120 : vector<16xf32>
      %add3A_1129 = arith.addf %add3A_1126, %mul3A_1128 : vector<16xf32>
      %mul3A_1130 = vector.broadcast %reduce_sum3A_385 : f32 to vector<16xf32>
      %mul3A_1131 = arith.mulf %mul3A_1130, %gather3A_1121 : vector<16xf32>
      %add3A_1132 = arith.addf %add3A_1129, %mul3A_1131 : vector<16xf32>
      %swap3A_1133 = arith.constant 496 : index
      %swap3A_1134 = tpu.vector_load %arg10[%swap3A_1133] {strides = array<i32>} : memref<512xf32, #tpu.memory_space<vmem>>, vector<16xf32>,
      tpu.vector_store %arg10[%swap3A_1133], %add3A_1132 {strides = array<i32>} : memref<512xf32, #tpu.memory_space<vmem>>, vector<16xf32>,
      "tpu.region"() ({
        %run_scoped3A = tpu.sem_alloc : memref<!tpu.dma_semaphore, #tpu.memory_space<semaphore_mem>>
        %dma_start3A = arith.constant 0 : i32
        %dma_start3A_1135 = tpu.memref_slice %arg5[%scan3A_400, %add3A_388, %dma_start3A] : memref<16x128x512xf32, #tpu.memory_space<hbm>> -> memref<1x1x512xf32, #tpu.memory_space<hbm>>
        %dma_start3A_1136 = tpu.memref_squeeze %dma_start3A_1135 : memref<1x1x512xf32, #tpu.memory_space<hbm>> -> memref<512xf32, #tpu.memory_space<hbm>>
        %dma_start3A_1137 = arith.constant 0 : i32
        %dma_start3A_1138 = tpu.memref_slice %arg5[%scan3A_400, %add3A_388, %dma_start3A_1137] : memref<16x128x512xf32, #tpu.memory_space<hbm>> -> memref<1x1x512xf32, #tpu.memory_space<hbm>>
        %dma_start3A_1139 = tpu.memref_squeeze %dma_start3A_1138 : memref<1x1x512xf32, #tpu.memory_space<hbm>> -> memref<512xf32, #tpu.memory_space<hbm>>
        tpu.enqueue_dma source(%arg10 : memref<512xf32, #tpu.memory_space<vmem>>) target(%dma_start3A_1139 : memref<512xf32, #tpu.memory_space<hbm>>) target_semaphore(%run_scoped3A : memref<!tpu.dma_semaphore, #tpu.memory_space<semaphore_mem>>)
        %dma_wait3A = arith.constant 0 : i32
        %dma_wait3A_1140 = tpu.memref_slice %arg5[%scan3A_400, %add3A_388, %dma_wait3A] : memref<16x128x512xf32, #tpu.memory_space<hbm>> -> memref<1x1x512xf32, #tpu.memory_space<hbm>>
        %dma_wait3A_1141 = tpu.memref_squeeze %dma_wait3A_1140 : memref<1x1x512xf32, #tpu.memory_space<hbm>> -> memref<512xf32, #tpu.memory_space<hbm>>
        %dma_wait3A_1142 = arith.constant 0 : i32
        %dma_wait3A_1143 = tpu.memref_slice %arg5[%scan3A_400, %add3A_388, %dma_wait3A_1142] : memref<16x128x512xf32, #tpu.memory_space<hbm>> -> memref<1x1x512xf32, #tpu.memory_space<hbm>>
        %dma_wait3A_1144 = tpu.memref_squeeze %dma_wait3A_1143 : memref<1x1x512xf32, #tpu.memory_space<hbm>> -> memref<512xf32, #tpu.memory_space<hbm>>
        tpu.wait_dma2 semaphore(%run_scoped3A : memref<!tpu.dma_semaphore, #tpu.memory_space<semaphore_mem>>) src(%arg10 : memref<512xf32, #tpu.memory_space<vmem>>) dst(%dma_wait3A_1144 : memref<512xf32, #tpu.memory_space<hbm>>)
        tpu.yield
      }) : () -> ()
    }
    %scan3A_399 = arith.constant 16 : i32
    return
  }
}

</mosaic_0001>

<sc_bundles>
// kernel: kernel.3.cloned.1.call-start
scs
__scs_entry_jumppad:
0x0: {  	(pc) =	sbr.rel $0x88, $3  }
0x1: {  	(tag) =	ssettag $0x0;
	lr =	simm.s32 $0x1  }
0x2: {  	[smem:$0x3F9E] =	sst lr;
	_ =	strace $0xD0000000  }
0x3: {  	_ = 	snop  }
0x4: {  	_ = 	snop  }
0x5: {  	_ = 	snop  }
0x6: {  	_ = 	snop  }
0x7: {  	_ = 	snop  }
__scs_overlays_trampoline_lowered:
0x8: {  	[smem:$0x3FAD] =	sst s0  }
0x9: {  	[smem:$0x3FAE] =	sst s1  }
0xa: {  	[smem:$0x3FAF] =	sst s2  }
0xb: {  	[smem:$0x3FB0] =	sst s3  }
0xc: {  	[smem:$0x3FB1] =	sst s4  }
0xd: {  	[smem:$0x3FB2] =	sst s5  }
0xe: {  	[smem:$0x3FB3] =	sst s6  }
0xf: {  	[smem:$0x3FB4] =	sst s7  }
0x10: {  	[smem:$0x3FB5] =	sst s8  }
0x11: {  	[smem:$0x3FB6] =	sst s9;
	s0 =	simm.s32 @!p0 $0x0  }
0x12: {  	s1 =	sld [smem:$0x3F9C];
	s0 =	simm.s32 @p0 $0x1  }
0x13: {  	[smem:$0x3FB7] =	sst s0;
	s0 =	simm.s32 @!p1 $0x0  }
0x14: {  	s2 =	sld [smem:$0x3F9B];
	s0 =	simm.s32 @p1 $0x1  }
0x15: {  	[smem:$0x3FB8] =	sst s0;
	s0 =	simm.s32 @!p2 $0x0  }
0x16: {  	s3 =	sld [smem:$0x3FDB];
	s0 =	simm.s32 @p2 $0x1  }
0x17: {  	s4 =	simm.s32 $0x1BF5;
	[smem:$0x3FBA] =	sst s0  }
0x18: {  	s0 =	sld [smem:$0x3F9D];
	_ =	swait.ge [sflag:s4], $0x0  }
0x19: {  	s7 =	sld [smem:$0x3F9E]  }
0x1a: {  	s8 =	sadd.s32 $0xFFFFE003, lr  }
0x1b: {  	s9 =	sadd.s32 $0xFFFFFEF7, lr;
	s5 =	simm.s32 $0xFFFFFFFF;
	p2 =	slt.u32 s8, $0xFFFFF086  }
0x1c: {  	p1 =	slt.u32 s9, $0xF7A;
	s5 =	simm.s32 @!p2 $0x0  }
0x1d: {  	s5 =	simm.s32 @p1 $0x1;
	p0 =	seq.s32 s7, s2  }
0x1e: {  	s7 =	smul.u32 @!p0 $0xF7A, s2;
	p2 =	seq.s32 @!p0 s5, $0x0  }
0x1f: {  	s9 =	smul.u32 $0xF7A, s1;
	s8 =	simm.s32 @!p0 $0x1BF5;
	p2 =	por !p2, p0  }
0x20: {  	[sflag:s8] =	ssyncset.s32 @!p0 $0xFFFFF086;
	s6 =	sadd.s32 @!p0 s3, s7;
	s7 =	simm.s32 @!p0 $0x108  }
0x21: {  	s3 =	sadd.s32 s3, s9;
	s6 =	sadd.s32 @!p0 $0x88, s6;
	s7 =	simm.s32 @p2 $0x1082  }
0x22: {  	[simem:s7], [sflag:s8] =	dma.local @!p0 [hbm:s6], $0xF7A  }
0x23: {  	s9 =	sor.u32 $0xD0000000, s2;
	s6 =	simm.s32 $0x108;
	_ =	swait.ge @!p0 [sflag:s8], $0x0  }
0x24: {  	s3 =	sadd.s32 $0x88, s3;
	s6 =	simm.s32 @!p1 $0x1082;
	[sflag:s4] =	ssyncset.s32 $0xFFFFF086  }
0x25: {  	[simem:s6], [sflag:s4] =	dma.local [hbm:s3], $0xF7A  }
0x26: {  	[smem:$0x3F9E] =	sst s1;
	(tag) =	ssettag s2;
	_ =	strace s9  }
0x27: {  	s1 =	sld [smem:$0x3FAE]  }
0x28: {  	s2 =	sld [smem:$0x3FAF]  }
0x29: {  	s4 =	sld [smem:$0x3FB1]  }
0x2a: {  	p0 =	seq.s32 s5, $0x0;
	s5 =	sld [smem:$0x3FB2]  }
0x2b: {  	s6 =	sld [smem:$0x3FB3]  }
0x2c: {  	s7 =	sld [smem:$0x3FB4]  }
0x2d: {  	s3 =	simm.s32 $0x108;
	s8 =	sld [smem:$0x3FB5]  }
0x2e: {  	s3 =	simm.s32 @!p0 $0x1082;
	s9 =	sld [smem:$0x3FB6]  }
0x2f: {  	lr =	sadd.s32 s0, s3;
	s0 =	sld [smem:$0x3FAD]  }
0x30: {  	s3 =	sld [smem:$0x3FB0]  }
0x31: {  	[smem:$0x3FB9] =	sst s10  }
0x32: {  	s10 =	sld [smem:$0x3FB7];
	_ =	sdelay $0x3  }
0x33: {  	p0 =	seq.s32 s10, $0x1;
	s10 =	sld [smem:$0x3FB9];
	_ =	sdelay $0x3  }
0x34: {  	[smem:$0x3FB9] =	sst s10  }
0x35: {  	s10 =	sld [smem:$0x3FB8];
	_ =	sdelay $0x3  }
0x36: {  	p1 =	seq.s32 s10, $0x1;
	s10 =	sld [smem:$0x3FB9];
	_ =	sdelay $0x3  }
0x37: {  	[smem:$0x3FB9] =	sst s10  }
0x38: {  	s10 =	sld [smem:$0x3FBA]  }
0x39: {  	_ = 	snop;
	(pc) =	sbr.ind lr, $3  }
0x3a: {  	_ = 	snop  }
0x3b: {  	_ = 	snop  }
0x3c: {  	p2 =	seq.s32 s10, $0x1;
	s10 =	sld [smem:$0x3FB9]  }
0x3d: {  	_ =	shalt  }
0x3e: {  	_ =	shalt  }
0x3f: {  	_ =	shalt  }
0x40: {  	_ =	shalt  }
0x41: {  	_ =	shalt  }
0x42: {  	_ =	shalt  }
0x43: {  	_ =	shalt  }
0x44: {  	_ =	shalt  }
0x45: {  	_ =	shalt  }
0x46: {  	_ =	shalt  }
0x47: {  	_ =	shalt  }
0x48: {  	_ =	shalt  }
0x49: {  	_ =	shalt  }
0x4a: {  	_ =	shalt  }
0x4b: {  	_ =	shalt  }
0x4c: {  	_ =	shalt  }
0x4d: {  	_ =	shalt  }
0x4e: {  	_ =	shalt  }
0x4f: {  	_ =	shalt  }
0x50: {  	_ =	shalt  }
0x51: {  	_ =	shalt  }
0x52: {  	_ =	shalt  }
0x53: {  	_ =	shalt  }
0x54: {  	_ =	shalt  }
0x55: {  	_ =	shalt  }
0x56: {  	_ =	shalt  }
0x57: {  	_ =	shalt  }
0x58: {  	_ =	shalt  }
0x59: {  	_ =	shalt  }
0x5a: {  	_ =	shalt  }
0x5b: {  	_ =	shalt  }
0x5c: {  	_ =	shalt  }
0x5d: {  	_ =	shalt  }
0x5e: {  	_ =	shalt  }
0x5f: {  	_ =	shalt  }
0x60: {  	_ =	shalt  }
0x61: {  	_ =	shalt  }
0x62: {  	_ =	shalt  }
0x63: {  	_ =	shalt  }
0x64: {  	_ =	shalt  }
0x65: {  	_ =	shalt  }
0x66: {  	_ =	shalt  }
0x67: {  	_ =	shalt  }
0x68: {  	_ =	shalt  }
0x69: {  	_ =	shalt  }
0x6a: {  	_ =	shalt  }
0x6b: {  	_ =	shalt  }
0x6c: {  	_ =	shalt  }
0x6d: {  	_ =	shalt  }
0x6e: {  	_ =	shalt  }
0x6f: {  	_ =	shalt  }
0x70: {  	_ =	shalt  }
0x71: {  	_ =	shalt  }
0x72: {  	_ =	shalt  }
0x73: {  	_ =	shalt  }
0x74: {  	_ =	shalt  }
0x75: {  	_ =	shalt  }
0x76: {  	_ =	shalt  }
0x77: {  	_ =	shalt  }
0x78: {  	_ =	shalt  }
0x79: {  	_ =	shalt  }
0x7a: {  	_ =	shalt  }
0x7b: {  	_ =	shalt  }
0x7c: {  	_ =	shalt  }
0x7d: {  	_ =	shalt  }
0x7e: {  	_ =	shalt  }
0x7f: {  	_ =	shalt  }
0x80: {  	_ =	shalt  }
0x81: {  	_ =	shalt  }
0x82: {  	_ =	shalt  }
0x83: {  	_ =	shalt  }
0x84: {  	_ =	shalt  }
0x85: {  	_ =	shalt  }
0x86: {  	_ =	shalt  }
0x87: {  	_ =	shalt  }
.Lfunc_end0:
.L_simem_size_0:
called_computation.1_lowered:
.L_overlay_start_0:
0x88: {  	s2 =	sld [smem:$0x3FD9]  }
0x89: {  	s3 =	sld [smem:$0x3FFE];
	_ =	sdelay $0x1  }
0x8a: {  	s1 =	srdreg.scid  }
0x8b: {  	s0 =	sand.u32 $0x1, s1  }
0x8c: {  	s17 =	sshll.u32 s0, $0xA;
	s2 =	sadd.s32 s3, s2  }
0x8d: {  	s2 =	sadd.s32 s2, s17  }
0x8e: {  	[smem:$0x3FC5] =	sst s2  }
0x8f: {  	_ = 	snop  }
0x90: {  	s2 =	sld [smem:$0x3FC8]  }
0x91: {  	s18 =	sld [smem:$0x3FC7];
	(tm) =	ssettm $0x1  }
0x92: {  	s4 =	sld [smem:$0x3FFB];
	_ =	sdelay $0x3  }
0x93: {  	_ =	strace s4  }
0x94: {  	s4 =	sld [smem:$0x3FFC];
	_ =	sdelay $0x3  }
0x95: {  	_ =	strace s4  }
0x96: {  	s4 =	sld [smem:$0x3FFD];
	_ =	sdelay $0x3  }
0x97: {  	_ =	strace s4  }
0x98: {  	_ =	strace $0x8FFFFFFF  }
0x99: {  	s19 =	sld [smem:$0x3FDB];
	_ =	sdelay $0x1  }
0x9a: {  	s5 =	simm.s32 $_scs_section_size  }
0x9b: {  	s6 =	simm.s32 $_size__tile_overlayer_lowered;
	s7 =	simm.s32 $_tile_overlayer_lowered  }
0x9c: {  	s22 =	simm.s32 $0x1BFF;
	s21 =	sshll.u32 s7, $0x1;
	s4 =	sadd.s32 s5, s19  }
0x9d: {  	s8 =	simm.s32 $0x0;
	s20 =	sshll.u32 s6, $0x1;
	s6 =	sadd.s32 s21, s4  }
0x9e: {  	[timem:s8], [sflag:s22] =	dma.local [hbm:s6], s20  }
0x9f: {  	_ =	swait.ge [sflag:s22], s20  }
0xa0: {  	s5 =	ssub.s32 $0x0, s20;
	[sflag:s22] =	ssyncset.done $0x0  }
0xa1: {  	[sflag:s22] =	ssyncadd.s32 s5;
	_ =	sdelay $0x1  }
0xa2: {  	s23 =	simm.s32 $0x1B8B  }
0xa3: {  	_ =	swait.ge [sflag:s23], $0x1  }
0xa4: {  	[sflag:s23] =	ssyncset.done $0x0  }
0xa5: {  	s25 =	simm.s32 $0x1B8E;
	s24 =	sld [smem:$0x3FFE];
	[sflag:s23] =	ssyncadd.s32 $0xFFFFFFFF  }
0xa6: {  	s26 =	simm.s32 $execute0_lowered;
	[smem:$0x3FD2] =	sst s25  }
0xa7: {  	s6 =	sshll.u32 s26, $0x1;
	_ =	strace $0x80000049;
	[dreg:$0x1] =	wrdreg $0xFFFFFFFF  }
0xa8: {  	s28 =	simm.s32 $_size_execute0_lowered;
	s4 =	sadd.s32 s4, s6;
	[dreg:$0x0] =	wrdreg $0x0  }
0xa9: {  	s6 =	sshll.u32 s28, $0x1;
	[dreg:$0x2] =	wrdreg s4  }
0xaa: {  	[dreg:$0x3] =	wrdreg s6  }
0xab: {  	[dreg:$0x4] =	wrdreg $0xC0  }
0xac: {  	_ =	task [dreg:s8], $0x5FFFF  }
0xad: {  	[dreg:$0x1] =	wrdreg $0xFFFFFFFF  }
0xae: {  	[dreg:$0x0] =	wrdreg $0x60  }
0xaf: {  	[dreg:$0x2] =	wrdreg s24  }
0xb0: {  	[dreg:$0x3] =	wrdreg s2  }
0xb1: {  	[dreg:$0x4] =	wrdreg s18  }
0xb2: {  	[dreg:$0x5] =	wrdreg $0x9  }
0xb3: {  	_ =	task.clear_ibuf [dreg:s8], $0x6FFFF;
	_ =	strace $0x90000049  }
0xb4: {  	s29 =	simm.s32 $0x9;
	_ =	strace $0x8000004B  }
0xb5: {  	_ =	swait.ge [sflag:s29], $0x1  }
0xb6: {  	[sflag:s29] =	ssyncadd.s32 $0xFFFFFFFF  }
0xb7: {  	_ =	strace $0x9000004B  }
0xb8: {  	_ =	sfence  }
0xb9: {  	s30 =	sld [smem:$0x0];
	_ =	sdelay $0x2  }
0xba: {  	s31 =	sshll.u32 s1, $0xD;
	s1 =	sshrl.u32 s1, $0x2  }
0xbb: {  	s3 =	sand.u32 $0x4000, s31;
	s1 =	sadd.s32 s1, s30  }
0xbc: {  	s0 =	sor.u32 s3, s0;
	s1 =	sshll.u32 s1, $0x11  }
0xbd: {  	s0 =	sor.u32 s1, s0  }
0xbe: {  	s0 =	sadd.s32 $0x8F2B, s0  }
0xbf: {  	[sflag:s0] =	ssyncadd.remote.s32 $0x1  }
0xc0: {  	_ =	sfence.sel $0xFFFF  }
0xc1: {  	[dreg:$0x0] =	wrdreg $0xFFFFFFFF;
	(pc) =	sbr.abs _section_cstart, $3  }
0xc2: {  	[dreg:$0x1] =	wrdreg $0xFFFFFFFF  }
0xc3: {  	_ =	task.clear_ibuf [dreg:s8], $0x2FFFF;
	_ =	strace $0x9FFFFFFF  }
0xc4: {  	(tm) =	ssettm $0x7FFFFFFF  }
0xc5: {  	_ =	shalt  }
tec
execute0_lowered:
.L_overlay_start_1:
0x0: {  	(tag) =	ssettag $0x1  }
0x1: {  	v4 =	vlaneseq.u32  }
0x2: {  	v63 =	vadd.s32 $0x1, v4  }
0x3: {  	v5 =	vor.u32 $0x10, v4;
	[tilespmem:$0x1FC40] =	vst v63  }
0x4: {  	v6 =	vadd.s32 $0x11, v4;
	[tilespmem:$0x1FC50] =	vst v5  }
0x5: {  	v7 =	vor.u32 $0x20, v4;
	[tilespmem:$0x1FC60] =	vst v6  }
0x6: {  	v8 =	vadd.s32 $0x21, v4;
	[tilespmem:$0x1FC70] =	vst v7  }
0x7: {  	v9 =	vor.u32 $0x30, v4;
	[tilespmem:$0x1FC80] =	vst v8  }
0x8: {  	v10 =	vadd.s32 $0x31, v4;
	[tilespmem:$0x1FC90] =	vst v9  }
0x9: {  	v11 =	vor.u32 $0x40, v4;
	[tilespmem:$0x1FCA0] =	vst v10  }
0xa: {  	v12 =	vadd.s32 $0x41, v4;
	[tilespmem:$0x1FCB0] =	vst v11  }
0xb: {  	v13 =	vor.u32 $0x50, v4;
	[tilespmem:$0x1FCC0] =	vst v12  }
0xc: {  	v14 =	vadd.s32 $0x51, v4;
	[tilespmem:$0x1FCD0] =	vst v13  }
0xd: {  	v15 =	vor.u32 $0x60, v4;
	[tilespmem:$0x1FCE0] =	vst v14  }
0xe: {  	v16 =	vadd.s32 $0x61, v4;
	[tilespmem:$0x1FCF0] =	vst v15  }
0xf: {  	v17 =	vor.u32 $0x70, v4;
	[tilespmem:$0x1FD00] =	vst v16  }
0x10: {  	v18 =	vadd.s32 $0x71, v4;
	[tilespmem:$0x1FD10] =	vst v17  }
0x11: {  	v19 =	vor.u32 $0x80, v4;
	[tilespmem:$0x1FD20] =	vst v18  }
0x12: {  	v20 =	vadd.s32 $0x81, v4;
	[tilespmem:$0x1FD30] =	vst v19  }
0x13: {  	v21 =	vor.u32 $0x90, v4;
	[tilespmem:$0x1FD40] =	vst v20  }
0x14: {  	v22 =	vadd.s32 $0x91, v4;
	[tilespmem:$0x1FD50] =	vst v21  }
0x15: {  	v23 =	vor.u32 $0xA0, v4;
	[tilespmem:$0x1FD60] =	vst v22  }
0x16: {  	v24 =	vadd.s32 $0xA1, v4;
	[tilespmem:$0x1FD70] =	vst v23  }
0x17: {  	v25 =	vor.u32 $0xB0, v4;
	[tilespmem:$0x1FD80] =	vst v24  }
0x18: {  	v26 =	vadd.s32 $0xB1, v4;
	[tilespmem:$0x1FD90] =	vst v25  }
0x19: {  	v27 =	vor.u32 $0xC0, v4;
	[tilespmem:$0x1FDA0] =	vst v26  }
0x1a: {  	v28 =	vadd.s32 $0xC1, v4;
	[tilespmem:$0x1FDB0] =	vst v27  }
0x1b: {  	v29 =	vor.u32 $0xD0, v4;
	[tilespmem:$0x1FDC0] =	vst v28  }
0x1c: {  	v30 =	vadd.s32 $0xD1, v4;
	[tilespmem:$0x1FDD0] =	vst v29  }
0x1d: {  	s0 =	stileid.u32;
	v31 =	vor.u32 $0xE0, v4;
	[tilespmem:$0x1FDE0] =	vst v30  }
0x1e: {  	s1 =	srdreg.scid;
	s2 =	sshll.u32 s0, $0x1;
	v32 =	vadd.s32 $0xE1, v4;
	[tilespmem:$0x1FDF0] =	vst v31  }
0x1f: {  	s7 =	sand.u32 $0x1, s1;
	v33 =	vor.u32 $0xF0, v4;
	s26 =	sand.u32 $0x2, s2;
	[tilespmem:$0x1FE00] =	vst v32  }
0x20: {  	s6 =	rddreg [dreg:$0x0];
	s4 =	simm.s32 $0x0;
	v34 =	vadd.s32 $0xF1, v4;
	[tilespmem:$0x1FE10] =	vst v33;
	s1 =	sor.u32 s7, s26  }
0x21: {  	[smem:$0x7FF] =	sst s4;
	v35 =	vor.u32 $0x100, v4;
	[tilespmem:$0x1FE20] =	vst v34;
	s28 =	sshll.u32 s1, $0x2;
	s1 =	sshllo.u32 s1, $0x2  }
0x22: {  	v36 =	vadd.s32 $0x101, v4;
	[tilespmem:$0x1FE30] =	vst v35;
	s3 =	sor.u32 $0x1, s28;
	v3 =	vmov s1;
	s1 =	rddreg [dreg:$0x1]  }
0x23: {  	v37 =	vor.u32 $0x110, v4;
	[tilespmem:$0x1FE40] =	vst v36;
	s2 =	sor.u32 $0x2, s28;
	v1 =	vmov s3;
	s3 =	rddreg [dreg:$0x2]  }
0x24: {  	v38 =	vadd.s32 $0x111, v4;
	v2 =	vmov s2;
	s2 =	rddreg [dreg:$0x3];
	_ =	strace $0x8000004A;
	[tilespmem:$0x1FE50] =	vst v37  }
0x25: {  	v39 =	vor.u32 $0x120, v4;
	[tilespmem:$0x1FE60] =	vst v38  }
0x26: {  	v40 =	vadd.s32 $0x121, v4;
	[tilespmem:$0x1FE70] =	vst v39  }
0x27: {  	v41 =	vor.u32 $0x130, v4;
	[tilespmem:$0x1FE80] =	vst v40  }
0x28: {  	v42 =	vadd.s32 $0x131, v4;
	[tilespmem:$0x1FE90] =	vst v41  }
0x29: {  	v43 =	vor.u32 $0x140, v4;
	[tilespmem:$0x1FEA0] =	vst v42  }
0x2a: {  	v44 =	vadd.s32 $0x141, v4;
	[tilespmem:$0x1FEB0] =	vst v43  }
0x2b: {  	v45 =	vor.u32 $0x150, v4;
	[tilespmem:$0x1FEC0] =	vst v44  }
0x2c: {  	v46 =	vadd.s32 $0x151, v4;
	[tilespmem:$0x1FED0] =	vst v45  }
0x2d: {  	v47 =	vor.u32 $0x160, v4;
	[tilespmem:$0x1FEE0] =	vst v46  }
0x2e: {  	v48 =	vadd.s32 $0x161, v4;
	[tilespmem:$0x1FEF0] =	vst v47  }
0x2f: {  	v49 =	vor.u32 $0x170, v4;
	[tilespmem:$0x1FF00] =	vst v48  }
0x30: {  	v50 =	vadd.s32 $0x171, v4;
	[tilespmem:$0x1FF10] =	vst v49  }
0x31: {  	v51 =	vor.u32 $0x180, v4;
	[tilespmem:$0x1FF20] =	vst v50  }
0x32: {  	v52 =	vadd.s32 $0x181, v4;
	[tilespmem:$0x1FF30] =	vst v51  }
0x33: {  	v53 =	vor.u32 $0x190, v4;
	[tilespmem:$0x1FF40] =	vst v52  }
0x34: {  	v54 =	vadd.s32 $0x191, v4;
	[tilespmem:$0x1FF50] =	vst v53  }
0x35: {  	s15 =	simm.s32 $0x310;
	s16 =	simm.s32 $0x520;
	v55 =	vor.u32 $0x1A0, v4;
	[tilespmem:$0x1FF60] =	vst v54  }
0x36: {  	s17 =	simm.s32 $0x0;
	s5 =	sadd.s32 $0x800, s6;
	s9 =	sadd.s32 $0x200800, s6;
	v56 =	vadd.s32 $0x1A1, v4;
	[tilespmem:$0x1FF70] =	vst v55  }
0x37: {  	s29 =	sshll.u32 s0, $0x3;
	s11 =	sand.u32 $0x1, s0;
	s12 =	sshll.u32 s0, $0x9;
	v57 =	vor.u32 $0x1B0, v4;
	[tilespmem:$0x1FF80] =	vst v56  }
0x38: {  	v58 =	vadd.s32 $0x1B1, v4;
	s8 =	ssub.s32 $0x2, s7;
	s6 =	sand.u32 $0x70, s29;
	s11 =	sshll.u32 s11, $0x9;
	[tilespmem:$0x1FF90] =	vst v57  }
0x39: {  	v59 =	vor.u32 $0x1C0, v4;
	s12 =	sand.u32 $0x1C00, s12;
	s14 =	sshll.u32 s7, $0x8;
	s10 =	sshrl.u32 s8, $0x1;
	[tilespmem:$0x1FFA0] =	vst v58  }
0x3a: {  	v60 =	vadd.s32 $0x1C1, v4;
	s13 =	sshll.u32 s6, $0x6;
	s30 =	sadd.s32 s12, s9;
	s12 =	simm.s32 $0x1;
	[tilespmem:$0x1FFB0] =	vst v59  }
0x3b: {  	v61 =	vor.u32 $0x1D0, v4;
	s13 =	sor.u32 s13, s11;
	s8 =	ssub.s32 s8, s10;
	s11 =	sadd.s32 s11, s30;
	[tilespmem:$0x1FFC0] =	vst v60  }
0x3c: {  	v62 =	vadd.s32 $0x1D1, v4;
	v0 =	vmov s28;
	s31 =	sor.u32 s13, s14;
	s7 =	smax.u32 s8, $0x1;
	s11 =	sadd.s32 s14, s11;
	[tilespmem:$0x1FFD0] =	vst v61  }
0x3d: {  	v63 =	vor.u32 $0x1E0, v4;
	s13 =	simm.s32 $0x80;
	s14 =	simm.s32 $0x100;
	vm0 =	veq.s32 v0, v4;
	s8 =	sadd.s32 s31, s9;
	[tilespmem:$0x1FFE0] =	vst v62  }
0x3e: {  	s9 =	sadd.s32 $0x40, s11;
	s10 =	sadd.s32 $0x80, s11;
	s11 =	sadd.s32 $0xC0, s11;
	[tilespmem:$0x1FFF0] =	vst v63;
	vm3 =	veq.s32 v3, v4;
	vm1 =	veq.s32 v1, v4;
	vm2 =	veq.s32 v2, v4  }
.LBB2_1:
0x3f: {  	[tilespmem:s4], [sflag:$0x1] =	stream.linear.gather [hbm4b:s1+s4], $0x80, $0x38;
	[tilespmem:$0x720] =	vst v63  }
0x40: {  	_ =	swait.ge [sflag:s12], $0x80  }
0x41: {  	[sflag:s12] =	ssyncset.done $0x0  }
0x42: {  	[sflag:s12] =	ssyncadd.s32 $0xFFFFFF80  }
0x43: {  	[tilespmem:s13], [sflag:$0x1] =	stream.linear.gather [hbm4b:s3+s4], $0x80, $0x38;
	[tilespmem:$0x720] =	vst v63  }
0x44: {  	_ =	swait.ge [sflag:s12], $0x80  }
0x45: {  	[sflag:s12] =	ssyncset.done $0x0  }
0x46: {  	[sflag:s12] =	ssyncadd.s32 $0xFFFFFF80  }
0x47: {  	v0 =	vld [tilespmem:s6+$0x0];
	_ =	sdelay $0x4  }
0x48: {  	v0 =	vsub.f32 $0.0e+00, v0;
	_ =	sdelay $0x1  }
0x49: {  	v0 =	vmul.f32 $1.442695020e+00, v0;
	_ =	sdelay $0x1  }
0x4a: {  	(erf) = vpow2.f32 v0;
	_ =	sdelay $0x3  }
0x4b: {  	v0 =	vld [tilespmem:s6+$0x80];
	_ =	sdelay $0x4  }
0x4c: {  	v0 =	vsub.f32 $0.0e+00, v0;
	v1 =	vpop (erf)  }
0x4d: {  	v1 =	vadd.f32 $1.000000000e+00, v1  }
0x4e: {  	v0 =	vmul.f32 $1.442695020e+00, v0  }
0x4f: {  	(erf) = vrcp.f32 v1  }
0x50: {  	(erf) = vpow2.f32 v0;
	_ =	sdelay $0x7  }
0x51: {  	v0 =	vpop (erf)  }
0x52: {  	v1 =	vpop (erf)  }
0x53: {  	v1 =	vadd.f32 $1.000000000e+00, v1;
	_ =	sdelay $0x1  }
0x54: {  	(erf) = vrcp.f32 v1;
	_ =	sdelay $0x8  }
0x55: {  	v1 =	vpop (erf)  }
0x56: {  	v0 =	vmul.f32 $2.550000000e+02, v0;
	v1 =	vmul.f32 $3.584000000e+03, v1;
	_ =	sdelay $0x1  }
0x57: {  	v2 =	vtrunc.f32 v0;
	v3 =	vtrunc.f32 v1  }
0x58: {  	v2 =	vcvt.f32.s32 v2;
	v3 =	vcvt.f32.s32 v3;
	_ =	sdelay $0x1  }
0x59: {  	vm4 =	vlt.s32 v2, $0xFF;
	vm5 =	vlt.s32 v3, $0xDFF  }
0x5a: {  	v6 =	vnsel vm4, $0xFF, v2;
	v3 =	vnsel vm5, $0xDFF, v3  }
0x5b: {  	v4 =	vcvt.s32.f32 v6;
	v5 =	vcvt.s32.f32 v3  }
0x5c: {  	vm4 =	vlt.s32 v2, $0xFE  }
0x5d: {  	v2 =	vnsel vm4, $0xFE, v2;
	v0 =	vsub.f32 v0, v4;
	v1 =	vsub.f32 v1, v5  }
0x5e: {  	[tilespmem:$0x1FB10] =	vst v6;
	v6 =	vnsel vm0, $0x0, v6;
	v7 =	vadd.s32 $0x1, v2;
	v4 =	vand.u32 $0xFFFFFFF8, v3  }
0x5f: {  	vm4 =	vlt.s32 v4, $0xDF0;
	v5 =	vsub.f32 $1.000000000e+00, v0;
	v2 =	vsub.f32 $1.000000000e+00, v1  }
0x60: {  	(xrf0) =	vadd.scan.msk.s32 $0xffff, v6;
	[tilespmem:$0x1FB20] =	vst v7;
	v8 =	vnsel vm4, $0xDF0, v4;
	v4 =	vnsel vm0, $0x0, v7  }
0x61: {  	v7 =	vsub.s32 v3, v8;
	(xrf0) =	vadd.scan.msk.s32 $0xffff, v4;
	v3 =	vnsel vm0, $0x0, v8;
	v6 =	vmul.f32 v2, v5  }
0x62: {  	(xrf0) =	vadd.scan.msk.s32 $0xffff, v3;
	v4 =	vmul.f32 v2, v0;
	v2 =	vnsel vm0, $0x0, v7  }
0x63: {  	(xrf0) =	vadd.scan.msk.s32 $0xffff, v2;
	v2 =	vnsel vm0, $0x0, v6  }
0x64: {  	v3 =	vmul.f32 v5, v1;
	v1 =	vmul.f32 v1, v0;
	v0 =	vnsel vm0, $0x0, v4;
	(xrf2) =	vadd.scan.msk.f32 $0xffff, v2  }
0x65: {  	(xrf2) =	vadd.scan.msk.f32 $0xffff, v0;
	_ =	sdelay $0x3  }
0x66: {  	v0 =	vnsel vm0, $0x0, v3  }
0x67: {  	(xrf2) =	vadd.scan.msk.f32 $0xffff, v0;
	v0 =	vnsel vm0, $0x0, v1;
	_ =	sdelay $0x2  }
0x68: {  	(xrf2) =	vadd.scan.msk.f32 $0xffff, v0;
	v0, _, _ =	vpop (xrf0)  }
0x69: {  	[tilespmem:$0x1FB60] =	vst v4;
	v4, _, _ =	vpop (xrf2)  }
0x6a: {  	(v2sf) =	vpush v0, $0xF;
	v0, _, _ =	vpop (xrf2)  }
0x6b: {  	[tilespmem:$0x1FB80] =	vst v1;
	v1, _, _ =	vpop (xrf0);
	v12 =	vbroadcast v0, $0xF;
	v0 =	vld [tilespmem:$0x1FC50]  }
0x6c: {  	v2, _, _ =	vpop (xrf0)  }
0x6d: {  	[tilespmem:$0x1FB70] =	vst v3;
	v3, _, _ =	vpop (xrf0)  }
0x6e: {  	v16 =	vbroadcast v3, $0xF;
	_ =	sdelay $0x1  }
0x6f: {  	v0 =	vadd.s32 v0, v16  }
0x70: {  	[tilespmem:$0x1FBB0] =	vst v0;
	v0 =	vld [tilespmem:$0x1FC60];
	_ =	sdelay $0x4  }
0x71: {  	v0 =	vadd.s32 v0, v16  }
0x72: {  	[tilespmem:$0x1FBC0] =	vst v0;
	v0 =	vld [tilespmem:$0x1FC70];
	_ =	sdelay $0x4  }
0x73: {  	v0 =	vadd.s32 v0, v16  }
0x74: {  	[tilespmem:$0x1FBD0] =	vst v0;
	v0 =	vld [tilespmem:$0x1FC80];
	_ =	sdelay $0x4  }
0x75: {  	v0 =	vadd.s32 v0, v16  }
0x76: {  	[tilespmem:$0x1FBE0] =	vst v0;
	v0 =	vld [tilespmem:$0x1FC90];
	_ =	sdelay $0x4  }
0x77: {  	v0 =	vadd.s32 v0, v16  }
0x78: {  	[tilespmem:$0x1FBF0] =	vst v0;
	v0 =	vld [tilespmem:$0x1FCA0];
	_ =	sdelay $0x4  }
0x79: {  	v0 =	vadd.s32 v0, v16  }
0x7a: {  	[tilespmem:$0x1FC00] =	vst v0;
	v0 =	vld [tilespmem:$0x1FCB0];
	_ =	sdelay $0x4  }
0x7b: {  	v21 =	vadd.s32 v0, v16;
	v0 =	vld [tilespmem:$0x1FCC0];
	_ =	sdelay $0x4  }
0x7c: {  	v22 =	vadd.s32 v0, v16;
	v0 =	vld [tilespmem:$0x1FCD0];
	_ =	sdelay $0x4  }
0x7d: {  	v23 =	vadd.s32 v0, v16;
	v0 =	vld [tilespmem:$0x1FCE0];
	_ =	sdelay $0x4  }
0x7e: {  	v24 =	vadd.s32 v0, v16;
	v0 =	vld [tilespmem:$0x1FCF0];
	_ =	sdelay $0x4  }
0x7f: {  	v25 =	vadd.s32 v0, v16;
	v0 =	vld [tilespmem:$0x1FD00];
	_ =	sdelay $0x4  }
0x80: {  	v26 =	vadd.s32 v0, v16;
	v0 =	vld [tilespmem:$0x1FD10];
	_ =	sdelay $0x4  }
0x81: {  	v27 =	vadd.s32 v0, v16;
	v0 =	vld [tilespmem:$0x1FD20];
	_ =	sdelay $0x4  }
0x82: {  	v28 =	vadd.s32 v0, v16;
	v0 =	vld [tilespmem:$0x1FD30];
	_ =	sdelay $0x4  }
0x83: {  	v29 =	vadd.s32 v0, v16;
	v0 =	vld [tilespmem:$0x1FD40];
	_ =	sdelay $0x4  }
0x84: {  	v30 =	vadd.s32 v0, v16;
	v0 =	vld [tilespmem:$0x1FD50];
	_ =	sdelay $0x4  }
0x85: {  	v31 =	vadd.s32 v0, v16;
	v0 =	vld [tilespmem:$0x1FD60];
	_ =	sdelay $0x4  }
0x86: {  	v32 =	vadd.s32 v0, v16;
	v0 =	vld [tilespmem:$0x1FD70];
	_ =	sdelay $0x4  }
0x87: {  	v33 =	vadd.s32 v0, v16;
	v0 =	vld [tilespmem:$0x1FD80];
	_ =	sdelay $0x4  }
0x88: {  	v34 =	vadd.s32 v0, v16;
	v0 =	vld [tilespmem:$0x1FD90];
	_ =	sdelay $0x4  }
0x89: {  	v35 =	vadd.s32 v0, v16;
	v0 =	vld [tilespmem:$0x1FDA0];
	_ =	sdelay $0x4  }
0x8a: {  	v36 =	vadd.s32 v0, v16;
	v0 =	vld [tilespmem:$0x1FDB0];
	_ =	sdelay $0x4  }
0x8b: {  	v37 =	vadd.s32 v0, v16;
	v0 =	vld [tilespmem:$0x1FDC0];
	_ =	sdelay $0x4  }
0x8c: {  	v38 =	vadd.s32 v0, v16;
	v0 =	vld [tilespmem:$0x1FDD0];
	_ =	sdelay $0x4  }
0x8d: {  	v39 =	vadd.s32 v0, v16;
	v0 =	vld [tilespmem:$0x1FDE0];
	_ =	sdelay $0x4  }
0x8e: {  	v40 =	vadd.s32 v0, v16;
	v0 =	vld [tilespmem:$0x1FDF0];
	_ =	sdelay $0x4  }
0x8f: {  	v41 =	vadd.s32 v0, v16;
	v0 =	vld [tilespmem:$0x1FE00];
	_ =	sdelay $0x4  }
0x90: {  	v42 =	vadd.s32 v0, v16;
	v0 =	vld [tilespmem:$0x1FE10];
	_ =	sdelay $0x4  }
0x91: {  	v43 =	vadd.s32 v0, v16;
	v0 =	vld [tilespmem:$0x1FE20];
	_ =	sdelay $0x4  }
0x92: {  	v44 =	vadd.s32 v0, v16;
	v0 =	vld [tilespmem:$0x1FE30];
	_ =	sdelay $0x4  }
0x93: {  	v45 =	vadd.s32 v0, v16;
	v0 =	vld [tilespmem:$0x1FE40];
	_ =	sdelay $0x4  }
0x94: {  	v46 =	vadd.s32 v0, v16;
	v0 =	vld [tilespmem:$0x1FE50];
	_ =	sdelay $0x4  }
0x95: {  	v47 =	vadd.s32 v0, v16;
	v0 =	vld [tilespmem:$0x1FE60];
	_ =	sdelay $0x4  }
0x96: {  	v48 =	vadd.s32 v0, v16;
	v0 =	vld [tilespmem:$0x1FE70];
	_ =	sdelay $0x4  }
0x97: {  	v49 =	vadd.s32 v0, v16;
	v0 =	vld [tilespmem:$0x1FE80];
	_ =	sdelay $0x4  }
0x98: {  	v50 =	vadd.s32 v0, v16;
	v0 =	vld [tilespmem:$0x1FE90];
	_ =	sdelay $0x4  }
0x99: {  	v51 =	vadd.s32 v0, v16;
	v0 =	vld [tilespmem:$0x1FEA0];
	_ =	sdelay $0x4  }
0x9a: {  	v52 =	vadd.s32 v0, v16;
	v0 =	vld [tilespmem:$0x1FEB0];
	_ =	sdelay $0x4  }
0x9b: {  	v53 =	vadd.s32 v0, v16;
	v0 =	vld [tilespmem:$0x1FEC0];
	_ =	sdelay $0x4  }
0x9c: {  	v54 =	vadd.s32 v0, v16;
	v0 =	vld [tilespmem:$0x1FED0];
	_ =	sdelay $0x4  }
0x9d: {  	v55 =	vadd.s32 v0, v16;
	v0 =	vld [tilespmem:$0x1FEE0];
	_ =	sdelay $0x4  }
0x9e: {  	v56 =	vadd.s32 v0, v16;
	v0 =	vld [tilespmem:$0x1FEF0];
	_ =	sdelay $0x3  }
0x9f: {  	v9 =	vld [tilespmem:$0x1FFD0]  }
0xa0: {  	v57 =	vadd.s32 v0, v16;
	v0 =	vld [tilespmem:$0x1FF00]  }
0xa1: {  	[tilespmem:$0x1FB30] =	vst v8;
	v8 =	vld [tilespmem:$0x1FFC0]  }
0xa2: {  	v5 =	vld [tilespmem:$0x1FF90];
	(v2sf) =	vpush v1, $0xF  }
0xa3: {  	[tilespmem:$0x1FB40] =	vst v7;
	v7 =	vld [tilespmem:$0x1FFB0];
	(v2sf) =	vpush v2, $0xF  }
0xa4: {  	[tilespmem:$0x1FB50] =	vst v6;
	v6 =	vld [tilespmem:$0x1FFA0]  }
0xa5: {  	v58 =	vadd.s32 v0, v16;
	v0 =	vld [tilespmem:$0x1FF10]  }
0xa6: {  	v11 =	vlaneseq.u32;
	v3 =	vld [tilespmem:$0x1FC40]  }
0xa7: {  	v2 =	vadd.s32 v11, v16;
	v10 =	vbroadcast v4, $0xF;
	v4 =	vld [tilespmem:$0x1FF80]  }
0xa8: {  	v61 =	vadd.s32 v9, v16;
	v9 =	vld [tilespmem:$0x1FFE0];
	v1, _, _ =	vpop (xrf2)  }
0xa9: {  	v13 =	vbroadcast v1, $0xF;
	v1 =	vld [tilespmem:$0x1FF40]  }
0xaa: {  	[tilespmem:$0x1FB90] =	vst v2;
	v2, _, _ =	vpop (xrf2);
	v59 =	vadd.s32 v0, v16;
	v0 =	vld [tilespmem:$0x1FF20]  }
0xab: {  	v3 =	vadd.s32 v3, v16;
	v14 =	vbroadcast v2, $0xF;
	v2 =	vld [tilespmem:$0x1FF60]  }
0xac: {  	[tilespmem:$0x1FBA0] =	vst v3;
	v3 =	vld [tilespmem:$0x1FF70]  }
0xad: {  	v63 =	vadd.s32 v9, v16;
	v9 =	vld [tilespmem:$0x1FFF0]  }
0xae: {  	v62 =	vadd.s32 v1, v16;
	v1 =	vld [tilespmem:$0x1FF50]  }
0xaf: {  	v15 =	vadd.s32 $0x1E1, v11;
	v60 =	vadd.s32 v0, v16;
	v0 =	vld [tilespmem:$0x1FF30]  }
0xb0: {  	v18 =	vor.u32 $0x1F0, v11;
	v17 =	vadd.s32 $0x1F1, v11;
	v5 =	vadd.s32 v5, v16;
	s18 =	spop (v2sf)  }
0xb1: {  	v6 =	vadd.s32 v6, v16;
	v7 =	vadd.s32 v7, v16;
	v8 =	vadd.s32 v8, v16;
	s19 =	spop (v2sf)  }
0xb2: {  	s21 =	simm.s32 $0x0;
	[tilespmem:$0x1FC10] =	vst v15;
	v11 =	vadd.s32 v15, v16;
	v15 =	vadd.s32 v18, v16;
	v4 =	vadd.s32 v4, v16;
	s20 =	spop (v2sf)  }
0xb3: {  	[tilespmem:$0x1FC20] =	vst v18;
	v2 =	vadd.s32 v2, v16;
	v3 =	vadd.s32 v3, v16;
	v9 =	vadd.s32 v9, v16;
	s18 =	sshll.u32 s18, $0xC;
	s19 =	sshll.u32 s19, $0xC;
	s20 =	sand.u32 $0xFFFFFFF8, s20  }
0xb4: {  	[tilespmem:$0x1FC30] =	vst v17;
	v1 =	vadd.s32 v1, v16;
	s18 =	sadd.s32 s18, s20;
	s19 =	sadd.s32 s19, s20;
	s20 =	smov.u32 s8;
	v0 =	vadd.s32 v0, v16;
	v16 =	vadd.s32 v17, v16  }
.LBB2_2:
0xb5: {  	s22 =	sadd.s32 s21, s18  }
0xb6: {  	s22 =	sshrl.u32 s22, $0x3  }
0xb7: {  	s22 =	sadd.s32 s5, s22  }
0xb8: {  	[tilespmem:s14], [sflag:$0x1] =	stream.linear.gather [hbm4b:s22+s4], $0x210, $0x38;
	[tilespmem:$0x720] =	vst v63  }
0xb9: {  	s31 =	sadd.s32 s21, s19;
	_ =	swait.ge [sflag:s12], $0x210  }
0xba: {  	s22 =	sshrl.u32 s31, $0x3;
	[sflag:s12] =	ssyncset.done $0x0  }
0xbb: {  	s22 =	sadd.s32 s5, s22;
	[sflag:s12] =	ssyncadd.s32 $0xFFFFFDF0  }
0xbc: {  	[tilespmem:s15], [sflag:$0x1] =	stream.linear.gather [hbm4b:s22+s4], $0x210, $0x38;
	[tilespmem:$0x720] =	vst v63  }
0xbd: {  	_ =	swait.ge [sflag:s12], $0x210  }
0xbe: {  	v18 =	vld [tilespmem:$0x1FB90];
	_ =	sdelay $0x2  }
0xbf: {  	v20 =	vld [tilespmem:$0x1FBA0];
	_ =	sdelay $0x2  }
0xc0: {  	[sflag:s12] =	ssyncset.done $0x0  }
0xc1: {  	[sflag:s12] =	ssyncadd.s32 $0xFFFFFDF0  }
0xc2: {  	v17 =	vld.idx.msk [tilespmem:v18+s14+$0x0], $0xffff  }
0xc3: {  	v18 =	vld.idx.msk [tilespmem:v18+s15+$0x0], $0xffff;
	_ =	sdelay $0x1  }
0xc4: {  	v19 =	vld.idx.msk [tilespmem:v20+s14+$0x0], $0xffff;
	_ =	sdelay $0x1  }
0xc5: {  	v20 =	vld.idx.msk [tilespmem:v20+s15+$0x0], $0xffff  }
0xc6: {  	v17 =	vmul.f32 v17, v10;
	v18 =	vmul.f32 v18, v12;
	_ =	sdelay $0x1  }
0xc7: {  	v17 =	vadd.f32 v18, v17;
	v18 =	vmul.f32 v19, v13;
	_ =	sdelay $0x1  }
0xc8: {  	v17 =	vadd.f32 v18, v17;
	v18 =	vmul.f32 v20, v14;
	_ =	sdelay $0x1  }
0xc9: {  	v17 =	vadd.f32 v18, v17;
	v18 =	vld [tilespmem:$0x1FBB0];
	_ =	sdelay $0x2  }
0xca: {  	v20 =	vld [tilespmem:$0x1FBC0];
	_ =	sdelay $0x3  }
0xcb: {  	[tilespmem:$0x520] =	vst v17  }
0xcc: {  	v17 =	vld.idx.msk [tilespmem:v18+s14+$0x0], $0xffff  }
0xcd: {  	v18 =	vld.idx.msk [tilespmem:v18+s15+$0x0], $0xffff;
	_ =	sdelay $0x1  }
0xce: {  	v19 =	vld.idx.msk [tilespmem:v20+s14+$0x0], $0xffff;
	_ =	sdelay $0x1  }
0xcf: {  	v20 =	vld.idx.msk [tilespmem:v20+s15+$0x0], $0xffff  }
0xd0: {  	v17 =	vmul.f32 v17, v10;
	v18 =	vmul.f32 v18, v12;
	_ =	sdelay $0x1  }
0xd1: {  	v17 =	vadd.f32 v18, v17;
	v18 =	vmul.f32 v19, v13;
	_ =	sdelay $0x1  }
0xd2: {  	v17 =	vadd.f32 v18, v17;
	v18 =	vmul.f32 v20, v14;
	_ =	sdelay $0x1  }
0xd3: {  	v17 =	vadd.f32 v18, v17;
	v18 =	vld [tilespmem:$0x1FBD0];
	_ =	sdelay $0x2  }
0xd4: {  	v20 =	vld [tilespmem:$0x1FBE0];
	_ =	sdelay $0x3  }
0xd5: {  	[tilespmem:$0x530] =	vst v17  }
0xd6: {  	v17 =	vld.idx.msk [tilespmem:v18+s14+$0x0], $0xffff  }
0xd7: {  	v18 =	vld.idx.msk [tilespmem:v18+s15+$0x0], $0xffff;
	_ =	sdelay $0x1  }
0xd8: {  	v19 =	vld.idx.msk [tilespmem:v20+s14+$0x0], $0xffff;
	_ =	sdelay $0x1  }
0xd9: {  	v20 =	vld.idx.msk [tilespmem:v20+s15+$0x0], $0xffff  }
0xda: {  	v17 =	vmul.f32 v17, v10;
	v18 =	vmul.f32 v18, v12;
	_ =	sdelay $0x1  }
0xdb: {  	v17 =	vadd.f32 v18, v17;
	v18 =	vmul.f32 v19, v13;
	_ =	sdelay $0x1  }
0xdc: {  	v17 =	vadd.f32 v18, v17;
	v18 =	vmul.f32 v20, v14;
	_ =	sdelay $0x1  }
0xdd: {  	v17 =	vadd.f32 v18, v17;
	v18 =	vld [tilespmem:$0x1FBF0];
	_ =	sdelay $0x2  }
0xde: {  	v20 =	vld [tilespmem:$0x1FC00];
	_ =	sdelay $0x3  }
0xdf: {  	[tilespmem:$0x540] =	vst v17  }
0xe0: {  	v17 =	vld.idx.msk [tilespmem:v18+s14+$0x0], $0xffff  }
0xe1: {  	v18 =	vld.idx.msk [tilespmem:v18+s15+$0x0], $0xffff;
	_ =	sdelay $0x1  }
0xe2: {  	v19 =	vld.idx.msk [tilespmem:v20+s14+$0x0], $0xffff;
	_ =	sdelay $0x1  }
0xe3: {  	v20 =	vld.idx.msk [tilespmem:v20+s15+$0x0], $0xffff  }
0xe4: {  	v17 =	vmul.f32 v17, v10;
	v18 =	vmul.f32 v18, v12;
	_ =	sdelay $0x1  }
0xe5: {  	v17 =	vadd.f32 v18, v17;
	v18 =	vmul.f32 v19, v13;
	_ =	sdelay $0x1  }
0xe6: {  	v17 =	vadd.f32 v18, v17;
	v18 =	vmul.f32 v20, v14;
	_ =	sdelay $0x1  }
0xe7: {  	v17 =	vadd.f32 v18, v17;
	_ =	sdelay $0x1  }
0xe8: {  	[tilespmem:$0x550] =	vst v17  }
0xe9: {  	v17 =	vld.idx.msk [tilespmem:v21+s14+$0x0], $0xffff  }
0xea: {  	v18 =	vld.idx.msk [tilespmem:v21+s15+$0x0], $0xffff;
	_ =	sdelay $0x1  }
0xeb: {  	v19 =	vld.idx.msk [tilespmem:v22+s14+$0x0], $0xffff;
	_ =	sdelay $0x1  }
0xec: {  	v20 =	vld.idx.msk [tilespmem:v22+s15+$0x0], $0xffff  }
0xed: {  	v17 =	vmul.f32 v17, v10;
	v18 =	vmul.f32 v18, v12;
	_ =	sdelay $0x1  }
0xee: {  	v17 =	vadd.f32 v18, v17;
	v18 =	vmul.f32 v19, v13;
	_ =	sdelay $0x1  }
0xef: {  	v17 =	vadd.f32 v18, v17;
	v18 =	vmul.f32 v20, v14;
	_ =	sdelay $0x1  }
0xf0: {  	v17 =	vadd.f32 v18, v17;
	_ =	sdelay $0x1  }
0xf1: {  	[tilespmem:$0x560] =	vst v17  }
0xf2: {  	v17 =	vld.idx.msk [tilespmem:v23+s14+$0x0], $0xffff  }
0xf3: {  	v18 =	vld.idx.msk [tilespmem:v23+s15+$0x0], $0xffff;
	_ =	sdelay $0x1  }
0xf4: {  	v19 =	vld.idx.msk [tilespmem:v24+s14+$0x0], $0xffff;
	_ =	sdelay $0x1  }
0xf5: {  	v20 =	vld.idx.msk [tilespmem:v24+s15+$0x0], $0xffff  }
0xf6: {  	v17 =	vmul.f32 v17, v10;
	v18 =	vmul.f32 v18, v12;
	_ =	sdelay $0x1  }
0xf7: {  	v17 =	vadd.f32 v18, v17;
	v18 =	vmul.f32 v19, v13;
	_ =	sdelay $0x1  }
0xf8: {  	v17 =	vadd.f32 v18, v17;
	v18 =	vmul.f32 v20, v14;
	_ =	sdelay $0x1  }
0xf9: {  	v17 =	vadd.f32 v18, v17;
	_ =	sdelay $0x1  }
0xfa: {  	[tilespmem:$0x570] =	vst v17  }
0xfb: {  	v17 =	vld.idx.msk [tilespmem:v25+s14+$0x0], $0xffff  }
0xfc: {  	v18 =	vld.idx.msk [tilespmem:v25+s15+$0x0], $0xffff;
	_ =	sdelay $0x1  }
0xfd: {  	v19 =	vld.idx.msk [tilespmem:v26+s14+$0x0], $0xffff;
	_ =	sdelay $0x1  }
0xfe: {  	v20 =	vld.idx.msk [tilespmem:v26+s15+$0x0], $0xffff  }
0xff: {  	v17 =	vmul.f32 v17, v10;
	v18 =	vmul.f32 v18, v12;
	_ =	sdelay $0x1  }
0x100: {  	v17 =	vadd.f32 v18, v17;
	v18 =	vmul.f32 v19, v13;
	_ =	sdelay $0x1  }
0x101: {  	v17 =	vadd.f32 v18, v17;
	v18 =	vmul.f32 v20, v14;
	_ =	sdelay $0x1  }
0x102: {  	v17 =	vadd.f32 v18, v17;
	_ =	sdelay $0x1  }
0x103: {  	[tilespmem:$0x580] =	vst v17  }
0x104: {  	v17 =	vld.idx.msk [tilespmem:v27+s14+$0x0], $0xffff  }
0x105: {  	v18 =	vld.idx.msk [tilespmem:v27+s15+$0x0], $0xffff;
	_ =	sdelay $0x1  }
0x106: {  	v19 =	vld.idx.msk [tilespmem:v28+s14+$0x0], $0xffff;
	_ =	sdelay $0x1  }
0x107: {  	v20 =	vld.idx.msk [tilespmem:v28+s15+$0x0], $0xffff  }
0x108: {  	v17 =	vmul.f32 v17, v10;
	v18 =	vmul.f32 v18, v12;
	_ =	sdelay $0x1  }
0x109: {  	v17 =	vadd.f32 v18, v17;
	v18 =	vmul.f32 v19, v13;
	_ =	sdelay $0x1  }
0x10a: {  	v17 =	vadd.f32 v18, v17;
	v18 =	vmul.f32 v20, v14;
	_ =	sdelay $0x1  }
0x10b: {  	v17 =	vadd.f32 v18, v17;
	_ =	sdelay $0x1  }
0x10c: {  	[tilespmem:$0x590] =	vst v17  }
0x10d: {  	v17 =	vld.idx.msk [tilespmem:v29+s14+$0x0], $0xffff  }
0x10e: {  	v18 =	vld.idx.msk [tilespmem:v29+s15+$0x0], $0xffff;
	_ =	sdelay $0x1  }
0x10f: {  	v19 =	vld.idx.msk [tilespmem:v30+s14+$0x0], $0xffff;
	_ =	sdelay $0x1  }
0x110: {  	v20 =	vld.idx.msk [tilespmem:v30+s15+$0x0], $0xffff  }
0x111: {  	v17 =	vmul.f32 v17, v10;
	v18 =	vmul.f32 v18, v12;
	_ =	sdelay $0x1  }
0x112: {  	v17 =	vadd.f32 v18, v17;
	v18 =	vmul.f32 v19, v13;
	_ =	sdelay $0x1  }
0x113: {  	v17 =	vadd.f32 v18, v17;
	v18 =	vmul.f32 v20, v14;
	_ =	sdelay $0x1  }
0x114: {  	v17 =	vadd.f32 v18, v17;
	_ =	sdelay $0x1  }
0x115: {  	[tilespmem:$0x5A0] =	vst v17  }
0x116: {  	v17 =	vld.idx.msk [tilespmem:v31+s14+$0x0], $0xffff  }
0x117: {  	v18 =	vld.idx.msk [tilespmem:v31+s15+$0x0], $0xffff;
	_ =	sdelay $0x1  }
0x118: {  	v19 =	vld.idx.msk [tilespmem:v32+s14+$0x0], $0xffff;
	_ =	sdelay $0x1  }
0x119: {  	v20 =	vld.idx.msk [tilespmem:v32+s15+$0x0], $0xffff  }
0x11a: {  	v17 =	vmul.f32 v17, v10;
	v18 =	vmul.f32 v18, v12;
	_ =	sdelay $0x1  }
0x11b: {  	v17 =	vadd.f32 v18, v17;
	v18 =	vmul.f32 v19, v13;
	_ =	sdelay $0x1  }
0x11c: {  	v17 =	vadd.f32 v18, v17;
	v18 =	vmul.f32 v20, v14;
	_ =	sdelay $0x1  }
0x11d: {  	v17 =	vadd.f32 v18, v17;
	_ =	sdelay $0x1  }
0x11e: {  	[tilespmem:$0x5B0] =	vst v17  }
0x11f: {  	v17 =	vld.idx.msk [tilespmem:v33+s14+$0x0], $0xffff  }
0x120: {  	v18 =	vld.idx.msk [tilespmem:v33+s15+$0x0], $0xffff;
	_ =	sdelay $0x1  }
0x121: {  	v19 =	vld.idx.msk [tilespmem:v34+s14+$0x0], $0xffff;
	_ =	sdelay $0x1  }
0x122: {  	v20 =	vld.idx.msk [tilespmem:v34+s15+$0x0], $0xffff  }
0x123: {  	v17 =	vmul.f32 v17, v10;
	v18 =	vmul.f32 v18, v12;
	_ =	sdelay $0x1  }
0x124: {  	v17 =	vadd.f32 v18, v17;
	v18 =	vmul.f32 v19, v13;
	_ =	sdelay $0x1  }
0x125: {  	v17 =	vadd.f32 v18, v17;
	v18 =	vmul.f32 v20, v14;
	_ =	sdelay $0x1  }
0x126: {  	v17 =	vadd.f32 v18, v17;
	_ =	sdelay $0x1  }
0x127: {  	[tilespmem:$0x5C0] =	vst v17  }
0x128: {  	v17 =	vld.idx.msk [tilespmem:v35+s14+$0x0], $0xffff  }
0x129: {  	v18 =	vld.idx.msk [tilespmem:v35+s15+$0x0], $0xffff;
	_ =	sdelay $0x1  }
0x12a: {  	v19 =	vld.idx.msk [tilespmem:v36+s14+$0x0], $0xffff;
	_ =	sdelay $0x1  }
0x12b: {  	v20 =	vld.idx.msk [tilespmem:v36+s15+$0x0], $0xffff  }
0x12c: {  	v17 =	vmul.f32 v17, v10;
	v18 =	vmul.f32 v18, v12;
	_ =	sdelay $0x1  }
0x12d: {  	v17 =	vadd.f32 v18, v17;
	v18 =	vmul.f32 v19, v13;
	_ =	sdelay $0x1  }
0x12e: {  	v17 =	vadd.f32 v18, v17;
	v18 =	vmul.f32 v20, v14;
	_ =	sdelay $0x1  }
0x12f: {  	v17 =	vadd.f32 v18, v17;
	_ =	sdelay $0x1  }
0x130: {  	[tilespmem:$0x5D0] =	vst v17  }
0x131: {  	v17 =	vld.idx.msk [tilespmem:v37+s14+$0x0], $0xffff  }
0x132: {  	v18 =	vld.idx.msk [tilespmem:v37+s15+$0x0], $0xffff;
	_ =	sdelay $0x1  }
0x133: {  	v19 =	vld.idx.msk [tilespmem:v38+s14+$0x0], $0xffff;
	_ =	sdelay $0x1  }
0x134: {  	v20 =	vld.idx.msk [tilespmem:v38+s15+$0x0], $0xffff  }
0x135: {  	v17 =	vmul.f32 v17, v10;
	v18 =	vmul.f32 v18, v12;
	_ =	sdelay $0x1  }
0x136: {  	v17 =	vadd.f32 v18, v17;
	v18 =	vmul.f32 v19, v13;
	_ =	sdelay $0x1  }
0x137: {  	v17 =	vadd.f32 v18, v17;
	v18 =	vmul.f32 v20, v14;
	_ =	sdelay $0x1  }
0x138: {  	v17 =	vadd.f32 v18, v17;
	_ =	sdelay $0x1  }
0x139: {  	[tilespmem:$0x5E0] =	vst v17  }
0x13a: {  	v17 =	vld.idx.msk [tilespmem:v39+s14+$0x0], $0xffff  }
0x13b: {  	v18 =	vld.idx.msk [tilespmem:v39+s15+$0x0], $0xffff;
	_ =	sdelay $0x1  }
0x13c: {  	v19 =	vld.idx.msk [tilespmem:v40+s14+$0x0], $0xffff;
	_ =	sdelay $0x1  }
0x13d: {  	v20 =	vld.idx.msk [tilespmem:v40+s15+$0x0], $0xffff  }
0x13e: {  	v17 =	vmul.f32 v17, v10;
	v18 =	vmul.f32 v18, v12;
	_ =	sdelay $0x1  }
0x13f: {  	v17 =	vadd.f32 v18, v17;
	v18 =	vmul.f32 v19, v13;
	_ =	sdelay $0x1  }
0x140: {  	v17 =	vadd.f32 v18, v17;
	v18 =	vmul.f32 v20, v14;
	_ =	sdelay $0x1  }
0x141: {  	v17 =	vadd.f32 v18, v17;
	_ =	sdelay $0x1  }
0x142: {  	[tilespmem:$0x5F0] =	vst v17  }
0x143: {  	v17 =	vld.idx.msk [tilespmem:v41+s14+$0x0], $0xffff  }
0x144: {  	v18 =	vld.idx.msk [tilespmem:v41+s15+$0x0], $0xffff;
	_ =	sdelay $0x1  }
0x145: {  	v19 =	vld.idx.msk [tilespmem:v42+s14+$0x0], $0xffff;
	_ =	sdelay $0x1  }
0x146: {  	v20 =	vld.idx.msk [tilespmem:v42+s15+$0x0], $0xffff  }
0x147: {  	v17 =	vmul.f32 v17, v10;
	v18 =	vmul.f32 v18, v12;
	_ =	sdelay $0x1  }
0x148: {  	v17 =	vadd.f32 v18, v17;
	v18 =	vmul.f32 v19, v13;
	_ =	sdelay $0x1  }
0x149: {  	v17 =	vadd.f32 v18, v17;
	v18 =	vmul.f32 v20, v14;
	_ =	sdelay $0x1  }
0x14a: {  	v17 =	vadd.f32 v18, v17;
	_ =	sdelay $0x1  }
0x14b: {  	[tilespmem:$0x600] =	vst v17  }
0x14c: {  	v17 =	vld.idx.msk [tilespmem:v43+s14+$0x0], $0xffff  }
0x14d: {  	v18 =	vld.idx.msk [tilespmem:v43+s15+$0x0], $0xffff;
	_ =	sdelay $0x1  }
0x14e: {  	v19 =	vld.idx.msk [tilespmem:v44+s14+$0x0], $0xffff;
	_ =	sdelay $0x1  }
0x14f: {  	v20 =	vld.idx.msk [tilespmem:v44+s15+$0x0], $0xffff  }
0x150: {  	v17 =	vmul.f32 v17, v10;
	v18 =	vmul.f32 v18, v12;
	_ =	sdelay $0x1  }
0x151: {  	v17 =	vadd.f32 v18, v17;
	v18 =	vmul.f32 v19, v13;
	_ =	sdelay $0x1  }
0x152: {  	v17 =	vadd.f32 v18, v17;
	v18 =	vmul.f32 v20, v14;
	_ =	sdelay $0x1  }
0x153: {  	v17 =	vadd.f32 v18, v17;
	_ =	sdelay $0x1  }
0x154: {  	[tilespmem:$0x610] =	vst v17  }
0x155: {  	v17 =	vld.idx.msk [tilespmem:v45+s14+$0x0], $0xffff  }
0x156: {  	v18 =	vld.idx.msk [tilespmem:v45+s15+$0x0], $0xffff;
	_ =	sdelay $0x1  }
0x157: {  	v19 =	vld.idx.msk [tilespmem:v46+s14+$0x0], $0xffff;
	_ =	sdelay $0x1  }
0x158: {  	v20 =	vld.idx.msk [tilespmem:v46+s15+$0x0], $0xffff  }
0x159: {  	v17 =	vmul.f32 v17, v10;
	v18 =	vmul.f32 v18, v12;
	_ =	sdelay $0x1  }
0x15a: {  	v17 =	vadd.f32 v18, v17;
	v18 =	vmul.f32 v19, v13;
	_ =	sdelay $0x1  }
0x15b: {  	v17 =	vadd.f32 v18, v17;
	v18 =	vmul.f32 v20, v14;
	_ =	sdelay $0x1  }
0x15c: {  	v17 =	vadd.f32 v18, v17;
	_ =	sdelay $0x1  }
0x15d: {  	[tilespmem:$0x620] =	vst v17  }
0x15e: {  	v17 =	vld.idx.msk [tilespmem:v47+s14+$0x0], $0xffff  }
0x15f: {  	v18 =	vld.idx.msk [tilespmem:v47+s15+$0x0], $0xffff;
	_ =	sdelay $0x1  }
0x160: {  	v19 =	vld.idx.msk [tilespmem:v48+s14+$0x0], $0xffff;
	_ =	sdelay $0x1  }
0x161: {  	v20 =	vld.idx.msk [tilespmem:v48+s15+$0x0], $0xffff  }
0x162: {  	v17 =	vmul.f32 v17, v10;
	v18 =	vmul.f32 v18, v12;
	_ =	sdelay $0x1  }
0x163: {  	v17 =	vadd.f32 v18, v17;
	v18 =	vmul.f32 v19, v13;
	_ =	sdelay $0x1  }
0x164: {  	v17 =	vadd.f32 v18, v17;
	v18 =	vmul.f32 v20, v14;
	_ =	sdelay $0x1  }
0x165: {  	v17 =	vadd.f32 v18, v17;
	_ =	sdelay $0x1  }
0x166: {  	[tilespmem:$0x630] =	vst v17  }
0x167: {  	v17 =	vld.idx.msk [tilespmem:v49+s14+$0x0], $0xffff  }
0x168: {  	v18 =	vld.idx.msk [tilespmem:v49+s15+$0x0], $0xffff;
	_ =	sdelay $0x1  }
0x169: {  	v19 =	vld.idx.msk [tilespmem:v50+s14+$0x0], $0xffff;
	_ =	sdelay $0x1  }
0x16a: {  	v20 =	vld.idx.msk [tilespmem:v50+s15+$0x0], $0xffff  }
0x16b: {  	v17 =	vmul.f32 v17, v10;
	v18 =	vmul.f32 v18, v12;
	_ =	sdelay $0x1  }
0x16c: {  	v17 =	vadd.f32 v18, v17;
	v18 =	vmul.f32 v19, v13;
	_ =	sdelay $0x1  }
0x16d: {  	v17 =	vadd.f32 v18, v17;
	v18 =	vmul.f32 v20, v14;
	_ =	sdelay $0x1  }
0x16e: {  	v17 =	vadd.f32 v18, v17;
	_ =	sdelay $0x1  }
0x16f: {  	[tilespmem:$0x640] =	vst v17  }
0x170: {  	v17 =	vld.idx.msk [tilespmem:v51+s14+$0x0], $0xffff  }
0x171: {  	v18 =	vld.idx.msk [tilespmem:v51+s15+$0x0], $0xffff;
	_ =	sdelay $0x1  }
0x172: {  	v19 =	vld.idx.msk [tilespmem:v52+s14+$0x0], $0xffff;
	_ =	sdelay $0x1  }
0x173: {  	v20 =	vld.idx.msk [tilespmem:v52+s15+$0x0], $0xffff  }
0x174: {  	v17 =	vmul.f32 v17, v10;
	v18 =	vmul.f32 v18, v12;
	_ =	sdelay $0x1  }
0x175: {  	v17 =	vadd.f32 v18, v17;
	v18 =	vmul.f32 v19, v13;
	_ =	sdelay $0x1  }
0x176: {  	v17 =	vadd.f32 v18, v17;
	v18 =	vmul.f32 v20, v14;
	_ =	sdelay $0x1  }
0x177: {  	v17 =	vadd.f32 v18, v17;
	_ =	sdelay $0x1  }
0x178: {  	[tilespmem:$0x650] =	vst v17  }
0x179: {  	v17 =	vld.idx.msk [tilespmem:v53+s14+$0x0], $0xffff  }
0x17a: {  	v18 =	vld.idx.msk [tilespmem:v53+s15+$0x0], $0xffff;
	_ =	sdelay $0x1  }
0x17b: {  	v19 =	vld.idx.msk [tilespmem:v54+s14+$0x0], $0xffff;
	_ =	sdelay $0x1  }
0x17c: {  	v20 =	vld.idx.msk [tilespmem:v54+s15+$0x0], $0xffff  }
0x17d: {  	v17 =	vmul.f32 v17, v10;
	v18 =	vmul.f32 v18, v12;
	_ =	sdelay $0x1  }
0x17e: {  	v17 =	vadd.f32 v18, v17;
	v18 =	vmul.f32 v19, v13;
	_ =	sdelay $0x1  }
0x17f: {  	v17 =	vadd.f32 v18, v17;
	v18 =	vmul.f32 v20, v14;
	_ =	sdelay $0x1  }
0x180: {  	v17 =	vadd.f32 v18, v17;
	_ =	sdelay $0x1  }
0x181: {  	[tilespmem:$0x660] =	vst v17  }
0x182: {  	v17 =	vld.idx.msk [tilespmem:v55+s14+$0x0], $0xffff  }
0x183: {  	v18 =	vld.idx.msk [tilespmem:v55+s15+$0x0], $0xffff;
	_ =	sdelay $0x1  }
0x184: {  	v19 =	vld.idx.msk [tilespmem:v56+s14+$0x0], $0xffff;
	_ =	sdelay $0x1  }
0x185: {  	v20 =	vld.idx.msk [tilespmem:v56+s15+$0x0], $0xffff  }
0x186: {  	v17 =	vmul.f32 v17, v10;
	v18 =	vmul.f32 v18, v12;
	_ =	sdelay $0x1  }
0x187: {  	v17 =	vadd.f32 v18, v17;
	v18 =	vmul.f32 v19, v13;
	_ =	sdelay $0x1  }
0x188: {  	v17 =	vadd.f32 v18, v17;
	v18 =	vmul.f32 v20, v14;
	_ =	sdelay $0x1  }
0x189: {  	v17 =	vadd.f32 v18, v17;
	_ =	sdelay $0x1  }
0x18a: {  	[tilespmem:$0x670] =	vst v17  }
0x18b: {  	v17 =	vld.idx.msk [tilespmem:v57+s14+$0x0], $0xffff  }
0x18c: {  	v18 =	vld.idx.msk [tilespmem:v57+s15+$0x0], $0xffff;
	_ =	sdelay $0x1  }
0x18d: {  	v19 =	vld.idx.msk [tilespmem:v58+s14+$0x0], $0xffff;
	_ =	sdelay $0x1  }
0x18e: {  	v20 =	vld.idx.msk [tilespmem:v58+s15+$0x0], $0xffff  }
0x18f: {  	v17 =	vmul.f32 v17, v10;
	v18 =	vmul.f32 v18, v12;
	_ =	sdelay $0x1  }
0x190: {  	v17 =	vadd.f32 v18, v17;
	v18 =	vmul.f32 v19, v13;
	_ =	sdelay $0x1  }
0x191: {  	v17 =	vadd.f32 v18, v17;
	v18 =	vmul.f32 v20, v14;
	_ =	sdelay $0x1  }
0x192: {  	v17 =	vadd.f32 v18, v17;
	_ =	sdelay $0x1  }
0x193: {  	[tilespmem:$0x680] =	vst v17  }
0x194: {  	v17 =	vld.idx.msk [tilespmem:v59+s14+$0x0], $0xffff  }
0x195: {  	v18 =	vld.idx.msk [tilespmem:v59+s15+$0x0], $0xffff;
	_ =	sdelay $0x1  }
0x196: {  	v19 =	vld.idx.msk [tilespmem:v60+s14+$0x0], $0xffff;
	_ =	sdelay $0x1  }
0x197: {  	v20 =	vld.idx.msk [tilespmem:v60+s15+$0x0], $0xffff  }
0x198: {  	v17 =	vmul.f32 v17, v10;
	v18 =	vmul.f32 v18, v12;
	_ =	sdelay $0x1  }
0x199: {  	v17 =	vadd.f32 v18, v17;
	v18 =	vmul.f32 v19, v13;
	_ =	sdelay $0x1  }
0x19a: {  	v17 =	vadd.f32 v18, v17;
	v18 =	vmul.f32 v20, v14;
	_ =	sdelay $0x1  }
0x19b: {  	v17 =	vadd.f32 v18, v17;
	_ =	sdelay $0x1  }
0x19c: {  	[tilespmem:$0x690] =	vst v17  }
0x19d: {  	v17 =	vld.idx.msk [tilespmem:v0+s14+$0x0], $0xffff  }
0x19e: {  	v18 =	vld.idx.msk [tilespmem:v0+s15+$0x0], $0xffff;
	_ =	sdelay $0x1  }
0x19f: {  	v19 =	vld.idx.msk [tilespmem:v62+s14+$0x0], $0xffff;
	_ =	sdelay $0x1  }
0x1a0: {  	v20 =	vld.idx.msk [tilespmem:v62+s15+$0x0], $0xffff  }
0x1a1: {  	v17 =	vmul.f32 v17, v10;
	v18 =	vmul.f32 v18, v12;
	_ =	sdelay $0x1  }
0x1a2: {  	v17 =	vadd.f32 v18, v17;
	v18 =	vmul.f32 v19, v13;
	_ =	sdelay $0x1  }
0x1a3: {  	v17 =	vadd.f32 v18, v17;
	v18 =	vmul.f32 v20, v14;
	_ =	sdelay $0x1  }
0x1a4: {  	v17 =	vadd.f32 v18, v17;
	_ =	sdelay $0x1  }
0x1a5: {  	[tilespmem:$0x6A0] =	vst v17  }
0x1a6: {  	v17 =	vld.idx.msk [tilespmem:v1+s14+$0x0], $0xffff  }
0x1a7: {  	v18 =	vld.idx.msk [tilespmem:v1+s15+$0x0], $0xffff;
	_ =	sdelay $0x1  }
0x1a8: {  	v19 =	vld.idx.msk [tilespmem:v2+s14+$0x0], $0xffff;
	_ =	sdelay $0x1  }
0x1a9: {  	v20 =	vld.idx.msk [tilespmem:v2+s15+$0x0], $0xffff  }
0x1aa: {  	v17 =	vmul.f32 v17, v10;
	v18 =	vmul.f32 v18, v12;
	_ =	sdelay $0x1  }
0x1ab: {  	v17 =	vadd.f32 v18, v17;
	v18 =	vmul.f32 v19, v13;
	_ =	sdelay $0x1  }
0x1ac: {  	v17 =	vadd.f32 v18, v17;
	v18 =	vmul.f32 v20, v14;
	_ =	sdelay $0x1  }
0x1ad: {  	v17 =	vadd.f32 v18, v17;
	_ =	sdelay $0x1  }
0x1ae: {  	[tilespmem:$0x6B0] =	vst v17  }
0x1af: {  	v17 =	vld.idx.msk [tilespmem:v3+s14+$0x0], $0xffff  }
0x1b0: {  	v18 =	vld.idx.msk [tilespmem:v3+s15+$0x0], $0xffff;
	_ =	sdelay $0x1  }
0x1b1: {  	v19 =	vld.idx.msk [tilespmem:v4+s14+$0x0], $0xffff;
	_ =	sdelay $0x1  }
0x1b2: {  	v20 =	vld.idx.msk [tilespmem:v4+s15+$0x0], $0xffff  }
0x1b3: {  	v17 =	vmul.f32 v17, v10;
	v18 =	vmul.f32 v18, v12;
	_ =	sdelay $0x1  }
0x1b4: {  	v17 =	vadd.f32 v18, v17;
	v18 =	vmul.f32 v19, v13;
	_ =	sdelay $0x1  }
0x1b5: {  	v17 =	vadd.f32 v18, v17;
	v18 =	vmul.f32 v20, v14;
	_ =	sdelay $0x1  }
0x1b6: {  	v17 =	vadd.f32 v18, v17;
	_ =	sdelay $0x1  }
0x1b7: {  	[tilespmem:$0x6C0] =	vst v17  }
0x1b8: {  	v17 =	vld.idx.msk [tilespmem:v5+s14+$0x0], $0xffff  }
0x1b9: {  	v18 =	vld.idx.msk [tilespmem:v5+s15+$0x0], $0xffff;
	_ =	sdelay $0x1  }
0x1ba: {  	v19 =	vld.idx.msk [tilespmem:v6+s14+$0x0], $0xffff;
	_ =	sdelay $0x1  }
0x1bb: {  	v20 =	vld.idx.msk [tilespmem:v6+s15+$0x0], $0xffff  }
0x1bc: {  	v17 =	vmul.f32 v17, v10;
	v18 =	vmul.f32 v18, v12;
	_ =	sdelay $0x1  }
0x1bd: {  	v17 =	vadd.f32 v18, v17;
	v18 =	vmul.f32 v19, v13;
	_ =	sdelay $0x1  }
0x1be: {  	v17 =	vadd.f32 v18, v17;
	v18 =	vmul.f32 v20, v14;
	_ =	sdelay $0x1  }
0x1bf: {  	v17 =	vadd.f32 v18, v17;
	_ =	sdelay $0x1  }
0x1c0: {  	[tilespmem:$0x6D0] =	vst v17  }
0x1c1: {  	v17 =	vld.idx.msk [tilespmem:v7+s14+$0x0], $0xffff  }
0x1c2: {  	v18 =	vld.idx.msk [tilespmem:v7+s15+$0x0], $0xffff;
	_ =	sdelay $0x1  }
0x1c3: {  	v19 =	vld.idx.msk [tilespmem:v8+s14+$0x0], $0xffff;
	_ =	sdelay $0x1  }
0x1c4: {  	v20 =	vld.idx.msk [tilespmem:v8+s15+$0x0], $0xffff  }
0x1c5: {  	v17 =	vmul.f32 v17, v10;
	v18 =	vmul.f32 v18, v12;
	_ =	sdelay $0x1  }
0x1c6: {  	v17 =	vadd.f32 v18, v17;
	v18 =	vmul.f32 v19, v13;
	_ =	sdelay $0x1  }
0x1c7: {  	v17 =	vadd.f32 v18, v17;
	v18 =	vmul.f32 v20, v14;
	_ =	sdelay $0x1  }
0x1c8: {  	v17 =	vadd.f32 v18, v17;
	_ =	sdelay $0x1  }
0x1c9: {  	[tilespmem:$0x6E0] =	vst v17  }
0x1ca: {  	v17 =	vld.idx.msk [tilespmem:v61+s14+$0x0], $0xffff  }
0x1cb: {  	v18 =	vld.idx.msk [tilespmem:v61+s15+$0x0], $0xffff;
	_ =	sdelay $0x1  }
0x1cc: {  	v19 =	vld.idx.msk [tilespmem:v63+s14+$0x0], $0xffff;
	_ =	sdelay $0x1  }
0x1cd: {  	v20 =	vld.idx.msk [tilespmem:v63+s15+$0x0], $0xffff  }
0x1ce: {  	v17 =	vmul.f32 v17, v10;
	v18 =	vmul.f32 v18, v12;
	_ =	sdelay $0x1  }
0x1cf: {  	v17 =	vadd.f32 v18, v17;
	v18 =	vmul.f32 v19, v13;
	_ =	sdelay $0x1  }
0x1d0: {  	v17 =	vadd.f32 v18, v17;
	v18 =	vmul.f32 v20, v14;
	_ =	sdelay $0x1  }
0x1d1: {  	v17 =	vadd.f32 v18, v17;
	_ =	sdelay $0x1  }
0x1d2: {  	[tilespmem:$0x6F0] =	vst v17  }
0x1d3: {  	v17 =	vld.idx.msk [tilespmem:v9+s14+$0x0], $0xffff  }
0x1d4: {  	v18 =	vld.idx.msk [tilespmem:v9+s15+$0x0], $0xffff;
	_ =	sdelay $0x1  }
0x1d5: {  	v19 =	vld.idx.msk [tilespmem:v11+s14+$0x0], $0xffff;
	_ =	sdelay $0x1  }
0x1d6: {  	v20 =	vld.idx.msk [tilespmem:v11+s15+$0x0], $0xffff  }
0x1d7: {  	v17 =	vmul.f32 v17, v10;
	v18 =	vmul.f32 v18, v12;
	_ =	sdelay $0x1  }
0x1d8: {  	v17 =	vadd.f32 v18, v17;
	v18 =	vmul.f32 v19, v13;
	_ =	sdelay $0x1  }
0x1d9: {  	v17 =	vadd.f32 v18, v17;
	v18 =	vmul.f32 v20, v14;
	_ =	sdelay $0x1  }
0x1da: {  	v17 =	vadd.f32 v18, v17;
	_ =	sdelay $0x1  }
0x1db: {  	[tilespmem:$0x700] =	vst v17  }
0x1dc: {  	v17 =	vld.idx.msk [tilespmem:v15+s14+$0x0], $0xffff  }
0x1dd: {  	v18 =	vld.idx.msk [tilespmem:v15+s15+$0x0], $0xffff;
	_ =	sdelay $0x1  }
0x1de: {  	v19 =	vld.idx.msk [tilespmem:v16+s14+$0x0], $0xffff;
	_ =	sdelay $0x1  }
0x1df: {  	v20 =	vld.idx.msk [tilespmem:v16+s15+$0x0], $0xffff  }
0x1e0: {  	v17 =	vmul.f32 v17, v10;
	v18 =	vmul.f32 v18, v12;
	_ =	sdelay $0x1  }
0x1e1: {  	v17 =	vadd.f32 v18, v17;
	v18 =	vmul.f32 v19, v13;
	_ =	sdelay $0x1  }
0x1e2: {  	v17 =	vadd.f32 v18, v17;
	v18 =	vmul.f32 v20, v14;
	_ =	sdelay $0x1  }
0x1e3: {  	v17 =	vadd.f32 v18, v17  }
0x1e4: {  	p0 =	sne.s32 s21, $0xF00000  }
.Ltmp0:
0x1e5: {  	[tilespmem:$0x710] =	vst v17;
	(pc) =	sbr.rel @p0 .LBB2_2-.Ltmp0, $4  }
0x1e6: {  	[hbm4b:s20+s4] =	stream.linear.scatter [tilespmem:s16], [sflag:$0x1], $0x200, $0x38;
	[tilespmem:$0x720] =	vst v63  }
0x1e7: {  	_ =	swait.ge [sflag:s12], $0x200  }
0x1e8: {  	[sflag:s12] =	ssyncset.done $0x0  }
0x1e9: {  	s21 =	sadd.s32 $0x100000, s21;
	s20 =	sadd.s32 $0x2000, s20;
	[sflag:s12] =	ssyncadd.s32 $0xFFFFFE00  }
0x1ea: {  	v0 =	vld [tilespmem:$0x1FB10];
	_ =	sdelay $0x4  }
0x1eb: {  	v0 =	vnsel vm1, $0x0, v0  }
0x1ec: {  	(xrf0) =	vadd.scan.msk.s32 $0xffff, v0;
	v0 =	vld [tilespmem:$0x1FB20];
	_ =	sdelay $0x4  }
0x1ed: {  	v0 =	vnsel vm1, $0x0, v0  }
0x1ee: {  	(xrf0) =	vadd.scan.msk.s32 $0xffff, v0;
	v0 =	vld [tilespmem:$0x1FB30];
	_ =	sdelay $0x4  }
0x1ef: {  	v0 =	vnsel vm1, $0x0, v0  }
0x1f0: {  	(xrf0) =	vadd.scan.msk.s32 $0xffff, v0;
	v0 =	vld [tilespmem:$0x1FB40];
	_ =	sdelay $0x4  }
0x1f1: {  	v0 =	vnsel vm1, $0x0, v0  }
0x1f2: {  	(xrf0) =	vadd.scan.msk.s32 $0xffff, v0;
	v0 =	vld [tilespmem:$0x1FB50];
	_ =	sdelay $0x4  }
0x1f3: {  	v0 =	vnsel vm1, $0x0, v0  }
0x1f4: {  	(xrf2) =	vadd.scan.msk.f32 $0xffff, v0;
	v0 =	vld [tilespmem:$0x1FB60];
	_ =	sdelay $0x4  }
0x1f5: {  	v0 =	vnsel vm1, $0x0, v0  }
0x1f6: {  	(xrf2) =	vadd.scan.msk.f32 $0xffff, v0;
	v0 =	vld [tilespmem:$0x1FB70];
	_ =	sdelay $0x4  }
0x1f7: {  	v0 =	vnsel vm1, $0x0, v0  }
0x1f8: {  	(xrf2) =	vadd.scan.msk.f32 $0xffff, v0;
	v0 =	vld [tilespmem:$0x1FB80];
	_ =	sdelay $0x4  }
0x1f9: {  	v0 =	vnsel vm1, $0x0, v0;
	_ =	sdelay $0x1  }
0x1fa: {  	v4, _, _ =	vpop (xrf2)  }
0x1fb: {  	(xrf2) =	vadd.scan.msk.f32 $0xffff, v0;
	v0, _, _ =	vpop (xrf0)  }
0x1fc: {  	(v2sf) =	vpush v0, $0xF;
	v0, _, _ =	vpop (xrf2)  }
0x1fd: {  	v1, _, _ =	vpop (xrf0);
	v12 =	vbroadcast v0, $0xF;
	v0 =	vld [tilespmem:$0x1FC50]  }
0x1fe: {  	v2, _, _ =	vpop (xrf0)  }
0x1ff: {  	v3, _, _ =	vpop (xrf0)  }
0x200: {  	v16 =	vbroadcast v3, $0xF;
	_ =	sdelay $0x1  }
0x201: {  	v0 =	vadd.s32 v0, v16  }
0x202: {  	[tilespmem:$0x1FAB0] =	vst v0;
	v0 =	vld [tilespmem:$0x1FC60];
	_ =	sdelay $0x4  }
0x203: {  	v0 =	vadd.s32 v0, v16  }
0x204: {  	[tilespmem:$0x1FAC0] =	vst v0;
	v0 =	vld [tilespmem:$0x1FC70];
	_ =	sdelay $0x4  }
0x205: {  	v0 =	vadd.s32 v0, v16  }
0x206: {  	[tilespmem:$0x1FAD0] =	vst v0;
	v0 =	vld [tilespmem:$0x1FC80];
	_ =	sdelay $0x4  }
0x207: {  	v0 =	vadd.s32 v0, v16  }
0x208: {  	[tilespmem:$0x1FAE0] =	vst v0;
	v0 =	vld [tilespmem:$0x1FC90];
	_ =	sdelay $0x4  }
0x209: {  	v0 =	vadd.s32 v0, v16  }
0x20a: {  	[tilespmem:$0x1FAF0] =	vst v0;
	v0 =	vld [tilespmem:$0x1FCA0];
	_ =	sdelay $0x4  }
0x20b: {  	v0 =	vadd.s32 v0, v16  }
0x20c: {  	[tilespmem:$0x1FB00] =	vst v0;
	v0 =	vld [tilespmem:$0x1FCB0];
	_ =	sdelay $0x4  }
0x20d: {  	v21 =	vadd.s32 v0, v16;
	v0 =	vld [tilespmem:$0x1FCC0];
	_ =	sdelay $0x4  }
0x20e: {  	v22 =	vadd.s32 v0, v16;
	v0 =	vld [tilespmem:$0x1FCD0];
	_ =	sdelay $0x4  }
0x20f: {  	v23 =	vadd.s32 v0, v16;
	v0 =	vld [tilespmem:$0x1FCE0];
	_ =	sdelay $0x4  }
0x210: {  	v24 =	vadd.s32 v0, v16;
	v0 =	vld [tilespmem:$0x1FCF0];
	_ =	sdelay $0x4  }
0x211: {  	v25 =	vadd.s32 v0, v16;
	v0 =	vld [tilespmem:$0x1FD00];
	_ =	sdelay $0x4  }
0x212: {  	v26 =	vadd.s32 v0, v16;
	v0 =	vld [tilespmem:$0x1FD10];
	_ =	sdelay $0x4  }
0x213: {  	v27 =	vadd.s32 v0, v16;
	v0 =	vld [tilespmem:$0x1FD20];
	_ =	sdelay $0x4  }
0x214: {  	v28 =	vadd.s32 v0, v16;
	v0 =	vld [tilespmem:$0x1FD30];
	_ =	sdelay $0x4  }
0x215: {  	v29 =	vadd.s32 v0, v16;
	v0 =	vld [tilespmem:$0x1FD40];
	_ =	sdelay $0x4  }
0x216: {  	v30 =	vadd.s32 v0, v16;
	v0 =	vld [tilespmem:$0x1FD50];
	_ =	sdelay $0x4  }
0x217: {  	v31 =	vadd.s32 v0, v16;
	v0 =	vld [tilespmem:$0x1FD60];
	_ =	sdelay $0x4  }
0x218: {  	v32 =	vadd.s32 v0, v16;
	v0 =	vld [tilespmem:$0x1FD70];
	_ =	sdelay $0x4  }
0x219: {  	v33 =	vadd.s32 v0, v16;
	v0 =	vld [tilespmem:$0x1FD80];
	_ =	sdelay $0x4  }
0x21a: {  	v34 =	vadd.s32 v0, v16;
	v0 =	vld [tilespmem:$0x1FD90];
	_ =	sdelay $0x4  }
0x21b: {  	v35 =	vadd.s32 v0, v16;
	v0 =	vld [tilespmem:$0x1FDA0];
	_ =	sdelay $0x4  }
0x21c: {  	v36 =	vadd.s32 v0, v16;
	v0 =	vld [tilespmem:$0x1FDB0];
	_ =	sdelay $0x4  }
0x21d: {  	v37 =	vadd.s32 v0, v16;
	v0 =	vld [tilespmem:$0x1FDC0];
	_ =	sdelay $0x4  }
0x21e: {  	v38 =	vadd.s32 v0, v16;
	v0 =	vld [tilespmem:$0x1FDD0];
	_ =	sdelay $0x4  }
0x21f: {  	v39 =	vadd.s32 v0, v16;
	v0 =	vld [tilespmem:$0x1FDE0];
	_ =	sdelay $0x4  }
0x220: {  	v40 =	vadd.s32 v0, v16;
	v0 =	vld [tilespmem:$0x1FDF0];
	_ =	sdelay $0x4  }
0x221: {  	v41 =	vadd.s32 v0, v16;
	v0 =	vld [tilespmem:$0x1FE00];
	_ =	sdelay $0x4  }
0x222: {  	v42 =	vadd.s32 v0, v16;
	v0 =	vld [tilespmem:$0x1FE10];
	_ =	sdelay $0x4  }
0x223: {  	v43 =	vadd.s32 v0, v16;
	v0 =	vld [tilespmem:$0x1FE20];
	_ =	sdelay $0x4  }
0x224: {  	v44 =	vadd.s32 v0, v16;
	v0 =	vld [tilespmem:$0x1FE30];
	_ =	sdelay $0x4  }
0x225: {  	v45 =	vadd.s32 v0, v16;
	v0 =	vld [tilespmem:$0x1FE40];
	_ =	sdelay $0x4  }
0x226: {  	v46 =	vadd.s32 v0, v16;
	v0 =	vld [tilespmem:$0x1FE50];
	_ =	sdelay $0x4  }
0x227: {  	v47 =	vadd.s32 v0, v16;
	v0 =	vld [tilespmem:$0x1FE60];
	_ =	sdelay $0x4  }
0x228: {  	v48 =	vadd.s32 v0, v16;
	v0 =	vld [tilespmem:$0x1FE70];
	_ =	sdelay $0x4  }
0x229: {  	v49 =	vadd.s32 v0, v16;
	v0 =	vld [tilespmem:$0x1FE80];
	_ =	sdelay $0x4  }
0x22a: {  	v50 =	vadd.s32 v0, v16;
	v0 =	vld [tilespmem:$0x1FE90];
	_ =	sdelay $0x4  }
0x22b: {  	v51 =	vadd.s32 v0, v16;
	v0 =	vld [tilespmem:$0x1FEA0];
	_ =	sdelay $0x3  }
0x22c: {  	v9 =	vld [tilespmem:$0x1FFA0]  }
0x22d: {  	v52 =	vadd.s32 v0, v16;
	v0 =	vld [tilespmem:$0x1FEB0];
	_ =	sdelay $0x2  }
0x22e: {  	v5 =	vld [tilespmem:$0x1FF60]  }
0x22f: {  	v59 =	vadd.s32 v9, v16;
	v9 =	vld [tilespmem:$0x1FFB0]  }
0x230: {  	v53 =	vadd.s32 v0, v16;
	v0 =	vld [tilespmem:$0x1FEC0]  }
0x231: {  	v6 =	vld [tilespmem:$0x1FF70]  }
0x232: {  	v7 =	vld [tilespmem:$0x1FF80]  }
0x233: {  	v8 =	vld [tilespmem:$0x1FF90]  }
0x234: {  	v60 =	vadd.s32 v9, v16;
	v9 =	vld [tilespmem:$0x1FFC0]  }
0x235: {  	v54 =	vadd.s32 v0, v16;
	v0 =	vld [tilespmem:$0x1FED0]  }
0x236: {  	v11 =	vld [tilespmem:$0x1FC10]  }
0x237: {  	v15 =	vld [tilespmem:$0x1FC20];
	(v2sf) =	vpush v1, $0xF  }
0x238: {  	v17 =	vld [tilespmem:$0x1FC30];
	(v2sf) =	vpush v2, $0xF  }
0x239: {  	v61 =	vadd.s32 v9, v16;
	v9 =	vld [tilespmem:$0x1FFD0]  }
0x23a: {  	v1, _, _ =	vpop (xrf2);
	v55 =	vadd.s32 v0, v16;
	v0 =	vld [tilespmem:$0x1FEE0]  }
0x23b: {  	v13 =	vbroadcast v1, $0xF;
	v1 =	vld [tilespmem:$0x1FF10]  }
0x23c: {  	v2 =	vlaneseq.u32;
	v3 =	vld [tilespmem:$0x1FC40]  }
0x23d: {  	v10 =	vbroadcast v4, $0xF;
	v4 =	vld [tilespmem:$0x1FF50];
	v2 =	vadd.s32 v2, v16  }
0x23e: {  	v62 =	vadd.s32 v9, v16;
	v9 =	vld [tilespmem:$0x1FFE0]  }
0x23f: {  	v56 =	vadd.s32 v0, v16;
	v0 =	vld [tilespmem:$0x1FEF0]  }
0x240: {  	[tilespmem:$0x1FA90] =	vst v2;
	v58 =	vadd.s32 v1, v16;
	v1 =	vld [tilespmem:$0x1FF20];
	v2, _, _ =	vpop (xrf2)  }
0x241: {  	v3 =	vadd.s32 v3, v16;
	v14 =	vbroadcast v2, $0xF;
	v2 =	vld [tilespmem:$0x1FF30]  }
0x242: {  	[tilespmem:$0x1FAA0] =	vst v3;
	v3 =	vld [tilespmem:$0x1FF40]  }
0x243: {  	v63 =	vadd.s32 v9, v16;
	v9 =	vld [tilespmem:$0x1FFF0]  }
0x244: {  	v57 =	vadd.s32 v0, v16;
	v0 =	vld [tilespmem:$0x1FF00]  }
0x245: {  	v4 =	vadd.s32 v4, v16;
	s18 =	spop (v2sf)  }
0x246: {  	v5 =	vadd.s32 v5, v16;
	v6 =	vadd.s32 v6, v16;
	v7 =	vadd.s32 v7, v16;
	s19 =	spop (v2sf)  }
0x247: {  	s21 =	smov.u32 s9;
	v8 =	vadd.s32 v8, v16;
	v11 =	vadd.s32 v11, v16;
	v15 =	vadd.s32 v15, v16;
	s20 =	spop (v2sf)  }
0x248: {  	v1 =	vadd.s32 v1, v16;
	v2 =	vadd.s32 v2, v16;
	v3 =	vadd.s32 v3, v16;
	s18 =	sshll.u32 s18, $0xC;
	s19 =	sshll.u32 s19, $0xC;
	s20 =	sand.u32 $0xFFFFFFF8, s20  }
0x249: {  	s18 =	sadd.s32 s18, s20;
	s19 =	sadd.s32 s19, s20;
	s20 =	simm.s32 $0x0;
	v9 =	vadd.s32 v9, v16;
	v0 =	vadd.s32 v0, v16;
	v16 =	vadd.s32 v17, v16  }
.LBB2_4:
0x24a: {  	s22 =	sadd.s32 s20, s18  }
0x24b: {  	s22 =	sshrl.u32 s22, $0x3  }
0x24c: {  	s22 =	sadd.s32 s5, s22  }
0x24d: {  	[tilespmem:s14], [sflag:$0x1] =	stream.linear.gather [hbm4b:s22+s4], $0x210, $0x38;
	[tilespmem:$0x720] =	vst v63  }
0x24e: {  	s31 =	sadd.s32 s20, s19;
	_ =	swait.ge [sflag:s12], $0x210  }
0x24f: {  	s22 =	sshrl.u32 s31, $0x3;
	[sflag:s12] =	ssyncset.done $0x0  }
0x250: {  	s22 =	sadd.s32 s5, s22;
	[sflag:s12] =	ssyncadd.s32 $0xFFFFFDF0  }
0x251: {  	[tilespmem:s15], [sflag:$0x1] =	stream.linear.gather [hbm4b:s22+s4], $0x210, $0x38;
	[tilespmem:$0x720] =	vst v63  }
0x252: {  	_ =	swait.ge [sflag:s12], $0x210  }
0x253: {  	v18 =	vld [tilespmem:$0x1FA90];
	_ =	sdelay $0x2  }
0x254: {  	v20 =	vld [tilespmem:$0x1FAA0];
	_ =	sdelay $0x2  }
0x255: {  	[sflag:s12] =	ssyncset.done $0x0  }
0x256: {  	[sflag:s12] =	ssyncadd.s32 $0xFFFFFDF0  }
0x257: {  	v17 =	vld.idx.msk [tilespmem:v18+s14+$0x0], $0xffff  }
0x258: {  	v18 =	vld.idx.msk [tilespmem:v18+s15+$0x0], $0xffff;
	_ =	sdelay $0x1  }
0x259: {  	v19 =	vld.idx.msk [tilespmem:v20+s14+$0x0], $0xffff;
	_ =	sdelay $0x1  }
0x25a: {  	v20 =	vld.idx.msk [tilespmem:v20+s15+$0x0], $0xffff  }
0x25b: {  	v17 =	vmul.f32 v17, v10;
	v18 =	vmul.f32 v18, v12;
	_ =	sdelay $0x1  }
0x25c: {  	v17 =	vadd.f32 v18, v17;
	v18 =	vmul.f32 v19, v13;
	_ =	sdelay $0x1  }
0x25d: {  	v17 =	vadd.f32 v18, v17;
	v18 =	vmul.f32 v20, v14;
	_ =	sdelay $0x1  }
0x25e: {  	v17 =	vadd.f32 v18, v17;
	v18 =	vld [tilespmem:$0x1FAB0];
	_ =	sdelay $0x2  }
0x25f: {  	v20 =	vld [tilespmem:$0x1FAC0];
	_ =	sdelay $0x3  }
0x260: {  	[tilespmem:$0x520] =	vst v17  }
0x261: {  	v17 =	vld.idx.msk [tilespmem:v18+s14+$0x0], $0xffff  }
0x262: {  	v18 =	vld.idx.msk [tilespmem:v18+s15+$0x0], $0xffff;
	_ =	sdelay $0x1  }
0x263: {  	v19 =	vld.idx.msk [tilespmem:v20+s14+$0x0], $0xffff;
	_ =	sdelay $0x1  }
0x264: {  	v20 =	vld.idx.msk [tilespmem:v20+s15+$0x0], $0xffff  }
0x265: {  	v17 =	vmul.f32 v17, v10;
	v18 =	vmul.f32 v18, v12;
	_ =	sdelay $0x1  }
0x266: {  	v17 =	vadd.f32 v18, v17;
	v18 =	vmul.f32 v19, v13;
	_ =	sdelay $0x1  }
0x267: {  	v17 =	vadd.f32 v18, v17;
	v18 =	vmul.f32 v20, v14;
	_ =	sdelay $0x1  }
0x268: {  	v17 =	vadd.f32 v18, v17;
	v18 =	vld [tilespmem:$0x1FAD0];
	_ =	sdelay $0x2  }
0x269: {  	v20 =	vld [tilespmem:$0x1FAE0];
	_ =	sdelay $0x3  }
0x26a: {  	[tilespmem:$0x530] =	vst v17  }
0x26b: {  	v17 =	vld.idx.msk [tilespmem:v18+s14+$0x0], $0xffff  }
0x26c: {  	v18 =	vld.idx.msk [tilespmem:v18+s15+$0x0], $0xffff;
	_ =	sdelay $0x1  }
0x26d: {  	v19 =	vld.idx.msk [tilespmem:v20+s14+$0x0], $0xffff;
	_ =	sdelay $0x1  }
0x26e: {  	v20 =	vld.idx.msk [tilespmem:v20+s15+$0x0], $0xffff  }
0x26f: {  	v17 =	vmul.f32 v17, v10;
	v18 =	vmul.f32 v18, v12;
	_ =	sdelay $0x1  }
0x270: {  	v17 =	vadd.f32 v18, v17;
	v18 =	vmul.f32 v19, v13;
	_ =	sdelay $0x1  }
0x271: {  	v17 =	vadd.f32 v18, v17;
	v18 =	vmul.f32 v20, v14;
	_ =	sdelay $0x1  }
0x272: {  	v17 =	vadd.f32 v18, v17;
	v18 =	vld [tilespmem:$0x1FAF0];
	_ =	sdelay $0x2  }
0x273: {  	v20 =	vld [tilespmem:$0x1FB00];
	_ =	sdelay $0x3  }
0x274: {  	[tilespmem:$0x540] =	vst v17  }
0x275: {  	v17 =	vld.idx.msk [tilespmem:v18+s14+$0x0], $0xffff  }
0x276: {  	v18 =	vld.idx.msk [tilespmem:v18+s15+$0x0], $0xffff;
	_ =	sdelay $0x1  }
0x277: {  	v19 =	vld.idx.msk [tilespmem:v20+s14+$0x0], $0xffff;
	_ =	sdelay $0x1  }
0x278: {  	v20 =	vld.idx.msk [tilespmem:v20+s15+$0x0], $0xffff  }
0x279: {  	v17 =	vmul.f32 v17, v10;
	v18 =	vmul.f32 v18, v12;
	_ =	sdelay $0x1  }
0x27a: {  	v17 =	vadd.f32 v18, v17;
	v18 =	vmul.f32 v19, v13;
	_ =	sdelay $0x1  }
0x27b: {  	v17 =	vadd.f32 v18, v17;
	v18 =	vmul.f32 v20, v14;
	_ =	sdelay $0x1  }
0x27c: {  	v17 =	vadd.f32 v18, v17;
	_ =	sdelay $0x1  }
0x27d: {  	[tilespmem:$0x550] =	vst v17  }
0x27e: {  	v17 =	vld.idx.msk [tilespmem:v21+s14+$0x0], $0xffff  }
0x27f: {  	v18 =	vld.idx.msk [tilespmem:v21+s15+$0x0], $0xffff;
	_ =	sdelay $0x1  }
0x280: {  	v19 =	vld.idx.msk [tilespmem:v22+s14+$0x0], $0xffff;
	_ =	sdelay $0x1  }
0x281: {  	v20 =	vld.idx.msk [tilespmem:v22+s15+$0x0], $0xffff  }
0x282: {  	v17 =	vmul.f32 v17, v10;
	v18 =	vmul.f32 v18, v12;
	_ =	sdelay $0x1  }
0x283: {  	v17 =	vadd.f32 v18, v17;
	v18 =	vmul.f32 v19, v13;
	_ =	sdelay $0x1  }
0x284: {  	v17 =	vadd.f32 v18, v17;
	v18 =	vmul.f32 v20, v14;
	_ =	sdelay $0x1  }
0x285: {  	v17 =	vadd.f32 v18, v17;
	_ =	sdelay $0x1  }
0x286: {  	[tilespmem:$0x560] =	vst v17  }
0x287: {  	v17 =	vld.idx.msk [tilespmem:v23+s14+$0x0], $0xffff  }
0x288: {  	v18 =	vld.idx.msk [tilespmem:v23+s15+$0x0], $0xffff;
	_ =	sdelay $0x1  }
0x289: {  	v19 =	vld.idx.msk [tilespmem:v24+s14+$0x0], $0xffff;
	_ =	sdelay $0x1  }
0x28a: {  	v20 =	vld.idx.msk [tilespmem:v24+s15+$0x0], $0xffff  }
0x28b: {  	v17 =	vmul.f32 v17, v10;
	v18 =	vmul.f32 v18, v12;
	_ =	sdelay $0x1  }
0x28c: {  	v17 =	vadd.f32 v18, v17;
	v18 =	vmul.f32 v19, v13;
	_ =	sdelay $0x1  }
0x28d: {  	v17 =	vadd.f32 v18, v17;
	v18 =	vmul.f32 v20, v14;
	_ =	sdelay $0x1  }
0x28e: {  	v17 =	vadd.f32 v18, v17;
	_ =	sdelay $0x1  }
0x28f: {  	[tilespmem:$0x570] =	vst v17  }
0x290: {  	v17 =	vld.idx.msk [tilespmem:v25+s14+$0x0], $0xffff  }
0x291: {  	v18 =	vld.idx.msk [tilespmem:v25+s15+$0x0], $0xffff;
	_ =	sdelay $0x1  }
0x292: {  	v19 =	vld.idx.msk [tilespmem:v26+s14+$0x0], $0xffff;
	_ =	sdelay $0x1  }
0x293: {  	v20 =	vld.idx.msk [tilespmem:v26+s15+$0x0], $0xffff  }
0x294: {  	v17 =	vmul.f32 v17, v10;
	v18 =	vmul.f32 v18, v12;
	_ =	sdelay $0x1  }
0x295: {  	v17 =	vadd.f32 v18, v17;
	v18 =	vmul.f32 v19, v13;
	_ =	sdelay $0x1  }
0x296: {  	v17 =	vadd.f32 v18, v17;
	v18 =	vmul.f32 v20, v14;
	_ =	sdelay $0x1  }
0x297: {  	v17 =	vadd.f32 v18, v17;
	_ =	sdelay $0x1  }
0x298: {  	[tilespmem:$0x580] =	vst v17  }
0x299: {  	v17 =	vld.idx.msk [tilespmem:v27+s14+$0x0], $0xffff  }
0x29a: {  	v18 =	vld.idx.msk [tilespmem:v27+s15+$0x0], $0xffff;
	_ =	sdelay $0x1  }
0x29b: {  	v19 =	vld.idx.msk [tilespmem:v28+s14+$0x0], $0xffff;
	_ =	sdelay $0x1  }
0x29c: {  	v20 =	vld.idx.msk [tilespmem:v28+s15+$0x0], $0xffff  }
0x29d: {  	v17 =	vmul.f32 v17, v10;
	v18 =	vmul.f32 v18, v12;
	_ =	sdelay $0x1  }
0x29e: {  	v17 =	vadd.f32 v18, v17;
	v18 =	vmul.f32 v19, v13;
	_ =	sdelay $0x1  }
0x29f: {  	v17 =	vadd.f32 v18, v17;
	v18 =	vmul.f32 v20, v14;
	_ =	sdelay $0x1  }
0x2a0: {  	v17 =	vadd.f32 v18, v17;
	_ =	sdelay $0x1  }
0x2a1: {  	[tilespmem:$0x590] =	vst v17  }
0x2a2: {  	v17 =	vld.idx.msk [tilespmem:v29+s14+$0x0], $0xffff  }
0x2a3: {  	v18 =	vld.idx.msk [tilespmem:v29+s15+$0x0], $0xffff;
	_ =	sdelay $0x1  }
0x2a4: {  	v19 =	vld.idx.msk [tilespmem:v30+s14+$0x0], $0xffff;
	_ =	sdelay $0x1  }
0x2a5: {  	v20 =	vld.idx.msk [tilespmem:v30+s15+$0x0], $0xffff  }
0x2a6: {  	v17 =	vmul.f32 v17, v10;
	v18 =	vmul.f32 v18, v12;
	_ =	sdelay $0x1  }
0x2a7: {  	v17 =	vadd.f32 v18, v17;
	v18 =	vmul.f32 v19, v13;
	_ =	sdelay $0x1  }
0x2a8: {  	v17 =	vadd.f32 v18, v17;
	v18 =	vmul.f32 v20, v14;
	_ =	sdelay $0x1  }
0x2a9: {  	v17 =	vadd.f32 v18, v17;
	_ =	sdelay $0x1  }
0x2aa: {  	[tilespmem:$0x5A0] =	vst v17  }
0x2ab: {  	v17 =	vld.idx.msk [tilespmem:v31+s14+$0x0], $0xffff  }
0x2ac: {  	v18 =	vld.idx.msk [tilespmem:v31+s15+$0x0], $0xffff;
	_ =	sdelay $0x1  }
0x2ad: {  	v19 =	vld.idx.msk [tilespmem:v32+s14+$0x0], $0xffff;
	_ =	sdelay $0x1  }
0x2ae: {  	v20 =	vld.idx.msk [tilespmem:v32+s15+$0x0], $0xffff  }
0x2af: {  	v17 =	vmul.f32 v17, v10;
	v18 =	vmul.f32 v18, v12;
	_ =	sdelay $0x1  }
0x2b0: {  	v17 =	vadd.f32 v18, v17;
	v18 =	vmul.f32 v19, v13;
	_ =	sdelay $0x1  }
0x2b1: {  	v17 =	vadd.f32 v18, v17;
	v18 =	vmul.f32 v20, v14;
	_ =	sdelay $0x1  }
0x2b2: {  	v17 =	vadd.f32 v18, v17;
	_ =	sdelay $0x1  }
0x2b3: {  	[tilespmem:$0x5B0] =	vst v17  }
0x2b4: {  	v17 =	vld.idx.msk [tilespmem:v33+s14+$0x0], $0xffff  }
0x2b5: {  	v18 =	vld.idx.msk [tilespmem:v33+s15+$0x0], $0xffff;
	_ =	sdelay $0x1  }
0x2b6: {  	v19 =	vld.idx.msk [tilespmem:v34+s14+$0x0], $0xffff;
	_ =	sdelay $0x1  }
0x2b7: {  	v20 =	vld.idx.msk [tilespmem:v34+s15+$0x0], $0xffff  }
0x2b8: {  	v17 =	vmul.f32 v17, v10;
	v18 =	vmul.f32 v18, v12;
	_ =	sdelay $0x1  }
0x2b9: {  	v17 =	vadd.f32 v18, v17;
	v18 =	vmul.f32 v19, v13;
	_ =	sdelay $0x1  }
0x2ba: {  	v17 =	vadd.f32 v18, v17;
	v18 =	vmul.f32 v20, v14;
	_ =	sdelay $0x1  }
0x2bb: {  	v17 =	vadd.f32 v18, v17;
	_ =	sdelay $0x1  }
0x2bc: {  	[tilespmem:$0x5C0] =	vst v17  }
0x2bd: {  	v17 =	vld.idx.msk [tilespmem:v35+s14+$0x0], $0xffff  }
0x2be: {  	v18 =	vld.idx.msk [tilespmem:v35+s15+$0x0], $0xffff;
	_ =	sdelay $0x1  }
0x2bf: {  	v19 =	vld.idx.msk [tilespmem:v36+s14+$0x0], $0xffff;
	_ =	sdelay $0x1  }
0x2c0: {  	v20 =	vld.idx.msk [tilespmem:v36+s15+$0x0], $0xffff  }
0x2c1: {  	v17 =	vmul.f32 v17, v10;
	v18 =	vmul.f32 v18, v12;
	_ =	sdelay $0x1  }
0x2c2: {  	v17 =	vadd.f32 v18, v17;
	v18 =	vmul.f32 v19, v13;
	_ =	sdelay $0x1  }
0x2c3: {  	v17 =	vadd.f32 v18, v17;
	v18 =	vmul.f32 v20, v14;
	_ =	sdelay $0x1  }
0x2c4: {  	v17 =	vadd.f32 v18, v17;
	_ =	sdelay $0x1  }
0x2c5: {  	[tilespmem:$0x5D0] =	vst v17  }
0x2c6: {  	v17 =	vld.idx.msk [tilespmem:v37+s14+$0x0], $0xffff  }
0x2c7: {  	v18 =	vld.idx.msk [tilespmem:v37+s15+$0x0], $0xffff;
	_ =	sdelay $0x1  }
0x2c8: {  	v19 =	vld.idx.msk [tilespmem:v38+s14+$0x0], $0xffff;
	_ =	sdelay $0x1  }
0x2c9: {  	v20 =	vld.idx.msk [tilespmem:v38+s15+$0x0], $0xffff  }
0x2ca: {  	v17 =	vmul.f32 v17, v10;
	v18 =	vmul.f32 v18, v12;
	_ =	sdelay $0x1  }
0x2cb: {  	v17 =	vadd.f32 v18, v17;
	v18 =	vmul.f32 v19, v13;
	_ =	sdelay $0x1  }
0x2cc: {  	v17 =	vadd.f32 v18, v17;
	v18 =	vmul.f32 v20, v14;
	_ =	sdelay $0x1  }
0x2cd: {  	v17 =	vadd.f32 v18, v17;
	_ =	sdelay $0x1  }
0x2ce: {  	[tilespmem:$0x5E0] =	vst v17  }
0x2cf: {  	v17 =	vld.idx.msk [tilespmem:v39+s14+$0x0], $0xffff  }
0x2d0: {  	v18 =	vld.idx.msk [tilespmem:v39+s15+$0x0], $0xffff;
	_ =	sdelay $0x1  }
0x2d1: {  	v19 =	vld.idx.msk [tilespmem:v40+s14+$0x0], $0xffff;
	_ =	sdelay $0x1  }
0x2d2: {  	v20 =	vld.idx.msk [tilespmem:v40+s15+$0x0], $0xffff  }
0x2d3: {  	v17 =	vmul.f32 v17, v10;
	v18 =	vmul.f32 v18, v12;
	_ =	sdelay $0x1  }
0x2d4: {  	v17 =	vadd.f32 v18, v17;
	v18 =	vmul.f32 v19, v13;
	_ =	sdelay $0x1  }
0x2d5: {  	v17 =	vadd.f32 v18, v17;
	v18 =	vmul.f32 v20, v14;
	_ =	sdelay $0x1  }
0x2d6: {  	v17 =	vadd.f32 v18, v17;
	_ =	sdelay $0x1  }
0x2d7: {  	[tilespmem:$0x5F0] =	vst v17  }
0x2d8: {  	v17 =	vld.idx.msk [tilespmem:v41+s14+$0x0], $0xffff  }
0x2d9: {  	v18 =	vld.idx.msk [tilespmem:v41+s15+$0x0], $0xffff;
	_ =	sdelay $0x1  }
0x2da: {  	v19 =	vld.idx.msk [tilespmem:v42+s14+$0x0], $0xffff;
	_ =	sdelay $0x1  }
0x2db: {  	v20 =	vld.idx.msk [tilespmem:v42+s15+$0x0], $0xffff  }
0x2dc: {  	v17 =	vmul.f32 v17, v10;
	v18 =	vmul.f32 v18, v12;
	_ =	sdelay $0x1  }
0x2dd: {  	v17 =	vadd.f32 v18, v17;
	v18 =	vmul.f32 v19, v13;
	_ =	sdelay $0x1  }
0x2de: {  	v17 =	vadd.f32 v18, v17;
	v18 =	vmul.f32 v20, v14;
	_ =	sdelay $0x1  }
0x2df: {  	v17 =	vadd.f32 v18, v17;
	_ =	sdelay $0x1  }
0x2e0: {  	[tilespmem:$0x600] =	vst v17  }
0x2e1: {  	v17 =	vld.idx.msk [tilespmem:v43+s14+$0x0], $0xffff  }
0x2e2: {  	v18 =	vld.idx.msk [tilespmem:v43+s15+$0x0], $0xffff;
	_ =	sdelay $0x1  }
0x2e3: {  	v19 =	vld.idx.msk [tilespmem:v44+s14+$0x0], $0xffff;
	_ =	sdelay $0x1  }
0x2e4: {  	v20 =	vld.idx.msk [tilespmem:v44+s15+$0x0], $0xffff  }
0x2e5: {  	v17 =	vmul.f32 v17, v10;
	v18 =	vmul.f32 v18, v12;
	_ =	sdelay $0x1  }
0x2e6: {  	v17 =	vadd.f32 v18, v17;
	v18 =	vmul.f32 v19, v13;
	_ =	sdelay $0x1  }
0x2e7: {  	v17 =	vadd.f32 v18, v17;
	v18 =	vmul.f32 v20, v14;
	_ =	sdelay $0x1  }
0x2e8: {  	v17 =	vadd.f32 v18, v17;
	_ =	sdelay $0x1  }
0x2e9: {  	[tilespmem:$0x610] =	vst v17  }
0x2ea: {  	v17 =	vld.idx.msk [tilespmem:v45+s14+$0x0], $0xffff  }
0x2eb: {  	v18 =	vld.idx.msk [tilespmem:v45+s15+$0x0], $0xffff;
	_ =	sdelay $0x1  }
0x2ec: {  	v19 =	vld.idx.msk [tilespmem:v46+s14+$0x0], $0xffff;
	_ =	sdelay $0x1  }
0x2ed: {  	v20 =	vld.idx.msk [tilespmem:v46+s15+$0x0], $0xffff  }
0x2ee: {  	v17 =	vmul.f32 v17, v10;
	v18 =	vmul.f32 v18, v12;
	_ =	sdelay $0x1  }
0x2ef: {  	v17 =	vadd.f32 v18, v17;
	v18 =	vmul.f32 v19, v13;
	_ =	sdelay $0x1  }
0x2f0: {  	v17 =	vadd.f32 v18, v17;
	v18 =	vmul.f32 v20, v14;
	_ =	sdelay $0x1  }
0x2f1: {  	v17 =	vadd.f32 v18, v17;
	_ =	sdelay $0x1  }
0x2f2: {  	[tilespmem:$0x620] =	vst v17  }
0x2f3: {  	v17 =	vld.idx.msk [tilespmem:v47+s14+$0x0], $0xffff  }
0x2f4: {  	v18 =	vld.idx.msk [tilespmem:v47+s15+$0x0], $0xffff;
	_ =	sdelay $0x1  }
0x2f5: {  	v19 =	vld.idx.msk [tilespmem:v48+s14+$0x0], $0xffff;
	_ =	sdelay $0x1  }
0x2f6: {  	v20 =	vld.idx.msk [tilespmem:v48+s15+$0x0], $0xffff  }
0x2f7: {  	v17 =	vmul.f32 v17, v10;
	v18 =	vmul.f32 v18, v12;
	_ =	sdelay $0x1  }
0x2f8: {  	v17 =	vadd.f32 v18, v17;
	v18 =	vmul.f32 v19, v13;
	_ =	sdelay $0x1  }
0x2f9: {  	v17 =	vadd.f32 v18, v17;
	v18 =	vmul.f32 v20, v14;
	_ =	sdelay $0x1  }
0x2fa: {  	v17 =	vadd.f32 v18, v17;
	_ =	sdelay $0x1  }
0x2fb: {  	[tilespmem:$0x630] =	vst v17  }
0x2fc: {  	v17 =	vld.idx.msk [tilespmem:v49+s14+$0x0], $0xffff  }
0x2fd: {  	v18 =	vld.idx.msk [tilespmem:v49+s15+$0x0], $0xffff;
	_ =	sdelay $0x1  }
0x2fe: {  	v19 =	vld.idx.msk [tilespmem:v50+s14+$0x0], $0xffff;
	_ =	sdelay $0x1  }
0x2ff: {  	v20 =	vld.idx.msk [tilespmem:v50+s15+$0x0], $0xffff  }
0x300: {  	v17 =	vmul.f32 v17, v10;
	v18 =	vmul.f32 v18, v12;
	_ =	sdelay $0x1  }
0x301: {  	v17 =	vadd.f32 v18, v17;
	v18 =	vmul.f32 v19, v13;
	_ =	sdelay $0x1  }
0x302: {  	v17 =	vadd.f32 v18, v17;
	v18 =	vmul.f32 v20, v14;
	_ =	sdelay $0x1  }
0x303: {  	v17 =	vadd.f32 v18, v17;
	_ =	sdelay $0x1  }
0x304: {  	[tilespmem:$0x640] =	vst v17  }
0x305: {  	v17 =	vld.idx.msk [tilespmem:v51+s14+$0x0], $0xffff  }
0x306: {  	v18 =	vld.idx.msk [tilespmem:v51+s15+$0x0], $0xffff;
	_ =	sdelay $0x1  }
0x307: {  	v19 =	vld.idx.msk [tilespmem:v52+s14+$0x0], $0xffff;
	_ =	sdelay $0x1  }
0x308: {  	v20 =	vld.idx.msk [tilespmem:v52+s15+$0x0], $0xffff  }
0x309: {  	v17 =	vmul.f32 v17, v10;
	v18 =	vmul.f32 v18, v12;
	_ =	sdelay $0x1  }
0x30a: {  	v17 =	vadd.f32 v18, v17;
	v18 =	vmul.f32 v19, v13;
	_ =	sdelay $0x1  }
0x30b: {  	v17 =	vadd.f32 v18, v17;
	v18 =	vmul.f32 v20, v14;
	_ =	sdelay $0x1  }
0x30c: {  	v17 =	vadd.f32 v18, v17;
	_ =	sdelay $0x1  }
0x30d: {  	[tilespmem:$0x650] =	vst v17  }
0x30e: {  	v17 =	vld.idx.msk [tilespmem:v53+s14+$0x0], $0xffff  }
0x30f: {  	v18 =	vld.idx.msk [tilespmem:v53+s15+$0x0], $0xffff;
	_ =	sdelay $0x1  }
0x310: {  	v19 =	vld.idx.msk [tilespmem:v54+s14+$0x0], $0xffff;
	_ =	sdelay $0x1  }
0x311: {  	v20 =	vld.idx.msk [tilespmem:v54+s15+$0x0], $0xffff  }
0x312: {  	v17 =	vmul.f32 v17, v10;
	v18 =	vmul.f32 v18, v12;
	_ =	sdelay $0x1  }
0x313: {  	v17 =	vadd.f32 v18, v17;
	v18 =	vmul.f32 v19, v13;
	_ =	sdelay $0x1  }
0x314: {  	v17 =	vadd.f32 v18, v17;
	v18 =	vmul.f32 v20, v14;
	_ =	sdelay $0x1  }
0x315: {  	v17 =	vadd.f32 v18, v17;
	_ =	sdelay $0x1  }
0x316: {  	[tilespmem:$0x660] =	vst v17  }
0x317: {  	v17 =	vld.idx.msk [tilespmem:v55+s14+$0x0], $0xffff  }
0x318: {  	v18 =	vld.idx.msk [tilespmem:v55+s15+$0x0], $0xffff;
	_ =	sdelay $0x1  }
0x319: {  	v19 =	vld.idx.msk [tilespmem:v56+s14+$0x0], $0xffff;
	_ =	sdelay $0x1  }
0x31a: {  	v20 =	vld.idx.msk [tilespmem:v56+s15+$0x0], $0xffff  }
0x31b: {  	v17 =	vmul.f32 v17, v10;
	v18 =	vmul.f32 v18, v12;
	_ =	sdelay $0x1  }
0x31c: {  	v17 =	vadd.f32 v18, v17;
	v18 =	vmul.f32 v19, v13;
	_ =	sdelay $0x1  }
0x31d: {  	v17 =	vadd.f32 v18, v17;
	v18 =	vmul.f32 v20, v14;
	_ =	sdelay $0x1  }
0x31e: {  	v17 =	vadd.f32 v18, v17;
	_ =	sdelay $0x1  }
0x31f: {  	[tilespmem:$0x670] =	vst v17  }
0x320: {  	v17 =	vld.idx.msk [tilespmem:v57+s14+$0x0], $0xffff  }
0x321: {  	v18 =	vld.idx.msk [tilespmem:v57+s15+$0x0], $0xffff;
	_ =	sdelay $0x1  }
0x322: {  	v19 =	vld.idx.msk [tilespmem:v0+s14+$0x0], $0xffff;
	_ =	sdelay $0x1  }
0x323: {  	v20 =	vld.idx.msk [tilespmem:v0+s15+$0x0], $0xffff  }
0x324: {  	v17 =	vmul.f32 v17, v10;
	v18 =	vmul.f32 v18, v12;
	_ =	sdelay $0x1  }
0x325: {  	v17 =	vadd.f32 v18, v17;
	v18 =	vmul.f32 v19, v13;
	_ =	sdelay $0x1  }
0x326: {  	v17 =	vadd.f32 v18, v17;
	v18 =	vmul.f32 v20, v14;
	_ =	sdelay $0x1  }
0x327: {  	v17 =	vadd.f32 v18, v17;
	_ =	sdelay $0x1  }
0x328: {  	[tilespmem:$0x680] =	vst v17  }
0x329: {  	v17 =	vld.idx.msk [tilespmem:v58+s14+$0x0], $0xffff  }
0x32a: {  	v18 =	vld.idx.msk [tilespmem:v58+s15+$0x0], $0xffff;
	_ =	sdelay $0x1  }
0x32b: {  	v19 =	vld.idx.msk [tilespmem:v1+s14+$0x0], $0xffff;
	_ =	sdelay $0x1  }
0x32c: {  	v20 =	vld.idx.msk [tilespmem:v1+s15+$0x0], $0xffff  }
0x32d: {  	v17 =	vmul.f32 v17, v10;
	v18 =	vmul.f32 v18, v12;
	_ =	sdelay $0x1  }
0x32e: {  	v17 =	vadd.f32 v18, v17;
	v18 =	vmul.f32 v19, v13;
	_ =	sdelay $0x1  }
0x32f: {  	v17 =	vadd.f32 v18, v17;
	v18 =	vmul.f32 v20, v14;
	_ =	sdelay $0x1  }
0x330: {  	v17 =	vadd.f32 v18, v17;
	_ =	sdelay $0x1  }
0x331: {  	[tilespmem:$0x690] =	vst v17  }
0x332: {  	v17 =	vld.idx.msk [tilespmem:v2+s14+$0x0], $0xffff  }
0x333: {  	v18 =	vld.idx.msk [tilespmem:v2+s15+$0x0], $0xffff;
	_ =	sdelay $0x1  }
0x334: {  	v19 =	vld.idx.msk [tilespmem:v3+s14+$0x0], $0xffff;
	_ =	sdelay $0x1  }
0x335: {  	v20 =	vld.idx.msk [tilespmem:v3+s15+$0x0], $0xffff  }
0x336: {  	v17 =	vmul.f32 v17, v10;
	v18 =	vmul.f32 v18, v12;
	_ =	sdelay $0x1  }
0x337: {  	v17 =	vadd.f32 v18, v17;
	v18 =	vmul.f32 v19, v13;
	_ =	sdelay $0x1  }
0x338: {  	v17 =	vadd.f32 v18, v17;
	v18 =	vmul.f32 v20, v14;
	_ =	sdelay $0x1  }
0x339: {  	v17 =	vadd.f32 v18, v17;
	_ =	sdelay $0x1  }
0x33a: {  	[tilespmem:$0x6A0] =	vst v17  }
0x33b: {  	v17 =	vld.idx.msk [tilespmem:v4+s14+$0x0], $0xffff  }
0x33c: {  	v18 =	vld.idx.msk [tilespmem:v4+s15+$0x0], $0xffff;
	_ =	sdelay $0x1  }
0x33d: {  	v19 =	vld.idx.msk [tilespmem:v5+s14+$0x0], $0xffff;
	_ =	sdelay $0x1  }
0x33e: {  	v20 =	vld.idx.msk [tilespmem:v5+s15+$0x0], $0xffff  }
0x33f: {  	v17 =	vmul.f32 v17, v10;
	v18 =	vmul.f32 v18, v12;
	_ =	sdelay $0x1  }
0x340: {  	v17 =	vadd.f32 v18, v17;
	v18 =	vmul.f32 v19, v13;
	_ =	sdelay $0x1  }
0x341: {  	v17 =	vadd.f32 v18, v17;
	v18 =	vmul.f32 v20, v14;
	_ =	sdelay $0x1  }
0x342: {  	v17 =	vadd.f32 v18, v17;
	_ =	sdelay $0x1  }
0x343: {  	[tilespmem:$0x6B0] =	vst v17  }
0x344: {  	v17 =	vld.idx.msk [tilespmem:v6+s14+$0x0], $0xffff  }
0x345: {  	v18 =	vld.idx.msk [tilespmem:v6+s15+$0x0], $0xffff;
	_ =	sdelay $0x1  }
0x346: {  	v19 =	vld.idx.msk [tilespmem:v7+s14+$0x0], $0xffff;
	_ =	sdelay $0x1  }
0x347: {  	v20 =	vld.idx.msk [tilespmem:v7+s15+$0x0], $0xffff  }
0x348: {  	v17 =	vmul.f32 v17, v10;
	v18 =	vmul.f32 v18, v12;
	_ =	sdelay $0x1  }
0x349: {  	v17 =	vadd.f32 v18, v17;
	v18 =	vmul.f32 v19, v13;
	_ =	sdelay $0x1  }
0x34a: {  	v17 =	vadd.f32 v18, v17;
	v18 =	vmul.f32 v20, v14;
	_ =	sdelay $0x1  }
0x34b: {  	v17 =	vadd.f32 v18, v17;
	_ =	sdelay $0x1  }
0x34c: {  	[tilespmem:$0x6C0] =	vst v17  }
0x34d: {  	v17 =	vld.idx.msk [tilespmem:v8+s14+$0x0], $0xffff  }
0x34e: {  	v18 =	vld.idx.msk [tilespmem:v8+s15+$0x0], $0xffff;
	_ =	sdelay $0x1  }
0x34f: {  	v19 =	vld.idx.msk [tilespmem:v59+s14+$0x0], $0xffff;
	_ =	sdelay $0x1  }
0x350: {  	v20 =	vld.idx.msk [tilespmem:v59+s15+$0x0], $0xffff  }
0x351: {  	v17 =	vmul.f32 v17, v10;
	v18 =	vmul.f32 v18, v12;
	_ =	sdelay $0x1  }
0x352: {  	v17 =	vadd.f32 v18, v17;
	v18 =	vmul.f32 v19, v13;
	_ =	sdelay $0x1  }
0x353: {  	v17 =	vadd.f32 v18, v17;
	v18 =	vmul.f32 v20, v14;
	_ =	sdelay $0x1  }
0x354: {  	v17 =	vadd.f32 v18, v17;
	_ =	sdelay $0x1  }
0x355: {  	[tilespmem:$0x6D0] =	vst v17  }
0x356: {  	v17 =	vld.idx.msk [tilespmem:v60+s14+$0x0], $0xffff  }
0x357: {  	v18 =	vld.idx.msk [tilespmem:v60+s15+$0x0], $0xffff;
	_ =	sdelay $0x1  }
0x358: {  	v19 =	vld.idx.msk [tilespmem:v61+s14+$0x0], $0xffff;
	_ =	sdelay $0x1  }
0x359: {  	v20 =	vld.idx.msk [tilespmem:v61+s15+$0x0], $0xffff  }
0x35a: {  	v17 =	vmul.f32 v17, v10;
	v18 =	vmul.f32 v18, v12;
	_ =	sdelay $0x1  }
0x35b: {  	v17 =	vadd.f32 v18, v17;
	v18 =	vmul.f32 v19, v13;
	_ =	sdelay $0x1  }
0x35c: {  	v17 =	vadd.f32 v18, v17;
	v18 =	vmul.f32 v20, v14;
	_ =	sdelay $0x1  }
0x35d: {  	v17 =	vadd.f32 v18, v17;
	_ =	sdelay $0x1  }
0x35e: {  	[tilespmem:$0x6E0] =	vst v17  }
0x35f: {  	v17 =	vld.idx.msk [tilespmem:v62+s14+$0x0], $0xffff  }
0x360: {  	v18 =	vld.idx.msk [tilespmem:v62+s15+$0x0], $0xffff;
	_ =	sdelay $0x1  }
0x361: {  	v19 =	vld.idx.msk [tilespmem:v63+s14+$0x0], $0xffff;
	_ =	sdelay $0x1  }
0x362: {  	v20 =	vld.idx.msk [tilespmem:v63+s15+$0x0], $0xffff  }
0x363: {  	v17 =	vmul.f32 v17, v10;
	v18 =	vmul.f32 v18, v12;
	_ =	sdelay $0x1  }
0x364: {  	v17 =	vadd.f32 v18, v17;
	v18 =	vmul.f32 v19, v13;
	_ =	sdelay $0x1  }
0x365: {  	v17 =	vadd.f32 v18, v17;
	v18 =	vmul.f32 v20, v14;
	_ =	sdelay $0x1  }
0x366: {  	v17 =	vadd.f32 v18, v17;
	_ =	sdelay $0x1  }
0x367: {  	[tilespmem:$0x6F0] =	vst v17  }
0x368: {  	v17 =	vld.idx.msk [tilespmem:v9+s14+$0x0], $0xffff  }
0x369: {  	v18 =	vld.idx.msk [tilespmem:v9+s15+$0x0], $0xffff;
	_ =	sdelay $0x1  }
0x36a: {  	v19 =	vld.idx.msk [tilespmem:v11+s14+$0x0], $0xffff;
	_ =	sdelay $0x1  }
0x36b: {  	v20 =	vld.idx.msk [tilespmem:v11+s15+$0x0], $0xffff  }
0x36c: {  	v17 =	vmul.f32 v17, v10;
	v18 =	vmul.f32 v18, v12;
	_ =	sdelay $0x1  }
0x36d: {  	v17 =	vadd.f32 v18, v17;
	v18 =	vmul.f32 v19, v13;
	_ =	sdelay $0x1  }
0x36e: {  	v17 =	vadd.f32 v18, v17;
	v18 =	vmul.f32 v20, v14;
	_ =	sdelay $0x1  }
0x36f: {  	v17 =	vadd.f32 v18, v17;
	_ =	sdelay $0x1  }
0x370: {  	[tilespmem:$0x700] =	vst v17  }
0x371: {  	v17 =	vld.idx.msk [tilespmem:v15+s14+$0x0], $0xffff  }
0x372: {  	v18 =	vld.idx.msk [tilespmem:v15+s15+$0x0], $0xffff;
	_ =	sdelay $0x1  }
0x373: {  	v19 =	vld.idx.msk [tilespmem:v16+s14+$0x0], $0xffff;
	_ =	sdelay $0x1  }
0x374: {  	v20 =	vld.idx.msk [tilespmem:v16+s15+$0x0], $0xffff  }
0x375: {  	v17 =	vmul.f32 v17, v10;
	v18 =	vmul.f32 v18, v12;
	_ =	sdelay $0x1  }
0x376: {  	v17 =	vadd.f32 v18, v17;
	v18 =	vmul.f32 v19, v13;
	_ =	sdelay $0x1  }
0x377: {  	v17 =	vadd.f32 v18, v17;
	v18 =	vmul.f32 v20, v14;
	_ =	sdelay $0x1  }
0x378: {  	v17 =	vadd.f32 v18, v17  }
0x379: {  	p0 =	sne.s32 s20, $0xF00000  }
.Ltmp1:
0x37a: {  	[tilespmem:$0x710] =	vst v17;
	(pc) =	sbr.rel @p0 .LBB2_4-.Ltmp1, $4  }
0x37b: {  	[hbm4b:s21+s4] =	stream.linear.scatter [tilespmem:s16], [sflag:$0x1], $0x200, $0x38;
	[tilespmem:$0x720] =	vst v63  }
0x37c: {  	_ =	swait.ge [sflag:s12], $0x200  }
0x37d: {  	[sflag:s12] =	ssyncset.done $0x0  }
0x37e: {  	s20 =	sadd.s32 $0x100000, s20;
	s21 =	sadd.s32 $0x2000, s21;
	[sflag:s12] =	ssyncadd.s32 $0xFFFFFE00  }
0x37f: {  	v0 =	vld [tilespmem:$0x1FB10];
	_ =	sdelay $0x4  }
0x380: {  	v0 =	vnsel vm2, $0x0, v0  }
0x381: {  	(xrf0) =	vadd.scan.msk.s32 $0xffff, v0;
	v0 =	vld [tilespmem:$0x1FB20];
	_ =	sdelay $0x4  }
0x382: {  	v0 =	vnsel vm2, $0x0, v0  }
0x383: {  	(xrf0) =	vadd.scan.msk.s32 $0xffff, v0;
	v0 =	vld [tilespmem:$0x1FB30];
	_ =	sdelay $0x4  }
0x384: {  	v0 =	vnsel vm2, $0x0, v0  }
0x385: {  	(xrf0) =	vadd.scan.msk.s32 $0xffff, v0;
	v0 =	vld [tilespmem:$0x1FB40];
	_ =	sdelay $0x4  }
0x386: {  	v0 =	vnsel vm2, $0x0, v0  }
0x387: {  	(xrf0) =	vadd.scan.msk.s32 $0xffff, v0;
	v0 =	vld [tilespmem:$0x1FB50];
	_ =	sdelay $0x4  }
0x388: {  	v0 =	vnsel vm2, $0x0, v0  }
0x389: {  	(xrf2) =	vadd.scan.msk.f32 $0xffff, v0;
	v0 =	vld [tilespmem:$0x1FB60];
	_ =	sdelay $0x4  }
0x38a: {  	v0 =	vnsel vm2, $0x0, v0  }
0x38b: {  	(xrf2) =	vadd.scan.msk.f32 $0xffff, v0;
	v0 =	vld [tilespmem:$0x1FB70];
	_ =	sdelay $0x4  }
0x38c: {  	v0 =	vnsel vm2, $0x0, v0  }
0x38d: {  	(xrf2) =	vadd.scan.msk.f32 $0xffff, v0;
	v0 =	vld [tilespmem:$0x1FB80];
	_ =	sdelay $0x4  }
0x38e: {  	v0 =	vnsel vm2, $0x0, v0;
	_ =	sdelay $0x1  }
0x38f: {  	v4, _, _ =	vpop (xrf2)  }
0x390: {  	(xrf2) =	vadd.scan.msk.f32 $0xffff, v0;
	v0, _, _ =	vpop (xrf0)  }
0x391: {  	(v2sf) =	vpush v0, $0xF;
	v0, _, _ =	vpop (xrf2)  }
0x392: {  	v1, _, _ =	vpop (xrf0);
	v12 =	vbroadcast v0, $0xF;
	v0 =	vld [tilespmem:$0x1FC50]  }
0x393: {  	v2, _, _ =	vpop (xrf0)  }
0x394: {  	v3, _, _ =	vpop (xrf0)  }
0x395: {  	v16 =	vbroadcast v3, $0xF;
	_ =	sdelay $0x1  }
0x396: {  	v0 =	vadd.s32 v0, v16  }
0x397: {  	[tilespmem:$0x1FA30] =	vst v0;
	v0 =	vld [tilespmem:$0x1FC60];
	_ =	sdelay $0x4  }
0x398: {  	v0 =	vadd.s32 v0, v16  }
0x399: {  	[tilespmem:$0x1FA40] =	vst v0;
	v0 =	vld [tilespmem:$0x1FC70];
	_ =	sdelay $0x4  }
0x39a: {  	v0 =	vadd.s32 v0, v16  }
0x39b: {  	[tilespmem:$0x1FA50] =	vst v0;
	v0 =	vld [tilespmem:$0x1FC80];
	_ =	sdelay $0x4  }
0x39c: {  	v0 =	vadd.s32 v0, v16  }
0x39d: {  	[tilespmem:$0x1FA60] =	vst v0;
	v0 =	vld [tilespmem:$0x1FC90];
	_ =	sdelay $0x4  }
0x39e: {  	v0 =	vadd.s32 v0, v16  }
0x39f: {  	[tilespmem:$0x1FA70] =	vst v0;
	v0 =	vld [tilespmem:$0x1FCA0];
	_ =	sdelay $0x4  }
0x3a0: {  	v0 =	vadd.s32 v0, v16  }
0x3a1: {  	[tilespmem:$0x1FA80] =	vst v0;
	v0 =	vld [tilespmem:$0x1FCB0];
	_ =	sdelay $0x4  }
0x3a2: {  	v21 =	vadd.s32 v0, v16;
	v0 =	vld [tilespmem:$0x1FCC0];
	_ =	sdelay $0x4  }
0x3a3: {  	v22 =	vadd.s32 v0, v16;
	v0 =	vld [tilespmem:$0x1FCD0];
	_ =	sdelay $0x4  }
0x3a4: {  	v23 =	vadd.s32 v0, v16;
	v0 =	vld [tilespmem:$0x1FCE0];
	_ =	sdelay $0x4  }
0x3a5: {  	v24 =	vadd.s32 v0, v16;
	v0 =	vld [tilespmem:$0x1FCF0];
	_ =	sdelay $0x4  }
0x3a6: {  	v25 =	vadd.s32 v0, v16;
	v0 =	vld [tilespmem:$0x1FD00];
	_ =	sdelay $0x4  }
0x3a7: {  	v26 =	vadd.s32 v0, v16;
	v0 =	vld [tilespmem:$0x1FD10];
	_ =	sdelay $0x4  }
0x3a8: {  	v27 =	vadd.s32 v0, v16;
	v0 =	vld [tilespmem:$0x1FD20];
	_ =	sdelay $0x4  }
0x3a9: {  	v28 =	vadd.s32 v0, v16;
	v0 =	vld [tilespmem:$0x1FD30];
	_ =	sdelay $0x4  }
0x3aa: {  	v29 =	vadd.s32 v0, v16;
	v0 =	vld [tilespmem:$0x1FD40];
	_ =	sdelay $0x4  }
0x3ab: {  	v30 =	vadd.s32 v0, v16;
	v0 =	vld [tilespmem:$0x1FD50];
	_ =	sdelay $0x4  }
0x3ac: {  	v31 =	vadd.s32 v0, v16;
	v0 =	vld [tilespmem:$0x1FD60];
	_ =	sdelay $0x4  }
0x3ad: {  	v32 =	vadd.s32 v0, v16;
	v0 =	vld [tilespmem:$0x1FD70];
	_ =	sdelay $0x4  }
0x3ae: {  	v33 =	vadd.s32 v0, v16;
	v0 =	vld [tilespmem:$0x1FD80];
	_ =	sdelay $0x4  }
0x3af: {  	v34 =	vadd.s32 v0, v16;
	v0 =	vld [tilespmem:$0x1FD90];
	_ =	sdelay $0x4  }
0x3b0: {  	v35 =	vadd.s32 v0, v16;
	v0 =	vld [tilespmem:$0x1FDA0];
	_ =	sdelay $0x4  }
0x3b1: {  	v36 =	vadd.s32 v0, v16;
	v0 =	vld [tilespmem:$0x1FDB0];
	_ =	sdelay $0x4  }
0x3b2: {  	v37 =	vadd.s32 v0, v16;
	v0 =	vld [tilespmem:$0x1FDC0];
	_ =	sdelay $0x4  }
0x3b3: {  	v38 =	vadd.s32 v0, v16;
	v0 =	vld [tilespmem:$0x1FDD0];
	_ =	sdelay $0x4  }
0x3b4: {  	v39 =	vadd.s32 v0, v16;
	v0 =	vld [tilespmem:$0x1FDE0];
	_ =	sdelay $0x4  }
0x3b5: {  	v40 =	vadd.s32 v0, v16;
	v0 =	vld [tilespmem:$0x1FDF0];
	_ =	sdelay $0x4  }
0x3b6: {  	v41 =	vadd.s32 v0, v16;
	v0 =	vld [tilespmem:$0x1FE00];
	_ =	sdelay $0x4  }
0x3b7: {  	v42 =	vadd.s32 v0, v16;
	v0 =	vld [tilespmem:$0x1FE10];
	_ =	sdelay $0x4  }
0x3b8: {  	v43 =	vadd.s32 v0, v16;
	v0 =	vld [tilespmem:$0x1FE20];
	_ =	sdelay $0x4  }
0x3b9: {  	v44 =	vadd.s32 v0, v16;
	v0 =	vld [tilespmem:$0x1FE30];
	_ =	sdelay $0x4  }
0x3ba: {  	v45 =	vadd.s32 v0, v16;
	v0 =	vld [tilespmem:$0x1FE40];
	_ =	sdelay $0x4  }
0x3bb: {  	v46 =	vadd.s32 v0, v16;
	v0 =	vld [tilespmem:$0x1FE50];
	_ =	sdelay $0x4  }
0x3bc: {  	v47 =	vadd.s32 v0, v16;
	v0 =	vld [tilespmem:$0x1FE60];
	_ =	sdelay $0x4  }
0x3bd: {  	v48 =	vadd.s32 v0, v16;
	v0 =	vld [tilespmem:$0x1FE70];
	_ =	sdelay $0x4  }
0x3be: {  	v49 =	vadd.s32 v0, v16;
	v0 =	vld [tilespmem:$0x1FE80];
	_ =	sdelay $0x4  }
0x3bf: {  	v50 =	vadd.s32 v0, v16;
	v0 =	vld [tilespmem:$0x1FE90];
	_ =	sdelay $0x4  }
0x3c0: {  	v51 =	vadd.s32 v0, v16;
	v0 =	vld [tilespmem:$0x1FEA0];
	_ =	sdelay $0x3  }
0x3c1: {  	v9 =	vld [tilespmem:$0x1FFA0]  }
0x3c2: {  	v52 =	vadd.s32 v0, v16;
	v0 =	vld [tilespmem:$0x1FEB0];
	_ =	sdelay $0x2  }
0x3c3: {  	v5 =	vld [tilespmem:$0x1FF60]  }
0x3c4: {  	v59 =	vadd.s32 v9, v16;
	v9 =	vld [tilespmem:$0x1FFB0]  }
0x3c5: {  	v53 =	vadd.s32 v0, v16;
	v0 =	vld [tilespmem:$0x1FEC0]  }
0x3c6: {  	v6 =	vld [tilespmem:$0x1FF70]  }
0x3c7: {  	v7 =	vld [tilespmem:$0x1FF80]  }
0x3c8: {  	v8 =	vld [tilespmem:$0x1FF90]  }
0x3c9: {  	v60 =	vadd.s32 v9, v16;
	v9 =	vld [tilespmem:$0x1FFC0]  }
0x3ca: {  	v54 =	vadd.s32 v0, v16;
	v0 =	vld [tilespmem:$0x1FED0]  }
0x3cb: {  	v11 =	vld [tilespmem:$0x1FC10]  }
0x3cc: {  	v15 =	vld [tilespmem:$0x1FC20];
	(v2sf) =	vpush v1, $0xF  }
0x3cd: {  	v17 =	vld [tilespmem:$0x1FC30];
	(v2sf) =	vpush v2, $0xF  }
0x3ce: {  	v61 =	vadd.s32 v9, v16;
	v9 =	vld [tilespmem:$0x1FFD0]  }
0x3cf: {  	v1, _, _ =	vpop (xrf2);
	v55 =	vadd.s32 v0, v16;
	v0 =	vld [tilespmem:$0x1FEE0]  }
0x3d0: {  	v13 =	vbroadcast v1, $0xF;
	v1 =	vld [tilespmem:$0x1FF10]  }
0x3d1: {  	v2 =	vlaneseq.u32;
	v3 =	vld [tilespmem:$0x1FC40]  }
0x3d2: {  	v10 =	vbroadcast v4, $0xF;
	v4 =	vld [tilespmem:$0x1FF50];
	v2 =	vadd.s32 v2, v16  }
0x3d3: {  	v62 =	vadd.s32 v9, v16;
	v9 =	vld [tilespmem:$0x1FFE0]  }
0x3d4: {  	v56 =	vadd.s32 v0, v16;
	v0 =	vld [tilespmem:$0x1FEF0]  }
0x3d5: {  	[tilespmem:$0x1FA10] =	vst v2;
	v58 =	vadd.s32 v1, v16;
	v1 =	vld [tilespmem:$0x1FF20];
	v2, _, _ =	vpop (xrf2)  }
0x3d6: {  	v3 =	vadd.s32 v3, v16;
	v14 =	vbroadcast v2, $0xF;
	v2 =	vld [tilespmem:$0x1FF30]  }
0x3d7: {  	[tilespmem:$0x1FA20] =	vst v3;
	v3 =	vld [tilespmem:$0x1FF40]  }
0x3d8: {  	v63 =	vadd.s32 v9, v16;
	v9 =	vld [tilespmem:$0x1FFF0]  }
0x3d9: {  	v57 =	vadd.s32 v0, v16;
	v0 =	vld [tilespmem:$0x1FF00]  }
0x3da: {  	v4 =	vadd.s32 v4, v16;
	s18 =	spop (v2sf)  }
0x3db: {  	v5 =	vadd.s32 v5, v16;
	v6 =	vadd.s32 v6, v16;
	v7 =	vadd.s32 v7, v16;
	s19 =	spop (v2sf)  }
0x3dc: {  	s21 =	smov.u32 s10;
	v8 =	vadd.s32 v8, v16;
	v11 =	vadd.s32 v11, v16;
	v15 =	vadd.s32 v15, v16;
	s20 =	spop (v2sf)  }
0x3dd: {  	v1 =	vadd.s32 v1, v16;
	v2 =	vadd.s32 v2, v16;
	v3 =	vadd.s32 v3, v16;
	s18 =	sshll.u32 s18, $0xC;
	s19 =	sshll.u32 s19, $0xC;
	s20 =	sand.u32 $0xFFFFFFF8, s20  }
0x3de: {  	s18 =	sadd.s32 s18, s20;
	s19 =	sadd.s32 s19, s20;
	s20 =	simm.s32 $0x0;
	v9 =	vadd.s32 v9, v16;
	v0 =	vadd.s32 v0, v16;
	v16 =	vadd.s32 v17, v16  }
.LBB2_6:
0x3df: {  	s22 =	sadd.s32 s20, s18  }
0x3e0: {  	s22 =	sshrl.u32 s22, $0x3  }
0x3e1: {  	s22 =	sadd.s32 s5, s22  }
0x3e2: {  	[tilespmem:s14], [sflag:$0x1] =	stream.linear.gather [hbm4b:s22+s4], $0x210, $0x38;
	[tilespmem:$0x720] =	vst v63  }
0x3e3: {  	s31 =	sadd.s32 s20, s19;
	_ =	swait.ge [sflag:s12], $0x210  }
0x3e4: {  	s22 =	sshrl.u32 s31, $0x3;
	[sflag:s12] =	ssyncset.done $0x0  }
0x3e5: {  	s22 =	sadd.s32 s5, s22;
	[sflag:s12] =	ssyncadd.s32 $0xFFFFFDF0  }
0x3e6: {  	[tilespmem:s15], [sflag:$0x1] =	stream.linear.gather [hbm4b:s22+s4], $0x210, $0x38;
	[tilespmem:$0x720] =	vst v63  }
0x3e7: {  	_ =	swait.ge [sflag:s12], $0x210  }
0x3e8: {  	v18 =	vld [tilespmem:$0x1FA10];
	_ =	sdelay $0x2  }
0x3e9: {  	v20 =	vld [tilespmem:$0x1FA20];
	_ =	sdelay $0x2  }
0x3ea: {  	[sflag:s12] =	ssyncset.done $0x0  }
0x3eb: {  	[sflag:s12] =	ssyncadd.s32 $0xFFFFFDF0  }
0x3ec: {  	v17 =	vld.idx.msk [tilespmem:v18+s14+$0x0], $0xffff  }
0x3ed: {  	v18 =	vld.idx.msk [tilespmem:v18+s15+$0x0], $0xffff;
	_ =	sdelay $0x1  }
0x3ee: {  	v19 =	vld.idx.msk [tilespmem:v20+s14+$0x0], $0xffff;
	_ =	sdelay $0x1  }
0x3ef: {  	v20 =	vld.idx.msk [tilespmem:v20+s15+$0x0], $0xffff  }
0x3f0: {  	v17 =	vmul.f32 v17, v10;
	v18 =	vmul.f32 v18, v12;
	_ =	sdelay $0x1  }
0x3f1: {  	v17 =	vadd.f32 v18, v17;
	v18 =	vmul.f32 v19, v13;
	_ =	sdelay $0x1  }
0x3f2: {  	v17 =	vadd.f32 v18, v17;
	v18 =	vmul.f32 v20, v14;
	_ =	sdelay $0x1  }
0x3f3: {  	v17 =	vadd.f32 v18, v17;
	v18 =	vld [tilespmem:$0x1FA30];
	_ =	sdelay $0x2  }
0x3f4: {  	v20 =	vld [tilespmem:$0x1FA40];
	_ =	sdelay $0x3  }
0x3f5: {  	[tilespmem:$0x520] =	vst v17  }
0x3f6: {  	v17 =	vld.idx.msk [tilespmem:v18+s14+$0x0], $0xffff  }
0x3f7: {  	v18 =	vld.idx.msk [tilespmem:v18+s15+$0x0], $0xffff;
	_ =	sdelay $0x1  }
0x3f8: {  	v19 =	vld.idx.msk [tilespmem:v20+s14+$0x0], $0xffff;
	_ =	sdelay $0x1  }
0x3f9: {  	v20 =	vld.idx.msk [tilespmem:v20+s15+$0x0], $0xffff  }
0x3fa: {  	v17 =	vmul.f32 v17, v10;
	v18 =	vmul.f32 v18, v12;
	_ =	sdelay $0x1  }
0x3fb: {  	v17 =	vadd.f32 v18, v17;
	v18 =	vmul.f32 v19, v13;
	_ =	sdelay $0x1  }
0x3fc: {  	v17 =	vadd.f32 v18, v17;
	v18 =	vmul.f32 v20, v14;
	_ =	sdelay $0x1  }
0x3fd: {  	v17 =	vadd.f32 v18, v17;
	v18 =	vld [tilespmem:$0x1FA50];
	_ =	sdelay $0x2  }
0x3fe: {  	v20 =	vld [tilespmem:$0x1FA60];
	_ =	sdelay $0x3  }
0x3ff: {  	[tilespmem:$0x530] =	vst v17  }
0x400: {  	v17 =	vld.idx.msk [tilespmem:v18+s14+$0x0], $0xffff  }
0x401: {  	v18 =	vld.idx.msk [tilespmem:v18+s15+$0x0], $0xffff;
	_ =	sdelay $0x1  }
0x402: {  	v19 =	vld.idx.msk [tilespmem:v20+s14+$0x0], $0xffff;
	_ =	sdelay $0x1  }
0x403: {  	v20 =	vld.idx.msk [tilespmem:v20+s15+$0x0], $0xffff  }
0x404: {  	v17 =	vmul.f32 v17, v10;
	v18 =	vmul.f32 v18, v12;
	_ =	sdelay $0x1  }
0x405: {  	v17 =	vadd.f32 v18, v17;
	v18 =	vmul.f32 v19, v13;
	_ =	sdelay $0x1  }
0x406: {  	v17 =	vadd.f32 v18, v17;
	v18 =	vmul.f32 v20, v14;
	_ =	sdelay $0x1  }
0x407: {  	v17 =	vadd.f32 v18, v17;
	v18 =	vld [tilespmem:$0x1FA70];
	_ =	sdelay $0x2  }
0x408: {  	v20 =	vld [tilespmem:$0x1FA80];
	_ =	sdelay $0x3  }
0x409: {  	[tilespmem:$0x540] =	vst v17  }
0x40a: {  	v17 =	vld.idx.msk [tilespmem:v18+s14+$0x0], $0xffff  }
0x40b: {  	v18 =	vld.idx.msk [tilespmem:v18+s15+$0x0], $0xffff;
	_ =	sdelay $0x1  }
0x40c: {  	v19 =	vld.idx.msk [tilespmem:v20+s14+$0x0], $0xffff;
	_ =	sdelay $0x1  }
0x40d: {  	v20 =	vld.idx.msk [tilespmem:v20+s15+$0x0], $0xffff  }
0x40e: {  	v17 =	vmul.f32 v17, v10;
	v18 =	vmul.f32 v18, v12;
	_ =	sdelay $0x1  }
0x40f: {  	v17 =	vadd.f32 v18, v17;
	v18 =	vmul.f32 v19, v13;
	_ =	sdelay $0x1  }
0x410: {  	v17 =	vadd.f32 v18, v17;
	v18 =	vmul.f32 v20, v14;
	_ =	sdelay $0x1  }
0x411: {  	v17 =	vadd.f32 v18, v17;
	_ =	sdelay $0x1  }
0x412: {  	[tilespmem:$0x550] =	vst v17  }
0x413: {  	v17 =	vld.idx.msk [tilespmem:v21+s14+$0x0], $0xffff  }
0x414: {  	v18 =	vld.idx.msk [tilespmem:v21+s15+$0x0], $0xffff;
	_ =	sdelay $0x1  }
0x415: {  	v19 =	vld.idx.msk [tilespmem:v22+s14+$0x0], $0xffff;
	_ =	sdelay $0x1  }
0x416: {  	v20 =	vld.idx.msk [tilespmem:v22+s15+$0x0], $0xffff  }
0x417: {  	v17 =	vmul.f32 v17, v10;
	v18 =	vmul.f32 v18, v12;
	_ =	sdelay $0x1  }
0x418: {  	v17 =	vadd.f32 v18, v17;
	v18 =	vmul.f32 v19, v13;
	_ =	sdelay $0x1  }
0x419: {  	v17 =	vadd.f32 v18, v17;
	v18 =	vmul.f32 v20, v14;
	_ =	sdelay $0x1  }
0x41a: {  	v17 =	vadd.f32 v18, v17;
	_ =	sdelay $0x1  }
0x41b: {  	[tilespmem:$0x560] =	vst v17  }
0x41c: {  	v17 =	vld.idx.msk [tilespmem:v23+s14+$0x0], $0xffff  }
0x41d: {  	v18 =	vld.idx.msk [tilespmem:v23+s15+$0x0], $0xffff;
	_ =	sdelay $0x1  }
0x41e: {  	v19 =	vld.idx.msk [tilespmem:v24+s14+$0x0], $0xffff;
	_ =	sdelay $0x1  }
0x41f: {  	v20 =	vld.idx.msk [tilespmem:v24+s15+$0x0], $0xffff  }
0x420: {  	v17 =	vmul.f32 v17, v10;
	v18 =	vmul.f32 v18, v12;
	_ =	sdelay $0x1  }
0x421: {  	v17 =	vadd.f32 v18, v17;
	v18 =	vmul.f32 v19, v13;
	_ =	sdelay $0x1  }
0x422: {  	v17 =	vadd.f32 v18, v17;
	v18 =	vmul.f32 v20, v14;
	_ =	sdelay $0x1  }
0x423: {  	v17 =	vadd.f32 v18, v17;
	_ =	sdelay $0x1  }
0x424: {  	[tilespmem:$0x570] =	vst v17  }
0x425: {  	v17 =	vld.idx.msk [tilespmem:v25+s14+$0x0], $0xffff  }
0x426: {  	v18 =	vld.idx.msk [tilespmem:v25+s15+$0x0], $0xffff;
	_ =	sdelay $0x1  }
0x427: {  	v19 =	vld.idx.msk [tilespmem:v26+s14+$0x0], $0xffff;
	_ =	sdelay $0x1  }
0x428: {  	v20 =	vld.idx.msk [tilespmem:v26+s15+$0x0], $0xffff  }
0x429: {  	v17 =	vmul.f32 v17, v10;
	v18 =	vmul.f32 v18, v12;
	_ =	sdelay $0x1  }
0x42a: {  	v17 =	vadd.f32 v18, v17;
	v18 =	vmul.f32 v19, v13;
	_ =	sdelay $0x1  }
0x42b: {  	v17 =	vadd.f32 v18, v17;
	v18 =	vmul.f32 v20, v14;
	_ =	sdelay $0x1  }
0x42c: {  	v17 =	vadd.f32 v18, v17;
	_ =	sdelay $0x1  }
0x42d: {  	[tilespmem:$0x580] =	vst v17  }
0x42e: {  	v17 =	vld.idx.msk [tilespmem:v27+s14+$0x0], $0xffff  }
0x42f: {  	v18 =	vld.idx.msk [tilespmem:v27+s15+$0x0], $0xffff;
	_ =	sdelay $0x1  }
0x430: {  	v19 =	vld.idx.msk [tilespmem:v28+s14+$0x0], $0xffff;
	_ =	sdelay $0x1  }
0x431: {  	v20 =	vld.idx.msk [tilespmem:v28+s15+$0x0], $0xffff  }
0x432: {  	v17 =	vmul.f32 v17, v10;
	v18 =	vmul.f32 v18, v12;
	_ =	sdelay $0x1  }
0x433: {  	v17 =	vadd.f32 v18, v17;
	v18 =	vmul.f32 v19, v13;
	_ =	sdelay $0x1  }
0x434: {  	v17 =	vadd.f32 v18, v17;
	v18 =	vmul.f32 v20, v14;
	_ =	sdelay $0x1  }
0x435: {  	v17 =	vadd.f32 v18, v17;
	_ =	sdelay $0x1  }
0x436: {  	[tilespmem:$0x590] =	vst v17  }
0x437: {  	v17 =	vld.idx.msk [tilespmem:v29+s14+$0x0], $0xffff  }
0x438: {  	v18 =	vld.idx.msk [tilespmem:v29+s15+$0x0], $0xffff;
	_ =	sdelay $0x1  }
0x439: {  	v19 =	vld.idx.msk [tilespmem:v30+s14+$0x0], $0xffff;
	_ =	sdelay $0x1  }
0x43a: {  	v20 =	vld.idx.msk [tilespmem:v30+s15+$0x0], $0xffff  }
0x43b: {  	v17 =	vmul.f32 v17, v10;
	v18 =	vmul.f32 v18, v12;
	_ =	sdelay $0x1  }
0x43c: {  	v17 =	vadd.f32 v18, v17;
	v18 =	vmul.f32 v19, v13;
	_ =	sdelay $0x1  }
0x43d: {  	v17 =	vadd.f32 v18, v17;
	v18 =	vmul.f32 v20, v14;
	_ =	sdelay $0x1  }
0x43e: {  	v17 =	vadd.f32 v18, v17;
	_ =	sdelay $0x1  }
0x43f: {  	[tilespmem:$0x5A0] =	vst v17  }
0x440: {  	v17 =	vld.idx.msk [tilespmem:v31+s14+$0x0], $0xffff  }
0x441: {  	v18 =	vld.idx.msk [tilespmem:v31+s15+$0x0], $0xffff;
	_ =	sdelay $0x1  }
0x442: {  	v19 =	vld.idx.msk [tilespmem:v32+s14+$0x0], $0xffff;
	_ =	sdelay $0x1  }
0x443: {  	v20 =	vld.idx.msk [tilespmem:v32+s15+$0x0], $0xffff  }
0x444: {  	v17 =	vmul.f32 v17, v10;
	v18 =	vmul.f32 v18, v12;
	_ =	sdelay $0x1  }
0x445: {  	v17 =	vadd.f32 v18, v17;
	v18 =	vmul.f32 v19, v13;
	_ =	sdelay $0x1  }
0x446: {  	v17 =	vadd.f32 v18, v17;
	v18 =	vmul.f32 v20, v14;
	_ =	sdelay $0x1  }
0x447: {  	v17 =	vadd.f32 v18, v17;
	_ =	sdelay $0x1  }
0x448: {  	[tilespmem:$0x5B0] =	vst v17  }
0x449: {  	v17 =	vld.idx.msk [tilespmem:v33+s14+$0x0], $0xffff  }
0x44a: {  	v18 =	vld.idx.msk [tilespmem:v33+s15+$0x0], $0xffff;
	_ =	sdelay $0x1  }
0x44b: {  	v19 =	vld.idx.msk [tilespmem:v34+s14+$0x0], $0xffff;
	_ =	sdelay $0x1  }
0x44c: {  	v20 =	vld.idx.msk [tilespmem:v34+s15+$0x0], $0xffff  }
0x44d: {  	v17 =	vmul.f32 v17, v10;
	v18 =	vmul.f32 v18, v12;
	_ =	sdelay $0x1  }
0x44e: {  	v17 =	vadd.f32 v18, v17;
	v18 =	vmul.f32 v19, v13;
	_ =	sdelay $0x1  }
0x44f: {  	v17 =	vadd.f32 v18, v17;
	v18 =	vmul.f32 v20, v14;
	_ =	sdelay $0x1  }
0x450: {  	v17 =	vadd.f32 v18, v17;
	_ =	sdelay $0x1  }
0x451: {  	[tilespmem:$0x5C0] =	vst v17  }
0x452: {  	v17 =	vld.idx.msk [tilespmem:v35+s14+$0x0], $0xffff  }
0x453: {  	v18 =	vld.idx.msk [tilespmem:v35+s15+$0x0], $0xffff;
	_ =	sdelay $0x1  }
0x454: {  	v19 =	vld.idx.msk [tilespmem:v36+s14+$0x0], $0xffff;
	_ =	sdelay $0x1  }
0x455: {  	v20 =	vld.idx.msk [tilespmem:v36+s15+$0x0], $0xffff  }
0x456: {  	v17 =	vmul.f32 v17, v10;
	v18 =	vmul.f32 v18, v12;
	_ =	sdelay $0x1  }
0x457: {  	v17 =	vadd.f32 v18, v17;
	v18 =	vmul.f32 v19, v13;
	_ =	sdelay $0x1  }
0x458: {  	v17 =	vadd.f32 v18, v17;
	v18 =	vmul.f32 v20, v14;
	_ =	sdelay $0x1  }
0x459: {  	v17 =	vadd.f32 v18, v17;
	_ =	sdelay $0x1  }
0x45a: {  	[tilespmem:$0x5D0] =	vst v17  }
0x45b: {  	v17 =	vld.idx.msk [tilespmem:v37+s14+$0x0], $0xffff  }
0x45c: {  	v18 =	vld.idx.msk [tilespmem:v37+s15+$0x0], $0xffff;
	_ =	sdelay $0x1  }
0x45d: {  	v19 =	vld.idx.msk [tilespmem:v38+s14+$0x0], $0xffff;
	_ =	sdelay $0x1  }
0x45e: {  	v20 =	vld.idx.msk [tilespmem:v38+s15+$0x0], $0xffff  }
0x45f: {  	v17 =	vmul.f32 v17, v10;
	v18 =	vmul.f32 v18, v12;
	_ =	sdelay $0x1  }
0x460: {  	v17 =	vadd.f32 v18, v17;
	v18 =	vmul.f32 v19, v13;
	_ =	sdelay $0x1  }
0x461: {  	v17 =	vadd.f32 v18, v17;
	v18 =	vmul.f32 v20, v14;
	_ =	sdelay $0x1  }
0x462: {  	v17 =	vadd.f32 v18, v17;
	_ =	sdelay $0x1  }
0x463: {  	[tilespmem:$0x5E0] =	vst v17  }
0x464: {  	v17 =	vld.idx.msk [tilespmem:v39+s14+$0x0], $0xffff  }
0x465: {  	v18 =	vld.idx.msk [tilespmem:v39+s15+$0x0], $0xffff;
	_ =	sdelay $0x1  }
0x466: {  	v19 =	vld.idx.msk [tilespmem:v40+s14+$0x0], $0xffff;
	_ =	sdelay $0x1  }
0x467: {  	v20 =	vld.idx.msk [tilespmem:v40+s15+$0x0], $0xffff  }
0x468: {  	v17 =	vmul.f32 v17, v10;
	v18 =	vmul.f32 v18, v12;
	_ =	sdelay $0x1  }
0x469: {  	v17 =	vadd.f32 v18, v17;
	v18 =	vmul.f32 v19, v13;
	_ =	sdelay $0x1  }
0x46a: {  	v17 =	vadd.f32 v18, v17;
	v18 =	vmul.f32 v20, v14;
	_ =	sdelay $0x1  }
0x46b: {  	v17 =	vadd.f32 v18, v17;
	_ =	sdelay $0x1  }
0x46c: {  	[tilespmem:$0x5F0] =	vst v17  }
0x46d: {  	v17 =	vld.idx.msk [tilespmem:v41+s14+$0x0], $0xffff  }
0x46e: {  	v18 =	vld.idx.msk [tilespmem:v41+s15+$0x0], $0xffff;
	_ =	sdelay $0x1  }
0x46f: {  	v19 =	vld.idx.msk [tilespmem:v42+s14+$0x0], $0xffff;
	_ =	sdelay $0x1  }
0x470: {  	v20 =	vld.idx.msk [tilespmem:v42+s15+$0x0], $0xffff  }
0x471: {  	v17 =	vmul.f32 v17, v10;
	v18 =	vmul.f32 v18, v12;
	_ =	sdelay $0x1  }
0x472: {  	v17 =	vadd.f32 v18, v17;
	v18 =	vmul.f32 v19, v13;
	_ =	sdelay $0x1  }
0x473: {  	v17 =	vadd.f32 v18, v17;
	v18 =	vmul.f32 v20, v14;
	_ =	sdelay $0x1  }
0x474: {  	v17 =	vadd.f32 v18, v17;
	_ =	sdelay $0x1  }
0x475: {  	[tilespmem:$0x600] =	vst v17  }
0x476: {  	v17 =	vld.idx.msk [tilespmem:v43+s14+$0x0], $0xffff  }
0x477: {  	v18 =	vld.idx.msk [tilespmem:v43+s15+$0x0], $0xffff;
	_ =	sdelay $0x1  }
0x478: {  	v19 =	vld.idx.msk [tilespmem:v44+s14+$0x0], $0xffff;
	_ =	sdelay $0x1  }
0x479: {  	v20 =	vld.idx.msk [tilespmem:v44+s15+$0x0], $0xffff  }
0x47a: {  	v17 =	vmul.f32 v17, v10;
	v18 =	vmul.f32 v18, v12;
	_ =	sdelay $0x1  }
0x47b: {  	v17 =	vadd.f32 v18, v17;
	v18 =	vmul.f32 v19, v13;
	_ =	sdelay $0x1  }
0x47c: {  	v17 =	vadd.f32 v18, v17;
	v18 =	vmul.f32 v20, v14;
	_ =	sdelay $0x1  }
0x47d: {  	v17 =	vadd.f32 v18, v17;
	_ =	sdelay $0x1  }
0x47e: {  	[tilespmem:$0x610] =	vst v17  }
0x47f: {  	v17 =	vld.idx.msk [tilespmem:v45+s14+$0x0], $0xffff  }
0x480: {  	v18 =	vld.idx.msk [tilespmem:v45+s15+$0x0], $0xffff;
	_ =	sdelay $0x1  }
0x481: {  	v19 =	vld.idx.msk [tilespmem:v46+s14+$0x0], $0xffff;
	_ =	sdelay $0x1  }
0x482: {  	v20 =	vld.idx.msk [tilespmem:v46+s15+$0x0], $0xffff  }
0x483: {  	v17 =	vmul.f32 v17, v10;
	v18 =	vmul.f32 v18, v12;
	_ =	sdelay $0x1  }
0x484: {  	v17 =	vadd.f32 v18, v17;
	v18 =	vmul.f32 v19, v13;
	_ =	sdelay $0x1  }
0x485: {  	v17 =	vadd.f32 v18, v17;
	v18 =	vmul.f32 v20, v14;
	_ =	sdelay $0x1  }
0x486: {  	v17 =	vadd.f32 v18, v17;
	_ =	sdelay $0x1  }
0x487: {  	[tilespmem:$0x620] =	vst v17  }
0x488: {  	v17 =	vld.idx.msk [tilespmem:v47+s14+$0x0], $0xffff  }
0x489: {  	v18 =	vld.idx.msk [tilespmem:v47+s15+$0x0], $0xffff;
	_ =	sdelay $0x1  }
0x48a: {  	v19 =	vld.idx.msk [tilespmem:v48+s14+$0x0], $0xffff;
	_ =	sdelay $0x1  }
0x48b: {  	v20 =	vld.idx.msk [tilespmem:v48+s15+$0x0], $0xffff  }
0x48c: {  	v17 =	vmul.f32 v17, v10;
	v18 =	vmul.f32 v18, v12;
	_ =	sdelay $0x1  }
0x48d: {  	v17 =	vadd.f32 v18, v17;
	v18 =	vmul.f32 v19, v13;
	_ =	sdelay $0x1  }
0x48e: {  	v17 =	vadd.f32 v18, v17;
	v18 =	vmul.f32 v20, v14;
	_ =	sdelay $0x1  }
0x48f: {  	v17 =	vadd.f32 v18, v17;
	_ =	sdelay $0x1  }
0x490: {  	[tilespmem:$0x630] =	vst v17  }
0x491: {  	v17 =	vld.idx.msk [tilespmem:v49+s14+$0x0], $0xffff  }
0x492: {  	v18 =	vld.idx.msk [tilespmem:v49+s15+$0x0], $0xffff;
	_ =	sdelay $0x1  }
0x493: {  	v19 =	vld.idx.msk [tilespmem:v50+s14+$0x0], $0xffff;
	_ =	sdelay $0x1  }
0x494: {  	v20 =	vld.idx.msk [tilespmem:v50+s15+$0x0], $0xffff  }
0x495: {  	v17 =	vmul.f32 v17, v10;
	v18 =	vmul.f32 v18, v12;
	_ =	sdelay $0x1  }
0x496: {  	v17 =	vadd.f32 v18, v17;
	v18 =	vmul.f32 v19, v13;
	_ =	sdelay $0x1  }
0x497: {  	v17 =	vadd.f32 v18, v17;
	v18 =	vmul.f32 v20, v14;
	_ =	sdelay $0x1  }
0x498: {  	v17 =	vadd.f32 v18, v17;
	_ =	sdelay $0x1  }
0x499: {  	[tilespmem:$0x640] =	vst v17  }
0x49a: {  	v17 =	vld.idx.msk [tilespmem:v51+s14+$0x0], $0xffff  }
0x49b: {  	v18 =	vld.idx.msk [tilespmem:v51+s15+$0x0], $0xffff;
	_ =	sdelay $0x1  }
0x49c: {  	v19 =	vld.idx.msk [tilespmem:v52+s14+$0x0], $0xffff;
	_ =	sdelay $0x1  }
0x49d: {  	v20 =	vld.idx.msk [tilespmem:v52+s15+$0x0], $0xffff  }
0x49e: {  	v17 =	vmul.f32 v17, v10;
	v18 =	vmul.f32 v18, v12;
	_ =	sdelay $0x1  }
0x49f: {  	v17 =	vadd.f32 v18, v17;
	v18 =	vmul.f32 v19, v13;
	_ =	sdelay $0x1  }
0x4a0: {  	v17 =	vadd.f32 v18, v17;
	v18 =	vmul.f32 v20, v14;
	_ =	sdelay $0x1  }
0x4a1: {  	v17 =	vadd.f32 v18, v17;
	_ =	sdelay $0x1  }
0x4a2: {  	[tilespmem:$0x650] =	vst v17  }
0x4a3: {  	v17 =	vld.idx.msk [tilespmem:v53+s14+$0x0], $0xffff  }
0x4a4: {  	v18 =	vld.idx.msk [tilespmem:v53+s15+$0x0], $0xffff;
	_ =	sdelay $0x1  }
0x4a5: {  	v19 =	vld.idx.msk [tilespmem:v54+s14+$0x0], $0xffff;
	_ =	sdelay $0x1  }
0x4a6: {  	v20 =	vld.idx.msk [tilespmem:v54+s15+$0x0], $0xffff  }
0x4a7: {  	v17 =	vmul.f32 v17, v10;
	v18 =	vmul.f32 v18, v12;
	_ =	sdelay $0x1  }
0x4a8: {  	v17 =	vadd.f32 v18, v17;
	v18 =	vmul.f32 v19, v13;
	_ =	sdelay $0x1  }
0x4a9: {  	v17 =	vadd.f32 v18, v17;
	v18 =	vmul.f32 v20, v14;
	_ =	sdelay $0x1  }
0x4aa: {  	v17 =	vadd.f32 v18, v17;
	_ =	sdelay $0x1  }
0x4ab: {  	[tilespmem:$0x660] =	vst v17  }
0x4ac: {  	v17 =	vld.idx.msk [tilespmem:v55+s14+$0x0], $0xffff  }
0x4ad: {  	v18 =	vld.idx.msk [tilespmem:v55+s15+$0x0], $0xffff;
	_ =	sdelay $0x1  }
0x4ae: {  	v19 =	vld.idx.msk [tilespmem:v56+s14+$0x0], $0xffff;
	_ =	sdelay $0x1  }
0x4af: {  	v20 =	vld.idx.msk [tilespmem:v56+s15+$0x0], $0xffff  }
0x4b0: {  	v17 =	vmul.f32 v17, v10;
	v18 =	vmul.f32 v18, v12;
	_ =	sdelay $0x1  }
0x4b1: {  	v17 =	vadd.f32 v18, v17;
	v18 =	vmul.f32 v19, v13;
	_ =	sdelay $0x1  }
0x4b2: {  	v17 =	vadd.f32 v18, v17;
	v18 =	vmul.f32 v20, v14;
	_ =	sdelay $0x1  }
0x4b3: {  	v17 =	vadd.f32 v18, v17;
	_ =	sdelay $0x1  }
0x4b4: {  	[tilespmem:$0x670] =	vst v17  }
0x4b5: {  	v17 =	vld.idx.msk [tilespmem:v57+s14+$0x0], $0xffff  }
0x4b6: {  	v18 =	vld.idx.msk [tilespmem:v57+s15+$0x0], $0xffff;
	_ =	sdelay $0x1  }
0x4b7: {  	v19 =	vld.idx.msk [tilespmem:v0+s14+$0x0], $0xffff;
	_ =	sdelay $0x1  }
0x4b8: {  	v20 =	vld.idx.msk [tilespmem:v0+s15+$0x0], $0xffff  }
0x4b9: {  	v17 =	vmul.f32 v17, v10;
	v18 =	vmul.f32 v18, v12;
	_ =	sdelay $0x1  }
0x4ba: {  	v17 =	vadd.f32 v18, v17;
	v18 =	vmul.f32 v19, v13;
	_ =	sdelay $0x1  }
0x4bb: {  	v17 =	vadd.f32 v18, v17;
	v18 =	vmul.f32 v20, v14;
	_ =	sdelay $0x1  }
0x4bc: {  	v17 =	vadd.f32 v18, v17;
	_ =	sdelay $0x1  }
0x4bd: {  	[tilespmem:$0x680] =	vst v17  }
0x4be: {  	v17 =	vld.idx.msk [tilespmem:v58+s14+$0x0], $0xffff  }
0x4bf: {  	v18 =	vld.idx.msk [tilespmem:v58+s15+$0x0], $0xffff;
	_ =	sdelay $0x1  }
0x4c0: {  	v19 =	vld.idx.msk [tilespmem:v1+s14+$0x0], $0xffff;
	_ =	sdelay $0x1  }
0x4c1: {  	v20 =	vld.idx.msk [tilespmem:v1+s15+$0x0], $0xffff  }
0x4c2: {  	v17 =	vmul.f32 v17, v10;
	v18 =	vmul.f32 v18, v12;
	_ =	sdelay $0x1  }
0x4c3: {  	v17 =	vadd.f32 v18, v17;
	v18 =	vmul.f32 v19, v13;
	_ =	sdelay $0x1  }
0x4c4: {  	v17 =	vadd.f32 v18, v17;
	v18 =	vmul.f32 v20, v14;
	_ =	sdelay $0x1  }
0x4c5: {  	v17 =	vadd.f32 v18, v17;
	_ =	sdelay $0x1  }
0x4c6: {  	[tilespmem:$0x690] =	vst v17  }
0x4c7: {  	v17 =	vld.idx.msk [tilespmem:v2+s14+$0x0], $0xffff  }
0x4c8: {  	v18 =	vld.idx.msk [tilespmem:v2+s15+$0x0], $0xffff;
	_ =	sdelay $0x1  }
0x4c9: {  	v19 =	vld.idx.msk [tilespmem:v3+s14+$0x0], $0xffff;
	_ =	sdelay $0x1  }
0x4ca: {  	v20 =	vld.idx.msk [tilespmem:v3+s15+$0x0], $0xffff  }
0x4cb: {  	v17 =	vmul.f32 v17, v10;
	v18 =	vmul.f32 v18, v12;
	_ =	sdelay $0x1  }
0x4cc: {  	v17 =	vadd.f32 v18, v17;
	v18 =	vmul.f32 v19, v13;
	_ =	sdelay $0x1  }
0x4cd: {  	v17 =	vadd.f32 v18, v17;
	v18 =	vmul.f32 v20, v14;
	_ =	sdelay $0x1  }
0x4ce: {  	v17 =	vadd.f32 v18, v17;
	_ =	sdelay $0x1  }
0x4cf: {  	[tilespmem:$0x6A0] =	vst v17  }
0x4d0: {  	v17 =	vld.idx.msk [tilespmem:v4+s14+$0x0], $0xffff  }
0x4d1: {  	v18 =	vld.idx.msk [tilespmem:v4+s15+$0x0], $0xffff;
	_ =	sdelay $0x1  }
0x4d2: {  	v19 =	vld.idx.msk [tilespmem:v5+s14+$0x0], $0xffff;
	_ =	sdelay $0x1  }
0x4d3: {  	v20 =	vld.idx.msk [tilespmem:v5+s15+$0x0], $0xffff  }
0x4d4: {  	v17 =	vmul.f32 v17, v10;
	v18 =	vmul.f32 v18, v12;
	_ =	sdelay $0x1  }
0x4d5: {  	v17 =	vadd.f32 v18, v17;
	v18 =	vmul.f32 v19, v13;
	_ =	sdelay $0x1  }
0x4d6: {  	v17 =	vadd.f32 v18, v17;
	v18 =	vmul.f32 v20, v14;
	_ =	sdelay $0x1  }
0x4d7: {  	v17 =	vadd.f32 v18, v17;
	_ =	sdelay $0x1  }
0x4d8: {  	[tilespmem:$0x6B0] =	vst v17  }
0x4d9: {  	v17 =	vld.idx.msk [tilespmem:v6+s14+$0x0], $0xffff  }
0x4da: {  	v18 =	vld.idx.msk [tilespmem:v6+s15+$0x0], $0xffff;
	_ =	sdelay $0x1  }
0x4db: {  	v19 =	vld.idx.msk [tilespmem:v7+s14+$0x0], $0xffff;
	_ =	sdelay $0x1  }
0x4dc: {  	v20 =	vld.idx.msk [tilespmem:v7+s15+$0x0], $0xffff  }
0x4dd: {  	v17 =	vmul.f32 v17, v10;
	v18 =	vmul.f32 v18, v12;
	_ =	sdelay $0x1  }
0x4de: {  	v17 =	vadd.f32 v18, v17;
	v18 =	vmul.f32 v19, v13;
	_ =	sdelay $0x1  }
0x4df: {  	v17 =	vadd.f32 v18, v17;
	v18 =	vmul.f32 v20, v14;
	_ =	sdelay $0x1  }
0x4e0: {  	v17 =	vadd.f32 v18, v17;
	_ =	sdelay $0x1  }
0x4e1: {  	[tilespmem:$0x6C0] =	vst v17  }
0x4e2: {  	v17 =	vld.idx.msk [tilespmem:v8+s14+$0x0], $0xffff  }
0x4e3: {  	v18 =	vld.idx.msk [tilespmem:v8+s15+$0x0], $0xffff;
	_ =	sdelay $0x1  }
0x4e4: {  	v19 =	vld.idx.msk [tilespmem:v59+s14+$0x0], $0xffff;
	_ =	sdelay $0x1  }
0x4e5: {  	v20 =	vld.idx.msk [tilespmem:v59+s15+$0x0], $0xffff  }
0x4e6: {  	v17 =	vmul.f32 v17, v10;
	v18 =	vmul.f32 v18, v12;
	_ =	sdelay $0x1  }
0x4e7: {  	v17 =	vadd.f32 v18, v17;
	v18 =	vmul.f32 v19, v13;
	_ =	sdelay $0x1  }
0x4e8: {  	v17 =	vadd.f32 v18, v17;
	v18 =	vmul.f32 v20, v14;
	_ =	sdelay $0x1  }
0x4e9: {  	v17 =	vadd.f32 v18, v17;
	_ =	sdelay $0x1  }
0x4ea: {  	[tilespmem:$0x6D0] =	vst v17  }
0x4eb: {  	v17 =	vld.idx.msk [tilespmem:v60+s14+$0x0], $0xffff  }
0x4ec: {  	v18 =	vld.idx.msk [tilespmem:v60+s15+$0x0], $0xffff;
	_ =	sdelay $0x1  }
0x4ed: {  	v19 =	vld.idx.msk [tilespmem:v61+s14+$0x0], $0xffff;
	_ =	sdelay $0x1  }
0x4ee: {  	v20 =	vld.idx.msk [tilespmem:v61+s15+$0x0], $0xffff  }
0x4ef: {  	v17 =	vmul.f32 v17, v10;
	v18 =	vmul.f32 v18, v12;
	_ =	sdelay $0x1  }
0x4f0: {  	v17 =	vadd.f32 v18, v17;
	v18 =	vmul.f32 v19, v13;
	_ =	sdelay $0x1  }
0x4f1: {  	v17 =	vadd.f32 v18, v17;
	v18 =	vmul.f32 v20, v14;
	_ =	sdelay $0x1  }
0x4f2: {  	v17 =	vadd.f32 v18, v17;
	_ =	sdelay $0x1  }
0x4f3: {  	[tilespmem:$0x6E0] =	vst v17  }
0x4f4: {  	v17 =	vld.idx.msk [tilespmem:v62+s14+$0x0], $0xffff  }
0x4f5: {  	v18 =	vld.idx.msk [tilespmem:v62+s15+$0x0], $0xffff;
	_ =	sdelay $0x1  }
0x4f6: {  	v19 =	vld.idx.msk [tilespmem:v63+s14+$0x0], $0xffff;
	_ =	sdelay $0x1  }
0x4f7: {  	v20 =	vld.idx.msk [tilespmem:v63+s15+$0x0], $0xffff  }
0x4f8: {  	v17 =	vmul.f32 v17, v10;
	v18 =	vmul.f32 v18, v12;
	_ =	sdelay $0x1  }
0x4f9: {  	v17 =	vadd.f32 v18, v17;
	v18 =	vmul.f32 v19, v13;
	_ =	sdelay $0x1  }
0x4fa: {  	v17 =	vadd.f32 v18, v17;
	v18 =	vmul.f32 v20, v14;
	_ =	sdelay $0x1  }
0x4fb: {  	v17 =	vadd.f32 v18, v17;
	_ =	sdelay $0x1  }
0x4fc: {  	[tilespmem:$0x6F0] =	vst v17  }
0x4fd: {  	v17 =	vld.idx.msk [tilespmem:v9+s14+$0x0], $0xffff  }
0x4fe: {  	v18 =	vld.idx.msk [tilespmem:v9+s15+$0x0], $0xffff;
	_ =	sdelay $0x1  }
0x4ff: {  	v19 =	vld.idx.msk [tilespmem:v11+s14+$0x0], $0xffff;
	_ =	sdelay $0x1  }
0x500: {  	v20 =	vld.idx.msk [tilespmem:v11+s15+$0x0], $0xffff  }
0x501: {  	v17 =	vmul.f32 v17, v10;
	v18 =	vmul.f32 v18, v12;
	_ =	sdelay $0x1  }
0x502: {  	v17 =	vadd.f32 v18, v17;
	v18 =	vmul.f32 v19, v13;
	_ =	sdelay $0x1  }
0x503: {  	v17 =	vadd.f32 v18, v17;
	v18 =	vmul.f32 v20, v14;
	_ =	sdelay $0x1  }
0x504: {  	v17 =	vadd.f32 v18, v17;
	_ =	sdelay $0x1  }
0x505: {  	[tilespmem:$0x700] =	vst v17  }
0x506: {  	v17 =	vld.idx.msk [tilespmem:v15+s14+$0x0], $0xffff  }
0x507: {  	v18 =	vld.idx.msk [tilespmem:v15+s15+$0x0], $0xffff;
	_ =	sdelay $0x1  }
0x508: {  	v19 =	vld.idx.msk [tilespmem:v16+s14+$0x0], $0xffff;
	_ =	sdelay $0x1  }
0x509: {  	v20 =	vld.idx.msk [tilespmem:v16+s15+$0x0], $0xffff  }
0x50a: {  	v17 =	vmul.f32 v17, v10;
	v18 =	vmul.f32 v18, v12;
	_ =	sdelay $0x1  }
0x50b: {  	v17 =	vadd.f32 v18, v17;
	v18 =	vmul.f32 v19, v13;
	_ =	sdelay $0x1  }
0x50c: {  	v17 =	vadd.f32 v18, v17;
	v18 =	vmul.f32 v20, v14;
	_ =	sdelay $0x1  }
0x50d: {  	v17 =	vadd.f32 v18, v17  }
0x50e: {  	p0 =	sne.s32 s20, $0xF00000  }
.Ltmp2:
0x50f: {  	[tilespmem:$0x710] =	vst v17;
	(pc) =	sbr.rel @p0 .LBB2_6-.Ltmp2, $4  }
0x510: {  	[hbm4b:s21+s4] =	stream.linear.scatter [tilespmem:s16], [sflag:$0x1], $0x200, $0x38;
	[tilespmem:$0x720] =	vst v63  }
0x511: {  	_ =	swait.ge [sflag:s12], $0x200  }
0x512: {  	[sflag:s12] =	ssyncset.done $0x0  }
0x513: {  	s20 =	sadd.s32 $0x100000, s20;
	s21 =	sadd.s32 $0x2000, s21;
	[sflag:s12] =	ssyncadd.s32 $0xFFFFFE00  }
0x514: {  	v0 =	vld [tilespmem:$0x1FB10];
	_ =	sdelay $0x4  }
0x515: {  	v0 =	vnsel vm3, $0x0, v0  }
0x516: {  	(xrf0) =	vadd.scan.msk.s32 $0xffff, v0;
	v0 =	vld [tilespmem:$0x1FB20];
	_ =	sdelay $0x4  }
0x517: {  	v0 =	vnsel vm3, $0x0, v0  }
0x518: {  	(xrf0) =	vadd.scan.msk.s32 $0xffff, v0;
	v0 =	vld [tilespmem:$0x1FB30];
	_ =	sdelay $0x4  }
0x519: {  	v0 =	vnsel vm3, $0x0, v0  }
0x51a: {  	(xrf0) =	vadd.scan.msk.s32 $0xffff, v0;
	v0 =	vld [tilespmem:$0x1FB40];
	_ =	sdelay $0x4  }
0x51b: {  	v0 =	vnsel vm3, $0x0, v0  }
0x51c: {  	(xrf0) =	vadd.scan.msk.s32 $0xffff, v0;
	v0 =	vld [tilespmem:$0x1FB50];
	_ =	sdelay $0x4  }
0x51d: {  	v0 =	vnsel vm3, $0x0, v0  }
0x51e: {  	(xrf2) =	vadd.scan.msk.f32 $0xffff, v0;
	v0 =	vld [tilespmem:$0x1FB60];
	_ =	sdelay $0x4  }
0x51f: {  	v0 =	vnsel vm3, $0x0, v0  }
0x520: {  	(xrf2) =	vadd.scan.msk.f32 $0xffff, v0;
	v0 =	vld [tilespmem:$0x1FB70];
	_ =	sdelay $0x4  }
0x521: {  	v0 =	vnsel vm3, $0x0, v0  }
0x522: {  	(xrf2) =	vadd.scan.msk.f32 $0xffff, v0;
	v0 =	vld [tilespmem:$0x1FB80];
	_ =	sdelay $0x4  }
0x523: {  	v0 =	vnsel vm3, $0x0, v0;
	_ =	sdelay $0x2  }
0x524: {  	(xrf2) =	vadd.scan.msk.f32 $0xffff, v0;
	v0, _, _ =	vpop (xrf0)  }
0x525: {  	v1, _, _ =	vpop (xrf0)  }
0x526: {  	v2, _, _ =	vpop (xrf0)  }
0x527: {  	(v2sf) =	vpush v0, $0xF;
	v3, _, _ =	vpop (xrf0)  }
0x528: {  	(v2sf) =	vpush v1, $0xF;
	v11 =	vbroadcast v3, $0xF  }
0x529: {  	(v2sf) =	vpush v2, $0xF;
	v2 =	vlaneseq.u32  }
0x52a: {  	v4, _, _ =	vpop (xrf2);
	v2 =	vadd.s32 v2, v11  }
0x52b: {  	[tilespmem:$0x1F990] =	vst v2;
	v2 =	vbroadcast v4, $0xF;
	v4 =	vld [tilespmem:$0x1FC40];
	_ =	sdelay $0x4  }
0x52c: {  	v0, _, _ =	vpop (xrf2);
	v4 =	vadd.s32 v4, v11  }
0x52d: {  	[tilespmem:$0x1F9A0] =	vst v4;
	v4 =	vbroadcast v0, $0xF;
	v0 =	vld [tilespmem:$0x1FC50];
	_ =	sdelay $0x4  }
0x52e: {  	v0 =	vadd.s32 v0, v11  }
0x52f: {  	[tilespmem:$0x1F9B0] =	vst v0;
	v0 =	vld [tilespmem:$0x1FC60];
	_ =	sdelay $0x4  }
0x530: {  	v0 =	vadd.s32 v0, v11  }
0x531: {  	[tilespmem:$0x1F9C0] =	vst v0;
	v0 =	vld [tilespmem:$0x1FC70];
	_ =	sdelay $0x4  }
0x532: {  	v0 =	vadd.s32 v0, v11  }
0x533: {  	[tilespmem:$0x1F9D0] =	vst v0;
	v0 =	vld [tilespmem:$0x1FC80];
	_ =	sdelay $0x4  }
0x534: {  	v0 =	vadd.s32 v0, v11  }
0x535: {  	[tilespmem:$0x1F9E0] =	vst v0;
	v0 =	vld [tilespmem:$0x1FC90];
	_ =	sdelay $0x4  }
0x536: {  	v0 =	vadd.s32 v0, v11  }
0x537: {  	[tilespmem:$0x1F9F0] =	vst v0;
	v0 =	vld [tilespmem:$0x1FCA0];
	_ =	sdelay $0x4  }
0x538: {  	v0 =	vadd.s32 v0, v11  }
0x539: {  	[tilespmem:$0x1FA00] =	vst v0;
	v0 =	vld [tilespmem:$0x1FCB0];
	_ =	sdelay $0x4  }
0x53a: {  	v16 =	vadd.s32 v0, v11;
	v0 =	vld [tilespmem:$0x1FCC0];
	_ =	sdelay $0x4  }
0x53b: {  	v17 =	vadd.s32 v0, v11;
	v0 =	vld [tilespmem:$0x1FCD0];
	_ =	sdelay $0x4  }
0x53c: {  	v18 =	vadd.s32 v0, v11;
	v0 =	vld [tilespmem:$0x1FCE0];
	_ =	sdelay $0x4  }
0x53d: {  	v19 =	vadd.s32 v0, v11;
	v0 =	vld [tilespmem:$0x1FCF0];
	_ =	sdelay $0x4  }
0x53e: {  	v20 =	vadd.s32 v0, v11;
	v0 =	vld [tilespmem:$0x1FD00];
	_ =	sdelay $0x4  }
0x53f: {  	v21 =	vadd.s32 v0, v11;
	v0 =	vld [tilespmem:$0x1FD10];
	_ =	sdelay $0x4  }
0x540: {  	v22 =	vadd.s32 v0, v11;
	v0 =	vld [tilespmem:$0x1FD20];
	_ =	sdelay $0x4  }
0x541: {  	v23 =	vadd.s32 v0, v11;
	v0 =	vld [tilespmem:$0x1FD30];
	_ =	sdelay $0x4  }
0x542: {  	v24 =	vadd.s32 v0, v11;
	v0 =	vld [tilespmem:$0x1FD40];
	_ =	sdelay $0x4  }
0x543: {  	v25 =	vadd.s32 v0, v11;
	v0 =	vld [tilespmem:$0x1FD50];
	_ =	sdelay $0x4  }
0x544: {  	v26 =	vadd.s32 v0, v11;
	v0 =	vld [tilespmem:$0x1FD60];
	_ =	sdelay $0x4  }
0x545: {  	v27 =	vadd.s32 v0, v11;
	v0 =	vld [tilespmem:$0x1FD70];
	_ =	sdelay $0x4  }
0x546: {  	v28 =	vadd.s32 v0, v11;
	v0 =	vld [tilespmem:$0x1FD80];
	_ =	sdelay $0x4  }
0x547: {  	v29 =	vadd.s32 v0, v11;
	v0 =	vld [tilespmem:$0x1FD90];
	_ =	sdelay $0x4  }
0x548: {  	v30 =	vadd.s32 v0, v11;
	v0 =	vld [tilespmem:$0x1FDA0];
	_ =	sdelay $0x4  }
0x549: {  	v31 =	vadd.s32 v0, v11;
	v0 =	vld [tilespmem:$0x1FDB0];
	_ =	sdelay $0x4  }
0x54a: {  	v32 =	vadd.s32 v0, v11;
	v0 =	vld [tilespmem:$0x1FDC0];
	_ =	sdelay $0x4  }
0x54b: {  	v33 =	vadd.s32 v0, v11;
	v0 =	vld [tilespmem:$0x1FDD0];
	_ =	sdelay $0x4  }
0x54c: {  	v34 =	vadd.s32 v0, v11;
	v0 =	vld [tilespmem:$0x1FDE0];
	_ =	sdelay $0x4  }
0x54d: {  	v35 =	vadd.s32 v0, v11;
	v0 =	vld [tilespmem:$0x1FDF0];
	_ =	sdelay $0x4  }
0x54e: {  	v36 =	vadd.s32 v0, v11;
	v0 =	vld [tilespmem:$0x1FE00];
	_ =	sdelay $0x4  }
0x54f: {  	v37 =	vadd.s32 v0, v11;
	v0 =	vld [tilespmem:$0x1FE10];
	_ =	sdelay $0x2  }
0x550: {  	v1, _, _ =	vpop (xrf2)  }
0x551: {  	v5 =	vbroadcast v1, $0xF;
	v1 =	vld [tilespmem:$0x1FF10]  }
0x552: {  	v38 =	vadd.s32 v0, v11;
	v0 =	vld [tilespmem:$0x1FE20];
	_ =	sdelay $0x3  }
0x553: {  	v53 =	vadd.s32 v1, v11;
	v1 =	vld [tilespmem:$0x1FF20]  }
0x554: {  	v39 =	vadd.s32 v0, v11;
	v0 =	vld [tilespmem:$0x1FE30];
	_ =	sdelay $0x3  }
0x555: {  	v54 =	vadd.s32 v1, v11;
	v1 =	vld [tilespmem:$0x1FF30]  }
0x556: {  	v40 =	vadd.s32 v0, v11;
	v0 =	vld [tilespmem:$0x1FE40];
	_ =	sdelay $0x3  }
0x557: {  	v55 =	vadd.s32 v1, v11;
	v1 =	vld [tilespmem:$0x1FF40]  }
0x558: {  	v41 =	vadd.s32 v0, v11;
	v0 =	vld [tilespmem:$0x1FE50];
	_ =	sdelay $0x3  }
0x559: {  	v56 =	vadd.s32 v1, v11;
	v1 =	vld [tilespmem:$0x1FF50]  }
0x55a: {  	v42 =	vadd.s32 v0, v11;
	v0 =	vld [tilespmem:$0x1FE60];
	_ =	sdelay $0x3  }
0x55b: {  	v57 =	vadd.s32 v1, v11;
	v1 =	vld [tilespmem:$0x1FF60]  }
0x55c: {  	v43 =	vadd.s32 v0, v11;
	v0 =	vld [tilespmem:$0x1FE70];
	_ =	sdelay $0x3  }
0x55d: {  	v58 =	vadd.s32 v1, v11;
	v1 =	vld [tilespmem:$0x1FF70]  }
0x55e: {  	v44 =	vadd.s32 v0, v11;
	v0 =	vld [tilespmem:$0x1FE80];
	_ =	sdelay $0x3  }
0x55f: {  	v6 =	vadd.s32 v1, v11;
	v1 =	vld [tilespmem:$0x1FF80]  }
0x560: {  	v45 =	vadd.s32 v0, v11;
	v0 =	vld [tilespmem:$0x1FE90];
	_ =	sdelay $0x3  }
0x561: {  	v7 =	vadd.s32 v1, v11;
	v1 =	vld [tilespmem:$0x1FF90]  }
0x562: {  	v46 =	vadd.s32 v0, v11;
	v0 =	vld [tilespmem:$0x1FEA0];
	_ =	sdelay $0x3  }
0x563: {  	v8 =	vadd.s32 v1, v11;
	v1 =	vld [tilespmem:$0x1FFA0]  }
0x564: {  	v47 =	vadd.s32 v0, v11;
	v0 =	vld [tilespmem:$0x1FEB0];
	_ =	sdelay $0x3  }
0x565: {  	v59 =	vadd.s32 v1, v11;
	v1 =	vld [tilespmem:$0x1FC10]  }
0x566: {  	v48 =	vadd.s32 v0, v11;
	v0 =	vld [tilespmem:$0x1FEC0];
	_ =	sdelay $0x3  }
0x567: {  	v60 =	vadd.s32 v1, v11;
	v1 =	vld [tilespmem:$0x1FC20]  }
0x568: {  	v49 =	vadd.s32 v0, v11;
	v0 =	vld [tilespmem:$0x1FED0];
	_ =	sdelay $0x3  }
0x569: {  	v61 =	vadd.s32 v1, v11;
	v1 =	vld [tilespmem:$0x1FC30]  }
0x56a: {  	v50 =	vadd.s32 v0, v11;
	v0 =	vld [tilespmem:$0x1FEE0];
	_ =	sdelay $0x3  }
0x56b: {  	v62 =	vadd.s32 v1, v11;
	v1 =	vld [tilespmem:$0x1FFB0]  }
0x56c: {  	v51 =	vadd.s32 v0, v11;
	v0 =	vld [tilespmem:$0x1FEF0]  }
0x56d: {  	v10 =	vld [tilespmem:$0x1FFE0]  }
0x56e: {  	v12 =	vld [tilespmem:$0x1FFF0];
	v3, _, _ =	vpop (xrf2)  }
0x56f: {  	v9 =	vbroadcast v3, $0xF;
	v3 =	vld [tilespmem:$0x1FFD0]  }
0x570: {  	v63 =	vadd.s32 v1, v11;
	v1 =	vld [tilespmem:$0x1FFC0]  }
0x571: {  	v52 =	vadd.s32 v0, v11;
	v0 =	vld [tilespmem:$0x1FF00]  }
0x572: {  	s18 =	spop (v2sf)  }
0x573: {  	s19 =	spop (v2sf)  }
0x574: {  	s21 =	smov.u32 s11;
	s20 =	spop (v2sf)  }
0x575: {  	v10 =	vadd.s32 v10, v11;
	v3 =	vadd.s32 v3, v11;
	s18 =	sshll.u32 s18, $0xC;
	s19 =	sshll.u32 s19, $0xC;
	s20 =	sand.u32 $0xFFFFFFF8, s20  }
0x576: {  	s18 =	sadd.s32 s18, s20;
	s19 =	sadd.s32 s19, s20;
	s20 =	simm.s32 $0x0;
	v1 =	vadd.s32 v1, v11;
	v0 =	vadd.s32 v0, v11;
	v11 =	vadd.s32 v12, v11  }
.LBB2_8:
0x577: {  	s22 =	sadd.s32 s20, s18  }
0x578: {  	s22 =	sshrl.u32 s22, $0x3  }
0x579: {  	s22 =	sadd.s32 s5, s22  }
0x57a: {  	[tilespmem:s14], [sflag:$0x1] =	stream.linear.gather [hbm4b:s22+s4], $0x210, $0x38;
	[tilespmem:$0x720] =	vst v63  }
0x57b: {  	s31 =	sadd.s32 s20, s19;
	_ =	swait.ge [sflag:s12], $0x210  }
0x57c: {  	s22 =	sshrl.u32 s31, $0x3;
	[sflag:s12] =	ssyncset.done $0x0  }
0x57d: {  	s22 =	sadd.s32 s5, s22;
	[sflag:s12] =	ssyncadd.s32 $0xFFFFFDF0  }
0x57e: {  	[tilespmem:s15], [sflag:$0x1] =	stream.linear.gather [hbm4b:s22+s4], $0x210, $0x38;
	[tilespmem:$0x720] =	vst v63  }
0x57f: {  	_ =	swait.ge [sflag:s12], $0x210  }
0x580: {  	v13 =	vld [tilespmem:$0x1F990];
	_ =	sdelay $0x2  }
0x581: {  	v15 =	vld [tilespmem:$0x1F9A0];
	_ =	sdelay $0x2  }
0x582: {  	[sflag:s12] =	ssyncset.done $0x0  }
0x583: {  	[sflag:s12] =	ssyncadd.s32 $0xFFFFFDF0  }
0x584: {  	v12 =	vld.idx.msk [tilespmem:v13+s14+$0x0], $0xffff  }
0x585: {  	v13 =	vld.idx.msk [tilespmem:v13+s15+$0x0], $0xffff;
	_ =	sdelay $0x1  }
0x586: {  	v14 =	vld.idx.msk [tilespmem:v15+s14+$0x0], $0xffff;
	_ =	sdelay $0x1  }
0x587: {  	v15 =	vld.idx.msk [tilespmem:v15+s15+$0x0], $0xffff  }
0x588: {  	v12 =	vmul.f32 v12, v2;
	v13 =	vmul.f32 v13, v4;
	_ =	sdelay $0x1  }
0x589: {  	v12 =	vadd.f32 v13, v12;
	v13 =	vmul.f32 v14, v5;
	_ =	sdelay $0x1  }
0x58a: {  	v12 =	vadd.f32 v13, v12;
	v13 =	vmul.f32 v15, v9;
	_ =	sdelay $0x1  }
0x58b: {  	v12 =	vadd.f32 v13, v12;
	v13 =	vld [tilespmem:$0x1F9B0];
	_ =	sdelay $0x2  }
0x58c: {  	v15 =	vld [tilespmem:$0x1F9C0];
	_ =	sdelay $0x3  }
0x58d: {  	[tilespmem:$0x520] =	vst v12  }
0x58e: {  	v12 =	vld.idx.msk [tilespmem:v13+s14+$0x0], $0xffff  }
0x58f: {  	v13 =	vld.idx.msk [tilespmem:v13+s15+$0x0], $0xffff;
	_ =	sdelay $0x1  }
0x590: {  	v14 =	vld.idx.msk [tilespmem:v15+s14+$0x0], $0xffff;
	_ =	sdelay $0x1  }
0x591: {  	v15 =	vld.idx.msk [tilespmem:v15+s15+$0x0], $0xffff  }
0x592: {  	v12 =	vmul.f32 v12, v2;
	v13 =	vmul.f32 v13, v4;
	_ =	sdelay $0x1  }
0x593: {  	v12 =	vadd.f32 v13, v12;
	v13 =	vmul.f32 v14, v5;
	_ =	sdelay $0x1  }
0x594: {  	v12 =	vadd.f32 v13, v12;
	v13 =	vmul.f32 v15, v9;
	_ =	sdelay $0x1  }
0x595: {  	v12 =	vadd.f32 v13, v12;
	v13 =	vld [tilespmem:$0x1F9D0];
	_ =	sdelay $0x2  }
0x596: {  	v15 =	vld [tilespmem:$0x1F9E0];
	_ =	sdelay $0x3  }
0x597: {  	[tilespmem:$0x530] =	vst v12  }
0x598: {  	v12 =	vld.idx.msk [tilespmem:v13+s14+$0x0], $0xffff  }
0x599: {  	v13 =	vld.idx.msk [tilespmem:v13+s15+$0x0], $0xffff;
	_ =	sdelay $0x1  }
0x59a: {  	v14 =	vld.idx.msk [tilespmem:v15+s14+$0x0], $0xffff;
	_ =	sdelay $0x1  }
0x59b: {  	v15 =	vld.idx.msk [tilespmem:v15+s15+$0x0], $0xffff  }
0x59c: {  	v12 =	vmul.f32 v12, v2;
	v13 =	vmul.f32 v13, v4;
	_ =	sdelay $0x1  }
0x59d: {  	v12 =	vadd.f32 v13, v12;
	v13 =	vmul.f32 v14, v5;
	_ =	sdelay $0x1  }
0x59e: {  	v12 =	vadd.f32 v13, v12;
	v13 =	vmul.f32 v15, v9;
	_ =	sdelay $0x1  }
0x59f: {  	v12 =	vadd.f32 v13, v12;
	v13 =	vld [tilespmem:$0x1F9F0];
	_ =	sdelay $0x2  }
0x5a0: {  	v15 =	vld [tilespmem:$0x1FA00];
	_ =	sdelay $0x3  }
0x5a1: {  	[tilespmem:$0x540] =	vst v12  }
0x5a2: {  	v12 =	vld.idx.msk [tilespmem:v13+s14+$0x0], $0xffff  }
0x5a3: {  	v13 =	vld.idx.msk [tilespmem:v13+s15+$0x0], $0xffff;
	_ =	sdelay $0x1  }
0x5a4: {  	v14 =	vld.idx.msk [tilespmem:v15+s14+$0x0], $0xffff;
	_ =	sdelay $0x1  }
0x5a5: {  	v15 =	vld.idx.msk [tilespmem:v15+s15+$0x0], $0xffff  }
0x5a6: {  	v12 =	vmul.f32 v12, v2;
	v13 =	vmul.f32 v13, v4;
	_ =	sdelay $0x1  }
0x5a7: {  	v12 =	vadd.f32 v13, v12;
	v13 =	vmul.f32 v14, v5;
	_ =	sdelay $0x1  }
0x5a8: {  	v12 =	vadd.f32 v13, v12;
	v13 =	vmul.f32 v15, v9;
	_ =	sdelay $0x1  }
0x5a9: {  	v12 =	vadd.f32 v13, v12;
	_ =	sdelay $0x1  }
0x5aa: {  	[tilespmem:$0x550] =	vst v12  }
0x5ab: {  	v12 =	vld.idx.msk [tilespmem:v16+s14+$0x0], $0xffff  }
0x5ac: {  	v13 =	vld.idx.msk [tilespmem:v16+s15+$0x0], $0xffff;
	_ =	sdelay $0x1  }
0x5ad: {  	v14 =	vld.idx.msk [tilespmem:v17+s14+$0x0], $0xffff;
	_ =	sdelay $0x1  }
0x5ae: {  	v15 =	vld.idx.msk [tilespmem:v17+s15+$0x0], $0xffff  }
0x5af: {  	v12 =	vmul.f32 v12, v2;
	v13 =	vmul.f32 v13, v4;
	_ =	sdelay $0x1  }
0x5b0: {  	v12 =	vadd.f32 v13, v12;
	v13 =	vmul.f32 v14, v5;
	_ =	sdelay $0x1  }
0x5b1: {  	v12 =	vadd.f32 v13, v12;
	v13 =	vmul.f32 v15, v9;
	_ =	sdelay $0x1  }
0x5b2: {  	v12 =	vadd.f32 v13, v12;
	_ =	sdelay $0x1  }
0x5b3: {  	[tilespmem:$0x560] =	vst v12  }
0x5b4: {  	v12 =	vld.idx.msk [tilespmem:v18+s14+$0x0], $0xffff  }
0x5b5: {  	v13 =	vld.idx.msk [tilespmem:v18+s15+$0x0], $0xffff;
	_ =	sdelay $0x1  }
0x5b6: {  	v14 =	vld.idx.msk [tilespmem:v19+s14+$0x0], $0xffff;
	_ =	sdelay $0x1  }
0x5b7: {  	v15 =	vld.idx.msk [tilespmem:v19+s15+$0x0], $0xffff  }
0x5b8: {  	v12 =	vmul.f32 v12, v2;
	v13 =	vmul.f32 v13, v4;
	_ =	sdelay $0x1  }
0x5b9: {  	v12 =	vadd.f32 v13, v12;
	v13 =	vmul.f32 v14, v5;
	_ =	sdelay $0x1  }
0x5ba: {  	v12 =	vadd.f32 v13, v12;
	v13 =	vmul.f32 v15, v9;
	_ =	sdelay $0x1  }
0x5bb: {  	v12 =	vadd.f32 v13, v12;
	_ =	sdelay $0x1  }
0x5bc: {  	[tilespmem:$0x570] =	vst v12  }
0x5bd: {  	v12 =	vld.idx.msk [tilespmem:v20+s14+$0x0], $0xffff  }
0x5be: {  	v13 =	vld.idx.msk [tilespmem:v20+s15+$0x0], $0xffff;
	_ =	sdelay $0x1  }
0x5bf: {  	v14 =	vld.idx.msk [tilespmem:v21+s14+$0x0], $0xffff;
	_ =	sdelay $0x1  }
0x5c0: {  	v15 =	vld.idx.msk [tilespmem:v21+s15+$0x0], $0xffff  }
0x5c1: {  	v12 =	vmul.f32 v12, v2;
	v13 =	vmul.f32 v13, v4;
	_ =	sdelay $0x1  }
0x5c2: {  	v12 =	vadd.f32 v13, v12;
	v13 =	vmul.f32 v14, v5;
	_ =	sdelay $0x1  }
0x5c3: {  	v12 =	vadd.f32 v13, v12;
	v13 =	vmul.f32 v15, v9;
	_ =	sdelay $0x1  }
0x5c4: {  	v12 =	vadd.f32 v13, v12;
	_ =	sdelay $0x1  }
0x5c5: {  	[tilespmem:$0x580] =	vst v12  }
0x5c6: {  	v12 =	vld.idx.msk [tilespmem:v22+s14+$0x0], $0xffff  }
0x5c7: {  	v13 =	vld.idx.msk [tilespmem:v22+s15+$0x0], $0xffff;
	_ =	sdelay $0x1  }
0x5c8: {  	v14 =	vld.idx.msk [tilespmem:v23+s14+$0x0], $0xffff;
	_ =	sdelay $0x1  }
0x5c9: {  	v15 =	vld.idx.msk [tilespmem:v23+s15+$0x0], $0xffff  }
0x5ca: {  	v12 =	vmul.f32 v12, v2;
	v13 =	vmul.f32 v13, v4;
	_ =	sdelay $0x1  }
0x5cb: {  	v12 =	vadd.f32 v13, v12;
	v13 =	vmul.f32 v14, v5;
	_ =	sdelay $0x1  }
0x5cc: {  	v12 =	vadd.f32 v13, v12;
	v13 =	vmul.f32 v15, v9;
	_ =	sdelay $0x1  }
0x5cd: {  	v12 =	vadd.f32 v13, v12;
	_ =	sdelay $0x1  }
0x5ce: {  	[tilespmem:$0x590] =	vst v12  }
0x5cf: {  	v12 =	vld.idx.msk [tilespmem:v24+s14+$0x0], $0xffff  }
0x5d0: {  	v13 =	vld.idx.msk [tilespmem:v24+s15+$0x0], $0xffff;
	_ =	sdelay $0x1  }
0x5d1: {  	v14 =	vld.idx.msk [tilespmem:v25+s14+$0x0], $0xffff;
	_ =	sdelay $0x1  }
0x5d2: {  	v15 =	vld.idx.msk [tilespmem:v25+s15+$0x0], $0xffff  }
0x5d3: {  	v12 =	vmul.f32 v12, v2;
	v13 =	vmul.f32 v13, v4;
	_ =	sdelay $0x1  }
0x5d4: {  	v12 =	vadd.f32 v13, v12;
	v13 =	vmul.f32 v14, v5;
	_ =	sdelay $0x1  }
0x5d5: {  	v12 =	vadd.f32 v13, v12;
	v13 =	vmul.f32 v15, v9;
	_ =	sdelay $0x1  }
0x5d6: {  	v12 =	vadd.f32 v13, v12;
	_ =	sdelay $0x1  }
0x5d7: {  	[tilespmem:$0x5A0] =	vst v12  }
0x5d8: {  	v12 =	vld.idx.msk [tilespmem:v26+s14+$0x0], $0xffff  }
0x5d9: {  	v13 =	vld.idx.msk [tilespmem:v26+s15+$0x0], $0xffff;
	_ =	sdelay $0x1  }
0x5da: {  	v14 =	vld.idx.msk [tilespmem:v27+s14+$0x0], $0xffff;
	_ =	sdelay $0x1  }
0x5db: {  	v15 =	vld.idx.msk [tilespmem:v27+s15+$0x0], $0xffff  }
0x5dc: {  	v12 =	vmul.f32 v12, v2;
	v13 =	vmul.f32 v13, v4;
	_ =	sdelay $0x1  }
0x5dd: {  	v12 =	vadd.f32 v13, v12;
	v13 =	vmul.f32 v14, v5;
	_ =	sdelay $0x1  }
0x5de: {  	v12 =	vadd.f32 v13, v12;
	v13 =	vmul.f32 v15, v9;
	_ =	sdelay $0x1  }
0x5df: {  	v12 =	vadd.f32 v13, v12;
	_ =	sdelay $0x1  }
0x5e0: {  	[tilespmem:$0x5B0] =	vst v12  }
0x5e1: {  	v12 =	vld.idx.msk [tilespmem:v28+s14+$0x0], $0xffff  }
0x5e2: {  	v13 =	vld.idx.msk [tilespmem:v28+s15+$0x0], $0xffff;
	_ =	sdelay $0x1  }
0x5e3: {  	v14 =	vld.idx.msk [tilespmem:v29+s14+$0x0], $0xffff;
	_ =	sdelay $0x1  }
0x5e4: {  	v15 =	vld.idx.msk [tilespmem:v29+s15+$0x0], $0xffff  }
0x5e5: {  	v12 =	vmul.f32 v12, v2;
	v13 =	vmul.f32 v13, v4;
	_ =	sdelay $0x1  }
0x5e6: {  	v12 =	vadd.f32 v13, v12;
	v13 =	vmul.f32 v14, v5;
	_ =	sdelay $0x1  }
0x5e7: {  	v12 =	vadd.f32 v13, v12;
	v13 =	vmul.f32 v15, v9;
	_ =	sdelay $0x1  }
0x5e8: {  	v12 =	vadd.f32 v13, v12;
	_ =	sdelay $0x1  }
0x5e9: {  	[tilespmem:$0x5C0] =	vst v12  }
0x5ea: {  	v12 =	vld.idx.msk [tilespmem:v30+s14+$0x0], $0xffff  }
0x5eb: {  	v13 =	vld.idx.msk [tilespmem:v30+s15+$0x0], $0xffff;
	_ =	sdelay $0x1  }
0x5ec: {  	v14 =	vld.idx.msk [tilespmem:v31+s14+$0x0], $0xffff;
	_ =	sdelay $0x1  }
0x5ed: {  	v15 =	vld.idx.msk [tilespmem:v31+s15+$0x0], $0xffff  }
0x5ee: {  	v12 =	vmul.f32 v12, v2;
	v13 =	vmul.f32 v13, v4;
	_ =	sdelay $0x1  }
0x5ef: {  	v12 =	vadd.f32 v13, v12;
	v13 =	vmul.f32 v14, v5;
	_ =	sdelay $0x1  }
0x5f0: {  	v12 =	vadd.f32 v13, v12;
	v13 =	vmul.f32 v15, v9;
	_ =	sdelay $0x1  }
0x5f1: {  	v12 =	vadd.f32 v13, v12;
	_ =	sdelay $0x1  }
0x5f2: {  	[tilespmem:$0x5D0] =	vst v12  }
0x5f3: {  	v12 =	vld.idx.msk [tilespmem:v32+s14+$0x0], $0xffff  }
0x5f4: {  	v13 =	vld.idx.msk [tilespmem:v32+s15+$0x0], $0xffff;
	_ =	sdelay $0x1  }
0x5f5: {  	v14 =	vld.idx.msk [tilespmem:v33+s14+$0x0], $0xffff;
	_ =	sdelay $0x1  }
0x5f6: {  	v15 =	vld.idx.msk [tilespmem:v33+s15+$0x0], $0xffff  }
0x5f7: {  	v12 =	vmul.f32 v12, v2;
	v13 =	vmul.f32 v13, v4;
	_ =	sdelay $0x1  }
0x5f8: {  	v12 =	vadd.f32 v13, v12;
	v13 =	vmul.f32 v14, v5;
	_ =	sdelay $0x1  }
0x5f9: {  	v12 =	vadd.f32 v13, v12;
	v13 =	vmul.f32 v15, v9;
	_ =	sdelay $0x1  }
0x5fa: {  	v12 =	vadd.f32 v13, v12;
	_ =	sdelay $0x1  }
0x5fb: {  	[tilespmem:$0x5E0] =	vst v12  }
0x5fc: {  	v12 =	vld.idx.msk [tilespmem:v34+s14+$0x0], $0xffff  }
0x5fd: {  	v13 =	vld.idx.msk [tilespmem:v34+s15+$0x0], $0xffff;
	_ =	sdelay $0x1  }
0x5fe: {  	v14 =	vld.idx.msk [tilespmem:v35+s14+$0x0], $0xffff;
	_ =	sdelay $0x1  }
0x5ff: {  	v15 =	vld.idx.msk [tilespmem:v35+s15+$0x0], $0xffff  }
0x600: {  	v12 =	vmul.f32 v12, v2;
	v13 =	vmul.f32 v13, v4;
	_ =	sdelay $0x1  }
0x601: {  	v12 =	vadd.f32 v13, v12;
	v13 =	vmul.f32 v14, v5;
	_ =	sdelay $0x1  }
0x602: {  	v12 =	vadd.f32 v13, v12;
	v13 =	vmul.f32 v15, v9;
	_ =	sdelay $0x1  }
0x603: {  	v12 =	vadd.f32 v13, v12;
	_ =	sdelay $0x1  }
0x604: {  	[tilespmem:$0x5F0] =	vst v12  }
0x605: {  	v12 =	vld.idx.msk [tilespmem:v36+s14+$0x0], $0xffff  }
0x606: {  	v13 =	vld.idx.msk [tilespmem:v36+s15+$0x0], $0xffff;
	_ =	sdelay $0x1  }
0x607: {  	v14 =	vld.idx.msk [tilespmem:v37+s14+$0x0], $0xffff;
	_ =	sdelay $0x1  }
0x608: {  	v15 =	vld.idx.msk [tilespmem:v37+s15+$0x0], $0xffff  }
0x609: {  	v12 =	vmul.f32 v12, v2;
	v13 =	vmul.f32 v13, v4;
	_ =	sdelay $0x1  }
0x60a: {  	v12 =	vadd.f32 v13, v12;
	v13 =	vmul.f32 v14, v5;
	_ =	sdelay $0x1  }
0x60b: {  	v12 =	vadd.f32 v13, v12;
	v13 =	vmul.f32 v15, v9;
	_ =	sdelay $0x1  }
0x60c: {  	v12 =	vadd.f32 v13, v12;
	_ =	sdelay $0x1  }
0x60d: {  	[tilespmem:$0x600] =	vst v12  }
0x60e: {  	v12 =	vld.idx.msk [tilespmem:v38+s14+$0x0], $0xffff  }
0x60f: {  	v13 =	vld.idx.msk [tilespmem:v38+s15+$0x0], $0xffff;
	_ =	sdelay $0x1  }
0x610: {  	v14 =	vld.idx.msk [tilespmem:v39+s14+$0x0], $0xffff;
	_ =	sdelay $0x1  }
0x611: {  	v15 =	vld.idx.msk [tilespmem:v39+s15+$0x0], $0xffff  }
0x612: {  	v12 =	vmul.f32 v12, v2;
	v13 =	vmul.f32 v13, v4;
	_ =	sdelay $0x1  }
0x613: {  	v12 =	vadd.f32 v13, v12;
	v13 =	vmul.f32 v14, v5;
	_ =	sdelay $0x1  }
0x614: {  	v12 =	vadd.f32 v13, v12;
	v13 =	vmul.f32 v15, v9;
	_ =	sdelay $0x1  }
0x615: {  	v12 =	vadd.f32 v13, v12;
	_ =	sdelay $0x1  }
0x616: {  	[tilespmem:$0x610] =	vst v12  }
0x617: {  	v12 =	vld.idx.msk [tilespmem:v40+s14+$0x0], $0xffff  }
0x618: {  	v13 =	vld.idx.msk [tilespmem:v40+s15+$0x0], $0xffff;
	_ =	sdelay $0x1  }
0x619: {  	v14 =	vld.idx.msk [tilespmem:v41+s14+$0x0], $0xffff;
	_ =	sdelay $0x1  }
0x61a: {  	v15 =	vld.idx.msk [tilespmem:v41+s15+$0x0], $0xffff  }
0x61b: {  	v12 =	vmul.f32 v12, v2;
	v13 =	vmul.f32 v13, v4;
	_ =	sdelay $0x1  }
0x61c: {  	v12 =	vadd.f32 v13, v12;
	v13 =	vmul.f32 v14, v5;
	_ =	sdelay $0x1  }
0x61d: {  	v12 =	vadd.f32 v13, v12;
	v13 =	vmul.f32 v15, v9;
	_ =	sdelay $0x1  }
0x61e: {  	v12 =	vadd.f32 v13, v12;
	_ =	sdelay $0x1  }
0x61f: {  	[tilespmem:$0x620] =	vst v12  }
0x620: {  	v12 =	vld.idx.msk [tilespmem:v42+s14+$0x0], $0xffff  }
0x621: {  	v13 =	vld.idx.msk [tilespmem:v42+s15+$0x0], $0xffff;
	_ =	sdelay $0x1  }
0x622: {  	v14 =	vld.idx.msk [tilespmem:v43+s14+$0x0], $0xffff;
	_ =	sdelay $0x1  }
0x623: {  	v15 =	vld.idx.msk [tilespmem:v43+s15+$0x0], $0xffff  }
0x624: {  	v12 =	vmul.f32 v12, v2;
	v13 =	vmul.f32 v13, v4;
	_ =	sdelay $0x1  }
0x625: {  	v12 =	vadd.f32 v13, v12;
	v13 =	vmul.f32 v14, v5;
	_ =	sdelay $0x1  }
0x626: {  	v12 =	vadd.f32 v13, v12;
	v13 =	vmul.f32 v15, v9;
	_ =	sdelay $0x1  }
0x627: {  	v12 =	vadd.f32 v13, v12;
	_ =	sdelay $0x1  }
0x628: {  	[tilespmem:$0x630] =	vst v12  }
0x629: {  	v12 =	vld.idx.msk [tilespmem:v44+s14+$0x0], $0xffff  }
0x62a: {  	v13 =	vld.idx.msk [tilespmem:v44+s15+$0x0], $0xffff;
	_ =	sdelay $0x1  }
0x62b: {  	v14 =	vld.idx.msk [tilespmem:v45+s14+$0x0], $0xffff;
	_ =	sdelay $0x1  }
0x62c: {  	v15 =	vld.idx.msk [tilespmem:v45+s15+$0x0], $0xffff  }
0x62d: {  	v12 =	vmul.f32 v12, v2;
	v13 =	vmul.f32 v13, v4;
	_ =	sdelay $0x1  }
0x62e: {  	v12 =	vadd.f32 v13, v12;
	v13 =	vmul.f32 v14, v5;
	_ =	sdelay $0x1  }
0x62f: {  	v12 =	vadd.f32 v13, v12;
	v13 =	vmul.f32 v15, v9;
	_ =	sdelay $0x1  }
0x630: {  	v12 =	vadd.f32 v13, v12;
	_ =	sdelay $0x1  }
0x631: {  	[tilespmem:$0x640] =	vst v12  }
0x632: {  	v12 =	vld.idx.msk [tilespmem:v46+s14+$0x0], $0xffff  }
0x633: {  	v13 =	vld.idx.msk [tilespmem:v46+s15+$0x0], $0xffff;
	_ =	sdelay $0x1  }
0x634: {  	v14 =	vld.idx.msk [tilespmem:v47+s14+$0x0], $0xffff;
	_ =	sdelay $0x1  }
0x635: {  	v15 =	vld.idx.msk [tilespmem:v47+s15+$0x0], $0xffff  }
0x636: {  	v12 =	vmul.f32 v12, v2;
	v13 =	vmul.f32 v13, v4;
	_ =	sdelay $0x1  }
0x637: {  	v12 =	vadd.f32 v13, v12;
	v13 =	vmul.f32 v14, v5;
	_ =	sdelay $0x1  }
0x638: {  	v12 =	vadd.f32 v13, v12;
	v13 =	vmul.f32 v15, v9;
	_ =	sdelay $0x1  }
0x639: {  	v12 =	vadd.f32 v13, v12;
	_ =	sdelay $0x1  }
0x63a: {  	[tilespmem:$0x650] =	vst v12  }
0x63b: {  	v12 =	vld.idx.msk [tilespmem:v48+s14+$0x0], $0xffff  }
0x63c: {  	v13 =	vld.idx.msk [tilespmem:v48+s15+$0x0], $0xffff;
	_ =	sdelay $0x1  }
0x63d: {  	v14 =	vld.idx.msk [tilespmem:v49+s14+$0x0], $0xffff;
	_ =	sdelay $0x1  }
0x63e: {  	v15 =	vld.idx.msk [tilespmem:v49+s15+$0x0], $0xffff  }
0x63f: {  	v12 =	vmul.f32 v12, v2;
	v13 =	vmul.f32 v13, v4;
	_ =	sdelay $0x1  }
0x640: {  	v12 =	vadd.f32 v13, v12;
	v13 =	vmul.f32 v14, v5;
	_ =	sdelay $0x1  }
0x641: {  	v12 =	vadd.f32 v13, v12;
	v13 =	vmul.f32 v15, v9;
	_ =	sdelay $0x1  }
0x642: {  	v12 =	vadd.f32 v13, v12;
	_ =	sdelay $0x1  }
0x643: {  	[tilespmem:$0x660] =	vst v12  }
0x644: {  	v12 =	vld.idx.msk [tilespmem:v50+s14+$0x0], $0xffff  }
0x645: {  	v13 =	vld.idx.msk [tilespmem:v50+s15+$0x0], $0xffff;
	_ =	sdelay $0x1  }
0x646: {  	v14 =	vld.idx.msk [tilespmem:v51+s14+$0x0], $0xffff;
	_ =	sdelay $0x1  }
0x647: {  	v15 =	vld.idx.msk [tilespmem:v51+s15+$0x0], $0xffff  }
0x648: {  	v12 =	vmul.f32 v12, v2;
	v13 =	vmul.f32 v13, v4;
	_ =	sdelay $0x1  }
0x649: {  	v12 =	vadd.f32 v13, v12;
	v13 =	vmul.f32 v14, v5;
	_ =	sdelay $0x1  }
0x64a: {  	v12 =	vadd.f32 v13, v12;
	v13 =	vmul.f32 v15, v9;
	_ =	sdelay $0x1  }
0x64b: {  	v12 =	vadd.f32 v13, v12;
	_ =	sdelay $0x1  }
0x64c: {  	[tilespmem:$0x670] =	vst v12  }
0x64d: {  	v12 =	vld.idx.msk [tilespmem:v52+s14+$0x0], $0xffff  }
0x64e: {  	v13 =	vld.idx.msk [tilespmem:v52+s15+$0x0], $0xffff;
	_ =	sdelay $0x1  }
0x64f: {  	v14 =	vld.idx.msk [tilespmem:v0+s14+$0x0], $0xffff;
	_ =	sdelay $0x1  }
0x650: {  	v15 =	vld.idx.msk [tilespmem:v0+s15+$0x0], $0xffff  }
0x651: {  	v12 =	vmul.f32 v12, v2;
	v13 =	vmul.f32 v13, v4;
	_ =	sdelay $0x1  }
0x652: {  	v12 =	vadd.f32 v13, v12;
	v13 =	vmul.f32 v14, v5;
	_ =	sdelay $0x1  }
0x653: {  	v12 =	vadd.f32 v13, v12;
	v13 =	vmul.f32 v15, v9;
	_ =	sdelay $0x1  }
0x654: {  	v12 =	vadd.f32 v13, v12;
	_ =	sdelay $0x1  }
0x655: {  	[tilespmem:$0x680] =	vst v12  }
0x656: {  	v12 =	vld.idx.msk [tilespmem:v53+s14+$0x0], $0xffff  }
0x657: {  	v13 =	vld.idx.msk [tilespmem:v53+s15+$0x0], $0xffff;
	_ =	sdelay $0x1  }
0x658: {  	v14 =	vld.idx.msk [tilespmem:v54+s14+$0x0], $0xffff;
	_ =	sdelay $0x1  }
0x659: {  	v15 =	vld.idx.msk [tilespmem:v54+s15+$0x0], $0xffff  }
0x65a: {  	v12 =	vmul.f32 v12, v2;
	v13 =	vmul.f32 v13, v4;
	_ =	sdelay $0x1  }
0x65b: {  	v12 =	vadd.f32 v13, v12;
	v13 =	vmul.f32 v14, v5;
	_ =	sdelay $0x1  }
0x65c: {  	v12 =	vadd.f32 v13, v12;
	v13 =	vmul.f32 v15, v9;
	_ =	sdelay $0x1  }
0x65d: {  	v12 =	vadd.f32 v13, v12;
	_ =	sdelay $0x1  }
0x65e: {  	[tilespmem:$0x690] =	vst v12  }
0x65f: {  	v12 =	vld.idx.msk [tilespmem:v55+s14+$0x0], $0xffff  }
0x660: {  	v13 =	vld.idx.msk [tilespmem:v55+s15+$0x0], $0xffff;
	_ =	sdelay $0x1  }
0x661: {  	v14 =	vld.idx.msk [tilespmem:v56+s14+$0x0], $0xffff;
	_ =	sdelay $0x1  }
0x662: {  	v15 =	vld.idx.msk [tilespmem:v56+s15+$0x0], $0xffff  }
0x663: {  	v12 =	vmul.f32 v12, v2;
	v13 =	vmul.f32 v13, v4;
	_ =	sdelay $0x1  }
0x664: {  	v12 =	vadd.f32 v13, v12;
	v13 =	vmul.f32 v14, v5;
	_ =	sdelay $0x1  }
0x665: {  	v12 =	vadd.f32 v13, v12;
	v13 =	vmul.f32 v15, v9;
	_ =	sdelay $0x1  }
0x666: {  	v12 =	vadd.f32 v13, v12;
	_ =	sdelay $0x1  }
0x667: {  	[tilespmem:$0x6A0] =	vst v12  }
0x668: {  	v12 =	vld.idx.msk [tilespmem:v57+s14+$0x0], $0xffff  }
0x669: {  	v13 =	vld.idx.msk [tilespmem:v57+s15+$0x0], $0xffff;
	_ =	sdelay $0x1  }
0x66a: {  	v14 =	vld.idx.msk [tilespmem:v58+s14+$0x0], $0xffff;
	_ =	sdelay $0x1  }
0x66b: {  	v15 =	vld.idx.msk [tilespmem:v58+s15+$0x0], $0xffff  }
0x66c: {  	v12 =	vmul.f32 v12, v2;
	v13 =	vmul.f32 v13, v4;
	_ =	sdelay $0x1  }
0x66d: {  	v12 =	vadd.f32 v13, v12;
	v13 =	vmul.f32 v14, v5;
	_ =	sdelay $0x1  }
0x66e: {  	v12 =	vadd.f32 v13, v12;
	v13 =	vmul.f32 v15, v9;
	_ =	sdelay $0x1  }
0x66f: {  	v12 =	vadd.f32 v13, v12;
	_ =	sdelay $0x1  }
0x670: {  	[tilespmem:$0x6B0] =	vst v12  }
0x671: {  	v12 =	vld.idx.msk [tilespmem:v6+s14+$0x0], $0xffff  }
0x672: {  	v13 =	vld.idx.msk [tilespmem:v6+s15+$0x0], $0xffff;
	_ =	sdelay $0x1  }
0x673: {  	v14 =	vld.idx.msk [tilespmem:v7+s14+$0x0], $0xffff;
	_ =	sdelay $0x1  }
0x674: {  	v15 =	vld.idx.msk [tilespmem:v7+s15+$0x0], $0xffff  }
0x675: {  	v12 =	vmul.f32 v12, v2;
	v13 =	vmul.f32 v13, v4;
	_ =	sdelay $0x1  }
0x676: {  	v12 =	vadd.f32 v13, v12;
	v13 =	vmul.f32 v14, v5;
	_ =	sdelay $0x1  }
0x677: {  	v12 =	vadd.f32 v13, v12;
	v13 =	vmul.f32 v15, v9;
	_ =	sdelay $0x1  }
0x678: {  	v12 =	vadd.f32 v13, v12;
	_ =	sdelay $0x1  }
0x679: {  	[tilespmem:$0x6C0] =	vst v12  }
0x67a: {  	v12 =	vld.idx.msk [tilespmem:v8+s14+$0x0], $0xffff  }
0x67b: {  	v13 =	vld.idx.msk [tilespmem:v8+s15+$0x0], $0xffff;
	_ =	sdelay $0x1  }
0x67c: {  	v14 =	vld.idx.msk [tilespmem:v59+s14+$0x0], $0xffff;
	_ =	sdelay $0x1  }
0x67d: {  	v15 =	vld.idx.msk [tilespmem:v59+s15+$0x0], $0xffff  }
0x67e: {  	v12 =	vmul.f32 v12, v2;
	v13 =	vmul.f32 v13, v4;
	_ =	sdelay $0x1  }
0x67f: {  	v12 =	vadd.f32 v13, v12;
	v13 =	vmul.f32 v14, v5;
	_ =	sdelay $0x1  }
0x680: {  	v12 =	vadd.f32 v13, v12;
	v13 =	vmul.f32 v15, v9;
	_ =	sdelay $0x1  }
0x681: {  	v12 =	vadd.f32 v13, v12;
	_ =	sdelay $0x1  }
0x682: {  	[tilespmem:$0x6D0] =	vst v12  }
0x683: {  	v12 =	vld.idx.msk [tilespmem:v63+s14+$0x0], $0xffff  }
0x684: {  	v13 =	vld.idx.msk [tilespmem:v63+s15+$0x0], $0xffff;
	_ =	sdelay $0x1  }
0x685: {  	v14 =	vld.idx.msk [tilespmem:v1+s14+$0x0], $0xffff;
	_ =	sdelay $0x1  }
0x686: {  	v15 =	vld.idx.msk [tilespmem:v1+s15+$0x0], $0xffff  }
0x687: {  	v12 =	vmul.f32 v12, v2;
	v13 =	vmul.f32 v13, v4;
	_ =	sdelay $0x1  }
0x688: {  	v12 =	vadd.f32 v13, v12;
	v13 =	vmul.f32 v14, v5;
	_ =	sdelay $0x1  }
0x689: {  	v12 =	vadd.f32 v13, v12;
	v13 =	vmul.f32 v15, v9;
	_ =	sdelay $0x1  }
0x68a: {  	v12 =	vadd.f32 v13, v12;
	_ =	sdelay $0x1  }
0x68b: {  	[tilespmem:$0x6E0] =	vst v12  }
0x68c: {  	v12 =	vld.idx.msk [tilespmem:v3+s14+$0x0], $0xffff  }
0x68d: {  	v13 =	vld.idx.msk [tilespmem:v3+s15+$0x0], $0xffff;
	_ =	sdelay $0x1  }
0x68e: {  	v14 =	vld.idx.msk [tilespmem:v10+s14+$0x0], $0xffff;
	_ =	sdelay $0x1  }
0x68f: {  	v15 =	vld.idx.msk [tilespmem:v10+s15+$0x0], $0xffff  }
0x690: {  	v12 =	vmul.f32 v12, v2;
	v13 =	vmul.f32 v13, v4;
	_ =	sdelay $0x1  }
0x691: {  	v12 =	vadd.f32 v13, v12;
	v13 =	vmul.f32 v14, v5;
	_ =	sdelay $0x1  }
0x692: {  	v12 =	vadd.f32 v13, v12;
	v13 =	vmul.f32 v15, v9;
	_ =	sdelay $0x1  }
0x693: {  	v12 =	vadd.f32 v13, v12;
	_ =	sdelay $0x1  }
0x694: {  	[tilespmem:$0x6F0] =	vst v12  }
0x695: {  	v12 =	vld.idx.msk [tilespmem:v11+s14+$0x0], $0xffff  }
0x696: {  	v13 =	vld.idx.msk [tilespmem:v11+s15+$0x0], $0xffff;
	_ =	sdelay $0x1  }
0x697: {  	v14 =	vld.idx.msk [tilespmem:v60+s14+$0x0], $0xffff;
	_ =	sdelay $0x1  }
0x698: {  	v15 =	vld.idx.msk [tilespmem:v60+s15+$0x0], $0xffff  }
0x699: {  	v12 =	vmul.f32 v12, v2;
	v13 =	vmul.f32 v13, v4;
	_ =	sdelay $0x1  }
0x69a: {  	v12 =	vadd.f32 v13, v12;
	v13 =	vmul.f32 v14, v5;
	_ =	sdelay $0x1  }
0x69b: {  	v12 =	vadd.f32 v13, v12;
	v13 =	vmul.f32 v15, v9;
	_ =	sdelay $0x1  }
0x69c: {  	v12 =	vadd.f32 v13, v12;
	_ =	sdelay $0x1  }
0x69d: {  	[tilespmem:$0x700] =	vst v12  }
0x69e: {  	v12 =	vld.idx.msk [tilespmem:v61+s14+$0x0], $0xffff  }
0x69f: {  	v13 =	vld.idx.msk [tilespmem:v61+s15+$0x0], $0xffff;
	_ =	sdelay $0x1  }
0x6a0: {  	v14 =	vld.idx.msk [tilespmem:v62+s14+$0x0], $0xffff;
	_ =	sdelay $0x1  }
0x6a1: {  	v15 =	vld.idx.msk [tilespmem:v62+s15+$0x0], $0xffff  }
0x6a2: {  	v12 =	vmul.f32 v12, v2;
	v13 =	vmul.f32 v13, v4;
	_ =	sdelay $0x1  }
0x6a3: {  	v12 =	vadd.f32 v13, v12;
	v13 =	vmul.f32 v14, v5;
	_ =	sdelay $0x1  }
0x6a4: {  	v12 =	vadd.f32 v13, v12;
	v13 =	vmul.f32 v15, v9;
	_ =	sdelay $0x1  }
0x6a5: {  	v12 =	vadd.f32 v13, v12  }
0x6a6: {  	p0 =	sne.s32 s20, $0xF00000  }
.Ltmp3:
0x6a7: {  	[tilespmem:$0x710] =	vst v12;
	(pc) =	sbr.rel @p0 .LBB2_8-.Ltmp3, $4  }
0x6a8: {  	[hbm4b:s21+s4] =	stream.linear.scatter [tilespmem:s16], [sflag:$0x1], $0x200, $0x38;
	[tilespmem:$0x720] =	vst v63  }
0x6a9: {  	_ =	swait.ge [sflag:s12], $0x200  }
0x6aa: {  	[sflag:s12] =	ssyncset.done $0x0  }
0x6ab: {  	s20 =	sadd.s32 $0x100000, s20;
	s21 =	sadd.s32 $0x2000, s21;
	[sflag:s12] =	ssyncadd.s32 $0xFFFFFE00  }
0x6ac: {  	s17 =	sadd.s32 $0x1, s17  }
0x6ad: {  	p0 =	sne.s32 s17, s7  }
.Ltmp4:
0x6ae: {  	_ = 	snop;
	(pc) =	sbr.rel @p0 .LBB2_1-.Ltmp4, $1  }
0x6af: {  	_ =	sdelay $0x3  }
0x6b0: {  	_ =	sfence.sel $0x180000  }
0x6b1: {  	[bflag:$0x0] =	sbarrier.arrive $0xFFFF  }
0x6b2: {  	p0 =	sne.s32 s0, $0x0;
	_ =	strace $0x9000004A  }
0x6b3: {  	s0 =	sadd.s32 @!p0 $0x100000, s2;
	[bflag:$0x2] =	sbarrier.arrive $0xFFFF  }
0x6b4: {  	[sflag:s0] =	ssyncadd.tile.s32 @!p0 $0x1;
	_ =	shalt  }
.Lfunc_end2:
_tile_overlayer_lowered:
.L_overlay_start_2:
0x6b5: {  	(tag) =	ssettag $0x2  }
0x6b6: {  	s0 =	rddreg [dreg:$0x0];
	s2 =	stileid.u32  }
0x6b7: {  	s1 =	rddreg [dreg:$0x1];
	p0 =	sne.s32 s2, $0x0  }
0x6b8: {  	s3 =	rddreg [dreg:$0x2];
	[bflag:$0x3] =	sbarrier.arrive $0xFFFF;
	s2 =	simm.s32 @!p0 $0x1C01  }
0x6b9: {  	[timem:s3], [sflag:s2] =	dma.local @!p0 [hbm:s0], s1  }
0x6ba: {  	s0 =	simm.s32 @!p0 $0x1  }
0x6bb: {  	_ =	swait.ge @!p0 [sflag:s0], s1  }
0x6bc: {  	s1 =	ssub.s32 @!p0 $0x0, s1;
	[sflag:s0] =	ssyncset.done @!p0 $0x0  }
0x6bd: {  	[sflag:s0] =	ssyncadd.s32 @!p0 s1  }
0x6be: {  	[bflag:$0x3] =	sbarrier.arrive $0xFFFF  }
0x6bf: {  	_ =	shalt  }

// kernel: sparse-core-data-format-call.cloned.1.call-start
scs
called_computation_lowered:
.L_overlay_start_0:
0x0: {  	s2 =	sld [smem:$0x3FD9]  }
0x1: {  	s3 =	sld [smem:$0x3FFE];
	_ =	sdelay $0x1  }
0x2: {  	s1 =	srdreg.scid  }
0x3: {  	s0 =	sand.u32 $0x1, s1  }
0x4: {  	s18 =	sshll.u32 s0, $0xA;
	s2 =	sadd.s32 s3, s2  }
0x5: {  	s2 =	sadd.s32 s2, s18  }
0x6: {  	[smem:$0x3FC5] =	sst s2  }
0x7: {  	_ = 	snop  }
0x8: {  	s2 =	sld [smem:$0x3FC9];
	(tm) =	ssettm $0x1  }
0x9: {  	s19 =	sld [smem:$0x3FFB];
	_ =	sdelay $0x3  }
0xa: {  	_ =	strace s19  }
0xb: {  	s3 =	sld [smem:$0x3FFC];
	_ =	sdelay $0x3  }
0xc: {  	_ =	strace s3  }
0xd: {  	s3 =	sld [smem:$0x3FFD];
	_ =	sdelay $0x3  }
0xe: {  	_ =	strace s3  }
0xf: {  	_ =	strace $0x8FFFFFFF  }
0x10: {  	s20 =	sld [smem:$0x3FDB];
	_ =	sdelay $0x1  }
0x11: {  	s4 =	simm.s32 $_scs_section_size  }
0x12: {  	s5 =	simm.s32 $_size__tile_overlayer_lowered;
	s6 =	simm.s32 $_tile_overlayer_lowered  }
0x13: {  	s23 =	simm.s32 $0x1BFF;
	s22 =	sshll.u32 s6, $0x1;
	s3 =	sadd.s32 s4, s20  }
0x14: {  	s7 =	simm.s32 $0x0;
	s21 =	sshll.u32 s5, $0x1;
	s5 =	sadd.s32 s22, s3  }
0x15: {  	[timem:s7], [sflag:s23] =	dma.local [hbm:s5], s21  }
0x16: {  	_ =	swait.ge [sflag:s23], s21  }
0x17: {  	s4 =	ssub.s32 $0x0, s21;
	[sflag:s23] =	ssyncset.done $0x0  }
0x18: {  	[sflag:s23] =	ssyncadd.s32 s4;
	_ =	sdelay $0x1  }
0x19: {  	s24 =	simm.s32 $0x1B8B  }
0x1a: {  	_ =	swait.ge [sflag:s24], $0x1  }
0x1b: {  	[sflag:s24] =	ssyncset.done $0x0  }
0x1c: {  	s26 =	simm.s32 $0x1B8E;
	s25 =	sld [smem:$0x3FFE];
	[sflag:s24] =	ssyncadd.s32 $0xFFFFFFFF  }
0x1d: {  	s27 =	simm.s32 $execute0_lowered;
	[smem:$0x3FD2] =	sst s26  }
0x1e: {  	s5 =	sshll.u32 s27, $0x1;
	_ =	strace $0x80000046;
	[dreg:$0x1] =	wrdreg $0xFFFFFFFF  }
0x1f: {  	s28 =	simm.s32 $_size_execute0_lowered;
	s3 =	sadd.s32 s3, s5;
	[dreg:$0x0] =	wrdreg $0x0  }
0x20: {  	s5 =	sshll.u32 s28, $0x1;
	[dreg:$0x2] =	wrdreg s3  }
0x21: {  	[dreg:$0x3] =	wrdreg s5  }
0x22: {  	[dreg:$0x4] =	wrdreg $0xC0  }
0x23: {  	_ =	task [dreg:s7], $0x5FFFF  }
0x24: {  	[dreg:$0x1] =	wrdreg $0xFFFFFFFF  }
0x25: {  	[dreg:$0x0] =	wrdreg $0x60  }
0x26: {  	[dreg:$0x2] =	wrdreg s2  }
0x27: {  	[dreg:$0x3] =	wrdreg s25  }
0x28: {  	[dreg:$0x4] =	wrdreg $0x9  }
0x29: {  	_ =	task.clear_ibuf [dreg:s7], $0x5FFFF;
	_ =	strace $0x90000046  }
0x2a: {  	s29 =	simm.s32 $0x9;
	_ =	strace $0x80000048  }
0x2b: {  	_ =	swait.ge [sflag:s29], $0x1  }
0x2c: {  	[sflag:s29] =	ssyncadd.s32 $0xFFFFFFFF  }
0x2d: {  	_ =	strace $0x90000048  }
0x2e: {  	_ =	sfence  }
0x2f: {  	s30 =	sld [smem:$0x0];
	_ =	sdelay $0x2  }
0x30: {  	s31 =	sshll.u32 s1, $0xD;
	s1 =	sshrl.u32 s1, $0x2  }
0x31: {  	s3 =	sand.u32 $0x4000, s31;
	s1 =	sadd.s32 s1, s30  }
0x32: {  	s0 =	sor.u32 s3, s0;
	s1 =	sshll.u32 s1, $0x11  }
0x33: {  	s0 =	sor.u32 s1, s0  }
0x34: {  	s0 =	sadd.s32 $0x8F2B, s0  }
0x35: {  	[sflag:s0] =	ssyncadd.remote.s32 $0x1  }
0x36: {  	_ =	sfence.sel $0xFFFF  }
0x37: {  	[dreg:$0x0] =	wrdreg $0xFFFFFFFF;
	(pc) =	sbr.abs _section_cstart, $3  }
0x38: {  	[dreg:$0x1] =	wrdreg $0xFFFFFFFF  }
0x39: {  	_ =	task.clear_ibuf [dreg:s7], $0x2FFFF;
	_ =	strace $0x9FFFFFFF  }
0x3a: {  	(tm) =	ssettm $0x7FFFFFFF  }
0x3b: {  	_ =	shalt  }
tec
execute0_lowered:
.L_overlay_start_1:
0x0: {  	(tag) =	ssettag $0x1  }
0x1: {  	s2 =	rddreg [dreg:$0x0]  }
0x2: {  	s1 =	rddreg [dreg:$0x1]  }
0x3: {  	s0 =	rddreg [dreg:$0x2];
	_ =	strace $0x80000047;
	s4 =	srdreg.scid  }
0x4: {  	s6 =	simm.s32 $0x2;
	s11 =	simm.s32 $0x0;
	p0 =	por $0x0, $0x0  }
.Ltmp0:
0x5: {  	s7 =	simm.s32 $0x1000;
	s12 =	simm.s32 $0x0;
	(pc) =	sbr.rel .LBB1_1-.Ltmp0, $4  }
0x6: {  	s9 =	simm.s32 $0x0;
	s3 =	sadd.s32 $0x800, s1;
	s5 =	sshll.u32 s4, $0x4  }
0x7: {  	s1 =	stileid.u32;
	s4 =	simm.s32 $0x1;
	s5 =	sand.u32 $0x10, s5  }
0x8: {  	s8 =	simm.s32 $0x0;
	[sflag:s4] =	ssyncpa.u1 $0x0;
	s5 =	sor.u32 s1, s5  }
0x9: {  	[sflag:s6] =	ssyncpa.u1 $0x0;
	s6 =	simm.s32 $0x800;
	s10 =	smov.u32 s5  }
.LBB1_7:
0xa: {  	s13 =	sadd.s32 $0x10, s9  }
0xb: {  	s11 =	sadd.s32 $0x20, s10;
	s15 =	smov.u32 s10;
	p2 =	sgt.s32 s13, $0x1F  }
0xc: {  	p1 =	slt.u32 s8, $0x2;
	s15 =	smov.u32 @p2 s11  }
0xd: {  	s8 =	sadd.s32 $0x1, s8;
	s13 =	simm.s32 @p2 $0x0;
	p2 =	sgt.s32 s15, $0x1FF  }
0xe: {  	s15 =	smov.u32 @p2 s5;
	p2 =	sne.s32 s8, $0x22  }
.Ltmp1:
0xf: {  	_ = 	snop;
	(pc) =	sbr.rel @!p2 .LBB1_8-.Ltmp1, $4  }
0x10: {  	s14 =	simm.s32 @!p1 $0x2  }
0x11: {  	s12 =	smov.u32 s10;
	_ =	swait.ge @!p1 [sflag:s14], $0x4000  }
0x12: {  	p0 =	por !p0, !p0;
	s11 =	smov.u32 s9;
	[sflag:s14] =	ssyncset.done @!p1 $0x0  }
0x13: {  	s9 =	smov.u32 s13;
	[sflag:s14] =	ssyncadd.s32 @!p1 $0xFFFFC000;
	s10 =	smov.u32 s15  }
.LBB1_1:
0x14: {  	p1 =	sgt.u32 s8, $0x1F  }
0x15: {  	s13 =	sxor.u32 @!p1 $0xFFFFFFFF, s8;
	s14 =	sshll.u32 @!p1 s10, $0xC  }
0x16: {  	s15 =	sshll.u32 @!p1 s9, $0x7;
	s13 =	sshll.u32 @!p1 s13, $0xE;
	s14 =	sadd.s32 @!p1 s2, s14  }
0x17: {  	s13 =	sand.u32 @!p1 $0x4000, s13;
	s14 =	sadd.s32 @!p1 s15, s14;
	s15 =	simm.s32 @!p1 $0x0  }
0x18: {  	[tilespmem:s13], [sflag:$0x1] =	stream.linear.gather @!p1 [hbm4b:s14+s15], $0x4000, $0x38;
	[tilespmem:$0x10000] =	vst v63  }
0x19: {  	p1 =	seq.s32 s8, $0x0  }
0x1a: {  	p2 =	seq.s32 @!p1 s8, $0x21  }
0x1b: {  	p1 =	por p1, p2  }
.Ltmp2:
0x1c: {  	_ = 	snop;
	(pc) =	sbr.rel @p1 .LBB1_7-.Ltmp2, $1  }
0x1d: {  	_ =	sdelay $0x3  }
0x1e: {  	s13 =	simm.s32 $0x1;
	_ =	swait.ge [sflag:s4], $0x4000;
	s16 =	sshll.u32 s8, $0xE  }
0x1f: {  	s13 =	simm.s32 @!p0 $0x0;
	[sflag:s4] =	ssyncset.done $0x0;
	s31 =	sand.u32 $0x4000, s16  }
0x20: {  	s16 =	simm.s32 $0x0;
	s14 =	sshll.u32 s13, $0xE;
	[sflag:s4] =	ssyncadd.s32 $0xFFFFC000  }
0x21: {  	s13 =	sor.u32 $0x8040, s14;
	s15 =	sor.u32 $0x40, s14;
	s14 =	sor.u32 $0x8000, s31  }
.LBB1_3:
0x22: {  	v0 =	vmov s15;
	_ =	sdelay $0x3  }
0x23: {  	s18 =	simm.s32 $0x0  }
0x24: {  	v6 =	vld.idx.msk [tilespmem:v0+s18+$0x30 ss:$0x1], $0xffff  }
0x25: {  	v7 =	vld.idx.msk [tilespmem:v0+s18+$0xFFFFFFC0 ss:$0x1], $0xffff  }
0x26: {  	v5 =	vld.idx.msk [tilespmem:v0+s18+$0xFFFFFFD0 ss:$0x1], $0xffff  }
0x27: {  	v4 =	vld.idx.msk [tilespmem:v0+s18+$0xFFFFFFE0 ss:$0x1], $0xffff  }
0x28: {  	v3 =	vld.idx.msk [tilespmem:v0+s18+$0xFFFFFFF0 ss:$0x1], $0xffff  }
0x29: {  	v1 =	vld.idx.msk [tilespmem:v0+s18+$0x0 ss:$0x1], $0xffff  }
0x2a: {  	v2 =	vld.idx.msk [tilespmem:v0+s18+$0x10 ss:$0x1], $0xffff;
	[tilespmem:s13+$0x30] =	vst v6  }
0x2b: {  	s17 =	simm.s32 $0x80;
	s19 =	simm.s32 $0x400;
	[tilespmem:s13+$0xFFFFFFC0] =	vst v7;
	v6 =	vld.idx.msk [tilespmem:v0+s18+$0x20 ss:$0x1], $0xffff;
	s18 =	smov.u32 s13  }
.LBB1_4:
0x2c: {  	p1 =	sne.s32 s19, $0xE00;
	v7 =	vld.idx.msk [tilespmem:v0+s17+$0x30 ss:$0x1], $0xffff;
	[tilespmem:s18+$0xFFFFFFD0] =	vst v5  }
0x2d: {  	v8 =	vld.idx.msk [tilespmem:v0+s17+$0xFFFFFFC0 ss:$0x1], $0xffff;
	[tilespmem:s18+$0xFFFFFFE0] =	vst v4  }
0x2e: {  	v5 =	vld.idx.msk [tilespmem:v0+s17+$0xFFFFFFD0 ss:$0x1], $0xffff;
	[tilespmem:s18+$0xFFFFFFF0] =	vst v3  }
.Ltmp3:
0x2f: {  	v4 =	vld.idx.msk [tilespmem:v0+s17+$0xFFFFFFE0 ss:$0x1], $0xffff;
	[tilespmem:s18+$0x0] =	vst v1;
	(pc) =	sbr.rel @p1 .LBB1_4-.Ltmp3, $4  }
0x30: {  	v3 =	vld.idx.msk [tilespmem:v0+s17+$0xFFFFFFF0 ss:$0x1], $0xffff;
	[tilespmem:s18+$0x10] =	vst v2  }
0x31: {  	v1 =	vld.idx.msk [tilespmem:v0+s17+$0x0 ss:$0x1], $0xffff;
	[tilespmem:s18+$0x20] =	vst v6;
	s18 =	sadd.s32 $0x800, s18  }
0x32: {  	v2 =	vld.idx.msk [tilespmem:v0+s17+$0x10 ss:$0x1], $0xffff;
	[tilespmem:s18+$0x30] =	vst v7  }
0x33: {  	[tilespmem:s18+$0xFFFFFFC0] =	vst v8;
	v6 =	vld.idx.msk [tilespmem:v0+s17+$0x20 ss:$0x1], $0xffff;
	s17 =	sshra.s32 s19, $0x2;
	s19 =	sadd.s32 $0x200, s19  }
0x34: {  	_ =	sdelay $0x2  }
0x35: {  	[tilespmem:s18+$0xFFFFFFD0] =	vst v5  }
0x36: {  	v56 =	vld.idx.msk [tilespmem:v0+s17+$0x30 ss:$0x1], $0xffff;
	[tilespmem:s18+$0xFFFFFFE0] =	vst v4  }
0x37: {  	v57 =	vld.idx.msk [tilespmem:v0+s17+$0xFFFFFFC0 ss:$0x1], $0xffff;
	[tilespmem:s18+$0xFFFFFFF0] =	vst v3  }
0x38: {  	v58 =	vld.idx.msk [tilespmem:v0+s17+$0xFFFFFFD0 ss:$0x1], $0xffff;
	[tilespmem:s18+$0x0] =	vst v1  }
0x39: {  	v59 =	vld.idx.msk [tilespmem:v0+s17+$0xFFFFFFE0 ss:$0x1], $0xffff;
	[tilespmem:s18+$0x10] =	vst v2  }
0x3a: {  	v60 =	vld.idx.msk [tilespmem:v0+s17+$0xFFFFFFF0 ss:$0x1], $0xffff;
	s31 =	sadd.s32 $0x800, s18;
	[tilespmem:s18+$0x20] =	vst v6  }
0x3b: {  	v61 =	vld.idx.msk [tilespmem:v0+s17+$0x0 ss:$0x1], $0xffff;
	[tilespmem:s31+$0x30] =	vst v56  }
0x3c: {  	v62 =	vld.idx.msk [tilespmem:v0+s17+$0x10 ss:$0x1], $0xffff;
	s16 =	sadd.s32 $0x1, s16;
	[tilespmem:s31+$0xFFFFFFC0] =	vst v57  }
0x3d: {  	v63 =	vld.idx.msk [tilespmem:v0+s17+$0x20 ss:$0x1], $0xffff;
	p1 =	sne.s32 s16, $0x10;
	[tilespmem:s31+$0xFFFFFFD0] =	vst v58  }
.Ltmp4:
0x3e: {  	[tilespmem:s31+$0xFFFFFFE0] =	vst v59;
	(pc) =	sbr.rel @p1 .LBB1_3-.Ltmp4, $4  }
0x3f: {  	[tilespmem:s31+$0xFFFFFFF0] =	vst v60  }
0x40: {  	[tilespmem:s31+$0x0] =	vst v61  }
0x41: {  	[tilespmem:s31+$0x10] =	vst v62  }
0x42: {  	s13 =	sadd.s32 $0x80, s13;
	s15 =	sadd.s32 $0x400, s15;
	[tilespmem:s31+$0x20] =	vst v63  }
.Ltmp5:
0x43: {  	(pc) =	sbr.rel .LBB1_7-.Ltmp5, $4  }
0x44: {  	s12 =	sshll.u32 s12, $0xC;
	s11 =	sshll.u32 s11, $0x4  }
0x45: {  	s11 =	sand.u32 $0x1F0, s11;
	s12 =	sadd.s32 s3, s12  }
0x46: {  	s11 =	sadd.s32 s11, s12  }
0x47: {  	[hbm4b:s11+s6] =	stream.strided.scatter [tilespmem:s14], [sflag:$0x2], $0x4000, s7, s6, $0x38;
	[tilespmem:$0x10000] =	vst v63  }
.LBB1_8:
0x48: {  	_ =	sfence.sel $0x180000  }
0x49: {  	s2 =	simm.s32 $0x1;
	[bflag:$0x0] =	sbarrier.arrive $0xFFFF  }
0x4a: {  	s31 =	simm.s32 $0x2;
	[sflag:s2] =	ssyncpa.u1 $0x1  }
0x4b: {  	[sflag:s31] =	ssyncpa.u1 $0x1  }
0x4c: {  	p0 =	sne.s32 s1, $0x0;
	_ =	strace $0x90000047  }
0x4d: {  	s0 =	sadd.s32 @!p0 $0x100000, s0;
	[bflag:$0x2] =	sbarrier.arrive $0xFFFF  }
0x4e: {  	[sflag:s0] =	ssyncadd.tile.s32 @!p0 $0x1;
	_ =	shalt  }
.Lfunc_end1:
_tile_overlayer_lowered:
.L_overlay_start_2:
0x4f: {  	(tag) =	ssettag $0x2  }
0x50: {  	s0 =	rddreg [dreg:$0x0];
	s2 =	stileid.u32  }
0x51: {  	s1 =	rddreg [dreg:$0x1];
	p0 =	sne.s32 s2, $0x0  }
0x52: {  	s3 =	rddreg [dreg:$0x2];
	[bflag:$0x3] =	sbarrier.arrive $0xFFFF;
	s2 =	simm.s32 @!p0 $0x1C01  }
0x53: {  	[timem:s3], [sflag:s2] =	dma.local @!p0 [hbm:s0], s1  }
0x54: {  	s0 =	simm.s32 @!p0 $0x1  }
0x55: {  	_ =	swait.ge @!p0 [sflag:s0], s1  }
0x56: {  	s1 =	ssub.s32 @!p0 $0x0, s1;
	[sflag:s0] =	ssyncset.done @!p0 $0x0  }
0x57: {  	[sflag:s0] =	ssyncadd.s32 @!p0 s1  }
0x58: {  	[bflag:$0x3] =	sbarrier.arrive $0xFFFF  }
0x59: {  	_ =	shalt  }

</sc_bundles>
